<compile_context>
chip_gen: v7x
topology: tpu7x:2x2x1
jax: 0.10.2.dev20260603
libtpu: 0.0.44.dev20260713+nightly
codegen_flags: <defaults>
</compile_context>

<pallas_src>
import functools

import numpy as np

import jax
import jax.numpy as jnp
from jax import lax
from jax.experimental import pallas as pl
from jax.experimental.pallas import tpu as pltpu
from jax.experimental.pallas import tpu_sc as plsc

_D = 6
_F = 9
_L = 64
_NC = 2
_NS = 16
_NW = _NC * _NS

_PAT = np.array([l // 9 if l < 54 else (l - 54 if l < 60 else 0)
                 for l in range(_L)], dtype=np.int32)


def _sc_mesh():
    return plsc.VectorSubcoreMesh(
        core_axis_name="c", subcore_axis_name="s",
        num_cores=_NC, num_subcores=_NS)


def _cdiv(a, b):
    return (a + b - 1) // b


def _mm(A, B, bias, br=512):
    R, K = A.shape
    C = B.shape[1]
    Kp = _cdiv(K, 8) * 8
    if Kp != K:
        A = jnp.pad(A, ((0, 0), (0, Kp - K)))
        B = jnp.pad(B, ((0, Kp - K), (0, 0)))

    def body(a_ref, b_ref, bias_ref, o_ref):
        o_ref[...] = (
            jnp.dot(a_ref[...], b_ref[...], preferred_element_type=jnp.float32)
            + bias_ref[...]
        )

    return pl.pallas_call(
        body,
        grid=(_cdiv(R, br),),
        in_specs=[
            pl.BlockSpec((br, Kp), lambda i: (i, 0)),
            pl.BlockSpec((Kp, C), lambda i: (0, 0)),
            pl.BlockSpec((1, C), lambda i: (0, 0)),
        ],
        out_specs=pl.BlockSpec((br, C), lambda i: (i, 0)),
        out_shape=jax.ShapeDtypeStruct((R, C), jnp.float32),
    )(A, B, bias)


def _deg_bcast(acc):
    i = lax.broadcasted_iota(jnp.int32, (128, 128), 0)
    j = lax.broadcasted_iota(jnp.int32, (128, 128), 1)
    jm = j % _L
    P = ((jm < 54) & ((j // _L) * _L + 54 + jm // _F == i)).astype(jnp.float32)
    return jnp.dot(acc, P, preferred_element_type=jnp.float32)


def _scale_m(p0, p1):
    S = p0.shape[0]
    G = S * _L // 128

    def body(r0, r1, o_ref):
        acc = r0[...] + r1[...]
        b = _deg_bcast(acc)
        binv = jnp.where(b > 0, 1.0 / b, 0.0)
        m = acc * binv
        lane = lax.broadcasted_iota(jnp.int32, m.shape, 1) % _L
        o_ref[...] = jnp.where((lane >= 54) & (lane < 60), 1.0, m)

    out = pl.pallas_call(
        body,
        out_shape=jax.ShapeDtypeStruct((G, 128), jnp.float32),
    )(p0.reshape(G, 128), p1.reshape(G, 128))
    return out.reshape(S, _L)


def _scale_res(p0, p1, xpT, elu):
    S = p0.shape[0]
    G = S * _L // 128

    def body(r0, r1, xp_ref, o_ref):
        acc = r0[...] + r1[...]
        dd = _deg_bcast(acc)
        dinv = jnp.where(dd > 0, 1.0 / dd, 0.0)
        h = acc * dinv + xp_ref[...]
        if elu:
            h = jnp.where(h > 0, h, jnp.exp(h) - 1.0)
        o_ref[...] = h

    out = pl.pallas_call(
        body,
        out_shape=jax.ShapeDtypeStruct((G, 128), jnp.float32),
    )(p0.reshape(G, 128), p1.reshape(G, 128), xpT.reshape(G, 128))
    return out.reshape(S, _L)


def _pad_to_workers(arrs, chunk):
    n = arrs[0].shape[0]
    per = _cdiv(_cdiv(n, _NW), chunk) * chunk
    tot = per * _NW
    return [jnp.pad(a, (0, tot - n)) for a in arrs], per


def _alpha_sc(row, col, srT, scT, E, CA=512):
    Ep = row.shape[0]
    per = Ep // _NW
    nch = per // CA
    nchH = nch // 2

    @functools.partial(
        pl.kernel,
        out_type=jax.ShapeDtypeStruct((Ep, 16), jnp.float32),
        mesh=_sc_mesh(),
        compiler_params=pltpu.CompilerParams(use_tc_tiling_on_sc=False),
        scratch_types=[
            pltpu.VMEM((CA,), jnp.int32),
            pltpu.VMEM((CA,), jnp.int32),
            pltpu.VMEM((CA,), jnp.int32),
            pltpu.VMEM((CA,), jnp.int32),
            pltpu.VMEM((CA, 16), jnp.float32),
            pltpu.VMEM((CA, 16), jnp.float32),
            pltpu.VMEM((CA, 16), jnp.float32),
            pltpu.VMEM((CA, 16), jnp.float32),
            pltpu.VMEM((CA, 16), jnp.float32),
            pltpu.VMEM((CA, 16), jnp.float32),
            pltpu.SemaphoreType.DMA,
            pltpu.SemaphoreType.DMA,
            pltpu.SemaphoreType.DMA,
            pltpu.SemaphoreType.DMA,
        ],
    )
    def k(row_h, col_h, sr_h, sc_h, out_h,
          ri0, ci0, ri1, ci1, av0, bv0, av1, bv1, ov0, ov1,
          s0a, s0b, s1a, s1b):
        c = lax.axis_index("c")
        s = lax.axis_index("s")
        wid = s * _NC + c
        base = wid * per

        def load_issue(ch, ri, ci, av, bv, sa, sb):
            off = pl.multiple_of(base + ch * CA, 8)
            pltpu.sync_copy(row_h.at[pl.ds(off, CA)], ri)
            pltpu.sync_copy(col_h.at[pl.ds(off, CA)], ci)
            pltpu.async_copy(sr_h.at[ri], av, sa)
            pltpu.async_copy(sc_h.at[ci], bv, sb)

        def compute_store(off, ri, ci, av, bv, ov, sa, sb):
            pltpu.make_async_copy(sr_h.at[ri], av, sa).wait()
            pltpu.make_async_copy(sc_h.at[ci], bv, sb).wait()

            def srow(j, cc):
                v = av[j] + bv[j]
                m = jnp.where(off + j < E, 1.0, 0.0)
                ov[j] = m * (1.0 / (1.0 + jnp.exp(-v)))
                return cc

            lax.fori_loop(0, CA, srow, 0)
            pltpu.sync_copy(ov, out_h.at[pl.ds(off, CA)])

        load_issue(0, ri0, ci0, av0, bv0, s0a, s0b)

        def pairstep(t, carry):
            off0 = pl.multiple_of(base + (2 * t) * CA, 8)
            load_issue(2 * t + 1, ri1, ci1, av1, bv1, s1a, s1b)
            compute_store(off0, ri0, ci0, av0, bv0, ov0, s0a, s0b)
            nxt = lax.rem(2 * t + 2, nch)
            off1 = pl.multiple_of(base + (2 * t + 1) * CA, 8)
            load_issue(nxt, ri0, ci0, av0, bv0, s0a, s0b)
            compute_store(off1, ri1, ci1, av1, bv1, ov1, s1a, s1b)
            return carry

        lax.fori_loop(0, nchH, pairstep, 0)
        pltpu.make_async_copy(sr_h.at[ri0], av0, s0a).wait()
        pltpu.make_async_copy(sc_h.at[ci0], bv0, s0b).wait()

    return k(row, col, srT, scT)


def _conv_sc(gidx, sidx, alpha, table, S, CV=512):
    Ep = gidx.shape[0]
    per = Ep // _NW
    nch = per // CV
    nchH = nch // 2
    rpt = S // _NS
    DCH = 25
    ndc = rpt // DCH

    @functools.partial(
        pl.kernel,
        out_type=jax.ShapeDtypeStruct((2, S, _L), jnp.float32),
        mesh=_sc_mesh(),
        compiler_params=pltpu.CompilerParams(use_tc_tiling_on_sc=False),
        scratch_types=[
            pltpu.VMEM((CV,), jnp.int32),
            pltpu.VMEM((CV,), jnp.int32),
            pltpu.VMEM((CV,), jnp.int32),
            pltpu.VMEM((CV,), jnp.int32),
            pltpu.VMEM((CV, 16), jnp.float32),
            pltpu.VMEM((CV, 16), jnp.float32),
            pltpu.VMEM((CV, _L), jnp.float32),
            pltpu.VMEM((CV, _L), jnp.float32),
            pltpu.VMEM((DCH, _L), jnp.float32),
            pltpu.VMEM((_L // 16, 16), jnp.int32),
            pltpu.VMEM_SHARED((S, _L), jnp.float32),
            pltpu.SemaphoreType.DMA,
            pltpu.SemaphoreType.DMA,
        ],
    )
    def k(g_h, s_h, a_h, t_h, p_h, out_h,
          gi0, si0, gi1, si1, al0, al1, r0, r1, dumpb, patv, acc,
          sem0, sem1):
        c = lax.axis_index("c")
        s = lax.axis_index("s")
        wid = s * _NC + c

        def z(r, carry):
            for kk in range(_L // 16):
                dumpb[r, pl.ds(kk * 16, 16)] = jnp.zeros((16,), jnp.float32)
            return carry

        lax.fori_loop(0, DCH, z, 0)

        def zc(r, carry):
            pltpu.sync_copy(dumpb, acc.at[pl.ds(s * rpt + r * DCH, DCH)])
            return carry

        lax.fori_loop(0, ndc, zc, 0)
        plsc.subcore_barrier()

        pltpu.sync_copy(p_h, patv)
        pats = [patv[j] for j in range(_L // 16)]

        base = wid * per

        def load_issue(ch, gi, si, al, rb, sem):
            off = pl.multiple_of(base + ch * CV, 8)
            pltpu.sync_copy(g_h.at[pl.ds(off, CV)], gi)
            pltpu.sync_copy(s_h.at[pl.ds(off, CV)], si)
            pltpu.sync_copy(a_h.at[pl.ds(off, CV)], al)
            pltpu.async_copy(t_h.at[gi], rb, sem)

        def process(gi, si, al, rb, sem):
            pltpu.make_async_copy(t_h.at[gi], rb, sem).wait()

            def mul(i, cc):
                a = al[i]
                for j in range(_L // 16):
                    sv = a.at[pats[j]].get(mode="promise_in_bounds")
                    sl = pl.ds(j * 16, 16)
                    rb[i, sl] = rb[i, sl] * sv
                return cc

            lax.fori_loop(0, CV, mul, 0)
            pltpu.sync_copy(rb, acc.at[si], add=True)

        load_issue(0, gi0, si0, al0, r0, sem0)

        def pairstep(t, carry):
            load_issue(2 * t + 1, gi1, si1, al1, r1, sem1)
            process(gi0, si0, al0, r0, sem0)
            nxt = lax.rem(2 * t + 2, nch)
            load_issue(nxt, gi0, si0, al0, r0, sem0)
            process(gi1, si1, al1, r1, sem1)
            return carry

        lax.fori_loop(0, nchH, pairstep, 0)
        pltpu.make_async_copy(t_h.at[gi0], r0, sem0).wait()
        plsc.subcore_barrier()

        def dump(r, carry):
            pltpu.sync_copy(acc.at[pl.ds(s * rpt + r * DCH, DCH)], dumpb)
            pltpu.sync_copy(dumpb, out_h.at[c, pl.ds(s * rpt + r * DCH, DCH)])
            return carry

        lax.fori_loop(0, ndc, dump, 0)

    return k(gidx, sidx, alpha, table,
             jnp.asarray(_PAT).reshape(_L // 16, 16))


def kernel(x, edge_index, hyperedge_attr, W_lin, b_lin, W_sheaf, b_sheaf,
           W1, b1, W2, b2, W_lin2, b_lin2):
    d, f = _D, _F
    df = d * f
    N = x.shape[0]
    M = hyperedge_attr.shape[0]
    E = edge_index.shape[1]

    row = edge_index[0].astype(jnp.int32)
    col = edge_index[1].astype(jnp.int32)

    W_top, W_bot = W_sheaf[:df], W_sheaf[df:]
    z10 = jnp.zeros((x.shape[1], 16 - d), jnp.float32)
    Wn = jnp.concatenate([W_lin, W_lin @ W_top, z10], axis=1)
    bn = jnp.concatenate([b_lin, b_lin @ W_top + b_sheaf,
                          jnp.zeros((16 - d,), jnp.float32)])[None]
    Wh = jnp.concatenate([W_lin, W_lin @ W_bot, z10], axis=1)
    bh = jnp.concatenate([b_lin, b_lin @ W_bot,
                          jnp.zeros((16 - d,), jnp.float32)])[None]
    xs_ext = _mm(x, Wn, bn)
    he_ext = _mm(hyperedge_attr, Wh, bh)
    srT = xs_ext[:, df:]
    scT = he_ext[:, df:]

    (row_p, col_p), _ = _pad_to_workers([row, col], 512)
    alpha16 = _alpha_sc(row_p, col_p, srT, scT, E)

    eye = jnp.eye(d, dtype=jnp.float32)
    pad10 = jnp.zeros((_L - df - d,), jnp.float32)
    b1t = jnp.concatenate([jnp.tile(b1, d), jnp.ones((d,), jnp.float32),
                           pad10])[None]
    b2t = jnp.concatenate([jnp.tile(b2, d), jnp.ones((d,), jnp.float32),
                           pad10])[None]
    W1x = jnp.zeros((70, _L), jnp.float32).at[:df, :df].set(jnp.kron(eye, W1))
    W2x = jnp.zeros((_L, _L), jnp.float32).at[:df, :df].set(jnp.kron(eye, W2))
    Wf = jnp.concatenate(
        [W_lin2, jnp.zeros((_L - df, W_lin2.shape[1]), jnp.float32)], axis=0)

    xp1T = _mm(xs_ext, W1x, b1t)
    p = _conv_sc(row_p, col_p, alpha16, xp1T, M)
    mT = _scale_m(p[0], p[1])
    q = _conv_sc(col_p, row_p, alpha16, mT, N)
    x1T = _scale_res(q[0], q[1], xp1T, elu=True)

    xp2T = _mm(x1T, W2x, b2t)
    p2 = _conv_sc(row_p, col_p, alpha16, xp2T, M)
    m2T = _scale_m(p2[0], p2[1])
    q2 = _conv_sc(col_p, row_p, alpha16, m2T, N)
    x2T = _scale_res(q2[0], q2[1], xp2T, elu=False)

    return _mm(x2T, Wf, b_lin2[None])

# --- scband reference (transcript-rebuilt; emitter-appended) ---
"""Pipeline reference for scband-sheaf-hyper-gnn-89283780149647 (READ-ONLY COPY).

The authoritative reference and input builder live on the scoring server;
editing this copy changes nothing except your own understanding.
"""

import jax, jax.numpy as jnp
import numpy as np

D_HEADS = 6
F_HID = 9
N_NODES = 10000
N_HEDGES = 10000
N_PAIRS = 320000
F_IN = 128
OUT_DIM = 4968


def _w(key, shape):
    return jax.random.normal(key, shape, dtype=jnp.float32) * (1.0 / np.sqrt(shape[0]))


def setup_inputs(seed: int = 0) -> dict:
    key = jax.random.key(seed)
    ks = jax.random.split(key, 12)
    x = jax.random.normal(ks[0], (N_NODES, F_IN), dtype=jnp.float32)
    edge_index = jnp.stack([
        jax.random.randint(ks[1], (N_PAIRS,), 0, N_NODES),
        jax.random.randint(ks[2], (N_PAIRS,), 0, N_HEDGES)], axis=0)
    hyperedge_attr = jax.random.normal(ks[3], (N_HEDGES, F_IN), dtype=jnp.float32)
    d, f = D_HEADS, F_HID
    W_lin = _w(ks[4], (F_IN, f * d))
    b_lin = jnp.zeros((f * d,), dtype=jnp.float32)
    W_sheaf = _w(ks[5], (2 * f * d, d))
    b_sheaf = jnp.zeros((d,), dtype=jnp.float32)
    W1 = _w(ks[6], (f, f))
    b1 = jnp.zeros((f,), dtype=jnp.float32)
    W2 = _w(ks[7], (f, f))
    b2 = jnp.zeros((f,), dtype=jnp.float32)
    W_lin2 = _w(ks[8], (f * d, OUT_DIM))
    b_lin2 = jnp.zeros((OUT_DIM,), dtype=jnp.float32)
    return {"x": x, "edge_index": edge_index, "hyperedge_attr": hyperedge_attr,
            "W_lin": W_lin, "b_lin": b_lin, "W_sheaf": W_sheaf, "b_sheaf": b_sheaf,
            "W1": W1, "b1": b1, "W2": W2, "b2": b2,
            "W_lin2": W_lin2, "b_lin2": b_lin2}


def reference(x, edge_index, hyperedge_attr, W_lin, b_lin, W_sheaf, b_sheaf, W1, b1, W2, b2, W_lin2, b_lin2):
    d, f = D_HEADS, F_HID
    N = x.shape[0]
    M = hyperedge_attr.shape[0]
    row = edge_index[0]
    col = edge_index[1]
    # lin MLP: node + hyperedge feature lift into d stalks of width f
    xs = x @ W_lin + b_lin                       # (N, d*f)
    he = hyperedge_attr @ W_lin + b_lin          # (M, d*f)
    x_big = xs.reshape(N * d, f)
    # SheafBuilderDiag: diagonal dxd restriction map per incidence pair
    pair = jnp.concatenate([xs[row], he[col]], axis=1)   # (E, 2*d*f) gather
    h_sheaf = jax.nn.sigmoid(pair @ W_sheaf + b_sheaf)   # (E, d)
    offs = jnp.arange(d)
    big_row = (row[:, None] * d + offs[None, :]).reshape(-1)
    big_col = (col[:, None] * d + offs[None, :]).reshape(-1)
    alpha = h_sheaf.reshape(-1)
    # degree normalization D^-1 H B^-1 H^T
    D = jax.ops.segment_sum(alpha, big_row, num_segments=N * d)
    B = jax.ops.segment_sum(alpha, big_col, num_segments=M * d)
    Dinv = jnp.where(D > 0, 1.0 / D, 0.0)
    Binv = jnp.where(B > 0, 1.0 / B, 0.0)

    def conv(xb, W, b):
        xp = xb @ W + b
        m = jax.ops.segment_sum(alpha[:, None] * xp[big_row], big_col, num_segments=M * d)
        m = Binv[:, None] * m
        out = jax.ops.segment_sum(alpha[:, None] * m[big_col], big_row, num_segments=N * d)
        out = Dinv[:, None] * out
        return out + xp   # residual_HCHA

    x1 = jax.nn.elu(conv(x_big, W1, b1))
    x2 = conv(x1, W2, b2)
    out = x2.reshape(N, d * f) @ W_lin2 + b_lin2
    return out

if __name__ == "__main__":
    import jax
    _d = setup_inputs()
    print(jax.jit(kernel)(*tuple(_d.values())))

</pallas_src>

<mosaic_0001>
#map = affine_map<(d0, d1) -> (0)>
#map1 = affine_map<(d0, d1) -> (0, 0)>
#map2 = affine_map<(d0, d1) -> (0, 0, 0)>
module attributes {stable_mosaic.version = 14 : i64} {
  func.func @k(%arg0: i32, %arg1: i32, %arg2: memref<327680xi32, #tpu.memory_space<hbm>>, %arg3: memref<327680xi32, #tpu.memory_space<hbm>>, %arg4: memref<327680x16xf32, #tpu.memory_space<hbm>>, %arg5: memref<10000x64xf32, #tpu.memory_space<hbm>>, %arg6: memref<4x16xi32, #tpu.memory_space<hbm>>, %arg7: memref<2x10000x64xf32, #tpu.memory_space<hbm>>, %arg8: memref<512xi32, #tpu.memory_space<vmem>>, %arg9: memref<512xi32, #tpu.memory_space<vmem>>, %arg10: memref<512xi32, #tpu.memory_space<vmem>>, %arg11: memref<512xi32, #tpu.memory_space<vmem>>, %arg12: memref<512x16xf32, #tpu.memory_space<vmem>>, %arg13: memref<512x16xf32, #tpu.memory_space<vmem>>, %arg14: memref<512x64xf32, #tpu.memory_space<vmem>>, %arg15: memref<512x64xf32, #tpu.memory_space<vmem>>, %arg16: memref<25x64xf32, #tpu.memory_space<vmem>>, %arg17: memref<4x16xi32, #tpu.memory_space<vmem>>, %arg18: memref<10000x64xf32, #tpu.memory_space<vmem_shared>>, %arg19: memref<!tpu.dma_semaphore, #tpu.memory_space<semaphore_mem>>, %arg20: memref<!tpu.dma_semaphore, #tpu.memory_space<semaphore_mem>>) attributes {dimension_semantics = [#tpu.dimension_semantics<core_parallel>, #tpu.dimension_semantics<subcore_parallel>], iteration_bounds = array<i64: 2, 16>, scalar_prefetch = 0 : i64, scratch_operands = 13 : i64, tpu.core_type = #tpu.core_type<sc_vector_subcore>, window_params = [{transform_indices = #map}, {transform_indices = #map}, {transform_indices = #map1}, {transform_indices = #map1}, {transform_indices = #map1}, {transform_indices = #map2}]} {
    %mul3A = arith.constant 2 : i32
    %mul3A_0 = arith.muli %arg1, %mul3A : i32
    %add3A = arith.addi %mul3A_0, %arg0 : i32
    %scan3A = arith.constant 0 : i32
    %scan3A_1 = arith.constant 0 : i32
    %scan3A_2 = arith.constant 25 : i32
    %scan3A_3 = arith.addi %scan3A_1, %scan3A_2 : i32
    %scan3A_4 = arith.constant 1 : i32
    scf.for %scan3A_52 = %scan3A_1 to %scan3A_3 step %scan3A_4  : i32 {
      %broadcast_in_dim3A = arith.constant 0.000000e+00 : f32
      %broadcast_in_dim3A_53 = vector.broadcast %broadcast_in_dim3A : f32 to vector<16xf32>
      %swap3A = arith.index_cast %scan3A_52 : i32 to index
      %swap3A_54 = arith.constant 0 : index
      %swap3A_55 = tpu.vector_load %arg16[%swap3A, %swap3A_54] {strides = array<i32>} : memref<25x64xf32, #tpu.memory_space<vmem>>, vector<1x16xf32>,
      %swap3A_56 = vector.shape_cast %swap3A_55 : vector<1x16xf32> to vector<16xf32>
      %swap3A_57 = vector.shape_cast %broadcast_in_dim3A_53 : vector<16xf32> to vector<1x16xf32>
      tpu.vector_store %arg16[%swap3A, %swap3A_54], %swap3A_57 {strides = array<i32>} : memref<25x64xf32, #tpu.memory_space<vmem>>, vector<1x16xf32>,
      %broadcast_in_dim3A_58 = arith.constant 0.000000e+00 : f32
      %broadcast_in_dim3A_59 = vector.broadcast %broadcast_in_dim3A_58 : f32 to vector<16xf32>
      %swap3A_60 = arith.index_cast %scan3A_52 : i32 to index
      %swap3A_61 = arith.constant 16 : index
      %swap3A_62 = tpu.vector_load %arg16[%swap3A_60, %swap3A_61] {strides = array<i32>} : memref<25x64xf32, #tpu.memory_space<vmem>>, vector<1x16xf32>,
      %swap3A_63 = vector.shape_cast %swap3A_62 : vector<1x16xf32> to vector<16xf32>
      %swap3A_64 = vector.shape_cast %broadcast_in_dim3A_59 : vector<16xf32> to vector<1x16xf32>
      tpu.vector_store %arg16[%swap3A_60, %swap3A_61], %swap3A_64 {strides = array<i32>} : memref<25x64xf32, #tpu.memory_space<vmem>>, vector<1x16xf32>,
      %broadcast_in_dim3A_65 = arith.constant 0.000000e+00 : f32
      %broadcast_in_dim3A_66 = vector.broadcast %broadcast_in_dim3A_65 : f32 to vector<16xf32>
      %swap3A_67 = arith.index_cast %scan3A_52 : i32 to index
      %swap3A_68 = arith.constant 32 : index
      %swap3A_69 = tpu.vector_load %arg16[%swap3A_67, %swap3A_68] {strides = array<i32>} : memref<25x64xf32, #tpu.memory_space<vmem>>, vector<1x16xf32>,
      %swap3A_70 = vector.shape_cast %swap3A_69 : vector<1x16xf32> to vector<16xf32>
      %swap3A_71 = vector.shape_cast %broadcast_in_dim3A_66 : vector<16xf32> to vector<1x16xf32>
      tpu.vector_store %arg16[%swap3A_67, %swap3A_68], %swap3A_71 {strides = array<i32>} : memref<25x64xf32, #tpu.memory_space<vmem>>, vector<1x16xf32>,
      %broadcast_in_dim3A_72 = arith.constant 0.000000e+00 : f32
      %broadcast_in_dim3A_73 = vector.broadcast %broadcast_in_dim3A_72 : f32 to vector<16xf32>
      %swap3A_74 = arith.index_cast %scan3A_52 : i32 to index
      %swap3A_75 = arith.constant 48 : index
      %swap3A_76 = tpu.vector_load %arg16[%swap3A_74, %swap3A_75] {strides = array<i32>} : memref<25x64xf32, #tpu.memory_space<vmem>>, vector<1x16xf32>,
      %swap3A_77 = vector.shape_cast %swap3A_76 : vector<1x16xf32> to vector<16xf32>
      %swap3A_78 = vector.shape_cast %broadcast_in_dim3A_73 : vector<16xf32> to vector<1x16xf32>
      tpu.vector_store %arg16[%swap3A_74, %swap3A_75], %swap3A_78 {strides = array<i32>} : memref<25x64xf32, #tpu.memory_space<vmem>>, vector<1x16xf32>,
    }
    %scan3A_5 = arith.constant 25 : i32
    %scan3A_6 = arith.constant 0 : i32
    %scan3A_7 = arith.constant 0 : i32
    %scan3A_8 = arith.constant 25 : i32
    %scan3A_9 = arith.addi %scan3A_7, %scan3A_8 : i32
    %scan3A_10 = arith.constant 1 : i32
    scf.for %scan3A_52 = %scan3A_7 to %scan3A_9 step %scan3A_10  : i32 {
      %mul3A_53 = arith.constant 625 : i32
      %mul3A_54 = arith.muli %arg1, %mul3A_53 : i32
      %mul3A_55 = arith.constant 25 : i32
      %mul3A_56 = arith.muli %scan3A_52, %mul3A_55 : i32
      %add3A_57 = arith.addi %mul3A_54, %mul3A_56 : i32
      "tpu.region"() ({
        %run_scoped3A = tpu.sem_alloc : memref<!tpu.dma_semaphore, #tpu.memory_space<semaphore_mem>>
        %dma_start3A_58 = arith.constant 0 : i32
        %dma_start3A_59 = tpu.memref_slice %arg18[%add3A_57, %dma_start3A_58] : memref<10000x64xf32, #tpu.memory_space<vmem_shared>> -> memref<25x64xf32, #tpu.memory_space<vmem_shared>>
        %dma_start3A_60 = arith.constant 0 : i32
        %dma_start3A_61 = tpu.memref_slice %arg18[%add3A_57, %dma_start3A_60] : memref<10000x64xf32, #tpu.memory_space<vmem_shared>> -> memref<25x64xf32, #tpu.memory_space<vmem_shared>>
        tpu.enqueue_dma source(%arg16 : memref<25x64xf32, #tpu.memory_space<vmem>>) target(%dma_start3A_61 : memref<25x64xf32, #tpu.memory_space<vmem_shared>>) target_semaphore(%run_scoped3A : memref<!tpu.dma_semaphore, #tpu.memory_space<semaphore_mem>>)
        %dma_wait3A_62 = arith.constant 0 : i32
        %dma_wait3A_63 = tpu.memref_slice %arg18[%add3A_57, %dma_wait3A_62] : memref<10000x64xf32, #tpu.memory_space<vmem_shared>> -> memref<25x64xf32, #tpu.memory_space<vmem_shared>>
        %dma_wait3A_64 = arith.constant 0 : i32
        %dma_wait3A_65 = tpu.memref_slice %arg18[%add3A_57, %dma_wait3A_64] : memref<10000x64xf32, #tpu.memory_space<vmem_shared>> -> memref<25x64xf32, #tpu.memory_space<vmem_shared>>
        tpu.wait_dma2 semaphore(%run_scoped3A : memref<!tpu.dma_semaphore, #tpu.memory_space<semaphore_mem>>) src(%arg16 : memref<25x64xf32, #tpu.memory_space<vmem>>) dst(%dma_wait3A_65 : memref<25x64xf32, #tpu.memory_space<vmem_shared>>)
        tpu.yield
      }) : () -> ()
    }
    %scan3A_11 = arith.constant 25 : i32
    %barrier3A = arith.constant 0 : index
    tpu.barrier barrier_id(%barrier3A)
    "tpu.region"() ({
      %run_scoped3A = tpu.sem_alloc : memref<!tpu.dma_semaphore, #tpu.memory_space<semaphore_mem>>
      tpu.enqueue_dma source(%arg6 : memref<4x16xi32, #tpu.memory_space<hbm>>) target(%arg17 : memref<4x16xi32, #tpu.memory_space<vmem>>) target_semaphore(%run_scoped3A : memref<!tpu.dma_semaphore, #tpu.memory_space<semaphore_mem>>)
      tpu.wait_dma2 semaphore(%run_scoped3A : memref<!tpu.dma_semaphore, #tpu.memory_space<semaphore_mem>>) src(%arg6 : memref<4x16xi32, #tpu.memory_space<hbm>>) dst(%arg17 : memref<4x16xi32, #tpu.memory_space<vmem>>)
      tpu.yield
    }) : () -> ()
    %get3A = arith.constant 0 : i32
    %get3A_12 = arith.index_cast %get3A : i32 to index
    %get3A_13 = arith.constant 0 : index
    %get3A_14 = tpu.vector_load %arg17[%get3A_12, %get3A_13] {strides = array<i32>} : memref<4x16xi32, #tpu.memory_space<vmem>>, vector<1x16xi32>,
    %get3A_15 = vector.shape_cast %get3A_14 : vector<1x16xi32> to vector<16xi32>
    %get3A_16 = arith.constant 1 : i32
    %get3A_17 = arith.index_cast %get3A_16 : i32 to index
    %get3A_18 = arith.constant 0 : index
    %get3A_19 = tpu.vector_load %arg17[%get3A_17, %get3A_18] {strides = array<i32>} : memref<4x16xi32, #tpu.memory_space<vmem>>, vector<1x16xi32>,
    %get3A_20 = vector.shape_cast %get3A_19 : vector<1x16xi32> to vector<16xi32>
    %get3A_21 = arith.constant 2 : i32
    %get3A_22 = arith.index_cast %get3A_21 : i32 to index
    %get3A_23 = arith.constant 0 : index
    %get3A_24 = tpu.vector_load %arg17[%get3A_22, %get3A_23] {strides = array<i32>} : memref<4x16xi32, #tpu.memory_space<vmem>>, vector<1x16xi32>,
    %get3A_25 = vector.shape_cast %get3A_24 : vector<1x16xi32> to vector<16xi32>
    %get3A_26 = arith.constant 3 : i32
    %get3A_27 = arith.index_cast %get3A_26 : i32 to index
    %get3A_28 = arith.constant 0 : index
    %get3A_29 = tpu.vector_load %arg17[%get3A_27, %get3A_28] {strides = array<i32>} : memref<4x16xi32, #tpu.memory_space<vmem>>, vector<1x16xi32>,
    %get3A_30 = vector.shape_cast %get3A_29 : vector<1x16xi32> to vector<16xi32>
    %mul3A_31 = arith.constant 10240 : i32
    %mul3A_32 = arith.muli %add3A, %mul3A_31 : i32
    %add3A_33 = arith.constant 0 : i32
    %add3A_34 = arith.addi %mul3A_32, %add3A_33 : i32
    %multiple_of3A = tpu.assume_multiple %add3A_34, 8 : i32
    "tpu.region"() ({
      %run_scoped3A = tpu.sem_alloc : memref<!tpu.dma_semaphore, #tpu.memory_space<semaphore_mem>>
      %dma_start3A_52 = tpu.memref_slice %arg2[%multiple_of3A] : memref<327680xi32, #tpu.memory_space<hbm>> -> memref<512xi32, #tpu.memory_space<hbm>>
      %dma_start3A_53 = tpu.memref_slice %arg2[%multiple_of3A] : memref<327680xi32, #tpu.memory_space<hbm>> -> memref<512xi32, #tpu.memory_space<hbm>>
      tpu.enqueue_dma source(%dma_start3A_53 : memref<512xi32, #tpu.memory_space<hbm>>) target(%arg8 : memref<512xi32, #tpu.memory_space<vmem>>) target_semaphore(%run_scoped3A : memref<!tpu.dma_semaphore, #tpu.memory_space<semaphore_mem>>)
      %dma_wait3A_54 = tpu.memref_slice %arg2[%multiple_of3A] : memref<327680xi32, #tpu.memory_space<hbm>> -> memref<512xi32, #tpu.memory_space<hbm>>
      %dma_wait3A_55 = tpu.memref_slice %arg2[%multiple_of3A] : memref<327680xi32, #tpu.memory_space<hbm>> -> memref<512xi32, #tpu.memory_space<hbm>>
      tpu.wait_dma2 semaphore(%run_scoped3A : memref<!tpu.dma_semaphore, #tpu.memory_space<semaphore_mem>>) src(%dma_wait3A_55 : memref<512xi32, #tpu.memory_space<hbm>>) dst(%arg8 : memref<512xi32, #tpu.memory_space<vmem>>)
      tpu.yield
    }) : () -> ()
    "tpu.region"() ({
      %run_scoped3A = tpu.sem_alloc : memref<!tpu.dma_semaphore, #tpu.memory_space<semaphore_mem>>
      %dma_start3A_52 = tpu.memref_slice %arg3[%multiple_of3A] : memref<327680xi32, #tpu.memory_space<hbm>> -> memref<512xi32, #tpu.memory_space<hbm>>
      %dma_start3A_53 = tpu.memref_slice %arg3[%multiple_of3A] : memref<327680xi32, #tpu.memory_space<hbm>> -> memref<512xi32, #tpu.memory_space<hbm>>
      tpu.enqueue_dma source(%dma_start3A_53 : memref<512xi32, #tpu.memory_space<hbm>>) target(%arg9 : memref<512xi32, #tpu.memory_space<vmem>>) target_semaphore(%run_scoped3A : memref<!tpu.dma_semaphore, #tpu.memory_space<semaphore_mem>>)
      %dma_wait3A_54 = tpu.memref_slice %arg3[%multiple_of3A] : memref<327680xi32, #tpu.memory_space<hbm>> -> memref<512xi32, #tpu.memory_space<hbm>>
      %dma_wait3A_55 = tpu.memref_slice %arg3[%multiple_of3A] : memref<327680xi32, #tpu.memory_space<hbm>> -> memref<512xi32, #tpu.memory_space<hbm>>
      tpu.wait_dma2 semaphore(%run_scoped3A : memref<!tpu.dma_semaphore, #tpu.memory_space<semaphore_mem>>) src(%dma_wait3A_55 : memref<512xi32, #tpu.memory_space<hbm>>) dst(%arg9 : memref<512xi32, #tpu.memory_space<vmem>>)
      tpu.yield
    }) : () -> ()
    "tpu.region"() ({
      %run_scoped3A = tpu.sem_alloc : memref<!tpu.dma_semaphore, #tpu.memory_space<semaphore_mem>>
      %dma_start3A_52 = arith.constant 0 : i32
      %dma_start3A_53 = tpu.memref_slice %arg4[%multiple_of3A, %dma_start3A_52] : memref<327680x16xf32, #tpu.memory_space<hbm>> -> memref<512x16xf32, #tpu.memory_space<hbm>>
      %dma_start3A_54 = arith.constant 0 : i32
      %dma_start3A_55 = tpu.memref_slice %arg4[%multiple_of3A, %dma_start3A_54] : memref<327680x16xf32, #tpu.memory_space<hbm>> -> memref<512x16xf32, #tpu.memory_space<hbm>>
      tpu.enqueue_dma source(%dma_start3A_55 : memref<512x16xf32, #tpu.memory_space<hbm>>) target(%arg12 : memref<512x16xf32, #tpu.memory_space<vmem>>) target_semaphore(%run_scoped3A : memref<!tpu.dma_semaphore, #tpu.memory_space<semaphore_mem>>)
      %dma_wait3A_56 = arith.constant 0 : i32
      %dma_wait3A_57 = tpu.memref_slice %arg4[%multiple_of3A, %dma_wait3A_56] : memref<327680x16xf32, #tpu.memory_space<hbm>> -> memref<512x16xf32, #tpu.memory_space<hbm>>
      %dma_wait3A_58 = arith.constant 0 : i32
      %dma_wait3A_59 = tpu.memref_slice %arg4[%multiple_of3A, %dma_wait3A_58] : memref<327680x16xf32, #tpu.memory_space<hbm>> -> memref<512x16xf32, #tpu.memory_space<hbm>>
      tpu.wait_dma2 semaphore(%run_scoped3A : memref<!tpu.dma_semaphore, #tpu.memory_space<semaphore_mem>>) src(%dma_wait3A_59 : memref<512x16xf32, #tpu.memory_space<hbm>>) dst(%arg12 : memref<512x16xf32, #tpu.memory_space<vmem>>)
      tpu.yield
    }) : () -> ()
    %dma_start3A = arith.constant 0 : i32
    %dma_start3A_35 = arith.constant 0 : i32
    %dma_start3A_36 = tpu.memref_slice %arg5[%dma_start3A, %dma_start3A_35] : memref<10000x64xf32, #tpu.memory_space<hbm>> -> memref<10000x64xf32, #tpu.memory_space<hbm>>
    tpu.enqueue_indirect_dma source(%dma_start3A_36 : memref<10000x64xf32, #tpu.memory_space<hbm>>) target(%arg14 : memref<512x64xf32, #tpu.memory_space<vmem>>) offsets(%arg8 : memref<512xi32, #tpu.memory_space<vmem>>) semaphore(%arg19 : memref<!tpu.dma_semaphore, #tpu.memory_space<semaphore_mem>>)
    %scan3A_37 = arith.constant 0 : i32
    %scan3A_38 = arith.constant 0 : i32
    %scan3A_39 = arith.constant 10 : i32
    %scan3A_40 = arith.addi %scan3A_38, %scan3A_39 : i32
    %scan3A_41 = arith.constant 1 : i32
    scf.for %scan3A_52 = %scan3A_38 to %scan3A_40 step %scan3A_41  : i32 {
      %mul3A_53 = arith.constant 2 : i32
      %mul3A_54 = arith.muli %mul3A_53, %scan3A_52 : i32
      %add3A_55 = arith.constant 1 : i32
      %add3A_56 = arith.addi %mul3A_54, %add3A_55 : i32
      %mul3A_57 = arith.constant 512 : i32
      %mul3A_58 = arith.muli %add3A_56, %mul3A_57 : i32
      %add3A_59 = arith.addi %mul3A_32, %mul3A_58 : i32
      %multiple_of3A_60 = tpu.assume_multiple %add3A_59, 8 : i32
      "tpu.region"() ({
        %run_scoped3A = tpu.sem_alloc : memref<!tpu.dma_semaphore, #tpu.memory_space<semaphore_mem>>
        %dma_start3A_94 = tpu.memref_slice %arg2[%multiple_of3A_60] : memref<327680xi32, #tpu.memory_space<hbm>> -> memref<512xi32, #tpu.memory_space<hbm>>
        %dma_start3A_95 = tpu.memref_slice %arg2[%multiple_of3A_60] : memref<327680xi32, #tpu.memory_space<hbm>> -> memref<512xi32, #tpu.memory_space<hbm>>
        tpu.enqueue_dma source(%dma_start3A_95 : memref<512xi32, #tpu.memory_space<hbm>>) target(%arg10 : memref<512xi32, #tpu.memory_space<vmem>>) target_semaphore(%run_scoped3A : memref<!tpu.dma_semaphore, #tpu.memory_space<semaphore_mem>>)
        %dma_wait3A_96 = tpu.memref_slice %arg2[%multiple_of3A_60] : memref<327680xi32, #tpu.memory_space<hbm>> -> memref<512xi32, #tpu.memory_space<hbm>>
        %dma_wait3A_97 = tpu.memref_slice %arg2[%multiple_of3A_60] : memref<327680xi32, #tpu.memory_space<hbm>> -> memref<512xi32, #tpu.memory_space<hbm>>
        tpu.wait_dma2 semaphore(%run_scoped3A : memref<!tpu.dma_semaphore, #tpu.memory_space<semaphore_mem>>) src(%dma_wait3A_97 : memref<512xi32, #tpu.memory_space<hbm>>) dst(%arg10 : memref<512xi32, #tpu.memory_space<vmem>>)
        tpu.yield
      }) : () -> ()
      "tpu.region"() ({
        %run_scoped3A = tpu.sem_alloc : memref<!tpu.dma_semaphore, #tpu.memory_space<semaphore_mem>>
        %dma_start3A_94 = tpu.memref_slice %arg3[%multiple_of3A_60] : memref<327680xi32, #tpu.memory_space<hbm>> -> memref<512xi32, #tpu.memory_space<hbm>>
        %dma_start3A_95 = tpu.memref_slice %arg3[%multiple_of3A_60] : memref<327680xi32, #tpu.memory_space<hbm>> -> memref<512xi32, #tpu.memory_space<hbm>>
        tpu.enqueue_dma source(%dma_start3A_95 : memref<512xi32, #tpu.memory_space<hbm>>) target(%arg11 : memref<512xi32, #tpu.memory_space<vmem>>) target_semaphore(%run_scoped3A : memref<!tpu.dma_semaphore, #tpu.memory_space<semaphore_mem>>)
        %dma_wait3A_96 = tpu.memref_slice %arg3[%multiple_of3A_60] : memref<327680xi32, #tpu.memory_space<hbm>> -> memref<512xi32, #tpu.memory_space<hbm>>
        %dma_wait3A_97 = tpu.memref_slice %arg3[%multiple_of3A_60] : memref<327680xi32, #tpu.memory_space<hbm>> -> memref<512xi32, #tpu.memory_space<hbm>>
        tpu.wait_dma2 semaphore(%run_scoped3A : memref<!tpu.dma_semaphore, #tpu.memory_space<semaphore_mem>>) src(%dma_wait3A_97 : memref<512xi32, #tpu.memory_space<hbm>>) dst(%arg11 : memref<512xi32, #tpu.memory_space<vmem>>)
        tpu.yield
      }) : () -> ()
      "tpu.region"() ({
        %run_scoped3A = tpu.sem_alloc : memref<!tpu.dma_semaphore, #tpu.memory_space<semaphore_mem>>
        %dma_start3A_94 = arith.constant 0 : i32
        %dma_start3A_95 = tpu.memref_slice %arg4[%multiple_of3A_60, %dma_start3A_94] : memref<327680x16xf32, #tpu.memory_space<hbm>> -> memref<512x16xf32, #tpu.memory_space<hbm>>
        %dma_start3A_96 = arith.constant 0 : i32
        %dma_start3A_97 = tpu.memref_slice %arg4[%multiple_of3A_60, %dma_start3A_96] : memref<327680x16xf32, #tpu.memory_space<hbm>> -> memref<512x16xf32, #tpu.memory_space<hbm>>
        tpu.enqueue_dma source(%dma_start3A_97 : memref<512x16xf32, #tpu.memory_space<hbm>>) target(%arg13 : memref<512x16xf32, #tpu.memory_space<vmem>>) target_semaphore(%run_scoped3A : memref<!tpu.dma_semaphore, #tpu.memory_space<semaphore_mem>>)
        %dma_wait3A_98 = arith.constant 0 : i32
        %dma_wait3A_99 = tpu.memref_slice %arg4[%multiple_of3A_60, %dma_wait3A_98] : memref<327680x16xf32, #tpu.memory_space<hbm>> -> memref<512x16xf32, #tpu.memory_space<hbm>>
        %dma_wait3A_100 = arith.constant 0 : i32
        %dma_wait3A_101 = tpu.memref_slice %arg4[%multiple_of3A_60, %dma_wait3A_100] : memref<327680x16xf32, #tpu.memory_space<hbm>> -> memref<512x16xf32, #tpu.memory_space<hbm>>
        tpu.wait_dma2 semaphore(%run_scoped3A : memref<!tpu.dma_semaphore, #tpu.memory_space<semaphore_mem>>) src(%dma_wait3A_101 : memref<512x16xf32, #tpu.memory_space<hbm>>) dst(%arg13 : memref<512x16xf32, #tpu.memory_space<vmem>>)
        tpu.yield
      }) : () -> ()
      %dma_start3A_61 = arith.constant 0 : i32
      %dma_start3A_62 = arith.constant 0 : i32
      %dma_start3A_63 = tpu.memref_slice %arg5[%dma_start3A_61, %dma_start3A_62] : memref<10000x64xf32, #tpu.memory_space<hbm>> -> memref<10000x64xf32, #tpu.memory_space<hbm>>
      tpu.enqueue_indirect_dma source(%dma_start3A_63 : memref<10000x64xf32, #tpu.memory_space<hbm>>) target(%arg15 : memref<512x64xf32, #tpu.memory_space<vmem>>) offsets(%arg10 : memref<512xi32, #tpu.memory_space<vmem>>) semaphore(%arg20 : memref<!tpu.dma_semaphore, #tpu.memory_space<semaphore_mem>>)
      %dma_wait3A_64 = arith.constant 0 : i32
      %dma_wait3A_65 = arith.constant 0 : i32
      %dma_wait3A_66 = tpu.memref_slice %arg5[%dma_wait3A_64, %dma_wait3A_65] : memref<10000x64xf32, #tpu.memory_space<hbm>> -> memref<10000x64xf32, #tpu.memory_space<hbm>>
      tpu.wait_indirect_dma semaphore(%arg19 : memref<!tpu.dma_semaphore, #tpu.memory_space<semaphore_mem>>) src(%dma_wait3A_66 : memref<10000x64xf32, #tpu.memory_space<hbm>>) dst(%arg14 : memref<512x64xf32, #tpu.memory_space<vmem>>)
      %scan3A_67 = arith.constant 0 : i32
      %scan3A_68 = arith.constant 0 : i32
      %scan3A_69 = arith.constant 512 : i32
      %scan3A_70 = arith.addi %scan3A_68, %scan3A_69 : i32
      %scan3A_71 = arith.constant 1 : i32
      scf.for %scan3A_94 = %scan3A_68 to %scan3A_70 step %scan3A_71  : i32 {
        %get3A_95 = arith.index_cast %scan3A_94 : i32 to index
        %get3A_96 = arith.constant 0 : index
        %get3A_97 = tpu.vector_load %arg12[%get3A_95, %get3A_96] {strides = array<i32>} : memref<512x16xf32, #tpu.memory_space<vmem>>, vector<1x16xf32>,
        %get3A_98 = vector.shape_cast %get3A_97 : vector<1x16xf32> to vector<16xf32>
        %lt3A = arith.constant 0 : i32
        %lt3A_99 = vector.broadcast %lt3A : i32 to vector<16xi32>
        %lt3A_100 = arith.cmpi slt, %get3A_15, %lt3A_99 : vector<16xi32>
        %add3A_101 = arith.constant 16 : i32
        %add3A_102 = vector.broadcast %add3A_101 : i32 to vector<16xi32>
        %add3A_103 = arith.addi %get3A_15, %add3A_102 : vector<16xi32>
        %select_n3A = arith.select %lt3A_100, %add3A_103, %get3A_15 : vector<16xi1>, vector<16xi32>
        %broadcast_in_dim3A = vector.shape_cast %select_n3A : vector<16xi32> to vector<16x1xi32>
        %gather3A = vector.shape_cast %broadcast_in_dim3A : vector<16x1xi32> to vector<16xi32>
        %gather3A_104 = tpu.dynamic_gather %get3A_98[%gather3A] in [0] : vector<16xf32>, vector<16xi32> -> vector<16xf32>
        %get3A_105 = arith.index_cast %scan3A_94 : i32 to index
        %get3A_106 = arith.constant 0 : index
        %get3A_107 = tpu.vector_load %arg14[%get3A_105, %get3A_106] {strides = array<i32>} : memref<512x64xf32, #tpu.memory_space<vmem>>, vector<1x16xf32>,
        %get3A_108 = vector.shape_cast %get3A_107 : vector<1x16xf32> to vector<16xf32>
        %mul3A_109 = arith.mulf %get3A_108, %gather3A_104 : vector<16xf32>
        %swap3A = arith.index_cast %scan3A_94 : i32 to index
        %swap3A_110 = arith.constant 0 : index
        %swap3A_111 = tpu.vector_load %arg14[%swap3A, %swap3A_110] {strides = array<i32>} : memref<512x64xf32, #tpu.memory_space<vmem>>, vector<1x16xf32>,
        %swap3A_112 = vector.shape_cast %swap3A_111 : vector<1x16xf32> to vector<16xf32>
        %swap3A_113 = vector.shape_cast %mul3A_109 : vector<16xf32> to vector<1x16xf32>
        tpu.vector_store %arg14[%swap3A, %swap3A_110], %swap3A_113 {strides = array<i32>} : memref<512x64xf32, #tpu.memory_space<vmem>>, vector<1x16xf32>,
        %lt3A_114 = arith.constant 0 : i32
        %lt3A_115 = vector.broadcast %lt3A_114 : i32 to vector<16xi32>
        %lt3A_116 = arith.cmpi slt, %get3A_20, %lt3A_115 : vector<16xi32>
        %add3A_117 = arith.constant 16 : i32
        %add3A_118 = vector.broadcast %add3A_117 : i32 to vector<16xi32>
        %add3A_119 = arith.addi %get3A_20, %add3A_118 : vector<16xi32>
        %select_n3A_120 = arith.select %lt3A_116, %add3A_119, %get3A_20 : vector<16xi1>, vector<16xi32>
        %broadcast_in_dim3A_121 = vector.shape_cast %select_n3A_120 : vector<16xi32> to vector<16x1xi32>
        %gather3A_122 = vector.shape_cast %broadcast_in_dim3A_121 : vector<16x1xi32> to vector<16xi32>
        %gather3A_123 = tpu.dynamic_gather %get3A_98[%gather3A_122] in [0] : vector<16xf32>, vector<16xi32> -> vector<16xf32>
        %get3A_124 = arith.index_cast %scan3A_94 : i32 to index
        %get3A_125 = arith.constant 16 : index
        %get3A_126 = tpu.vector_load %arg14[%get3A_124, %get3A_125] {strides = array<i32>} : memref<512x64xf32, #tpu.memory_space<vmem>>, vector<1x16xf32>,
        %get3A_127 = vector.shape_cast %get3A_126 : vector<1x16xf32> to vector<16xf32>
        %mul3A_128 = arith.mulf %get3A_127, %gather3A_123 : vector<16xf32>
        %swap3A_129 = arith.index_cast %scan3A_94 : i32 to index
        %swap3A_130 = arith.constant 16 : index
        %swap3A_131 = tpu.vector_load %arg14[%swap3A_129, %swap3A_130] {strides = array<i32>} : memref<512x64xf32, #tpu.memory_space<vmem>>, vector<1x16xf32>,
        %swap3A_132 = vector.shape_cast %swap3A_131 : vector<1x16xf32> to vector<16xf32>
        %swap3A_133 = vector.shape_cast %mul3A_128 : vector<16xf32> to vector<1x16xf32>
        tpu.vector_store %arg14[%swap3A_129, %swap3A_130], %swap3A_133 {strides = array<i32>} : memref<512x64xf32, #tpu.memory_space<vmem>>, vector<1x16xf32>,
        %lt3A_134 = arith.constant 0 : i32
        %lt3A_135 = vector.broadcast %lt3A_134 : i32 to vector<16xi32>
        %lt3A_136 = arith.cmpi slt, %get3A_25, %lt3A_135 : vector<16xi32>
        %add3A_137 = arith.constant 16 : i32
        %add3A_138 = vector.broadcast %add3A_137 : i32 to vector<16xi32>
        %add3A_139 = arith.addi %get3A_25, %add3A_138 : vector<16xi32>
        %select_n3A_140 = arith.select %lt3A_136, %add3A_139, %get3A_25 : vector<16xi1>, vector<16xi32>
        %broadcast_in_dim3A_141 = vector.shape_cast %select_n3A_140 : vector<16xi32> to vector<16x1xi32>
        %gather3A_142 = vector.shape_cast %broadcast_in_dim3A_141 : vector<16x1xi32> to vector<16xi32>
        %gather3A_143 = tpu.dynamic_gather %get3A_98[%gather3A_142] in [0] : vector<16xf32>, vector<16xi32> -> vector<16xf32>
        %get3A_144 = arith.index_cast %scan3A_94 : i32 to index
        %get3A_145 = arith.constant 32 : index
        %get3A_146 = tpu.vector_load %arg14[%get3A_144, %get3A_145] {strides = array<i32>} : memref<512x64xf32, #tpu.memory_space<vmem>>, vector<1x16xf32>,
        %get3A_147 = vector.shape_cast %get3A_146 : vector<1x16xf32> to vector<16xf32>
        %mul3A_148 = arith.mulf %get3A_147, %gather3A_143 : vector<16xf32>
        %swap3A_149 = arith.index_cast %scan3A_94 : i32 to index
        %swap3A_150 = arith.constant 32 : index
        %swap3A_151 = tpu.vector_load %arg14[%swap3A_149, %swap3A_150] {strides = array<i32>} : memref<512x64xf32, #tpu.memory_space<vmem>>, vector<1x16xf32>,
        %swap3A_152 = vector.shape_cast %swap3A_151 : vector<1x16xf32> to vector<16xf32>
        %swap3A_153 = vector.shape_cast %mul3A_148 : vector<16xf32> to vector<1x16xf32>
        tpu.vector_store %arg14[%swap3A_149, %swap3A_150], %swap3A_153 {strides = array<i32>} : memref<512x64xf32, #tpu.memory_space<vmem>>, vector<1x16xf32>,
        %lt3A_154 = arith.constant 0 : i32
        %lt3A_155 = vector.broadcast %lt3A_154 : i32 to vector<16xi32>
        %lt3A_156 = arith.cmpi slt, %get3A_30, %lt3A_155 : vector<16xi32>
        %add3A_157 = arith.constant 16 : i32
        %add3A_158 = vector.broadcast %add3A_157 : i32 to vector<16xi32>
        %add3A_159 = arith.addi %get3A_30, %add3A_158 : vector<16xi32>
        %select_n3A_160 = arith.select %lt3A_156, %add3A_159, %get3A_30 : vector<16xi1>, vector<16xi32>
        %broadcast_in_dim3A_161 = vector.shape_cast %select_n3A_160 : vector<16xi32> to vector<16x1xi32>
        %gather3A_162 = vector.shape_cast %broadcast_in_dim3A_161 : vector<16x1xi32> to vector<16xi32>
        %gather3A_163 = tpu.dynamic_gather %get3A_98[%gather3A_162] in [0] : vector<16xf32>, vector<16xi32> -> vector<16xf32>
        %get3A_164 = arith.index_cast %scan3A_94 : i32 to index
        %get3A_165 = arith.constant 48 : index
        %get3A_166 = tpu.vector_load %arg14[%get3A_164, %get3A_165] {strides = array<i32>} : memref<512x64xf32, #tpu.memory_space<vmem>>, vector<1x16xf32>,
        %get3A_167 = vector.shape_cast %get3A_166 : vector<1x16xf32> to vector<16xf32>
        %mul3A_168 = arith.mulf %get3A_167, %gather3A_163 : vector<16xf32>
        %swap3A_169 = arith.index_cast %scan3A_94 : i32 to index
        %swap3A_170 = arith.constant 48 : index
        %swap3A_171 = tpu.vector_load %arg14[%swap3A_169, %swap3A_170] {strides = array<i32>} : memref<512x64xf32, #tpu.memory_space<vmem>>, vector<1x16xf32>,
        %swap3A_172 = vector.shape_cast %swap3A_171 : vector<1x16xf32> to vector<16xf32>
        %swap3A_173 = vector.shape_cast %mul3A_168 : vector<16xf32> to vector<1x16xf32>
        tpu.vector_store %arg14[%swap3A_169, %swap3A_170], %swap3A_173 {strides = array<i32>} : memref<512x64xf32, #tpu.memory_space<vmem>>, vector<1x16xf32>,
      }
      %scan3A_72 = arith.constant 512 : i32
      "tpu.region"() ({
        %run_scoped3A = tpu.sem_alloc : memref<!tpu.dma_semaphore, #tpu.memory_space<semaphore_mem>>
        %dma_start3A_94 = arith.constant 0 : i32
        %dma_start3A_95 = arith.constant 0 : i32
        %dma_start3A_96 = tpu.memref_slice %arg18[%dma_start3A_94, %dma_start3A_95] : memref<10000x64xf32, #tpu.memory_space<vmem_shared>> -> memref<10000x64xf32, #tpu.memory_space<vmem_shared>>
        tpu.enqueue_indirect_dma source(%arg14 : memref<512x64xf32, #tpu.memory_space<vmem>>) target(%dma_start3A_96 : memref<10000x64xf32, #tpu.memory_space<vmem_shared>>) offsets(%arg9 : memref<512xi32, #tpu.memory_space<vmem>>) semaphore(%run_scoped3A : memref<!tpu.dma_semaphore, #tpu.memory_space<semaphore_mem>>) {add = true}
        %dma_wait3A_97 = arith.constant 0 : i32
        %dma_wait3A_98 = arith.constant 0 : i32
        %dma_wait3A_99 = tpu.memref_slice %arg18[%dma_wait3A_97, %dma_wait3A_98] : memref<10000x64xf32, #tpu.memory_space<vmem_shared>> -> memref<10000x64xf32, #tpu.memory_space<vmem_shared>>
        tpu.wait_indirect_dma semaphore(%run_scoped3A : memref<!tpu.dma_semaphore, #tpu.memory_space<semaphore_mem>>) src(%arg14 : memref<512x64xf32, #tpu.memory_space<vmem>>) dst(%dma_wait3A_99 : memref<10000x64xf32, #tpu.memory_space<vmem_shared>>)
        tpu.yield
      }) : () -> ()
      %mul3A_73 = arith.constant 2 : i32
      %mul3A_74 = arith.muli %mul3A_73, %scan3A_52 : i32
      %add3A_75 = arith.constant 2 : i32
      %add3A_76 = arith.addi %mul3A_74, %add3A_75 : i32
      %rem3A = arith.constant 20 : i32
      %rem3A_77 = arith.remsi %add3A_76, %rem3A : i32
      %mul3A_78 = arith.constant 512 : i32
      %mul3A_79 = arith.muli %rem3A_77, %mul3A_78 : i32
      %add3A_80 = arith.addi %mul3A_32, %mul3A_79 : i32
      %multiple_of3A_81 = tpu.assume_multiple %add3A_80, 8 : i32
      "tpu.region"() ({
        %run_scoped3A = tpu.sem_alloc : memref<!tpu.dma_semaphore, #tpu.memory_space<semaphore_mem>>
        %dma_start3A_94 = tpu.memref_slice %arg2[%multiple_of3A_81] : memref<327680xi32, #tpu.memory_space<hbm>> -> memref<512xi32, #tpu.memory_space<hbm>>
        %dma_start3A_95 = tpu.memref_slice %arg2[%multiple_of3A_81] : memref<327680xi32, #tpu.memory_space<hbm>> -> memref<512xi32, #tpu.memory_space<hbm>>
        tpu.enqueue_dma source(%dma_start3A_95 : memref<512xi32, #tpu.memory_space<hbm>>) target(%arg8 : memref<512xi32, #tpu.memory_space<vmem>>) target_semaphore(%run_scoped3A : memref<!tpu.dma_semaphore, #tpu.memory_space<semaphore_mem>>)
        %dma_wait3A_96 = tpu.memref_slice %arg2[%multiple_of3A_81] : memref<327680xi32, #tpu.memory_space<hbm>> -> memref<512xi32, #tpu.memory_space<hbm>>
        %dma_wait3A_97 = tpu.memref_slice %arg2[%multiple_of3A_81] : memref<327680xi32, #tpu.memory_space<hbm>> -> memref<512xi32, #tpu.memory_space<hbm>>
        tpu.wait_dma2 semaphore(%run_scoped3A : memref<!tpu.dma_semaphore, #tpu.memory_space<semaphore_mem>>) src(%dma_wait3A_97 : memref<512xi32, #tpu.memory_space<hbm>>) dst(%arg8 : memref<512xi32, #tpu.memory_space<vmem>>)
        tpu.yield
      }) : () -> ()
      "tpu.region"() ({
        %run_scoped3A = tpu.sem_alloc : memref<!tpu.dma_semaphore, #tpu.memory_space<semaphore_mem>>
        %dma_start3A_94 = tpu.memref_slice %arg3[%multiple_of3A_81] : memref<327680xi32, #tpu.memory_space<hbm>> -> memref<512xi32, #tpu.memory_space<hbm>>
        %dma_start3A_95 = tpu.memref_slice %arg3[%multiple_of3A_81] : memref<327680xi32, #tpu.memory_space<hbm>> -> memref<512xi32, #tpu.memory_space<hbm>>
        tpu.enqueue_dma source(%dma_start3A_95 : memref<512xi32, #tpu.memory_space<hbm>>) target(%arg9 : memref<512xi32, #tpu.memory_space<vmem>>) target_semaphore(%run_scoped3A : memref<!tpu.dma_semaphore, #tpu.memory_space<semaphore_mem>>)
        %dma_wait3A_96 = tpu.memref_slice %arg3[%multiple_of3A_81] : memref<327680xi32, #tpu.memory_space<hbm>> -> memref<512xi32, #tpu.memory_space<hbm>>
        %dma_wait3A_97 = tpu.memref_slice %arg3[%multiple_of3A_81] : memref<327680xi32, #tpu.memory_space<hbm>> -> memref<512xi32, #tpu.memory_space<hbm>>
        tpu.wait_dma2 semaphore(%run_scoped3A : memref<!tpu.dma_semaphore, #tpu.memory_space<semaphore_mem>>) src(%dma_wait3A_97 : memref<512xi32, #tpu.memory_space<hbm>>) dst(%arg9 : memref<512xi32, #tpu.memory_space<vmem>>)
        tpu.yield
      }) : () -> ()
      "tpu.region"() ({
        %run_scoped3A = tpu.sem_alloc : memref<!tpu.dma_semaphore, #tpu.memory_space<semaphore_mem>>
        %dma_start3A_94 = arith.constant 0 : i32
        %dma_start3A_95 = tpu.memref_slice %arg4[%multiple_of3A_81, %dma_start3A_94] : memref<327680x16xf32, #tpu.memory_space<hbm>> -> memref<512x16xf32, #tpu.memory_space<hbm>>
        %dma_start3A_96 = arith.constant 0 : i32
        %dma_start3A_97 = tpu.memref_slice %arg4[%multiple_of3A_81, %dma_start3A_96] : memref<327680x16xf32, #tpu.memory_space<hbm>> -> memref<512x16xf32, #tpu.memory_space<hbm>>
        tpu.enqueue_dma source(%dma_start3A_97 : memref<512x16xf32, #tpu.memory_space<hbm>>) target(%arg12 : memref<512x16xf32, #tpu.memory_space<vmem>>) target_semaphore(%run_scoped3A : memref<!tpu.dma_semaphore, #tpu.memory_space<semaphore_mem>>)
        %dma_wait3A_98 = arith.constant 0 : i32
        %dma_wait3A_99 = tpu.memref_slice %arg4[%multiple_of3A_81, %dma_wait3A_98] : memref<327680x16xf32, #tpu.memory_space<hbm>> -> memref<512x16xf32, #tpu.memory_space<hbm>>
        %dma_wait3A_100 = arith.constant 0 : i32
        %dma_wait3A_101 = tpu.memref_slice %arg4[%multiple_of3A_81, %dma_wait3A_100] : memref<327680x16xf32, #tpu.memory_space<hbm>> -> memref<512x16xf32, #tpu.memory_space<hbm>>
        tpu.wait_dma2 semaphore(%run_scoped3A : memref<!tpu.dma_semaphore, #tpu.memory_space<semaphore_mem>>) src(%dma_wait3A_101 : memref<512x16xf32, #tpu.memory_space<hbm>>) dst(%arg12 : memref<512x16xf32, #tpu.memory_space<vmem>>)
        tpu.yield
      }) : () -> ()
      %dma_start3A_82 = arith.constant 0 : i32
      %dma_start3A_83 = arith.constant 0 : i32
      %dma_start3A_84 = tpu.memref_slice %arg5[%dma_start3A_82, %dma_start3A_83] : memref<10000x64xf32, #tpu.memory_space<hbm>> -> memref<10000x64xf32, #tpu.memory_space<hbm>>
      tpu.enqueue_indirect_dma source(%dma_start3A_84 : memref<10000x64xf32, #tpu.memory_space<hbm>>) target(%arg14 : memref<512x64xf32, #tpu.memory_space<vmem>>) offsets(%arg8 : memref<512xi32, #tpu.memory_space<vmem>>) semaphore(%arg19 : memref<!tpu.dma_semaphore, #tpu.memory_space<semaphore_mem>>)
      %dma_wait3A_85 = arith.constant 0 : i32
      %dma_wait3A_86 = arith.constant 0 : i32
      %dma_wait3A_87 = tpu.memref_slice %arg5[%dma_wait3A_85, %dma_wait3A_86] : memref<10000x64xf32, #tpu.memory_space<hbm>> -> memref<10000x64xf32, #tpu.memory_space<hbm>>
      tpu.wait_indirect_dma semaphore(%arg20 : memref<!tpu.dma_semaphore, #tpu.memory_space<semaphore_mem>>) src(%dma_wait3A_87 : memref<10000x64xf32, #tpu.memory_space<hbm>>) dst(%arg15 : memref<512x64xf32, #tpu.memory_space<vmem>>)
      %scan3A_88 = arith.constant 0 : i32
      %scan3A_89 = arith.constant 0 : i32
      %scan3A_90 = arith.constant 512 : i32
      %scan3A_91 = arith.addi %scan3A_89, %scan3A_90 : i32
      %scan3A_92 = arith.constant 1 : i32
      scf.for %scan3A_94 = %scan3A_89 to %scan3A_91 step %scan3A_92  : i32 {
        %get3A_95 = arith.index_cast %scan3A_94 : i32 to index
        %get3A_96 = arith.constant 0 : index
        %get3A_97 = tpu.vector_load %arg13[%get3A_95, %get3A_96] {strides = array<i32>} : memref<512x16xf32, #tpu.memory_space<vmem>>, vector<1x16xf32>,
        %get3A_98 = vector.shape_cast %get3A_97 : vector<1x16xf32> to vector<16xf32>
        %lt3A = arith.constant 0 : i32
        %lt3A_99 = vector.broadcast %lt3A : i32 to vector<16xi32>
        %lt3A_100 = arith.cmpi slt, %get3A_15, %lt3A_99 : vector<16xi32>
        %add3A_101 = arith.constant 16 : i32
        %add3A_102 = vector.broadcast %add3A_101 : i32 to vector<16xi32>
        %add3A_103 = arith.addi %get3A_15, %add3A_102 : vector<16xi32>
        %select_n3A = arith.select %lt3A_100, %add3A_103, %get3A_15 : vector<16xi1>, vector<16xi32>
        %broadcast_in_dim3A = vector.shape_cast %select_n3A : vector<16xi32> to vector<16x1xi32>
        %gather3A = vector.shape_cast %broadcast_in_dim3A : vector<16x1xi32> to vector<16xi32>
        %gather3A_104 = tpu.dynamic_gather %get3A_98[%gather3A] in [0] : vector<16xf32>, vector<16xi32> -> vector<16xf32>
        %get3A_105 = arith.index_cast %scan3A_94 : i32 to index
        %get3A_106 = arith.constant 0 : index
        %get3A_107 = tpu.vector_load %arg15[%get3A_105, %get3A_106] {strides = array<i32>} : memref<512x64xf32, #tpu.memory_space<vmem>>, vector<1x16xf32>,
        %get3A_108 = vector.shape_cast %get3A_107 : vector<1x16xf32> to vector<16xf32>
        %mul3A_109 = arith.mulf %get3A_108, %gather3A_104 : vector<16xf32>
        %swap3A = arith.index_cast %scan3A_94 : i32 to index
        %swap3A_110 = arith.constant 0 : index
        %swap3A_111 = tpu.vector_load %arg15[%swap3A, %swap3A_110] {strides = array<i32>} : memref<512x64xf32, #tpu.memory_space<vmem>>, vector<1x16xf32>,
        %swap3A_112 = vector.shape_cast %swap3A_111 : vector<1x16xf32> to vector<16xf32>
        %swap3A_113 = vector.shape_cast %mul3A_109 : vector<16xf32> to vector<1x16xf32>
        tpu.vector_store %arg15[%swap3A, %swap3A_110], %swap3A_113 {strides = array<i32>} : memref<512x64xf32, #tpu.memory_space<vmem>>, vector<1x16xf32>,
        %lt3A_114 = arith.constant 0 : i32
        %lt3A_115 = vector.broadcast %lt3A_114 : i32 to vector<16xi32>
        %lt3A_116 = arith.cmpi slt, %get3A_20, %lt3A_115 : vector<16xi32>
        %add3A_117 = arith.constant 16 : i32
        %add3A_118 = vector.broadcast %add3A_117 : i32 to vector<16xi32>
        %add3A_119 = arith.addi %get3A_20, %add3A_118 : vector<16xi32>
        %select_n3A_120 = arith.select %lt3A_116, %add3A_119, %get3A_20 : vector<16xi1>, vector<16xi32>
        %broadcast_in_dim3A_121 = vector.shape_cast %select_n3A_120 : vector<16xi32> to vector<16x1xi32>
        %gather3A_122 = vector.shape_cast %broadcast_in_dim3A_121 : vector<16x1xi32> to vector<16xi32>
        %gather3A_123 = tpu.dynamic_gather %get3A_98[%gather3A_122] in [0] : vector<16xf32>, vector<16xi32> -> vector<16xf32>
        %get3A_124 = arith.index_cast %scan3A_94 : i32 to index
        %get3A_125 = arith.constant 16 : index
        %get3A_126 = tpu.vector_load %arg15[%get3A_124, %get3A_125] {strides = array<i32>} : memref<512x64xf32, #tpu.memory_space<vmem>>, vector<1x16xf32>,
        %get3A_127 = vector.shape_cast %get3A_126 : vector<1x16xf32> to vector<16xf32>
        %mul3A_128 = arith.mulf %get3A_127, %gather3A_123 : vector<16xf32>
        %swap3A_129 = arith.index_cast %scan3A_94 : i32 to index
        %swap3A_130 = arith.constant 16 : index
        %swap3A_131 = tpu.vector_load %arg15[%swap3A_129, %swap3A_130] {strides = array<i32>} : memref<512x64xf32, #tpu.memory_space<vmem>>, vector<1x16xf32>,
        %swap3A_132 = vector.shape_cast %swap3A_131 : vector<1x16xf32> to vector<16xf32>
        %swap3A_133 = vector.shape_cast %mul3A_128 : vector<16xf32> to vector<1x16xf32>
        tpu.vector_store %arg15[%swap3A_129, %swap3A_130], %swap3A_133 {strides = array<i32>} : memref<512x64xf32, #tpu.memory_space<vmem>>, vector<1x16xf32>,
        %lt3A_134 = arith.constant 0 : i32
        %lt3A_135 = vector.broadcast %lt3A_134 : i32 to vector<16xi32>
        %lt3A_136 = arith.cmpi slt, %get3A_25, %lt3A_135 : vector<16xi32>
        %add3A_137 = arith.constant 16 : i32
        %add3A_138 = vector.broadcast %add3A_137 : i32 to vector<16xi32>
        %add3A_139 = arith.addi %get3A_25, %add3A_138 : vector<16xi32>
        %select_n3A_140 = arith.select %lt3A_136, %add3A_139, %get3A_25 : vector<16xi1>, vector<16xi32>
        %broadcast_in_dim3A_141 = vector.shape_cast %select_n3A_140 : vector<16xi32> to vector<16x1xi32>
        %gather3A_142 = vector.shape_cast %broadcast_in_dim3A_141 : vector<16x1xi32> to vector<16xi32>
        %gather3A_143 = tpu.dynamic_gather %get3A_98[%gather3A_142] in [0] : vector<16xf32>, vector<16xi32> -> vector<16xf32>
        %get3A_144 = arith.index_cast %scan3A_94 : i32 to index
        %get3A_145 = arith.constant 32 : index
        %get3A_146 = tpu.vector_load %arg15[%get3A_144, %get3A_145] {strides = array<i32>} : memref<512x64xf32, #tpu.memory_space<vmem>>, vector<1x16xf32>,
        %get3A_147 = vector.shape_cast %get3A_146 : vector<1x16xf32> to vector<16xf32>
        %mul3A_148 = arith.mulf %get3A_147, %gather3A_143 : vector<16xf32>
        %swap3A_149 = arith.index_cast %scan3A_94 : i32 to index
        %swap3A_150 = arith.constant 32 : index
        %swap3A_151 = tpu.vector_load %arg15[%swap3A_149, %swap3A_150] {strides = array<i32>} : memref<512x64xf32, #tpu.memory_space<vmem>>, vector<1x16xf32>,
        %swap3A_152 = vector.shape_cast %swap3A_151 : vector<1x16xf32> to vector<16xf32>
        %swap3A_153 = vector.shape_cast %mul3A_148 : vector<16xf32> to vector<1x16xf32>
        tpu.vector_store %arg15[%swap3A_149, %swap3A_150], %swap3A_153 {strides = array<i32>} : memref<512x64xf32, #tpu.memory_space<vmem>>, vector<1x16xf32>,
        %lt3A_154 = arith.constant 0 : i32
        %lt3A_155 = vector.broadcast %lt3A_154 : i32 to vector<16xi32>
        %lt3A_156 = arith.cmpi slt, %get3A_30, %lt3A_155 : vector<16xi32>
        %add3A_157 = arith.constant 16 : i32
        %add3A_158 = vector.broadcast %add3A_157 : i32 to vector<16xi32>
        %add3A_159 = arith.addi %get3A_30, %add3A_158 : vector<16xi32>
        %select_n3A_160 = arith.select %lt3A_156, %add3A_159, %get3A_30 : vector<16xi1>, vector<16xi32>
        %broadcast_in_dim3A_161 = vector.shape_cast %select_n3A_160 : vector<16xi32> to vector<16x1xi32>
        %gather3A_162 = vector.shape_cast %broadcast_in_dim3A_161 : vector<16x1xi32> to vector<16xi32>
        %gather3A_163 = tpu.dynamic_gather %get3A_98[%gather3A_162] in [0] : vector<16xf32>, vector<16xi32> -> vector<16xf32>
        %get3A_164 = arith.index_cast %scan3A_94 : i32 to index
        %get3A_165 = arith.constant 48 : index
        %get3A_166 = tpu.vector_load %arg15[%get3A_164, %get3A_165] {strides = array<i32>} : memref<512x64xf32, #tpu.memory_space<vmem>>, vector<1x16xf32>,
        %get3A_167 = vector.shape_cast %get3A_166 : vector<1x16xf32> to vector<16xf32>
        %mul3A_168 = arith.mulf %get3A_167, %gather3A_163 : vector<16xf32>
        %swap3A_169 = arith.index_cast %scan3A_94 : i32 to index
        %swap3A_170 = arith.constant 48 : index
        %swap3A_171 = tpu.vector_load %arg15[%swap3A_169, %swap3A_170] {strides = array<i32>} : memref<512x64xf32, #tpu.memory_space<vmem>>, vector<1x16xf32>,
        %swap3A_172 = vector.shape_cast %swap3A_171 : vector<1x16xf32> to vector<16xf32>
        %swap3A_173 = vector.shape_cast %mul3A_168 : vector<16xf32> to vector<1x16xf32>
        tpu.vector_store %arg15[%swap3A_169, %swap3A_170], %swap3A_173 {strides = array<i32>} : memref<512x64xf32, #tpu.memory_space<vmem>>, vector<1x16xf32>,
      }
      %scan3A_93 = arith.constant 512 : i32
      "tpu.region"() ({
        %run_scoped3A = tpu.sem_alloc : memref<!tpu.dma_semaphore, #tpu.memory_space<semaphore_mem>>
        %dma_start3A_94 = arith.constant 0 : i32
        %dma_start3A_95 = arith.constant 0 : i32
        %dma_start3A_96 = tpu.memref_slice %arg18[%dma_start3A_94, %dma_start3A_95] : memref<10000x64xf32, #tpu.memory_space<vmem_shared>> -> memref<10000x64xf32, #tpu.memory_space<vmem_shared>>
        tpu.enqueue_indirect_dma source(%arg15 : memref<512x64xf32, #tpu.memory_space<vmem>>) target(%dma_start3A_96 : memref<10000x64xf32, #tpu.memory_space<vmem_shared>>) offsets(%arg11 : memref<512xi32, #tpu.memory_space<vmem>>) semaphore(%run_scoped3A : memref<!tpu.dma_semaphore, #tpu.memory_space<semaphore_mem>>) {add = true}
        %dma_wait3A_97 = arith.constant 0 : i32
        %dma_wait3A_98 = arith.constant 0 : i32
        %dma_wait3A_99 = tpu.memref_slice %arg18[%dma_wait3A_97, %dma_wait3A_98] : memref<10000x64xf32, #tpu.memory_space<vmem_shared>> -> memref<10000x64xf32, #tpu.memory_space<vmem_shared>>
        tpu.wait_indirect_dma semaphore(%run_scoped3A : memref<!tpu.dma_semaphore, #tpu.memory_space<semaphore_mem>>) src(%arg15 : memref<512x64xf32, #tpu.memory_space<vmem>>) dst(%dma_wait3A_99 : memref<10000x64xf32, #tpu.memory_space<vmem_shared>>)
        tpu.yield
      }) : () -> ()
    }
    %scan3A_42 = arith.constant 10 : i32
    %dma_wait3A = arith.constant 0 : i32
    %dma_wait3A_43 = arith.constant 0 : i32
    %dma_wait3A_44 = tpu.memref_slice %arg5[%dma_wait3A, %dma_wait3A_43] : memref<10000x64xf32, #tpu.memory_space<hbm>> -> memref<10000x64xf32, #tpu.memory_space<hbm>>
    tpu.wait_indirect_dma semaphore(%arg19 : memref<!tpu.dma_semaphore, #tpu.memory_space<semaphore_mem>>) src(%dma_wait3A_44 : memref<10000x64xf32, #tpu.memory_space<hbm>>) dst(%arg14 : memref<512x64xf32, #tpu.memory_space<vmem>>)
    %barrier3A_45 = arith.constant 0 : index
    tpu.barrier barrier_id(%barrier3A_45)
    %scan3A_46 = arith.constant 0 : i32
    %scan3A_47 = arith.constant 0 : i32
    %scan3A_48 = arith.constant 25 : i32
    %scan3A_49 = arith.addi %scan3A_47, %scan3A_48 : i32
    %scan3A_50 = arith.constant 1 : i32
    scf.for %scan3A_52 = %scan3A_47 to %scan3A_49 step %scan3A_50  : i32 {
      %mul3A_53 = arith.constant 625 : i32
      %mul3A_54 = arith.muli %arg1, %mul3A_53 : i32
      %mul3A_55 = arith.constant 25 : i32
      %mul3A_56 = arith.muli %scan3A_52, %mul3A_55 : i32
      %add3A_57 = arith.addi %mul3A_54, %mul3A_56 : i32
      "tpu.region"() ({
        %run_scoped3A = tpu.sem_alloc : memref<!tpu.dma_semaphore, #tpu.memory_space<semaphore_mem>>
        %dma_start3A_63 = arith.constant 0 : i32
        %dma_start3A_64 = tpu.memref_slice %arg18[%add3A_57, %dma_start3A_63] : memref<10000x64xf32, #tpu.memory_space<vmem_shared>> -> memref<25x64xf32, #tpu.memory_space<vmem_shared>>
        %dma_start3A_65 = arith.constant 0 : i32
        %dma_start3A_66 = tpu.memref_slice %arg18[%add3A_57, %dma_start3A_65] : memref<10000x64xf32, #tpu.memory_space<vmem_shared>> -> memref<25x64xf32, #tpu.memory_space<vmem_shared>>
        tpu.enqueue_dma source(%dma_start3A_66 : memref<25x64xf32, #tpu.memory_space<vmem_shared>>) target(%arg16 : memref<25x64xf32, #tpu.memory_space<vmem>>) target_semaphore(%run_scoped3A : memref<!tpu.dma_semaphore, #tpu.memory_space<semaphore_mem>>)
        %dma_wait3A_67 = arith.constant 0 : i32
        %dma_wait3A_68 = tpu.memref_slice %arg18[%add3A_57, %dma_wait3A_67] : memref<10000x64xf32, #tpu.memory_space<vmem_shared>> -> memref<25x64xf32, #tpu.memory_space<vmem_shared>>
        %dma_wait3A_69 = arith.constant 0 : i32
        %dma_wait3A_70 = tpu.memref_slice %arg18[%add3A_57, %dma_wait3A_69] : memref<10000x64xf32, #tpu.memory_space<vmem_shared>> -> memref<25x64xf32, #tpu.memory_space<vmem_shared>>
        tpu.wait_dma2 semaphore(%run_scoped3A : memref<!tpu.dma_semaphore, #tpu.memory_space<semaphore_mem>>) src(%dma_wait3A_70 : memref<25x64xf32, #tpu.memory_space<vmem_shared>>) dst(%arg16 : memref<25x64xf32, #tpu.memory_space<vmem>>)
        tpu.yield
      }) : () -> ()
      %mul3A_58 = arith.constant 625 : i32
      %mul3A_59 = arith.muli %arg1, %mul3A_58 : i32
      %mul3A_60 = arith.constant 25 : i32
      %mul3A_61 = arith.muli %scan3A_52, %mul3A_60 : i32
      %add3A_62 = arith.addi %mul3A_59, %mul3A_61 : i32
      "tpu.region"() ({
        %run_scoped3A = tpu.sem_alloc : memref<!tpu.dma_semaphore, #tpu.memory_space<semaphore_mem>>
        %dma_start3A_63 = arith.constant 0 : i32
        %dma_start3A_64 = tpu.memref_slice %arg7[%arg0, %add3A_62, %dma_start3A_63] : memref<2x10000x64xf32, #tpu.memory_space<hbm>> -> memref<1x25x64xf32, #tpu.memory_space<hbm>>
        %dma_start3A_65 = tpu.memref_squeeze %dma_start3A_64 : memref<1x25x64xf32, #tpu.memory_space<hbm>> -> memref<25x64xf32, #tpu.memory_space<hbm>>
        %dma_start3A_66 = arith.constant 0 : i32
        %dma_start3A_67 = tpu.memref_slice %arg7[%arg0, %add3A_62, %dma_start3A_66] : memref<2x10000x64xf32, #tpu.memory_space<hbm>> -> memref<1x25x64xf32, #tpu.memory_space<hbm>>
        %dma_start3A_68 = tpu.memref_squeeze %dma_start3A_67 : memref<1x25x64xf32, #tpu.memory_space<hbm>> -> memref<25x64xf32, #tpu.memory_space<hbm>>
        tpu.enqueue_dma source(%arg16 : memref<25x64xf32, #tpu.memory_space<vmem>>) target(%dma_start3A_68 : memref<25x64xf32, #tpu.memory_space<hbm>>) target_semaphore(%run_scoped3A : memref<!tpu.dma_semaphore, #tpu.memory_space<semaphore_mem>>)
        %dma_wait3A_69 = arith.constant 0 : i32
        %dma_wait3A_70 = tpu.memref_slice %arg7[%arg0, %add3A_62, %dma_wait3A_69] : memref<2x10000x64xf32, #tpu.memory_space<hbm>> -> memref<1x25x64xf32, #tpu.memory_space<hbm>>
        %dma_wait3A_71 = tpu.memref_squeeze %dma_wait3A_70 : memref<1x25x64xf32, #tpu.memory_space<hbm>> -> memref<25x64xf32, #tpu.memory_space<hbm>>
        %dma_wait3A_72 = arith.constant 0 : i32
        %dma_wait3A_73 = tpu.memref_slice %arg7[%arg0, %add3A_62, %dma_wait3A_72] : memref<2x10000x64xf32, #tpu.memory_space<hbm>> -> memref<1x25x64xf32, #tpu.memory_space<hbm>>
        %dma_wait3A_74 = tpu.memref_squeeze %dma_wait3A_73 : memref<1x25x64xf32, #tpu.memory_space<hbm>> -> memref<25x64xf32, #tpu.memory_space<hbm>>
        tpu.wait_dma2 semaphore(%run_scoped3A : memref<!tpu.dma_semaphore, #tpu.memory_space<semaphore_mem>>) src(%arg16 : memref<25x64xf32, #tpu.memory_space<vmem>>) dst(%dma_wait3A_74 : memref<25x64xf32, #tpu.memory_space<hbm>>)
        tpu.yield
      }) : () -> ()
    }
    %scan3A_51 = arith.constant 25 : i32
    return
  }
}

#map = affine_map<(d0, d1) -> (0)>
#map1 = affine_map<(d0, d1) -> (0, 0)>
#map2 = affine_map<(d0, d1) -> (0, 0, 0)>
module attributes {stable_mosaic.version = 14 : i64} {
  func.func @k(%arg0: i32, %arg1: i32, %arg2: memref<327680xi32, #tpu.memory_space<hbm>>, %arg3: memref<327680xi32, #tpu.memory_space<hbm>>, %arg4: memref<327680x16xf32, #tpu.memory_space<hbm>>, %arg5: memref<10000x64xf32, #tpu.memory_space<hbm>>, %arg6: memref<4x16xi32, #tpu.memory_space<hbm>>, %arg7: memref<2x10000x64xf32, #tpu.memory_space<hbm>>, %arg8: memref<512xi32, #tpu.memory_space<vmem>>, %arg9: memref<512xi32, #tpu.memory_space<vmem>>, %arg10: memref<512xi32, #tpu.memory_space<vmem>>, %arg11: memref<512xi32, #tpu.memory_space<vmem>>, %arg12: memref<512x16xf32, #tpu.memory_space<vmem>>, %arg13: memref<512x16xf32, #tpu.memory_space<vmem>>, %arg14: memref<512x64xf32, #tpu.memory_space<vmem>>, %arg15: memref<512x64xf32, #tpu.memory_space<vmem>>, %arg16: memref<25x64xf32, #tpu.memory_space<vmem>>, %arg17: memref<4x16xi32, #tpu.memory_space<vmem>>, %arg18: memref<10000x64xf32, #tpu.memory_space<vmem_shared>>, %arg19: memref<!tpu.dma_semaphore, #tpu.memory_space<semaphore_mem>>, %arg20: memref<!tpu.dma_semaphore, #tpu.memory_space<semaphore_mem>>) attributes {dimension_semantics = [#tpu.dimension_semantics<core_parallel>, #tpu.dimension_semantics<subcore_parallel>], iteration_bounds = array<i64: 2, 16>, scalar_prefetch = 0 : i64, scratch_operands = 13 : i64, tpu.core_type = #tpu.core_type<sc_vector_subcore>, window_params = [{transform_indices = #map}, {transform_indices = #map}, {transform_indices = #map1}, {transform_indices = #map1}, {transform_indices = #map1}, {transform_indices = #map2}]} {
    %mul3A = arith.constant 2 : i32
    %mul3A_0 = arith.muli %arg1, %mul3A : i32
    %add3A = arith.addi %mul3A_0, %arg0 : i32
    %scan3A = arith.constant 0 : i32
    %scan3A_1 = arith.constant 0 : i32
    %scan3A_2 = arith.constant 25 : i32
    %scan3A_3 = arith.addi %scan3A_1, %scan3A_2 : i32
    %scan3A_4 = arith.constant 1 : i32
    scf.for %scan3A_52 = %scan3A_1 to %scan3A_3 step %scan3A_4  : i32 {
      %broadcast_in_dim3A = arith.constant 0.000000e+00 : f32
      %broadcast_in_dim3A_53 = vector.broadcast %broadcast_in_dim3A : f32 to vector<16xf32>
      %swap3A = arith.index_cast %scan3A_52 : i32 to index
      %swap3A_54 = arith.constant 0 : index
      %swap3A_55 = tpu.vector_load %arg16[%swap3A, %swap3A_54] {strides = array<i32>} : memref<25x64xf32, #tpu.memory_space<vmem>>, vector<1x16xf32>,
      %swap3A_56 = vector.shape_cast %swap3A_55 : vector<1x16xf32> to vector<16xf32>
      %swap3A_57 = vector.shape_cast %broadcast_in_dim3A_53 : vector<16xf32> to vector<1x16xf32>
      tpu.vector_store %arg16[%swap3A, %swap3A_54], %swap3A_57 {strides = array<i32>} : memref<25x64xf32, #tpu.memory_space<vmem>>, vector<1x16xf32>,
      %broadcast_in_dim3A_58 = arith.constant 0.000000e+00 : f32
      %broadcast_in_dim3A_59 = vector.broadcast %broadcast_in_dim3A_58 : f32 to vector<16xf32>
      %swap3A_60 = arith.index_cast %scan3A_52 : i32 to index
      %swap3A_61 = arith.constant 16 : index
      %swap3A_62 = tpu.vector_load %arg16[%swap3A_60, %swap3A_61] {strides = array<i32>} : memref<25x64xf32, #tpu.memory_space<vmem>>, vector<1x16xf32>,
      %swap3A_63 = vector.shape_cast %swap3A_62 : vector<1x16xf32> to vector<16xf32>
      %swap3A_64 = vector.shape_cast %broadcast_in_dim3A_59 : vector<16xf32> to vector<1x16xf32>
      tpu.vector_store %arg16[%swap3A_60, %swap3A_61], %swap3A_64 {strides = array<i32>} : memref<25x64xf32, #tpu.memory_space<vmem>>, vector<1x16xf32>,
      %broadcast_in_dim3A_65 = arith.constant 0.000000e+00 : f32
      %broadcast_in_dim3A_66 = vector.broadcast %broadcast_in_dim3A_65 : f32 to vector<16xf32>
      %swap3A_67 = arith.index_cast %scan3A_52 : i32 to index
      %swap3A_68 = arith.constant 32 : index
      %swap3A_69 = tpu.vector_load %arg16[%swap3A_67, %swap3A_68] {strides = array<i32>} : memref<25x64xf32, #tpu.memory_space<vmem>>, vector<1x16xf32>,
      %swap3A_70 = vector.shape_cast %swap3A_69 : vector<1x16xf32> to vector<16xf32>
      %swap3A_71 = vector.shape_cast %broadcast_in_dim3A_66 : vector<16xf32> to vector<1x16xf32>
      tpu.vector_store %arg16[%swap3A_67, %swap3A_68], %swap3A_71 {strides = array<i32>} : memref<25x64xf32, #tpu.memory_space<vmem>>, vector<1x16xf32>,
      %broadcast_in_dim3A_72 = arith.constant 0.000000e+00 : f32
      %broadcast_in_dim3A_73 = vector.broadcast %broadcast_in_dim3A_72 : f32 to vector<16xf32>
      %swap3A_74 = arith.index_cast %scan3A_52 : i32 to index
      %swap3A_75 = arith.constant 48 : index
      %swap3A_76 = tpu.vector_load %arg16[%swap3A_74, %swap3A_75] {strides = array<i32>} : memref<25x64xf32, #tpu.memory_space<vmem>>, vector<1x16xf32>,
      %swap3A_77 = vector.shape_cast %swap3A_76 : vector<1x16xf32> to vector<16xf32>
      %swap3A_78 = vector.shape_cast %broadcast_in_dim3A_73 : vector<16xf32> to vector<1x16xf32>
      tpu.vector_store %arg16[%swap3A_74, %swap3A_75], %swap3A_78 {strides = array<i32>} : memref<25x64xf32, #tpu.memory_space<vmem>>, vector<1x16xf32>,
    }
    %scan3A_5 = arith.constant 25 : i32
    %scan3A_6 = arith.constant 0 : i32
    %scan3A_7 = arith.constant 0 : i32
    %scan3A_8 = arith.constant 25 : i32
    %scan3A_9 = arith.addi %scan3A_7, %scan3A_8 : i32
    %scan3A_10 = arith.constant 1 : i32
    scf.for %scan3A_52 = %scan3A_7 to %scan3A_9 step %scan3A_10  : i32 {
      %mul3A_53 = arith.constant 625 : i32
      %mul3A_54 = arith.muli %arg1, %mul3A_53 : i32
      %mul3A_55 = arith.constant 25 : i32
      %mul3A_56 = arith.muli %scan3A_52, %mul3A_55 : i32
      %add3A_57 = arith.addi %mul3A_54, %mul3A_56 : i32
      "tpu.region"() ({
        %run_scoped3A = tpu.sem_alloc : memref<!tpu.dma_semaphore, #tpu.memory_space<semaphore_mem>>
        %dma_start3A_58 = arith.constant 0 : i32
        %dma_start3A_59 = tpu.memref_slice %arg18[%add3A_57, %dma_start3A_58] : memref<10000x64xf32, #tpu.memory_space<vmem_shared>> -> memref<25x64xf32, #tpu.memory_space<vmem_shared>>
        %dma_start3A_60 = arith.constant 0 : i32
        %dma_start3A_61 = tpu.memref_slice %arg18[%add3A_57, %dma_start3A_60] : memref<10000x64xf32, #tpu.memory_space<vmem_shared>> -> memref<25x64xf32, #tpu.memory_space<vmem_shared>>
        tpu.enqueue_dma source(%arg16 : memref<25x64xf32, #tpu.memory_space<vmem>>) target(%dma_start3A_61 : memref<25x64xf32, #tpu.memory_space<vmem_shared>>) target_semaphore(%run_scoped3A : memref<!tpu.dma_semaphore, #tpu.memory_space<semaphore_mem>>)
        %dma_wait3A_62 = arith.constant 0 : i32
        %dma_wait3A_63 = tpu.memref_slice %arg18[%add3A_57, %dma_wait3A_62] : memref<10000x64xf32, #tpu.memory_space<vmem_shared>> -> memref<25x64xf32, #tpu.memory_space<vmem_shared>>
        %dma_wait3A_64 = arith.constant 0 : i32
        %dma_wait3A_65 = tpu.memref_slice %arg18[%add3A_57, %dma_wait3A_64] : memref<10000x64xf32, #tpu.memory_space<vmem_shared>> -> memref<25x64xf32, #tpu.memory_space<vmem_shared>>
        tpu.wait_dma2 semaphore(%run_scoped3A : memref<!tpu.dma_semaphore, #tpu.memory_space<semaphore_mem>>) src(%arg16 : memref<25x64xf32, #tpu.memory_space<vmem>>) dst(%dma_wait3A_65 : memref<25x64xf32, #tpu.memory_space<vmem_shared>>)
        tpu.yield
      }) : () -> ()
    }
    %scan3A_11 = arith.constant 25 : i32
    %barrier3A = arith.constant 0 : index
    tpu.barrier barrier_id(%barrier3A)
    "tpu.region"() ({
      %run_scoped3A = tpu.sem_alloc : memref<!tpu.dma_semaphore, #tpu.memory_space<semaphore_mem>>
      tpu.enqueue_dma source(%arg6 : memref<4x16xi32, #tpu.memory_space<hbm>>) target(%arg17 : memref<4x16xi32, #tpu.memory_space<vmem>>) target_semaphore(%run_scoped3A : memref<!tpu.dma_semaphore, #tpu.memory_space<semaphore_mem>>)
      tpu.wait_dma2 semaphore(%run_scoped3A : memref<!tpu.dma_semaphore, #tpu.memory_space<semaphore_mem>>) src(%arg6 : memref<4x16xi32, #tpu.memory_space<hbm>>) dst(%arg17 : memref<4x16xi32, #tpu.memory_space<vmem>>)
      tpu.yield
    }) : () -> ()
    %get3A = arith.constant 0 : i32
    %get3A_12 = arith.index_cast %get3A : i32 to index
    %get3A_13 = arith.constant 0 : index
    %get3A_14 = tpu.vector_load %arg17[%get3A_12, %get3A_13] {strides = array<i32>} : memref<4x16xi32, #tpu.memory_space<vmem>>, vector<1x16xi32>,
    %get3A_15 = vector.shape_cast %get3A_14 : vector<1x16xi32> to vector<16xi32>
    %get3A_16 = arith.constant 1 : i32
    %get3A_17 = arith.index_cast %get3A_16 : i32 to index
    %get3A_18 = arith.constant 0 : index
    %get3A_19 = tpu.vector_load %arg17[%get3A_17, %get3A_18] {strides = array<i32>} : memref<4x16xi32, #tpu.memory_space<vmem>>, vector<1x16xi32>,
    %get3A_20 = vector.shape_cast %get3A_19 : vector<1x16xi32> to vector<16xi32>
    %get3A_21 = arith.constant 2 : i32
    %get3A_22 = arith.index_cast %get3A_21 : i32 to index
    %get3A_23 = arith.constant 0 : index
    %get3A_24 = tpu.vector_load %arg17[%get3A_22, %get3A_23] {strides = array<i32>} : memref<4x16xi32, #tpu.memory_space<vmem>>, vector<1x16xi32>,
    %get3A_25 = vector.shape_cast %get3A_24 : vector<1x16xi32> to vector<16xi32>
    %get3A_26 = arith.constant 3 : i32
    %get3A_27 = arith.index_cast %get3A_26 : i32 to index
    %get3A_28 = arith.constant 0 : index
    %get3A_29 = tpu.vector_load %arg17[%get3A_27, %get3A_28] {strides = array<i32>} : memref<4x16xi32, #tpu.memory_space<vmem>>, vector<1x16xi32>,
    %get3A_30 = vector.shape_cast %get3A_29 : vector<1x16xi32> to vector<16xi32>
    %mul3A_31 = arith.constant 10240 : i32
    %mul3A_32 = arith.muli %add3A, %mul3A_31 : i32
    %add3A_33 = arith.constant 0 : i32
    %add3A_34 = arith.addi %mul3A_32, %add3A_33 : i32
    %multiple_of3A = tpu.assume_multiple %add3A_34, 8 : i32
    "tpu.region"() ({
      %run_scoped3A = tpu.sem_alloc : memref<!tpu.dma_semaphore, #tpu.memory_space<semaphore_mem>>
      %dma_start3A_52 = tpu.memref_slice %arg2[%multiple_of3A] : memref<327680xi32, #tpu.memory_space<hbm>> -> memref<512xi32, #tpu.memory_space<hbm>>
      %dma_start3A_53 = tpu.memref_slice %arg2[%multiple_of3A] : memref<327680xi32, #tpu.memory_space<hbm>> -> memref<512xi32, #tpu.memory_space<hbm>>
      tpu.enqueue_dma source(%dma_start3A_53 : memref<512xi32, #tpu.memory_space<hbm>>) target(%arg8 : memref<512xi32, #tpu.memory_space<vmem>>) target_semaphore(%run_scoped3A : memref<!tpu.dma_semaphore, #tpu.memory_space<semaphore_mem>>)
      %dma_wait3A_54 = tpu.memref_slice %arg2[%multiple_of3A] : memref<327680xi32, #tpu.memory_space<hbm>> -> memref<512xi32, #tpu.memory_space<hbm>>
      %dma_wait3A_55 = tpu.memref_slice %arg2[%multiple_of3A] : memref<327680xi32, #tpu.memory_space<hbm>> -> memref<512xi32, #tpu.memory_space<hbm>>
      tpu.wait_dma2 semaphore(%run_scoped3A : memref<!tpu.dma_semaphore, #tpu.memory_space<semaphore_mem>>) src(%dma_wait3A_55 : memref<512xi32, #tpu.memory_space<hbm>>) dst(%arg8 : memref<512xi32, #tpu.memory_space<vmem>>)
      tpu.yield
    }) : () -> ()
    "tpu.region"() ({
      %run_scoped3A = tpu.sem_alloc : memref<!tpu.dma_semaphore, #tpu.memory_space<semaphore_mem>>
      %dma_start3A_52 = tpu.memref_slice %arg3[%multiple_of3A] : memref<327680xi32, #tpu.memory_space<hbm>> -> memref<512xi32, #tpu.memory_space<hbm>>
      %dma_start3A_53 = tpu.memref_slice %arg3[%multiple_of3A] : memref<327680xi32, #tpu.memory_space<hbm>> -> memref<512xi32, #tpu.memory_space<hbm>>
      tpu.enqueue_dma source(%dma_start3A_53 : memref<512xi32, #tpu.memory_space<hbm>>) target(%arg9 : memref<512xi32, #tpu.memory_space<vmem>>) target_semaphore(%run_scoped3A : memref<!tpu.dma_semaphore, #tpu.memory_space<semaphore_mem>>)
      %dma_wait3A_54 = tpu.memref_slice %arg3[%multiple_of3A] : memref<327680xi32, #tpu.memory_space<hbm>> -> memref<512xi32, #tpu.memory_space<hbm>>
      %dma_wait3A_55 = tpu.memref_slice %arg3[%multiple_of3A] : memref<327680xi32, #tpu.memory_space<hbm>> -> memref<512xi32, #tpu.memory_space<hbm>>
      tpu.wait_dma2 semaphore(%run_scoped3A : memref<!tpu.dma_semaphore, #tpu.memory_space<semaphore_mem>>) src(%dma_wait3A_55 : memref<512xi32, #tpu.memory_space<hbm>>) dst(%arg9 : memref<512xi32, #tpu.memory_space<vmem>>)
      tpu.yield
    }) : () -> ()
    "tpu.region"() ({
      %run_scoped3A = tpu.sem_alloc : memref<!tpu.dma_semaphore, #tpu.memory_space<semaphore_mem>>
      %dma_start3A_52 = arith.constant 0 : i32
      %dma_start3A_53 = tpu.memref_slice %arg4[%multiple_of3A, %dma_start3A_52] : memref<327680x16xf32, #tpu.memory_space<hbm>> -> memref<512x16xf32, #tpu.memory_space<hbm>>
      %dma_start3A_54 = arith.constant 0 : i32
      %dma_start3A_55 = tpu.memref_slice %arg4[%multiple_of3A, %dma_start3A_54] : memref<327680x16xf32, #tpu.memory_space<hbm>> -> memref<512x16xf32, #tpu.memory_space<hbm>>
      tpu.enqueue_dma source(%dma_start3A_55 : memref<512x16xf32, #tpu.memory_space<hbm>>) target(%arg12 : memref<512x16xf32, #tpu.memory_space<vmem>>) target_semaphore(%run_scoped3A : memref<!tpu.dma_semaphore, #tpu.memory_space<semaphore_mem>>)
      %dma_wait3A_56 = arith.constant 0 : i32
      %dma_wait3A_57 = tpu.memref_slice %arg4[%multiple_of3A, %dma_wait3A_56] : memref<327680x16xf32, #tpu.memory_space<hbm>> -> memref<512x16xf32, #tpu.memory_space<hbm>>
      %dma_wait3A_58 = arith.constant 0 : i32
      %dma_wait3A_59 = tpu.memref_slice %arg4[%multiple_of3A, %dma_wait3A_58] : memref<327680x16xf32, #tpu.memory_space<hbm>> -> memref<512x16xf32, #tpu.memory_space<hbm>>
      tpu.wait_dma2 semaphore(%run_scoped3A : memref<!tpu.dma_semaphore, #tpu.memory_space<semaphore_mem>>) src(%dma_wait3A_59 : memref<512x16xf32, #tpu.memory_space<hbm>>) dst(%arg12 : memref<512x16xf32, #tpu.memory_space<vmem>>)
      tpu.yield
    }) : () -> ()
    %dma_start3A = arith.constant 0 : i32
    %dma_start3A_35 = arith.constant 0 : i32
    %dma_start3A_36 = tpu.memref_slice %arg5[%dma_start3A, %dma_start3A_35] : memref<10000x64xf32, #tpu.memory_space<hbm>> -> memref<10000x64xf32, #tpu.memory_space<hbm>>
    tpu.enqueue_indirect_dma source(%dma_start3A_36 : memref<10000x64xf32, #tpu.memory_space<hbm>>) target(%arg14 : memref<512x64xf32, #tpu.memory_space<vmem>>) offsets(%arg8 : memref<512xi32, #tpu.memory_space<vmem>>) semaphore(%arg19 : memref<!tpu.dma_semaphore, #tpu.memory_space<semaphore_mem>>)
    %scan3A_37 = arith.constant 0 : i32
    %scan3A_38 = arith.constant 0 : i32
    %scan3A_39 = arith.constant 10 : i32
    %scan3A_40 = arith.addi %scan3A_38, %scan3A_39 : i32
    %scan3A_41 = arith.constant 1 : i32
    scf.for %scan3A_52 = %scan3A_38 to %scan3A_40 step %scan3A_41  : i32 {
      %mul3A_53 = arith.constant 2 : i32
      %mul3A_54 = arith.muli %mul3A_53, %scan3A_52 : i32
      %add3A_55 = arith.constant 1 : i32
      %add3A_56 = arith.addi %mul3A_54, %add3A_55 : i32
      %mul3A_57 = arith.constant 512 : i32
      %mul3A_58 = arith.muli %add3A_56, %mul3A_57 : i32
      %add3A_59 = arith.addi %mul3A_32, %mul3A_58 : i32
      %multiple_of3A_60 = tpu.assume_multiple %add3A_59, 8 : i32
      "tpu.region"() ({
        %run_scoped3A = tpu.sem_alloc : memref<!tpu.dma_semaphore, #tpu.memory_space<semaphore_mem>>
        %dma_start3A_94 = tpu.memref_slice %arg2[%multiple_of3A_60] : memref<327680xi32, #tpu.memory_space<hbm>> -> memref<512xi32, #tpu.memory_space<hbm>>
        %dma_start3A_95 = tpu.memref_slice %arg2[%multiple_of3A_60] : memref<327680xi32, #tpu.memory_space<hbm>> -> memref<512xi32, #tpu.memory_space<hbm>>
        tpu.enqueue_dma source(%dma_start3A_95 : memref<512xi32, #tpu.memory_space<hbm>>) target(%arg10 : memref<512xi32, #tpu.memory_space<vmem>>) target_semaphore(%run_scoped3A : memref<!tpu.dma_semaphore, #tpu.memory_space<semaphore_mem>>)
        %dma_wait3A_96 = tpu.memref_slice %arg2[%multiple_of3A_60] : memref<327680xi32, #tpu.memory_space<hbm>> -> memref<512xi32, #tpu.memory_space<hbm>>
        %dma_wait3A_97 = tpu.memref_slice %arg2[%multiple_of3A_60] : memref<327680xi32, #tpu.memory_space<hbm>> -> memref<512xi32, #tpu.memory_space<hbm>>
        tpu.wait_dma2 semaphore(%run_scoped3A : memref<!tpu.dma_semaphore, #tpu.memory_space<semaphore_mem>>) src(%dma_wait3A_97 : memref<512xi32, #tpu.memory_space<hbm>>) dst(%arg10 : memref<512xi32, #tpu.memory_space<vmem>>)
        tpu.yield
      }) : () -> ()
      "tpu.region"() ({
        %run_scoped3A = tpu.sem_alloc : memref<!tpu.dma_semaphore, #tpu.memory_space<semaphore_mem>>
        %dma_start3A_94 = tpu.memref_slice %arg3[%multiple_of3A_60] : memref<327680xi32, #tpu.memory_space<hbm>> -> memref<512xi32, #tpu.memory_space<hbm>>
        %dma_start3A_95 = tpu.memref_slice %arg3[%multiple_of3A_60] : memref<327680xi32, #tpu.memory_space<hbm>> -> memref<512xi32, #tpu.memory_space<hbm>>
        tpu.enqueue_dma source(%dma_start3A_95 : memref<512xi32, #tpu.memory_space<hbm>>) target(%arg11 : memref<512xi32, #tpu.memory_space<vmem>>) target_semaphore(%run_scoped3A : memref<!tpu.dma_semaphore, #tpu.memory_space<semaphore_mem>>)
        %dma_wait3A_96 = tpu.memref_slice %arg3[%multiple_of3A_60] : memref<327680xi32, #tpu.memory_space<hbm>> -> memref<512xi32, #tpu.memory_space<hbm>>
        %dma_wait3A_97 = tpu.memref_slice %arg3[%multiple_of3A_60] : memref<327680xi32, #tpu.memory_space<hbm>> -> memref<512xi32, #tpu.memory_space<hbm>>
        tpu.wait_dma2 semaphore(%run_scoped3A : memref<!tpu.dma_semaphore, #tpu.memory_space<semaphore_mem>>) src(%dma_wait3A_97 : memref<512xi32, #tpu.memory_space<hbm>>) dst(%arg11 : memref<512xi32, #tpu.memory_space<vmem>>)
        tpu.yield
      }) : () -> ()
      "tpu.region"() ({
        %run_scoped3A = tpu.sem_alloc : memref<!tpu.dma_semaphore, #tpu.memory_space<semaphore_mem>>
        %dma_start3A_94 = arith.constant 0 : i32
        %dma_start3A_95 = tpu.memref_slice %arg4[%multiple_of3A_60, %dma_start3A_94] : memref<327680x16xf32, #tpu.memory_space<hbm>> -> memref<512x16xf32, #tpu.memory_space<hbm>>
        %dma_start3A_96 = arith.constant 0 : i32
        %dma_start3A_97 = tpu.memref_slice %arg4[%multiple_of3A_60, %dma_start3A_96] : memref<327680x16xf32, #tpu.memory_space<hbm>> -> memref<512x16xf32, #tpu.memory_space<hbm>>
        tpu.enqueue_dma source(%dma_start3A_97 : memref<512x16xf32, #tpu.memory_space<hbm>>) target(%arg13 : memref<512x16xf32, #tpu.memory_space<vmem>>) target_semaphore(%run_scoped3A : memref<!tpu.dma_semaphore, #tpu.memory_space<semaphore_mem>>)
        %dma_wait3A_98 = arith.constant 0 : i32
        %dma_wait3A_99 = tpu.memref_slice %arg4[%multiple_of3A_60, %dma_wait3A_98] : memref<327680x16xf32, #tpu.memory_space<hbm>> -> memref<512x16xf32, #tpu.memory_space<hbm>>
        %dma_wait3A_100 = arith.constant 0 : i32
        %dma_wait3A_101 = tpu.memref_slice %arg4[%multiple_of3A_60, %dma_wait3A_100] : memref<327680x16xf32, #tpu.memory_space<hbm>> -> memref<512x16xf32, #tpu.memory_space<hbm>>
        tpu.wait_dma2 semaphore(%run_scoped3A : memref<!tpu.dma_semaphore, #tpu.memory_space<semaphore_mem>>) src(%dma_wait3A_101 : memref<512x16xf32, #tpu.memory_space<hbm>>) dst(%arg13 : memref<512x16xf32, #tpu.memory_space<vmem>>)
        tpu.yield
      }) : () -> ()
      %dma_start3A_61 = arith.constant 0 : i32
      %dma_start3A_62 = arith.constant 0 : i32
      %dma_start3A_63 = tpu.memref_slice %arg5[%dma_start3A_61, %dma_start3A_62] : memref<10000x64xf32, #tpu.memory_space<hbm>> -> memref<10000x64xf32, #tpu.memory_space<hbm>>
      tpu.enqueue_indirect_dma source(%dma_start3A_63 : memref<10000x64xf32, #tpu.memory_space<hbm>>) target(%arg15 : memref<512x64xf32, #tpu.memory_space<vmem>>) offsets(%arg10 : memref<512xi32, #tpu.memory_space<vmem>>) semaphore(%arg20 : memref<!tpu.dma_semaphore, #tpu.memory_space<semaphore_mem>>)
      %dma_wait3A_64 = arith.constant 0 : i32
      %dma_wait3A_65 = arith.constant 0 : i32
      %dma_wait3A_66 = tpu.memref_slice %arg5[%dma_wait3A_64, %dma_wait3A_65] : memref<10000x64xf32, #tpu.memory_space<hbm>> -> memref<10000x64xf32, #tpu.memory_space<hbm>>
      tpu.wait_indirect_dma semaphore(%arg19 : memref<!tpu.dma_semaphore, #tpu.memory_space<semaphore_mem>>) src(%dma_wait3A_66 : memref<10000x64xf32, #tpu.memory_space<hbm>>) dst(%arg14 : memref<512x64xf32, #tpu.memory_space<vmem>>)
      %scan3A_67 = arith.constant 0 : i32
      %scan3A_68 = arith.constant 0 : i32
      %scan3A_69 = arith.constant 512 : i32
      %scan3A_70 = arith.addi %scan3A_68, %scan3A_69 : i32
      %scan3A_71 = arith.constant 1 : i32
      scf.for %scan3A_94 = %scan3A_68 to %scan3A_70 step %scan3A_71  : i32 {
        %get3A_95 = arith.index_cast %scan3A_94 : i32 to index
        %get3A_96 = arith.constant 0 : index
        %get3A_97 = tpu.vector_load %arg12[%get3A_95, %get3A_96] {strides = array<i32>} : memref<512x16xf32, #tpu.memory_space<vmem>>, vector<1x16xf32>,
        %get3A_98 = vector.shape_cast %get3A_97 : vector<1x16xf32> to vector<16xf32>
        %lt3A = arith.constant 0 : i32
        %lt3A_99 = vector.broadcast %lt3A : i32 to vector<16xi32>
        %lt3A_100 = arith.cmpi slt, %get3A_15, %lt3A_99 : vector<16xi32>
        %add3A_101 = arith.constant 16 : i32
        %add3A_102 = vector.broadcast %add3A_101 : i32 to vector<16xi32>
        %add3A_103 = arith.addi %get3A_15, %add3A_102 : vector<16xi32>
        %select_n3A = arith.select %lt3A_100, %add3A_103, %get3A_15 : vector<16xi1>, vector<16xi32>
        %broadcast_in_dim3A = vector.shape_cast %select_n3A : vector<16xi32> to vector<16x1xi32>
        %gather3A = vector.shape_cast %broadcast_in_dim3A : vector<16x1xi32> to vector<16xi32>
        %gather3A_104 = tpu.dynamic_gather %get3A_98[%gather3A] in [0] : vector<16xf32>, vector<16xi32> -> vector<16xf32>
        %get3A_105 = arith.index_cast %scan3A_94 : i32 to index
        %get3A_106 = arith.constant 0 : index
        %get3A_107 = tpu.vector_load %arg14[%get3A_105, %get3A_106] {strides = array<i32>} : memref<512x64xf32, #tpu.memory_space<vmem>>, vector<1x16xf32>,
        %get3A_108 = vector.shape_cast %get3A_107 : vector<1x16xf32> to vector<16xf32>
        %mul3A_109 = arith.mulf %get3A_108, %gather3A_104 : vector<16xf32>
        %swap3A = arith.index_cast %scan3A_94 : i32 to index
        %swap3A_110 = arith.constant 0 : index
        %swap3A_111 = tpu.vector_load %arg14[%swap3A, %swap3A_110] {strides = array<i32>} : memref<512x64xf32, #tpu.memory_space<vmem>>, vector<1x16xf32>,
        %swap3A_112 = vector.shape_cast %swap3A_111 : vector<1x16xf32> to vector<16xf32>
        %swap3A_113 = vector.shape_cast %mul3A_109 : vector<16xf32> to vector<1x16xf32>
        tpu.vector_store %arg14[%swap3A, %swap3A_110], %swap3A_113 {strides = array<i32>} : memref<512x64xf32, #tpu.memory_space<vmem>>, vector<1x16xf32>,
        %lt3A_114 = arith.constant 0 : i32
        %lt3A_115 = vector.broadcast %lt3A_114 : i32 to vector<16xi32>
        %lt3A_116 = arith.cmpi slt, %get3A_20, %lt3A_115 : vector<16xi32>
        %add3A_117 = arith.constant 16 : i32
        %add3A_118 = vector.broadcast %add3A_117 : i32 to vector<16xi32>
        %add3A_119 = arith.addi %get3A_20, %add3A_118 : vector<16xi32>
        %select_n3A_120 = arith.select %lt3A_116, %add3A_119, %get3A_20 : vector<16xi1>, vector<16xi32>
        %broadcast_in_dim3A_121 = vector.shape_cast %select_n3A_120 : vector<16xi32> to vector<16x1xi32>
        %gather3A_122 = vector.shape_cast %broadcast_in_dim3A_121 : vector<16x1xi32> to vector<16xi32>
        %gather3A_123 = tpu.dynamic_gather %get3A_98[%gather3A_122] in [0] : vector<16xf32>, vector<16xi32> -> vector<16xf32>
        %get3A_124 = arith.index_cast %scan3A_94 : i32 to index
        %get3A_125 = arith.constant 16 : index
        %get3A_126 = tpu.vector_load %arg14[%get3A_124, %get3A_125] {strides = array<i32>} : memref<512x64xf32, #tpu.memory_space<vmem>>, vector<1x16xf32>,
        %get3A_127 = vector.shape_cast %get3A_126 : vector<1x16xf32> to vector<16xf32>
        %mul3A_128 = arith.mulf %get3A_127, %gather3A_123 : vector<16xf32>
        %swap3A_129 = arith.index_cast %scan3A_94 : i32 to index
        %swap3A_130 = arith.constant 16 : index
        %swap3A_131 = tpu.vector_load %arg14[%swap3A_129, %swap3A_130] {strides = array<i32>} : memref<512x64xf32, #tpu.memory_space<vmem>>, vector<1x16xf32>,
        %swap3A_132 = vector.shape_cast %swap3A_131 : vector<1x16xf32> to vector<16xf32>
        %swap3A_133 = vector.shape_cast %mul3A_128 : vector<16xf32> to vector<1x16xf32>
        tpu.vector_store %arg14[%swap3A_129, %swap3A_130], %swap3A_133 {strides = array<i32>} : memref<512x64xf32, #tpu.memory_space<vmem>>, vector<1x16xf32>,
        %lt3A_134 = arith.constant 0 : i32
        %lt3A_135 = vector.broadcast %lt3A_134 : i32 to vector<16xi32>
        %lt3A_136 = arith.cmpi slt, %get3A_25, %lt3A_135 : vector<16xi32>
        %add3A_137 = arith.constant 16 : i32
        %add3A_138 = vector.broadcast %add3A_137 : i32 to vector<16xi32>
        %add3A_139 = arith.addi %get3A_25, %add3A_138 : vector<16xi32>
        %select_n3A_140 = arith.select %lt3A_136, %add3A_139, %get3A_25 : vector<16xi1>, vector<16xi32>
        %broadcast_in_dim3A_141 = vector.shape_cast %select_n3A_140 : vector<16xi32> to vector<16x1xi32>
        %gather3A_142 = vector.shape_cast %broadcast_in_dim3A_141 : vector<16x1xi32> to vector<16xi32>
        %gather3A_143 = tpu.dynamic_gather %get3A_98[%gather3A_142] in [0] : vector<16xf32>, vector<16xi32> -> vector<16xf32>
        %get3A_144 = arith.index_cast %scan3A_94 : i32 to index
        %get3A_145 = arith.constant 32 : index
        %get3A_146 = tpu.vector_load %arg14[%get3A_144, %get3A_145] {strides = array<i32>} : memref<512x64xf32, #tpu.memory_space<vmem>>, vector<1x16xf32>,
        %get3A_147 = vector.shape_cast %get3A_146 : vector<1x16xf32> to vector<16xf32>
        %mul3A_148 = arith.mulf %get3A_147, %gather3A_143 : vector<16xf32>
        %swap3A_149 = arith.index_cast %scan3A_94 : i32 to index
        %swap3A_150 = arith.constant 32 : index
        %swap3A_151 = tpu.vector_load %arg14[%swap3A_149, %swap3A_150] {strides = array<i32>} : memref<512x64xf32, #tpu.memory_space<vmem>>, vector<1x16xf32>,
        %swap3A_152 = vector.shape_cast %swap3A_151 : vector<1x16xf32> to vector<16xf32>
        %swap3A_153 = vector.shape_cast %mul3A_148 : vector<16xf32> to vector<1x16xf32>
        tpu.vector_store %arg14[%swap3A_149, %swap3A_150], %swap3A_153 {strides = array<i32>} : memref<512x64xf32, #tpu.memory_space<vmem>>, vector<1x16xf32>,
        %lt3A_154 = arith.constant 0 : i32
        %lt3A_155 = vector.broadcast %lt3A_154 : i32 to vector<16xi32>
        %lt3A_156 = arith.cmpi slt, %get3A_30, %lt3A_155 : vector<16xi32>
        %add3A_157 = arith.constant 16 : i32
        %add3A_158 = vector.broadcast %add3A_157 : i32 to vector<16xi32>
        %add3A_159 = arith.addi %get3A_30, %add3A_158 : vector<16xi32>
        %select_n3A_160 = arith.select %lt3A_156, %add3A_159, %get3A_30 : vector<16xi1>, vector<16xi32>
        %broadcast_in_dim3A_161 = vector.shape_cast %select_n3A_160 : vector<16xi32> to vector<16x1xi32>
        %gather3A_162 = vector.shape_cast %broadcast_in_dim3A_161 : vector<16x1xi32> to vector<16xi32>
        %gather3A_163 = tpu.dynamic_gather %get3A_98[%gather3A_162] in [0] : vector<16xf32>, vector<16xi32> -> vector<16xf32>
        %get3A_164 = arith.index_cast %scan3A_94 : i32 to index
        %get3A_165 = arith.constant 48 : index
        %get3A_166 = tpu.vector_load %arg14[%get3A_164, %get3A_165] {strides = array<i32>} : memref<512x64xf32, #tpu.memory_space<vmem>>, vector<1x16xf32>,
        %get3A_167 = vector.shape_cast %get3A_166 : vector<1x16xf32> to vector<16xf32>
        %mul3A_168 = arith.mulf %get3A_167, %gather3A_163 : vector<16xf32>
        %swap3A_169 = arith.index_cast %scan3A_94 : i32 to index
        %swap3A_170 = arith.constant 48 : index
        %swap3A_171 = tpu.vector_load %arg14[%swap3A_169, %swap3A_170] {strides = array<i32>} : memref<512x64xf32, #tpu.memory_space<vmem>>, vector<1x16xf32>,
        %swap3A_172 = vector.shape_cast %swap3A_171 : vector<1x16xf32> to vector<16xf32>
        %swap3A_173 = vector.shape_cast %mul3A_168 : vector<16xf32> to vector<1x16xf32>
        tpu.vector_store %arg14[%swap3A_169, %swap3A_170], %swap3A_173 {strides = array<i32>} : memref<512x64xf32, #tpu.memory_space<vmem>>, vector<1x16xf32>,
      }
      %scan3A_72 = arith.constant 512 : i32
      "tpu.region"() ({
        %run_scoped3A = tpu.sem_alloc : memref<!tpu.dma_semaphore, #tpu.memory_space<semaphore_mem>>
        %dma_start3A_94 = arith.constant 0 : i32
        %dma_start3A_95 = arith.constant 0 : i32
        %dma_start3A_96 = tpu.memref_slice %arg18[%dma_start3A_94, %dma_start3A_95] : memref<10000x64xf32, #tpu.memory_space<vmem_shared>> -> memref<10000x64xf32, #tpu.memory_space<vmem_shared>>
        tpu.enqueue_indirect_dma source(%arg14 : memref<512x64xf32, #tpu.memory_space<vmem>>) target(%dma_start3A_96 : memref<10000x64xf32, #tpu.memory_space<vmem_shared>>) offsets(%arg9 : memref<512xi32, #tpu.memory_space<vmem>>) semaphore(%run_scoped3A : memref<!tpu.dma_semaphore, #tpu.memory_space<semaphore_mem>>) {add = true}
        %dma_wait3A_97 = arith.constant 0 : i32
        %dma_wait3A_98 = arith.constant 0 : i32
        %dma_wait3A_99 = tpu.memref_slice %arg18[%dma_wait3A_97, %dma_wait3A_98] : memref<10000x64xf32, #tpu.memory_space<vmem_shared>> -> memref<10000x64xf32, #tpu.memory_space<vmem_shared>>
        tpu.wait_indirect_dma semaphore(%run_scoped3A : memref<!tpu.dma_semaphore, #tpu.memory_space<semaphore_mem>>) src(%arg14 : memref<512x64xf32, #tpu.memory_space<vmem>>) dst(%dma_wait3A_99 : memref<10000x64xf32, #tpu.memory_space<vmem_shared>>)
        tpu.yield
      }) : () -> ()
      %mul3A_73 = arith.constant 2 : i32
      %mul3A_74 = arith.muli %mul3A_73, %scan3A_52 : i32
      %add3A_75 = arith.constant 2 : i32
      %add3A_76 = arith.addi %mul3A_74, %add3A_75 : i32
      %rem3A = arith.constant 20 : i32
      %rem3A_77 = arith.remsi %add3A_76, %rem3A : i32
      %mul3A_78 = arith.constant 512 : i32
      %mul3A_79 = arith.muli %rem3A_77, %mul3A_78 : i32
      %add3A_80 = arith.addi %mul3A_32, %mul3A_79 : i32
      %multiple_of3A_81 = tpu.assume_multiple %add3A_80, 8 : i32
      "tpu.region"() ({
        %run_scoped3A = tpu.sem_alloc : memref<!tpu.dma_semaphore, #tpu.memory_space<semaphore_mem>>
        %dma_start3A_94 = tpu.memref_slice %arg2[%multiple_of3A_81] : memref<327680xi32, #tpu.memory_space<hbm>> -> memref<512xi32, #tpu.memory_space<hbm>>
        %dma_start3A_95 = tpu.memref_slice %arg2[%multiple_of3A_81] : memref<327680xi32, #tpu.memory_space<hbm>> -> memref<512xi32, #tpu.memory_space<hbm>>
        tpu.enqueue_dma source(%dma_start3A_95 : memref<512xi32, #tpu.memory_space<hbm>>) target(%arg8 : memref<512xi32, #tpu.memory_space<vmem>>) target_semaphore(%run_scoped3A : memref<!tpu.dma_semaphore, #tpu.memory_space<semaphore_mem>>)
        %dma_wait3A_96 = tpu.memref_slice %arg2[%multiple_of3A_81] : memref<327680xi32, #tpu.memory_space<hbm>> -> memref<512xi32, #tpu.memory_space<hbm>>
        %dma_wait3A_97 = tpu.memref_slice %arg2[%multiple_of3A_81] : memref<327680xi32, #tpu.memory_space<hbm>> -> memref<512xi32, #tpu.memory_space<hbm>>
        tpu.wait_dma2 semaphore(%run_scoped3A : memref<!tpu.dma_semaphore, #tpu.memory_space<semaphore_mem>>) src(%dma_wait3A_97 : memref<512xi32, #tpu.memory_space<hbm>>) dst(%arg8 : memref<512xi32, #tpu.memory_space<vmem>>)
        tpu.yield
      }) : () -> ()
      "tpu.region"() ({
        %run_scoped3A = tpu.sem_alloc : memref<!tpu.dma_semaphore, #tpu.memory_space<semaphore_mem>>
        %dma_start3A_94 = tpu.memref_slice %arg3[%multiple_of3A_81] : memref<327680xi32, #tpu.memory_space<hbm>> -> memref<512xi32, #tpu.memory_space<hbm>>
        %dma_start3A_95 = tpu.memref_slice %arg3[%multiple_of3A_81] : memref<327680xi32, #tpu.memory_space<hbm>> -> memref<512xi32, #tpu.memory_space<hbm>>
        tpu.enqueue_dma source(%dma_start3A_95 : memref<512xi32, #tpu.memory_space<hbm>>) target(%arg9 : memref<512xi32, #tpu.memory_space<vmem>>) target_semaphore(%run_scoped3A : memref<!tpu.dma_semaphore, #tpu.memory_space<semaphore_mem>>)
        %dma_wait3A_96 = tpu.memref_slice %arg3[%multiple_of3A_81] : memref<327680xi32, #tpu.memory_space<hbm>> -> memref<512xi32, #tpu.memory_space<hbm>>
        %dma_wait3A_97 = tpu.memref_slice %arg3[%multiple_of3A_81] : memref<327680xi32, #tpu.memory_space<hbm>> -> memref<512xi32, #tpu.memory_space<hbm>>
        tpu.wait_dma2 semaphore(%run_scoped3A : memref<!tpu.dma_semaphore, #tpu.memory_space<semaphore_mem>>) src(%dma_wait3A_97 : memref<512xi32, #tpu.memory_space<hbm>>) dst(%arg9 : memref<512xi32, #tpu.memory_space<vmem>>)
        tpu.yield
      }) : () -> ()
      "tpu.region"() ({
        %run_scoped3A = tpu.sem_alloc : memref<!tpu.dma_semaphore, #tpu.memory_space<semaphore_mem>>
        %dma_start3A_94 = arith.constant 0 : i32
        %dma_start3A_95 = tpu.memref_slice %arg4[%multiple_of3A_81, %dma_start3A_94] : memref<327680x16xf32, #tpu.memory_space<hbm>> -> memref<512x16xf32, #tpu.memory_space<hbm>>
        %dma_start3A_96 = arith.constant 0 : i32
        %dma_start3A_97 = tpu.memref_slice %arg4[%multiple_of3A_81, %dma_start3A_96] : memref<327680x16xf32, #tpu.memory_space<hbm>> -> memref<512x16xf32, #tpu.memory_space<hbm>>
        tpu.enqueue_dma source(%dma_start3A_97 : memref<512x16xf32, #tpu.memory_space<hbm>>) target(%arg12 : memref<512x16xf32, #tpu.memory_space<vmem>>) target_semaphore(%run_scoped3A : memref<!tpu.dma_semaphore, #tpu.memory_space<semaphore_mem>>)
        %dma_wait3A_98 = arith.constant 0 : i32
        %dma_wait3A_99 = tpu.memref_slice %arg4[%multiple_of3A_81, %dma_wait3A_98] : memref<327680x16xf32, #tpu.memory_space<hbm>> -> memref<512x16xf32, #tpu.memory_space<hbm>>
        %dma_wait3A_100 = arith.constant 0 : i32
        %dma_wait3A_101 = tpu.memref_slice %arg4[%multiple_of3A_81, %dma_wait3A_100] : memref<327680x16xf32, #tpu.memory_space<hbm>> -> memref<512x16xf32, #tpu.memory_space<hbm>>
        tpu.wait_dma2 semaphore(%run_scoped3A : memref<!tpu.dma_semaphore, #tpu.memory_space<semaphore_mem>>) src(%dma_wait3A_101 : memref<512x16xf32, #tpu.memory_space<hbm>>) dst(%arg12 : memref<512x16xf32, #tpu.memory_space<vmem>>)
        tpu.yield
      }) : () -> ()
      %dma_start3A_82 = arith.constant 0 : i32
      %dma_start3A_83 = arith.constant 0 : i32
      %dma_start3A_84 = tpu.memref_slice %arg5[%dma_start3A_82, %dma_start3A_83] : memref<10000x64xf32, #tpu.memory_space<hbm>> -> memref<10000x64xf32, #tpu.memory_space<hbm>>
      tpu.enqueue_indirect_dma source(%dma_start3A_84 : memref<10000x64xf32, #tpu.memory_space<hbm>>) target(%arg14 : memref<512x64xf32, #tpu.memory_space<vmem>>) offsets(%arg8 : memref<512xi32, #tpu.memory_space<vmem>>) semaphore(%arg19 : memref<!tpu.dma_semaphore, #tpu.memory_space<semaphore_mem>>)
      %dma_wait3A_85 = arith.constant 0 : i32
      %dma_wait3A_86 = arith.constant 0 : i32
      %dma_wait3A_87 = tpu.memref_slice %arg5[%dma_wait3A_85, %dma_wait3A_86] : memref<10000x64xf32, #tpu.memory_space<hbm>> -> memref<10000x64xf32, #tpu.memory_space<hbm>>
      tpu.wait_indirect_dma semaphore(%arg20 : memref<!tpu.dma_semaphore, #tpu.memory_space<semaphore_mem>>) src(%dma_wait3A_87 : memref<10000x64xf32, #tpu.memory_space<hbm>>) dst(%arg15 : memref<512x64xf32, #tpu.memory_space<vmem>>)
      %scan3A_88 = arith.constant 0 : i32
      %scan3A_89 = arith.constant 0 : i32
      %scan3A_90 = arith.constant 512 : i32
      %scan3A_91 = arith.addi %scan3A_89, %scan3A_90 : i32
      %scan3A_92 = arith.constant 1 : i32
      scf.for %scan3A_94 = %scan3A_89 to %scan3A_91 step %scan3A_92  : i32 {
        %get3A_95 = arith.index_cast %scan3A_94 : i32 to index
        %get3A_96 = arith.constant 0 : index
        %get3A_97 = tpu.vector_load %arg13[%get3A_95, %get3A_96] {strides = array<i32>} : memref<512x16xf32, #tpu.memory_space<vmem>>, vector<1x16xf32>,
        %get3A_98 = vector.shape_cast %get3A_97 : vector<1x16xf32> to vector<16xf32>
        %lt3A = arith.constant 0 : i32
        %lt3A_99 = vector.broadcast %lt3A : i32 to vector<16xi32>
        %lt3A_100 = arith.cmpi slt, %get3A_15, %lt3A_99 : vector<16xi32>
        %add3A_101 = arith.constant 16 : i32
        %add3A_102 = vector.broadcast %add3A_101 : i32 to vector<16xi32>
        %add3A_103 = arith.addi %get3A_15, %add3A_102 : vector<16xi32>
        %select_n3A = arith.select %lt3A_100, %add3A_103, %get3A_15 : vector<16xi1>, vector<16xi32>
        %broadcast_in_dim3A = vector.shape_cast %select_n3A : vector<16xi32> to vector<16x1xi32>
        %gather3A = vector.shape_cast %broadcast_in_dim3A : vector<16x1xi32> to vector<16xi32>
        %gather3A_104 = tpu.dynamic_gather %get3A_98[%gather3A] in [0] : vector<16xf32>, vector<16xi32> -> vector<16xf32>
        %get3A_105 = arith.index_cast %scan3A_94 : i32 to index
        %get3A_106 = arith.constant 0 : index
        %get3A_107 = tpu.vector_load %arg15[%get3A_105, %get3A_106] {strides = array<i32>} : memref<512x64xf32, #tpu.memory_space<vmem>>, vector<1x16xf32>,
        %get3A_108 = vector.shape_cast %get3A_107 : vector<1x16xf32> to vector<16xf32>
        %mul3A_109 = arith.mulf %get3A_108, %gather3A_104 : vector<16xf32>
        %swap3A = arith.index_cast %scan3A_94 : i32 to index
        %swap3A_110 = arith.constant 0 : index
        %swap3A_111 = tpu.vector_load %arg15[%swap3A, %swap3A_110] {strides = array<i32>} : memref<512x64xf32, #tpu.memory_space<vmem>>, vector<1x16xf32>,
        %swap3A_112 = vector.shape_cast %swap3A_111 : vector<1x16xf32> to vector<16xf32>
        %swap3A_113 = vector.shape_cast %mul3A_109 : vector<16xf32> to vector<1x16xf32>
        tpu.vector_store %arg15[%swap3A, %swap3A_110], %swap3A_113 {strides = array<i32>} : memref<512x64xf32, #tpu.memory_space<vmem>>, vector<1x16xf32>,
        %lt3A_114 = arith.constant 0 : i32
        %lt3A_115 = vector.broadcast %lt3A_114 : i32 to vector<16xi32>
        %lt3A_116 = arith.cmpi slt, %get3A_20, %lt3A_115 : vector<16xi32>
        %add3A_117 = arith.constant 16 : i32
        %add3A_118 = vector.broadcast %add3A_117 : i32 to vector<16xi32>
        %add3A_119 = arith.addi %get3A_20, %add3A_118 : vector<16xi32>
        %select_n3A_120 = arith.select %lt3A_116, %add3A_119, %get3A_20 : vector<16xi1>, vector<16xi32>
        %broadcast_in_dim3A_121 = vector.shape_cast %select_n3A_120 : vector<16xi32> to vector<16x1xi32>
        %gather3A_122 = vector.shape_cast %broadcast_in_dim3A_121 : vector<16x1xi32> to vector<16xi32>
        %gather3A_123 = tpu.dynamic_gather %get3A_98[%gather3A_122] in [0] : vector<16xf32>, vector<16xi32> -> vector<16xf32>
        %get3A_124 = arith.index_cast %scan3A_94 : i32 to index
        %get3A_125 = arith.constant 16 : index
        %get3A_126 = tpu.vector_load %arg15[%get3A_124, %get3A_125] {strides = array<i32>} : memref<512x64xf32, #tpu.memory_space<vmem>>, vector<1x16xf32>,
        %get3A_127 = vector.shape_cast %get3A_126 : vector<1x16xf32> to vector<16xf32>
        %mul3A_128 = arith.mulf %get3A_127, %gather3A_123 : vector<16xf32>
        %swap3A_129 = arith.index_cast %scan3A_94 : i32 to index
        %swap3A_130 = arith.constant 16 : index
        %swap3A_131 = tpu.vector_load %arg15[%swap3A_129, %swap3A_130] {strides = array<i32>} : memref<512x64xf32, #tpu.memory_space<vmem>>, vector<1x16xf32>,
        %swap3A_132 = vector.shape_cast %swap3A_131 : vector<1x16xf32> to vector<16xf32>
        %swap3A_133 = vector.shape_cast %mul3A_128 : vector<16xf32> to vector<1x16xf32>
        tpu.vector_store %arg15[%swap3A_129, %swap3A_130], %swap3A_133 {strides = array<i32>} : memref<512x64xf32, #tpu.memory_space<vmem>>, vector<1x16xf32>,
        %lt3A_134 = arith.constant 0 : i32
        %lt3A_135 = vector.broadcast %lt3A_134 : i32 to vector<16xi32>
        %lt3A_136 = arith.cmpi slt, %get3A_25, %lt3A_135 : vector<16xi32>
        %add3A_137 = arith.constant 16 : i32
        %add3A_138 = vector.broadcast %add3A_137 : i32 to vector<16xi32>
        %add3A_139 = arith.addi %get3A_25, %add3A_138 : vector<16xi32>
        %select_n3A_140 = arith.select %lt3A_136, %add3A_139, %get3A_25 : vector<16xi1>, vector<16xi32>
        %broadcast_in_dim3A_141 = vector.shape_cast %select_n3A_140 : vector<16xi32> to vector<16x1xi32>
        %gather3A_142 = vector.shape_cast %broadcast_in_dim3A_141 : vector<16x1xi32> to vector<16xi32>
        %gather3A_143 = tpu.dynamic_gather %get3A_98[%gather3A_142] in [0] : vector<16xf32>, vector<16xi32> -> vector<16xf32>
        %get3A_144 = arith.index_cast %scan3A_94 : i32 to index
        %get3A_145 = arith.constant 32 : index
        %get3A_146 = tpu.vector_load %arg15[%get3A_144, %get3A_145] {strides = array<i32>} : memref<512x64xf32, #tpu.memory_space<vmem>>, vector<1x16xf32>,
        %get3A_147 = vector.shape_cast %get3A_146 : vector<1x16xf32> to vector<16xf32>
        %mul3A_148 = arith.mulf %get3A_147, %gather3A_143 : vector<16xf32>
        %swap3A_149 = arith.index_cast %scan3A_94 : i32 to index
        %swap3A_150 = arith.constant 32 : index
        %swap3A_151 = tpu.vector_load %arg15[%swap3A_149, %swap3A_150] {strides = array<i32>} : memref<512x64xf32, #tpu.memory_space<vmem>>, vector<1x16xf32>,
        %swap3A_152 = vector.shape_cast %swap3A_151 : vector<1x16xf32> to vector<16xf32>
        %swap3A_153 = vector.shape_cast %mul3A_148 : vector<16xf32> to vector<1x16xf32>
        tpu.vector_store %arg15[%swap3A_149, %swap3A_150], %swap3A_153 {strides = array<i32>} : memref<512x64xf32, #tpu.memory_space<vmem>>, vector<1x16xf32>,
        %lt3A_154 = arith.constant 0 : i32
        %lt3A_155 = vector.broadcast %lt3A_154 : i32 to vector<16xi32>
        %lt3A_156 = arith.cmpi slt, %get3A_30, %lt3A_155 : vector<16xi32>
        %add3A_157 = arith.constant 16 : i32
        %add3A_158 = vector.broadcast %add3A_157 : i32 to vector<16xi32>
        %add3A_159 = arith.addi %get3A_30, %add3A_158 : vector<16xi32>
        %select_n3A_160 = arith.select %lt3A_156, %add3A_159, %get3A_30 : vector<16xi1>, vector<16xi32>
        %broadcast_in_dim3A_161 = vector.shape_cast %select_n3A_160 : vector<16xi32> to vector<16x1xi32>
        %gather3A_162 = vector.shape_cast %broadcast_in_dim3A_161 : vector<16x1xi32> to vector<16xi32>
        %gather3A_163 = tpu.dynamic_gather %get3A_98[%gather3A_162] in [0] : vector<16xf32>, vector<16xi32> -> vector<16xf32>
        %get3A_164 = arith.index_cast %scan3A_94 : i32 to index
        %get3A_165 = arith.constant 48 : index
        %get3A_166 = tpu.vector_load %arg15[%get3A_164, %get3A_165] {strides = array<i32>} : memref<512x64xf32, #tpu.memory_space<vmem>>, vector<1x16xf32>,
        %get3A_167 = vector.shape_cast %get3A_166 : vector<1x16xf32> to vector<16xf32>
        %mul3A_168 = arith.mulf %get3A_167, %gather3A_163 : vector<16xf32>
        %swap3A_169 = arith.index_cast %scan3A_94 : i32 to index
        %swap3A_170 = arith.constant 48 : index
        %swap3A_171 = tpu.vector_load %arg15[%swap3A_169, %swap3A_170] {strides = array<i32>} : memref<512x64xf32, #tpu.memory_space<vmem>>, vector<1x16xf32>,
        %swap3A_172 = vector.shape_cast %swap3A_171 : vector<1x16xf32> to vector<16xf32>
        %swap3A_173 = vector.shape_cast %mul3A_168 : vector<16xf32> to vector<1x16xf32>
        tpu.vector_store %arg15[%swap3A_169, %swap3A_170], %swap3A_173 {strides = array<i32>} : memref<512x64xf32, #tpu.memory_space<vmem>>, vector<1x16xf32>,
      }
      %scan3A_93 = arith.constant 512 : i32
      "tpu.region"() ({
        %run_scoped3A = tpu.sem_alloc : memref<!tpu.dma_semaphore, #tpu.memory_space<semaphore_mem>>
        %dma_start3A_94 = arith.constant 0 : i32
        %dma_start3A_95 = arith.constant 0 : i32
        %dma_start3A_96 = tpu.memref_slice %arg18[%dma_start3A_94, %dma_start3A_95] : memref<10000x64xf32, #tpu.memory_space<vmem_shared>> -> memref<10000x64xf32, #tpu.memory_space<vmem_shared>>
        tpu.enqueue_indirect_dma source(%arg15 : memref<512x64xf32, #tpu.memory_space<vmem>>) target(%dma_start3A_96 : memref<10000x64xf32, #tpu.memory_space<vmem_shared>>) offsets(%arg11 : memref<512xi32, #tpu.memory_space<vmem>>) semaphore(%run_scoped3A : memref<!tpu.dma_semaphore, #tpu.memory_space<semaphore_mem>>) {add = true}
        %dma_wait3A_97 = arith.constant 0 : i32
        %dma_wait3A_98 = arith.constant 0 : i32
        %dma_wait3A_99 = tpu.memref_slice %arg18[%dma_wait3A_97, %dma_wait3A_98] : memref<10000x64xf32, #tpu.memory_space<vmem_shared>> -> memref<10000x64xf32, #tpu.memory_space<vmem_shared>>
        tpu.wait_indirect_dma semaphore(%run_scoped3A : memref<!tpu.dma_semaphore, #tpu.memory_space<semaphore_mem>>) src(%arg15 : memref<512x64xf32, #tpu.memory_space<vmem>>) dst(%dma_wait3A_99 : memref<10000x64xf32, #tpu.memory_space<vmem_shared>>)
        tpu.yield
      }) : () -> ()
    }
    %scan3A_42 = arith.constant 10 : i32
    %dma_wait3A = arith.constant 0 : i32
    %dma_wait3A_43 = arith.constant 0 : i32
    %dma_wait3A_44 = tpu.memref_slice %arg5[%dma_wait3A, %dma_wait3A_43] : memref<10000x64xf32, #tpu.memory_space<hbm>> -> memref<10000x64xf32, #tpu.memory_space<hbm>>
    tpu.wait_indirect_dma semaphore(%arg19 : memref<!tpu.dma_semaphore, #tpu.memory_space<semaphore_mem>>) src(%dma_wait3A_44 : memref<10000x64xf32, #tpu.memory_space<hbm>>) dst(%arg14 : memref<512x64xf32, #tpu.memory_space<vmem>>)
    %barrier3A_45 = arith.constant 0 : index
    tpu.barrier barrier_id(%barrier3A_45)
    %scan3A_46 = arith.constant 0 : i32
    %scan3A_47 = arith.constant 0 : i32
    %scan3A_48 = arith.constant 25 : i32
    %scan3A_49 = arith.addi %scan3A_47, %scan3A_48 : i32
    %scan3A_50 = arith.constant 1 : i32
    scf.for %scan3A_52 = %scan3A_47 to %scan3A_49 step %scan3A_50  : i32 {
      %mul3A_53 = arith.constant 625 : i32
      %mul3A_54 = arith.muli %arg1, %mul3A_53 : i32
      %mul3A_55 = arith.constant 25 : i32
      %mul3A_56 = arith.muli %scan3A_52, %mul3A_55 : i32
      %add3A_57 = arith.addi %mul3A_54, %mul3A_56 : i32
      "tpu.region"() ({
        %run_scoped3A = tpu.sem_alloc : memref<!tpu.dma_semaphore, #tpu.memory_space<semaphore_mem>>
        %dma_start3A_63 = arith.constant 0 : i32
        %dma_start3A_64 = tpu.memref_slice %arg18[%add3A_57, %dma_start3A_63] : memref<10000x64xf32, #tpu.memory_space<vmem_shared>> -> memref<25x64xf32, #tpu.memory_space<vmem_shared>>
        %dma_start3A_65 = arith.constant 0 : i32
        %dma_start3A_66 = tpu.memref_slice %arg18[%add3A_57, %dma_start3A_65] : memref<10000x64xf32, #tpu.memory_space<vmem_shared>> -> memref<25x64xf32, #tpu.memory_space<vmem_shared>>
        tpu.enqueue_dma source(%dma_start3A_66 : memref<25x64xf32, #tpu.memory_space<vmem_shared>>) target(%arg16 : memref<25x64xf32, #tpu.memory_space<vmem>>) target_semaphore(%run_scoped3A : memref<!tpu.dma_semaphore, #tpu.memory_space<semaphore_mem>>)
        %dma_wait3A_67 = arith.constant 0 : i32
        %dma_wait3A_68 = tpu.memref_slice %arg18[%add3A_57, %dma_wait3A_67] : memref<10000x64xf32, #tpu.memory_space<vmem_shared>> -> memref<25x64xf32, #tpu.memory_space<vmem_shared>>
        %dma_wait3A_69 = arith.constant 0 : i32
        %dma_wait3A_70 = tpu.memref_slice %arg18[%add3A_57, %dma_wait3A_69] : memref<10000x64xf32, #tpu.memory_space<vmem_shared>> -> memref<25x64xf32, #tpu.memory_space<vmem_shared>>
        tpu.wait_dma2 semaphore(%run_scoped3A : memref<!tpu.dma_semaphore, #tpu.memory_space<semaphore_mem>>) src(%dma_wait3A_70 : memref<25x64xf32, #tpu.memory_space<vmem_shared>>) dst(%arg16 : memref<25x64xf32, #tpu.memory_space<vmem>>)
        tpu.yield
      }) : () -> ()
      %mul3A_58 = arith.constant 625 : i32
      %mul3A_59 = arith.muli %arg1, %mul3A_58 : i32
      %mul3A_60 = arith.constant 25 : i32
      %mul3A_61 = arith.muli %scan3A_52, %mul3A_60 : i32
      %add3A_62 = arith.addi %mul3A_59, %mul3A_61 : i32
      "tpu.region"() ({
        %run_scoped3A = tpu.sem_alloc : memref<!tpu.dma_semaphore, #tpu.memory_space<semaphore_mem>>
        %dma_start3A_63 = arith.constant 0 : i32
        %dma_start3A_64 = tpu.memref_slice %arg7[%arg0, %add3A_62, %dma_start3A_63] : memref<2x10000x64xf32, #tpu.memory_space<hbm>> -> memref<1x25x64xf32, #tpu.memory_space<hbm>>
        %dma_start3A_65 = tpu.memref_squeeze %dma_start3A_64 : memref<1x25x64xf32, #tpu.memory_space<hbm>> -> memref<25x64xf32, #tpu.memory_space<hbm>>
        %dma_start3A_66 = arith.constant 0 : i32
        %dma_start3A_67 = tpu.memref_slice %arg7[%arg0, %add3A_62, %dma_start3A_66] : memref<2x10000x64xf32, #tpu.memory_space<hbm>> -> memref<1x25x64xf32, #tpu.memory_space<hbm>>
        %dma_start3A_68 = tpu.memref_squeeze %dma_start3A_67 : memref<1x25x64xf32, #tpu.memory_space<hbm>> -> memref<25x64xf32, #tpu.memory_space<hbm>>
        tpu.enqueue_dma source(%arg16 : memref<25x64xf32, #tpu.memory_space<vmem>>) target(%dma_start3A_68 : memref<25x64xf32, #tpu.memory_space<hbm>>) target_semaphore(%run_scoped3A : memref<!tpu.dma_semaphore, #tpu.memory_space<semaphore_mem>>)
        %dma_wait3A_69 = arith.constant 0 : i32
        %dma_wait3A_70 = tpu.memref_slice %arg7[%arg0, %add3A_62, %dma_wait3A_69] : memref<2x10000x64xf32, #tpu.memory_space<hbm>> -> memref<1x25x64xf32, #tpu.memory_space<hbm>>
        %dma_wait3A_71 = tpu.memref_squeeze %dma_wait3A_70 : memref<1x25x64xf32, #tpu.memory_space<hbm>> -> memref<25x64xf32, #tpu.memory_space<hbm>>
        %dma_wait3A_72 = arith.constant 0 : i32
        %dma_wait3A_73 = tpu.memref_slice %arg7[%arg0, %add3A_62, %dma_wait3A_72] : memref<2x10000x64xf32, #tpu.memory_space<hbm>> -> memref<1x25x64xf32, #tpu.memory_space<hbm>>
        %dma_wait3A_74 = tpu.memref_squeeze %dma_wait3A_73 : memref<1x25x64xf32, #tpu.memory_space<hbm>> -> memref<25x64xf32, #tpu.memory_space<hbm>>
        tpu.wait_dma2 semaphore(%run_scoped3A : memref<!tpu.dma_semaphore, #tpu.memory_space<semaphore_mem>>) src(%arg16 : memref<25x64xf32, #tpu.memory_space<vmem>>) dst(%dma_wait3A_74 : memref<25x64xf32, #tpu.memory_space<hbm>>)
        tpu.yield
      }) : () -> ()
    }
    %scan3A_51 = arith.constant 25 : i32
    return
  }
}

#map = affine_map<(d0, d1) -> (0)>
#map1 = affine_map<(d0, d1) -> (0, 0)>
module attributes {stable_mosaic.version = 14 : i64} {
  func.func @k(%arg0: i32, %arg1: i32, %arg2: memref<327680xi32, #tpu.memory_space<hbm>>, %arg3: memref<327680xi32, #tpu.memory_space<hbm>>, %arg4: memref<10000x16xf32, #tpu.memory_space<hbm>>, %arg5: memref<10000x16xf32, #tpu.memory_space<hbm>>, %arg6: memref<327680x16xf32, #tpu.memory_space<hbm>>, %arg7: memref<512xi32, #tpu.memory_space<vmem>>, %arg8: memref<512xi32, #tpu.memory_space<vmem>>, %arg9: memref<512xi32, #tpu.memory_space<vmem>>, %arg10: memref<512xi32, #tpu.memory_space<vmem>>, %arg11: memref<512x16xf32, #tpu.memory_space<vmem>>, %arg12: memref<512x16xf32, #tpu.memory_space<vmem>>, %arg13: memref<512x16xf32, #tpu.memory_space<vmem>>, %arg14: memref<512x16xf32, #tpu.memory_space<vmem>>, %arg15: memref<512x16xf32, #tpu.memory_space<vmem>>, %arg16: memref<512x16xf32, #tpu.memory_space<vmem>>, %arg17: memref<!tpu.dma_semaphore, #tpu.memory_space<semaphore_mem>>, %arg18: memref<!tpu.dma_semaphore, #tpu.memory_space<semaphore_mem>>, %arg19: memref<!tpu.dma_semaphore, #tpu.memory_space<semaphore_mem>>, %arg20: memref<!tpu.dma_semaphore, #tpu.memory_space<semaphore_mem>>) attributes {dimension_semantics = [#tpu.dimension_semantics<core_parallel>, #tpu.dimension_semantics<subcore_parallel>], iteration_bounds = array<i64: 2, 16>, scalar_prefetch = 0 : i64, scratch_operands = 14 : i64, tpu.core_type = #tpu.core_type<sc_vector_subcore>, window_params = [{transform_indices = #map}, {transform_indices = #map}, {transform_indices = #map1}, {transform_indices = #map1}, {transform_indices = #map1}]} {
    %mul3A = arith.constant 2 : i32
    %mul3A_0 = arith.muli %arg1, %mul3A : i32
    %add3A = arith.addi %mul3A_0, %arg0 : i32
    %mul3A_1 = arith.constant 10240 : i32
    %mul3A_2 = arith.muli %add3A, %mul3A_1 : i32
    %add3A_3 = arith.constant 0 : i32
    %add3A_4 = arith.addi %mul3A_2, %add3A_3 : i32
    %multiple_of3A = tpu.assume_multiple %add3A_4, 8 : i32
    "tpu.region"() ({
      %run_scoped3A = tpu.sem_alloc : memref<!tpu.dma_semaphore, #tpu.memory_space<semaphore_mem>>
      %dma_start3A_20 = tpu.memref_slice %arg2[%multiple_of3A] : memref<327680xi32, #tpu.memory_space<hbm>> -> memref<512xi32, #tpu.memory_space<hbm>>
      %dma_start3A_21 = tpu.memref_slice %arg2[%multiple_of3A] : memref<327680xi32, #tpu.memory_space<hbm>> -> memref<512xi32, #tpu.memory_space<hbm>>
      tpu.enqueue_dma source(%dma_start3A_21 : memref<512xi32, #tpu.memory_space<hbm>>) target(%arg7 : memref<512xi32, #tpu.memory_space<vmem>>) target_semaphore(%run_scoped3A : memref<!tpu.dma_semaphore, #tpu.memory_space<semaphore_mem>>)
      %dma_wait3A_22 = tpu.memref_slice %arg2[%multiple_of3A] : memref<327680xi32, #tpu.memory_space<hbm>> -> memref<512xi32, #tpu.memory_space<hbm>>
      %dma_wait3A_23 = tpu.memref_slice %arg2[%multiple_of3A] : memref<327680xi32, #tpu.memory_space<hbm>> -> memref<512xi32, #tpu.memory_space<hbm>>
      tpu.wait_dma2 semaphore(%run_scoped3A : memref<!tpu.dma_semaphore, #tpu.memory_space<semaphore_mem>>) src(%dma_wait3A_23 : memref<512xi32, #tpu.memory_space<hbm>>) dst(%arg7 : memref<512xi32, #tpu.memory_space<vmem>>)
      tpu.yield
    }) : () -> ()
    "tpu.region"() ({
      %run_scoped3A = tpu.sem_alloc : memref<!tpu.dma_semaphore, #tpu.memory_space<semaphore_mem>>
      %dma_start3A_20 = tpu.memref_slice %arg3[%multiple_of3A] : memref<327680xi32, #tpu.memory_space<hbm>> -> memref<512xi32, #tpu.memory_space<hbm>>
      %dma_start3A_21 = tpu.memref_slice %arg3[%multiple_of3A] : memref<327680xi32, #tpu.memory_space<hbm>> -> memref<512xi32, #tpu.memory_space<hbm>>
      tpu.enqueue_dma source(%dma_start3A_21 : memref<512xi32, #tpu.memory_space<hbm>>) target(%arg8 : memref<512xi32, #tpu.memory_space<vmem>>) target_semaphore(%run_scoped3A : memref<!tpu.dma_semaphore, #tpu.memory_space<semaphore_mem>>)
      %dma_wait3A_22 = tpu.memref_slice %arg3[%multiple_of3A] : memref<327680xi32, #tpu.memory_space<hbm>> -> memref<512xi32, #tpu.memory_space<hbm>>
      %dma_wait3A_23 = tpu.memref_slice %arg3[%multiple_of3A] : memref<327680xi32, #tpu.memory_space<hbm>> -> memref<512xi32, #tpu.memory_space<hbm>>
      tpu.wait_dma2 semaphore(%run_scoped3A : memref<!tpu.dma_semaphore, #tpu.memory_space<semaphore_mem>>) src(%dma_wait3A_23 : memref<512xi32, #tpu.memory_space<hbm>>) dst(%arg8 : memref<512xi32, #tpu.memory_space<vmem>>)
      tpu.yield
    }) : () -> ()
    %dma_start3A = arith.constant 0 : i32
    %dma_start3A_5 = arith.constant 0 : i32
    %dma_start3A_6 = tpu.memref_slice %arg4[%dma_start3A, %dma_start3A_5] : memref<10000x16xf32, #tpu.memory_space<hbm>> -> memref<10000x16xf32, #tpu.memory_space<hbm>>
    tpu.enqueue_indirect_dma source(%dma_start3A_6 : memref<10000x16xf32, #tpu.memory_space<hbm>>) target(%arg11 : memref<512x16xf32, #tpu.memory_space<vmem>>) offsets(%arg7 : memref<512xi32, #tpu.memory_space<vmem>>) semaphore(%arg17 : memref<!tpu.dma_semaphore, #tpu.memory_space<semaphore_mem>>)
    %dma_start3A_7 = arith.constant 0 : i32
    %dma_start3A_8 = arith.constant 0 : i32
    %dma_start3A_9 = tpu.memref_slice %arg5[%dma_start3A_7, %dma_start3A_8] : memref<10000x16xf32, #tpu.memory_space<hbm>> -> memref<10000x16xf32, #tpu.memory_space<hbm>>
    tpu.enqueue_indirect_dma source(%dma_start3A_9 : memref<10000x16xf32, #tpu.memory_space<hbm>>) target(%arg12 : memref<512x16xf32, #tpu.memory_space<vmem>>) offsets(%arg8 : memref<512xi32, #tpu.memory_space<vmem>>) semaphore(%arg18 : memref<!tpu.dma_semaphore, #tpu.memory_space<semaphore_mem>>)
    %scan3A = arith.constant 0 : i32
    %scan3A_10 = arith.constant 0 : i32
    %scan3A_11 = arith.constant 10 : i32
    %scan3A_12 = arith.addi %scan3A_10, %scan3A_11 : i32
    %scan3A_13 = arith.constant 1 : i32
    scf.for %scan3A_20 = %scan3A_10 to %scan3A_12 step %scan3A_13  : i32 {
      %mul3A_21 = arith.constant 2 : i32
      %mul3A_22 = arith.muli %mul3A_21, %scan3A_20 : i32
      %mul3A_23 = arith.constant 512 : i32
      %mul3A_24 = arith.muli %mul3A_22, %mul3A_23 : i32
      %add3A_25 = arith.addi %mul3A_2, %mul3A_24 : i32
      %multiple_of3A_26 = tpu.assume_multiple %add3A_25, 8 : i32
      %mul3A_27 = arith.constant 2 : i32
      %mul3A_28 = arith.muli %mul3A_27, %scan3A_20 : i32
      %add3A_29 = arith.constant 1 : i32
      %add3A_30 = arith.addi %mul3A_28, %add3A_29 : i32
      %mul3A_31 = arith.constant 512 : i32
      %mul3A_32 = arith.muli %add3A_30, %mul3A_31 : i32
      %add3A_33 = arith.addi %mul3A_2, %mul3A_32 : i32
      %multiple_of3A_34 = tpu.assume_multiple %add3A_33, 8 : i32
      "tpu.region"() ({
        %run_scoped3A = tpu.sem_alloc : memref<!tpu.dma_semaphore, #tpu.memory_space<semaphore_mem>>
        %dma_start3A_88 = tpu.memref_slice %arg2[%multiple_of3A_34] : memref<327680xi32, #tpu.memory_space<hbm>> -> memref<512xi32, #tpu.memory_space<hbm>>
        %dma_start3A_89 = tpu.memref_slice %arg2[%multiple_of3A_34] : memref<327680xi32, #tpu.memory_space<hbm>> -> memref<512xi32, #tpu.memory_space<hbm>>
        tpu.enqueue_dma source(%dma_start3A_89 : memref<512xi32, #tpu.memory_space<hbm>>) target(%arg9 : memref<512xi32, #tpu.memory_space<vmem>>) target_semaphore(%run_scoped3A : memref<!tpu.dma_semaphore, #tpu.memory_space<semaphore_mem>>)
        %dma_wait3A_90 = tpu.memref_slice %arg2[%multiple_of3A_34] : memref<327680xi32, #tpu.memory_space<hbm>> -> memref<512xi32, #tpu.memory_space<hbm>>
        %dma_wait3A_91 = tpu.memref_slice %arg2[%multiple_of3A_34] : memref<327680xi32, #tpu.memory_space<hbm>> -> memref<512xi32, #tpu.memory_space<hbm>>
        tpu.wait_dma2 semaphore(%run_scoped3A : memref<!tpu.dma_semaphore, #tpu.memory_space<semaphore_mem>>) src(%dma_wait3A_91 : memref<512xi32, #tpu.memory_space<hbm>>) dst(%arg9 : memref<512xi32, #tpu.memory_space<vmem>>)
        tpu.yield
      }) : () -> ()
      "tpu.region"() ({
        %run_scoped3A = tpu.sem_alloc : memref<!tpu.dma_semaphore, #tpu.memory_space<semaphore_mem>>
        %dma_start3A_88 = tpu.memref_slice %arg3[%multiple_of3A_34] : memref<327680xi32, #tpu.memory_space<hbm>> -> memref<512xi32, #tpu.memory_space<hbm>>
        %dma_start3A_89 = tpu.memref_slice %arg3[%multiple_of3A_34] : memref<327680xi32, #tpu.memory_space<hbm>> -> memref<512xi32, #tpu.memory_space<hbm>>
        tpu.enqueue_dma source(%dma_start3A_89 : memref<512xi32, #tpu.memory_space<hbm>>) target(%arg10 : memref<512xi32, #tpu.memory_space<vmem>>) target_semaphore(%run_scoped3A : memref<!tpu.dma_semaphore, #tpu.memory_space<semaphore_mem>>)
        %dma_wait3A_90 = tpu.memref_slice %arg3[%multiple_of3A_34] : memref<327680xi32, #tpu.memory_space<hbm>> -> memref<512xi32, #tpu.memory_space<hbm>>
        %dma_wait3A_91 = tpu.memref_slice %arg3[%multiple_of3A_34] : memref<327680xi32, #tpu.memory_space<hbm>> -> memref<512xi32, #tpu.memory_space<hbm>>
        tpu.wait_dma2 semaphore(%run_scoped3A : memref<!tpu.dma_semaphore, #tpu.memory_space<semaphore_mem>>) src(%dma_wait3A_91 : memref<512xi32, #tpu.memory_space<hbm>>) dst(%arg10 : memref<512xi32, #tpu.memory_space<vmem>>)
        tpu.yield
      }) : () -> ()
      %dma_start3A_35 = arith.constant 0 : i32
      %dma_start3A_36 = arith.constant 0 : i32
      %dma_start3A_37 = tpu.memref_slice %arg4[%dma_start3A_35, %dma_start3A_36] : memref<10000x16xf32, #tpu.memory_space<hbm>> -> memref<10000x16xf32, #tpu.memory_space<hbm>>
      tpu.enqueue_indirect_dma source(%dma_start3A_37 : memref<10000x16xf32, #tpu.memory_space<hbm>>) target(%arg13 : memref<512x16xf32, #tpu.memory_space<vmem>>) offsets(%arg9 : memref<512xi32, #tpu.memory_space<vmem>>) semaphore(%arg19 : memref<!tpu.dma_semaphore, #tpu.memory_space<semaphore_mem>>)
      %dma_start3A_38 = arith.constant 0 : i32
      %dma_start3A_39 = arith.constant 0 : i32
      %dma_start3A_40 = tpu.memref_slice %arg5[%dma_start3A_38, %dma_start3A_39] : memref<10000x16xf32, #tpu.memory_space<hbm>> -> memref<10000x16xf32, #tpu.memory_space<hbm>>
      tpu.enqueue_indirect_dma source(%dma_start3A_40 : memref<10000x16xf32, #tpu.memory_space<hbm>>) target(%arg14 : memref<512x16xf32, #tpu.memory_space<vmem>>) offsets(%arg10 : memref<512xi32, #tpu.memory_space<vmem>>) semaphore(%arg20 : memref<!tpu.dma_semaphore, #tpu.memory_space<semaphore_mem>>)
      %dma_wait3A_41 = arith.constant 0 : i32
      %dma_wait3A_42 = arith.constant 0 : i32
      %dma_wait3A_43 = tpu.memref_slice %arg4[%dma_wait3A_41, %dma_wait3A_42] : memref<10000x16xf32, #tpu.memory_space<hbm>> -> memref<10000x16xf32, #tpu.memory_space<hbm>>
      tpu.wait_indirect_dma semaphore(%arg17 : memref<!tpu.dma_semaphore, #tpu.memory_space<semaphore_mem>>) src(%dma_wait3A_43 : memref<10000x16xf32, #tpu.memory_space<hbm>>) dst(%arg11 : memref<512x16xf32, #tpu.memory_space<vmem>>)
      %dma_wait3A_44 = arith.constant 0 : i32
      %dma_wait3A_45 = arith.constant 0 : i32
      %dma_wait3A_46 = tpu.memref_slice %arg5[%dma_wait3A_44, %dma_wait3A_45] : memref<10000x16xf32, #tpu.memory_space<hbm>> -> memref<10000x16xf32, #tpu.memory_space<hbm>>
      tpu.wait_indirect_dma semaphore(%arg18 : memref<!tpu.dma_semaphore, #tpu.memory_space<semaphore_mem>>) src(%dma_wait3A_46 : memref<10000x16xf32, #tpu.memory_space<hbm>>) dst(%arg12 : memref<512x16xf32, #tpu.memory_space<vmem>>)
      %scan3A_47 = arith.constant 0 : i32
      %scan3A_48 = arith.constant 0 : i32
      %scan3A_49 = arith.constant 512 : i32
      %scan3A_50 = arith.addi %scan3A_48, %scan3A_49 : i32
      %scan3A_51 = arith.constant 1 : i32
      scf.for %scan3A_88 = %scan3A_48 to %scan3A_50 step %scan3A_51  : i32 {
        %get3A = arith.index_cast %scan3A_88 : i32 to index
        %get3A_89 = arith.constant 0 : index
        %get3A_90 = tpu.vector_load %arg11[%get3A, %get3A_89] {strides = array<i32>} : memref<512x16xf32, #tpu.memory_space<vmem>>, vector<1x16xf32>,
        %get3A_91 = vector.shape_cast %get3A_90 : vector<1x16xf32> to vector<16xf32>
        %get3A_92 = arith.index_cast %scan3A_88 : i32 to index
        %get3A_93 = arith.constant 0 : index
        %get3A_94 = tpu.vector_load %arg12[%get3A_92, %get3A_93] {strides = array<i32>} : memref<512x16xf32, #tpu.memory_space<vmem>>, vector<1x16xf32>,
        %get3A_95 = vector.shape_cast %get3A_94 : vector<1x16xf32> to vector<16xf32>
        %add3A_96 = arith.addf %get3A_91, %get3A_95 : vector<16xf32>
        %add3A_97 = arith.addi %multiple_of3A_26, %scan3A_88 : i32
        %lt3A = arith.constant 320000 : i32
        %lt3A_98 = arith.cmpi slt, %add3A_97, %lt3A : i32
        %jit3A = arith.constant 1.000000e+00 : f32
        %jit3A_99 = arith.constant 0.000000e+00 : f32
        %select_n3A = arith.select %lt3A_98, %jit3A, %jit3A_99 : f32
        %neg3A = arith.constant 0.000000e+00 : f32
        %neg3A_100 = vector.broadcast %neg3A : f32 to vector<16xf32>
        %neg3A_101 = arith.subf %neg3A_100, %add3A_96 : vector<16xf32>
        %exp3A = math.exp %neg3A_101 : vector<16xf32>
        %add3A_102 = arith.constant 1.000000e+00 : f32
        %add3A_103 = vector.broadcast %add3A_102 : f32 to vector<16xf32>
        %add3A_104 = arith.addf %add3A_103, %exp3A : vector<16xf32>
        %div3A = arith.constant 1.000000e+00 : f32
        %div3A_105 = vector.broadcast %div3A : f32 to vector<16xf32>
        %div3A_106 = arith.divf %div3A_105, %add3A_104 : vector<16xf32>
        %mul3A_107 = vector.broadcast %select_n3A : f32 to vector<16xf32>
        %mul3A_108 = arith.mulf %mul3A_107, %div3A_106 : vector<16xf32>
        %swap3A = arith.index_cast %scan3A_88 : i32 to index
        %swap3A_109 = arith.constant 0 : index
        %swap3A_110 = tpu.vector_load %arg15[%swap3A, %swap3A_109] {strides = array<i32>} : memref<512x16xf32, #tpu.memory_space<vmem>>, vector<1x16xf32>,
        %swap3A_111 = vector.shape_cast %swap3A_110 : vector<1x16xf32> to vector<16xf32>
        %swap3A_112 = vector.shape_cast %mul3A_108 : vector<16xf32> to vector<1x16xf32>
        tpu.vector_store %arg15[%swap3A, %swap3A_109], %swap3A_112 {strides = array<i32>} : memref<512x16xf32, #tpu.memory_space<vmem>>, vector<1x16xf32>,
      }
      %scan3A_52 = arith.constant 512 : i32
      "tpu.region"() ({
        %run_scoped3A = tpu.sem_alloc : memref<!tpu.dma_semaphore, #tpu.memory_space<semaphore_mem>>
        %dma_start3A_88 = arith.constant 0 : i32
        %dma_start3A_89 = tpu.memref_slice %arg6[%multiple_of3A_26, %dma_start3A_88] : memref<327680x16xf32, #tpu.memory_space<hbm>> -> memref<512x16xf32, #tpu.memory_space<hbm>>
        %dma_start3A_90 = arith.constant 0 : i32
        %dma_start3A_91 = tpu.memref_slice %arg6[%multiple_of3A_26, %dma_start3A_90] : memref<327680x16xf32, #tpu.memory_space<hbm>> -> memref<512x16xf32, #tpu.memory_space<hbm>>
        tpu.enqueue_dma source(%arg15 : memref<512x16xf32, #tpu.memory_space<vmem>>) target(%dma_start3A_91 : memref<512x16xf32, #tpu.memory_space<hbm>>) target_semaphore(%run_scoped3A : memref<!tpu.dma_semaphore, #tpu.memory_space<semaphore_mem>>)
        %dma_wait3A_92 = arith.constant 0 : i32
        %dma_wait3A_93 = tpu.memref_slice %arg6[%multiple_of3A_26, %dma_wait3A_92] : memref<327680x16xf32, #tpu.memory_space<hbm>> -> memref<512x16xf32, #tpu.memory_space<hbm>>
        %dma_wait3A_94 = arith.constant 0 : i32
        %dma_wait3A_95 = tpu.memref_slice %arg6[%multiple_of3A_26, %dma_wait3A_94] : memref<327680x16xf32, #tpu.memory_space<hbm>> -> memref<512x16xf32, #tpu.memory_space<hbm>>
        tpu.wait_dma2 semaphore(%run_scoped3A : memref<!tpu.dma_semaphore, #tpu.memory_space<semaphore_mem>>) src(%arg15 : memref<512x16xf32, #tpu.memory_space<vmem>>) dst(%dma_wait3A_95 : memref<512x16xf32, #tpu.memory_space<hbm>>)
        tpu.yield
      }) : () -> ()
      %mul3A_53 = arith.constant 2 : i32
      %mul3A_54 = arith.muli %mul3A_53, %scan3A_20 : i32
      %add3A_55 = arith.constant 2 : i32
      %add3A_56 = arith.addi %mul3A_54, %add3A_55 : i32
      %rem3A = arith.constant 20 : i32
      %rem3A_57 = arith.remsi %add3A_56, %rem3A : i32
      %mul3A_58 = arith.constant 2 : i32
      %mul3A_59 = arith.muli %mul3A_58, %scan3A_20 : i32
      %add3A_60 = arith.constant 1 : i32
      %add3A_61 = arith.addi %mul3A_59, %add3A_60 : i32
      %mul3A_62 = arith.constant 512 : i32
      %mul3A_63 = arith.muli %add3A_61, %mul3A_62 : i32
      %add3A_64 = arith.addi %mul3A_2, %mul3A_63 : i32
      %multiple_of3A_65 = tpu.assume_multiple %add3A_64, 8 : i32
      %mul3A_66 = arith.constant 512 : i32
      %mul3A_67 = arith.muli %rem3A_57, %mul3A_66 : i32
      %add3A_68 = arith.addi %mul3A_2, %mul3A_67 : i32
      %multiple_of3A_69 = tpu.assume_multiple %add3A_68, 8 : i32
      "tpu.region"() ({
        %run_scoped3A = tpu.sem_alloc : memref<!tpu.dma_semaphore, #tpu.memory_space<semaphore_mem>>
        %dma_start3A_88 = tpu.memref_slice %arg2[%multiple_of3A_69] : memref<327680xi32, #tpu.memory_space<hbm>> -> memref<512xi32, #tpu.memory_space<hbm>>
        %dma_start3A_89 = tpu.memref_slice %arg2[%multiple_of3A_69] : memref<327680xi32, #tpu.memory_space<hbm>> -> memref<512xi32, #tpu.memory_space<hbm>>
        tpu.enqueue_dma source(%dma_start3A_89 : memref<512xi32, #tpu.memory_space<hbm>>) target(%arg7 : memref<512xi32, #tpu.memory_space<vmem>>) target_semaphore(%run_scoped3A : memref<!tpu.dma_semaphore, #tpu.memory_space<semaphore_mem>>)
        %dma_wait3A_90 = tpu.memref_slice %arg2[%multiple_of3A_69] : memref<327680xi32, #tpu.memory_space<hbm>> -> memref<512xi32, #tpu.memory_space<hbm>>
        %dma_wait3A_91 = tpu.memref_slice %arg2[%multiple_of3A_69] : memref<327680xi32, #tpu.memory_space<hbm>> -> memref<512xi32, #tpu.memory_space<hbm>>
        tpu.wait_dma2 semaphore(%run_scoped3A : memref<!tpu.dma_semaphore, #tpu.memory_space<semaphore_mem>>) src(%dma_wait3A_91 : memref<512xi32, #tpu.memory_space<hbm>>) dst(%arg7 : memref<512xi32, #tpu.memory_space<vmem>>)
        tpu.yield
      }) : () -> ()
      "tpu.region"() ({
        %run_scoped3A = tpu.sem_alloc : memref<!tpu.dma_semaphore, #tpu.memory_space<semaphore_mem>>
        %dma_start3A_88 = tpu.memref_slice %arg3[%multiple_of3A_69] : memref<327680xi32, #tpu.memory_space<hbm>> -> memref<512xi32, #tpu.memory_space<hbm>>
        %dma_start3A_89 = tpu.memref_slice %arg3[%multiple_of3A_69] : memref<327680xi32, #tpu.memory_space<hbm>> -> memref<512xi32, #tpu.memory_space<hbm>>
        tpu.enqueue_dma source(%dma_start3A_89 : memref<512xi32, #tpu.memory_space<hbm>>) target(%arg8 : memref<512xi32, #tpu.memory_space<vmem>>) target_semaphore(%run_scoped3A : memref<!tpu.dma_semaphore, #tpu.memory_space<semaphore_mem>>)
        %dma_wait3A_90 = tpu.memref_slice %arg3[%multiple_of3A_69] : memref<327680xi32, #tpu.memory_space<hbm>> -> memref<512xi32, #tpu.memory_space<hbm>>
        %dma_wait3A_91 = tpu.memref_slice %arg3[%multiple_of3A_69] : memref<327680xi32, #tpu.memory_space<hbm>> -> memref<512xi32, #tpu.memory_space<hbm>>
        tpu.wait_dma2 semaphore(%run_scoped3A : memref<!tpu.dma_semaphore, #tpu.memory_space<semaphore_mem>>) src(%dma_wait3A_91 : memref<512xi32, #tpu.memory_space<hbm>>) dst(%arg8 : memref<512xi32, #tpu.memory_space<vmem>>)
        tpu.yield
      }) : () -> ()
      %dma_start3A_70 = arith.constant 0 : i32
      %dma_start3A_71 = arith.constant 0 : i32
      %dma_start3A_72 = tpu.memref_slice %arg4[%dma_start3A_70, %dma_start3A_71] : memref<10000x16xf32, #tpu.memory_space<hbm>> -> memref<10000x16xf32, #tpu.memory_space<hbm>>
      tpu.enqueue_indirect_dma source(%dma_start3A_72 : memref<10000x16xf32, #tpu.memory_space<hbm>>) target(%arg11 : memref<512x16xf32, #tpu.memory_space<vmem>>) offsets(%arg7 : memref<512xi32, #tpu.memory_space<vmem>>) semaphore(%arg17 : memref<!tpu.dma_semaphore, #tpu.memory_space<semaphore_mem>>)
      %dma_start3A_73 = arith.constant 0 : i32
      %dma_start3A_74 = arith.constant 0 : i32
      %dma_start3A_75 = tpu.memref_slice %arg5[%dma_start3A_73, %dma_start3A_74] : memref<10000x16xf32, #tpu.memory_space<hbm>> -> memref<10000x16xf32, #tpu.memory_space<hbm>>
      tpu.enqueue_indirect_dma source(%dma_start3A_75 : memref<10000x16xf32, #tpu.memory_space<hbm>>) target(%arg12 : memref<512x16xf32, #tpu.memory_space<vmem>>) offsets(%arg8 : memref<512xi32, #tpu.memory_space<vmem>>) semaphore(%arg18 : memref<!tpu.dma_semaphore, #tpu.memory_space<semaphore_mem>>)
      %dma_wait3A_76 = arith.constant 0 : i32
      %dma_wait3A_77 = arith.constant 0 : i32
      %dma_wait3A_78 = tpu.memref_slice %arg4[%dma_wait3A_76, %dma_wait3A_77] : memref<10000x16xf32, #tpu.memory_space<hbm>> -> memref<10000x16xf32, #tpu.memory_space<hbm>>
      tpu.wait_indirect_dma semaphore(%arg19 : memref<!tpu.dma_semaphore, #tpu.memory_space<semaphore_mem>>) src(%dma_wait3A_78 : memref<10000x16xf32, #tpu.memory_space<hbm>>) dst(%arg13 : memref<512x16xf32, #tpu.memory_space<vmem>>)
      %dma_wait3A_79 = arith.constant 0 : i32
      %dma_wait3A_80 = arith.constant 0 : i32
      %dma_wait3A_81 = tpu.memref_slice %arg5[%dma_wait3A_79, %dma_wait3A_80] : memref<10000x16xf32, #tpu.memory_space<hbm>> -> memref<10000x16xf32, #tpu.memory_space<hbm>>
      tpu.wait_indirect_dma semaphore(%arg20 : memref<!tpu.dma_semaphore, #tpu.memory_space<semaphore_mem>>) src(%dma_wait3A_81 : memref<10000x16xf32, #tpu.memory_space<hbm>>) dst(%arg14 : memref<512x16xf32, #tpu.memory_space<vmem>>)
      %scan3A_82 = arith.constant 0 : i32
      %scan3A_83 = arith.constant 0 : i32
      %scan3A_84 = arith.constant 512 : i32
      %scan3A_85 = arith.addi %scan3A_83, %scan3A_84 : i32
      %scan3A_86 = arith.constant 1 : i32
      scf.for %scan3A_88 = %scan3A_83 to %scan3A_85 step %scan3A_86  : i32 {
        %get3A = arith.index_cast %scan3A_88 : i32 to index
        %get3A_89 = arith.constant 0 : index
        %get3A_90 = tpu.vector_load %arg13[%get3A, %get3A_89] {strides = array<i32>} : memref<512x16xf32, #tpu.memory_space<vmem>>, vector<1x16xf32>,
        %get3A_91 = vector.shape_cast %get3A_90 : vector<1x16xf32> to vector<16xf32>
        %get3A_92 = arith.index_cast %scan3A_88 : i32 to index
        %get3A_93 = arith.constant 0 : index
        %get3A_94 = tpu.vector_load %arg14[%get3A_92, %get3A_93] {strides = array<i32>} : memref<512x16xf32, #tpu.memory_space<vmem>>, vector<1x16xf32>,
        %get3A_95 = vector.shape_cast %get3A_94 : vector<1x16xf32> to vector<16xf32>
        %add3A_96 = arith.addf %get3A_91, %get3A_95 : vector<16xf32>
        %add3A_97 = arith.addi %multiple_of3A_65, %scan3A_88 : i32
        %lt3A = arith.constant 320000 : i32
        %lt3A_98 = arith.cmpi slt, %add3A_97, %lt3A : i32
        %jit3A = arith.constant 1.000000e+00 : f32
        %jit3A_99 = arith.constant 0.000000e+00 : f32
        %select_n3A = arith.select %lt3A_98, %jit3A, %jit3A_99 : f32
        %neg3A = arith.constant 0.000000e+00 : f32
        %neg3A_100 = vector.broadcast %neg3A : f32 to vector<16xf32>
        %neg3A_101 = arith.subf %neg3A_100, %add3A_96 : vector<16xf32>
        %exp3A = math.exp %neg3A_101 : vector<16xf32>
        %add3A_102 = arith.constant 1.000000e+00 : f32
        %add3A_103 = vector.broadcast %add3A_102 : f32 to vector<16xf32>
        %add3A_104 = arith.addf %add3A_103, %exp3A : vector<16xf32>
        %div3A = arith.constant 1.000000e+00 : f32
        %div3A_105 = vector.broadcast %div3A : f32 to vector<16xf32>
        %div3A_106 = arith.divf %div3A_105, %add3A_104 : vector<16xf32>
        %mul3A_107 = vector.broadcast %select_n3A : f32 to vector<16xf32>
        %mul3A_108 = arith.mulf %mul3A_107, %div3A_106 : vector<16xf32>
        %swap3A = arith.index_cast %scan3A_88 : i32 to index
        %swap3A_109 = arith.constant 0 : index
        %swap3A_110 = tpu.vector_load %arg16[%swap3A, %swap3A_109] {strides = array<i32>} : memref<512x16xf32, #tpu.memory_space<vmem>>, vector<1x16xf32>,
        %swap3A_111 = vector.shape_cast %swap3A_110 : vector<1x16xf32> to vector<16xf32>
        %swap3A_112 = vector.shape_cast %mul3A_108 : vector<16xf32> to vector<1x16xf32>
        tpu.vector_store %arg16[%swap3A, %swap3A_109], %swap3A_112 {strides = array<i32>} : memref<512x16xf32, #tpu.memory_space<vmem>>, vector<1x16xf32>,
      }
      %scan3A_87 = arith.constant 512 : i32
      "tpu.region"() ({
        %run_scoped3A = tpu.sem_alloc : memref<!tpu.dma_semaphore, #tpu.memory_space<semaphore_mem>>
        %dma_start3A_88 = arith.constant 0 : i32
        %dma_start3A_89 = tpu.memref_slice %arg6[%multiple_of3A_65, %dma_start3A_88] : memref<327680x16xf32, #tpu.memory_space<hbm>> -> memref<512x16xf32, #tpu.memory_space<hbm>>
        %dma_start3A_90 = arith.constant 0 : i32
        %dma_start3A_91 = tpu.memref_slice %arg6[%multiple_of3A_65, %dma_start3A_90] : memref<327680x16xf32, #tpu.memory_space<hbm>> -> memref<512x16xf32, #tpu.memory_space<hbm>>
        tpu.enqueue_dma source(%arg16 : memref<512x16xf32, #tpu.memory_space<vmem>>) target(%dma_start3A_91 : memref<512x16xf32, #tpu.memory_space<hbm>>) target_semaphore(%run_scoped3A : memref<!tpu.dma_semaphore, #tpu.memory_space<semaphore_mem>>)
        %dma_wait3A_92 = arith.constant 0 : i32
        %dma_wait3A_93 = tpu.memref_slice %arg6[%multiple_of3A_65, %dma_wait3A_92] : memref<327680x16xf32, #tpu.memory_space<hbm>> -> memref<512x16xf32, #tpu.memory_space<hbm>>
        %dma_wait3A_94 = arith.constant 0 : i32
        %dma_wait3A_95 = tpu.memref_slice %arg6[%multiple_of3A_65, %dma_wait3A_94] : memref<327680x16xf32, #tpu.memory_space<hbm>> -> memref<512x16xf32, #tpu.memory_space<hbm>>
        tpu.wait_dma2 semaphore(%run_scoped3A : memref<!tpu.dma_semaphore, #tpu.memory_space<semaphore_mem>>) src(%arg16 : memref<512x16xf32, #tpu.memory_space<vmem>>) dst(%dma_wait3A_95 : memref<512x16xf32, #tpu.memory_space<hbm>>)
        tpu.yield
      }) : () -> ()
    }
    %scan3A_14 = arith.constant 10 : i32
    %dma_wait3A = arith.constant 0 : i32
    %dma_wait3A_15 = arith.constant 0 : i32
    %dma_wait3A_16 = tpu.memref_slice %arg4[%dma_wait3A, %dma_wait3A_15] : memref<10000x16xf32, #tpu.memory_space<hbm>> -> memref<10000x16xf32, #tpu.memory_space<hbm>>
    tpu.wait_indirect_dma semaphore(%arg17 : memref<!tpu.dma_semaphore, #tpu.memory_space<semaphore_mem>>) src(%dma_wait3A_16 : memref<10000x16xf32, #tpu.memory_space<hbm>>) dst(%arg11 : memref<512x16xf32, #tpu.memory_space<vmem>>)
    %dma_wait3A_17 = arith.constant 0 : i32
    %dma_wait3A_18 = arith.constant 0 : i32
    %dma_wait3A_19 = tpu.memref_slice %arg5[%dma_wait3A_17, %dma_wait3A_18] : memref<10000x16xf32, #tpu.memory_space<hbm>> -> memref<10000x16xf32, #tpu.memory_space<hbm>>
    tpu.wait_indirect_dma semaphore(%arg18 : memref<!tpu.dma_semaphore, #tpu.memory_space<semaphore_mem>>) src(%dma_wait3A_19 : memref<10000x16xf32, #tpu.memory_space<hbm>>) dst(%arg12 : memref<512x16xf32, #tpu.memory_space<vmem>>)
    return
  }
}

#map = affine_map<(d0, d1) -> (0)>
#map1 = affine_map<(d0, d1) -> (0, 0)>
#map2 = affine_map<(d0, d1) -> (0, 0, 0)>
module attributes {stable_mosaic.version = 14 : i64} {
  func.func @k(%arg0: i32, %arg1: i32, %arg2: memref<327680xi32, #tpu.memory_space<hbm>>, %arg3: memref<327680xi32, #tpu.memory_space<hbm>>, %arg4: memref<327680x16xf32, #tpu.memory_space<hbm>>, %arg5: memref<10000x64xf32, #tpu.memory_space<hbm>>, %arg6: memref<4x16xi32, #tpu.memory_space<hbm>>, %arg7: memref<2x10000x64xf32, #tpu.memory_space<hbm>>, %arg8: memref<512xi32, #tpu.memory_space<vmem>>, %arg9: memref<512xi32, #tpu.memory_space<vmem>>, %arg10: memref<512xi32, #tpu.memory_space<vmem>>, %arg11: memref<512xi32, #tpu.memory_space<vmem>>, %arg12: memref<512x16xf32, #tpu.memory_space<vmem>>, %arg13: memref<512x16xf32, #tpu.memory_space<vmem>>, %arg14: memref<512x64xf32, #tpu.memory_space<vmem>>, %arg15: memref<512x64xf32, #tpu.memory_space<vmem>>, %arg16: memref<25x64xf32, #tpu.memory_space<vmem>>, %arg17: memref<4x16xi32, #tpu.memory_space<vmem>>, %arg18: memref<10000x64xf32, #tpu.memory_space<vmem_shared>>, %arg19: memref<!tpu.dma_semaphore, #tpu.memory_space<semaphore_mem>>, %arg20: memref<!tpu.dma_semaphore, #tpu.memory_space<semaphore_mem>>) attributes {dimension_semantics = [#tpu.dimension_semantics<core_parallel>, #tpu.dimension_semantics<subcore_parallel>], iteration_bounds = array<i64: 2, 16>, scalar_prefetch = 0 : i64, scratch_operands = 13 : i64, tpu.core_type = #tpu.core_type<sc_vector_subcore>, window_params = [{transform_indices = #map}, {transform_indices = #map}, {transform_indices = #map1}, {transform_indices = #map1}, {transform_indices = #map1}, {transform_indices = #map2}]} {
    %mul3A = arith.constant 2 : i32
    %mul3A_0 = arith.muli %arg1, %mul3A : i32
    %add3A = arith.addi %mul3A_0, %arg0 : i32
    %scan3A = arith.constant 0 : i32
    %scan3A_1 = arith.constant 0 : i32
    %scan3A_2 = arith.constant 25 : i32
    %scan3A_3 = arith.addi %scan3A_1, %scan3A_2 : i32
    %scan3A_4 = arith.constant 1 : i32
    scf.for %scan3A_52 = %scan3A_1 to %scan3A_3 step %scan3A_4  : i32 {
      %broadcast_in_dim3A = arith.constant 0.000000e+00 : f32
      %broadcast_in_dim3A_53 = vector.broadcast %broadcast_in_dim3A : f32 to vector<16xf32>
      %swap3A = arith.index_cast %scan3A_52 : i32 to index
      %swap3A_54 = arith.constant 0 : index
      %swap3A_55 = tpu.vector_load %arg16[%swap3A, %swap3A_54] {strides = array<i32>} : memref<25x64xf32, #tpu.memory_space<vmem>>, vector<1x16xf32>,
      %swap3A_56 = vector.shape_cast %swap3A_55 : vector<1x16xf32> to vector<16xf32>
      %swap3A_57 = vector.shape_cast %broadcast_in_dim3A_53 : vector<16xf32> to vector<1x16xf32>
      tpu.vector_store %arg16[%swap3A, %swap3A_54], %swap3A_57 {strides = array<i32>} : memref<25x64xf32, #tpu.memory_space<vmem>>, vector<1x16xf32>,
      %broadcast_in_dim3A_58 = arith.constant 0.000000e+00 : f32
      %broadcast_in_dim3A_59 = vector.broadcast %broadcast_in_dim3A_58 : f32 to vector<16xf32>
      %swap3A_60 = arith.index_cast %scan3A_52 : i32 to index
      %swap3A_61 = arith.constant 16 : index
      %swap3A_62 = tpu.vector_load %arg16[%swap3A_60, %swap3A_61] {strides = array<i32>} : memref<25x64xf32, #tpu.memory_space<vmem>>, vector<1x16xf32>,
      %swap3A_63 = vector.shape_cast %swap3A_62 : vector<1x16xf32> to vector<16xf32>
      %swap3A_64 = vector.shape_cast %broadcast_in_dim3A_59 : vector<16xf32> to vector<1x16xf32>
      tpu.vector_store %arg16[%swap3A_60, %swap3A_61], %swap3A_64 {strides = array<i32>} : memref<25x64xf32, #tpu.memory_space<vmem>>, vector<1x16xf32>,
      %broadcast_in_dim3A_65 = arith.constant 0.000000e+00 : f32
      %broadcast_in_dim3A_66 = vector.broadcast %broadcast_in_dim3A_65 : f32 to vector<16xf32>
      %swap3A_67 = arith.index_cast %scan3A_52 : i32 to index
      %swap3A_68 = arith.constant 32 : index
      %swap3A_69 = tpu.vector_load %arg16[%swap3A_67, %swap3A_68] {strides = array<i32>} : memref<25x64xf32, #tpu.memory_space<vmem>>, vector<1x16xf32>,
      %swap3A_70 = vector.shape_cast %swap3A_69 : vector<1x16xf32> to vector<16xf32>
      %swap3A_71 = vector.shape_cast %broadcast_in_dim3A_66 : vector<16xf32> to vector<1x16xf32>
      tpu.vector_store %arg16[%swap3A_67, %swap3A_68], %swap3A_71 {strides = array<i32>} : memref<25x64xf32, #tpu.memory_space<vmem>>, vector<1x16xf32>,
      %broadcast_in_dim3A_72 = arith.constant 0.000000e+00 : f32
      %broadcast_in_dim3A_73 = vector.broadcast %broadcast_in_dim3A_72 : f32 to vector<16xf32>
      %swap3A_74 = arith.index_cast %scan3A_52 : i32 to index
      %swap3A_75 = arith.constant 48 : index
      %swap3A_76 = tpu.vector_load %arg16[%swap3A_74, %swap3A_75] {strides = array<i32>} : memref<25x64xf32, #tpu.memory_space<vmem>>, vector<1x16xf32>,
      %swap3A_77 = vector.shape_cast %swap3A_76 : vector<1x16xf32> to vector<16xf32>
      %swap3A_78 = vector.shape_cast %broadcast_in_dim3A_73 : vector<16xf32> to vector<1x16xf32>
      tpu.vector_store %arg16[%swap3A_74, %swap3A_75], %swap3A_78 {strides = array<i32>} : memref<25x64xf32, #tpu.memory_space<vmem>>, vector<1x16xf32>,
    }
    %scan3A_5 = arith.constant 25 : i32
    %scan3A_6 = arith.constant 0 : i32
    %scan3A_7 = arith.constant 0 : i32
    %scan3A_8 = arith.constant 25 : i32
    %scan3A_9 = arith.addi %scan3A_7, %scan3A_8 : i32
    %scan3A_10 = arith.constant 1 : i32
    scf.for %scan3A_52 = %scan3A_7 to %scan3A_9 step %scan3A_10  : i32 {
      %mul3A_53 = arith.constant 625 : i32
      %mul3A_54 = arith.muli %arg1, %mul3A_53 : i32
      %mul3A_55 = arith.constant 25 : i32
      %mul3A_56 = arith.muli %scan3A_52, %mul3A_55 : i32
      %add3A_57 = arith.addi %mul3A_54, %mul3A_56 : i32
      "tpu.region"() ({
        %run_scoped3A = tpu.sem_alloc : memref<!tpu.dma_semaphore, #tpu.memory_space<semaphore_mem>>
        %dma_start3A_58 = arith.constant 0 : i32
        %dma_start3A_59 = tpu.memref_slice %arg18[%add3A_57, %dma_start3A_58] : memref<10000x64xf32, #tpu.memory_space<vmem_shared>> -> memref<25x64xf32, #tpu.memory_space<vmem_shared>>
        %dma_start3A_60 = arith.constant 0 : i32
        %dma_start3A_61 = tpu.memref_slice %arg18[%add3A_57, %dma_start3A_60] : memref<10000x64xf32, #tpu.memory_space<vmem_shared>> -> memref<25x64xf32, #tpu.memory_space<vmem_shared>>
        tpu.enqueue_dma source(%arg16 : memref<25x64xf32, #tpu.memory_space<vmem>>) target(%dma_start3A_61 : memref<25x64xf32, #tpu.memory_space<vmem_shared>>) target_semaphore(%run_scoped3A : memref<!tpu.dma_semaphore, #tpu.memory_space<semaphore_mem>>)
        %dma_wait3A_62 = arith.constant 0 : i32
        %dma_wait3A_63 = tpu.memref_slice %arg18[%add3A_57, %dma_wait3A_62] : memref<10000x64xf32, #tpu.memory_space<vmem_shared>> -> memref<25x64xf32, #tpu.memory_space<vmem_shared>>
        %dma_wait3A_64 = arith.constant 0 : i32
        %dma_wait3A_65 = tpu.memref_slice %arg18[%add3A_57, %dma_wait3A_64] : memref<10000x64xf32, #tpu.memory_space<vmem_shared>> -> memref<25x64xf32, #tpu.memory_space<vmem_shared>>
        tpu.wait_dma2 semaphore(%run_scoped3A : memref<!tpu.dma_semaphore, #tpu.memory_space<semaphore_mem>>) src(%arg16 : memref<25x64xf32, #tpu.memory_space<vmem>>) dst(%dma_wait3A_65 : memref<25x64xf32, #tpu.memory_space<vmem_shared>>)
        tpu.yield
      }) : () -> ()
    }
    %scan3A_11 = arith.constant 25 : i32
    %barrier3A = arith.constant 0 : index
    tpu.barrier barrier_id(%barrier3A)
    "tpu.region"() ({
      %run_scoped3A = tpu.sem_alloc : memref<!tpu.dma_semaphore, #tpu.memory_space<semaphore_mem>>
      tpu.enqueue_dma source(%arg6 : memref<4x16xi32, #tpu.memory_space<hbm>>) target(%arg17 : memref<4x16xi32, #tpu.memory_space<vmem>>) target_semaphore(%run_scoped3A : memref<!tpu.dma_semaphore, #tpu.memory_space<semaphore_mem>>)
      tpu.wait_dma2 semaphore(%run_scoped3A : memref<!tpu.dma_semaphore, #tpu.memory_space<semaphore_mem>>) src(%arg6 : memref<4x16xi32, #tpu.memory_space<hbm>>) dst(%arg17 : memref<4x16xi32, #tpu.memory_space<vmem>>)
      tpu.yield
    }) : () -> ()
    %get3A = arith.constant 0 : i32
    %get3A_12 = arith.index_cast %get3A : i32 to index
    %get3A_13 = arith.constant 0 : index
    %get3A_14 = tpu.vector_load %arg17[%get3A_12, %get3A_13] {strides = array<i32>} : memref<4x16xi32, #tpu.memory_space<vmem>>, vector<1x16xi32>,
    %get3A_15 = vector.shape_cast %get3A_14 : vector<1x16xi32> to vector<16xi32>
    %get3A_16 = arith.constant 1 : i32
    %get3A_17 = arith.index_cast %get3A_16 : i32 to index
    %get3A_18 = arith.constant 0 : index
    %get3A_19 = tpu.vector_load %arg17[%get3A_17, %get3A_18] {strides = array<i32>} : memref<4x16xi32, #tpu.memory_space<vmem>>, vector<1x16xi32>,
    %get3A_20 = vector.shape_cast %get3A_19 : vector<1x16xi32> to vector<16xi32>
    %get3A_21 = arith.constant 2 : i32
    %get3A_22 = arith.index_cast %get3A_21 : i32 to index
    %get3A_23 = arith.constant 0 : index
    %get3A_24 = tpu.vector_load %arg17[%get3A_22, %get3A_23] {strides = array<i32>} : memref<4x16xi32, #tpu.memory_space<vmem>>, vector<1x16xi32>,
    %get3A_25 = vector.shape_cast %get3A_24 : vector<1x16xi32> to vector<16xi32>
    %get3A_26 = arith.constant 3 : i32
    %get3A_27 = arith.index_cast %get3A_26 : i32 to index
    %get3A_28 = arith.constant 0 : index
    %get3A_29 = tpu.vector_load %arg17[%get3A_27, %get3A_28] {strides = array<i32>} : memref<4x16xi32, #tpu.memory_space<vmem>>, vector<1x16xi32>,
    %get3A_30 = vector.shape_cast %get3A_29 : vector<1x16xi32> to vector<16xi32>
    %mul3A_31 = arith.constant 10240 : i32
    %mul3A_32 = arith.muli %add3A, %mul3A_31 : i32
    %add3A_33 = arith.constant 0 : i32
    %add3A_34 = arith.addi %mul3A_32, %add3A_33 : i32
    %multiple_of3A = tpu.assume_multiple %add3A_34, 8 : i32
    "tpu.region"() ({
      %run_scoped3A = tpu.sem_alloc : memref<!tpu.dma_semaphore, #tpu.memory_space<semaphore_mem>>
      %dma_start3A_52 = tpu.memref_slice %arg2[%multiple_of3A] : memref<327680xi32, #tpu.memory_space<hbm>> -> memref<512xi32, #tpu.memory_space<hbm>>
      %dma_start3A_53 = tpu.memref_slice %arg2[%multiple_of3A] : memref<327680xi32, #tpu.memory_space<hbm>> -> memref<512xi32, #tpu.memory_space<hbm>>
      tpu.enqueue_dma source(%dma_start3A_53 : memref<512xi32, #tpu.memory_space<hbm>>) target(%arg8 : memref<512xi32, #tpu.memory_space<vmem>>) target_semaphore(%run_scoped3A : memref<!tpu.dma_semaphore, #tpu.memory_space<semaphore_mem>>)
      %dma_wait3A_54 = tpu.memref_slice %arg2[%multiple_of3A] : memref<327680xi32, #tpu.memory_space<hbm>> -> memref<512xi32, #tpu.memory_space<hbm>>
      %dma_wait3A_55 = tpu.memref_slice %arg2[%multiple_of3A] : memref<327680xi32, #tpu.memory_space<hbm>> -> memref<512xi32, #tpu.memory_space<hbm>>
      tpu.wait_dma2 semaphore(%run_scoped3A : memref<!tpu.dma_semaphore, #tpu.memory_space<semaphore_mem>>) src(%dma_wait3A_55 : memref<512xi32, #tpu.memory_space<hbm>>) dst(%arg8 : memref<512xi32, #tpu.memory_space<vmem>>)
      tpu.yield
    }) : () -> ()
    "tpu.region"() ({
      %run_scoped3A = tpu.sem_alloc : memref<!tpu.dma_semaphore, #tpu.memory_space<semaphore_mem>>
      %dma_start3A_52 = tpu.memref_slice %arg3[%multiple_of3A] : memref<327680xi32, #tpu.memory_space<hbm>> -> memref<512xi32, #tpu.memory_space<hbm>>
      %dma_start3A_53 = tpu.memref_slice %arg3[%multiple_of3A] : memref<327680xi32, #tpu.memory_space<hbm>> -> memref<512xi32, #tpu.memory_space<hbm>>
      tpu.enqueue_dma source(%dma_start3A_53 : memref<512xi32, #tpu.memory_space<hbm>>) target(%arg9 : memref<512xi32, #tpu.memory_space<vmem>>) target_semaphore(%run_scoped3A : memref<!tpu.dma_semaphore, #tpu.memory_space<semaphore_mem>>)
      %dma_wait3A_54 = tpu.memref_slice %arg3[%multiple_of3A] : memref<327680xi32, #tpu.memory_space<hbm>> -> memref<512xi32, #tpu.memory_space<hbm>>
      %dma_wait3A_55 = tpu.memref_slice %arg3[%multiple_of3A] : memref<327680xi32, #tpu.memory_space<hbm>> -> memref<512xi32, #tpu.memory_space<hbm>>
      tpu.wait_dma2 semaphore(%run_scoped3A : memref<!tpu.dma_semaphore, #tpu.memory_space<semaphore_mem>>) src(%dma_wait3A_55 : memref<512xi32, #tpu.memory_space<hbm>>) dst(%arg9 : memref<512xi32, #tpu.memory_space<vmem>>)
      tpu.yield
    }) : () -> ()
    "tpu.region"() ({
      %run_scoped3A = tpu.sem_alloc : memref<!tpu.dma_semaphore, #tpu.memory_space<semaphore_mem>>
      %dma_start3A_52 = arith.constant 0 : i32
      %dma_start3A_53 = tpu.memref_slice %arg4[%multiple_of3A, %dma_start3A_52] : memref<327680x16xf32, #tpu.memory_space<hbm>> -> memref<512x16xf32, #tpu.memory_space<hbm>>
      %dma_start3A_54 = arith.constant 0 : i32
      %dma_start3A_55 = tpu.memref_slice %arg4[%multiple_of3A, %dma_start3A_54] : memref<327680x16xf32, #tpu.memory_space<hbm>> -> memref<512x16xf32, #tpu.memory_space<hbm>>
      tpu.enqueue_dma source(%dma_start3A_55 : memref<512x16xf32, #tpu.memory_space<hbm>>) target(%arg12 : memref<512x16xf32, #tpu.memory_space<vmem>>) target_semaphore(%run_scoped3A : memref<!tpu.dma_semaphore, #tpu.memory_space<semaphore_mem>>)
      %dma_wait3A_56 = arith.constant 0 : i32
      %dma_wait3A_57 = tpu.memref_slice %arg4[%multiple_of3A, %dma_wait3A_56] : memref<327680x16xf32, #tpu.memory_space<hbm>> -> memref<512x16xf32, #tpu.memory_space<hbm>>
      %dma_wait3A_58 = arith.constant 0 : i32
      %dma_wait3A_59 = tpu.memref_slice %arg4[%multiple_of3A, %dma_wait3A_58] : memref<327680x16xf32, #tpu.memory_space<hbm>> -> memref<512x16xf32, #tpu.memory_space<hbm>>
      tpu.wait_dma2 semaphore(%run_scoped3A : memref<!tpu.dma_semaphore, #tpu.memory_space<semaphore_mem>>) src(%dma_wait3A_59 : memref<512x16xf32, #tpu.memory_space<hbm>>) dst(%arg12 : memref<512x16xf32, #tpu.memory_space<vmem>>)
      tpu.yield
    }) : () -> ()
    %dma_start3A = arith.constant 0 : i32
    %dma_start3A_35 = arith.constant 0 : i32
    %dma_start3A_36 = tpu.memref_slice %arg5[%dma_start3A, %dma_start3A_35] : memref<10000x64xf32, #tpu.memory_space<hbm>> -> memref<10000x64xf32, #tpu.memory_space<hbm>>
    tpu.enqueue_indirect_dma source(%dma_start3A_36 : memref<10000x64xf32, #tpu.memory_space<hbm>>) target(%arg14 : memref<512x64xf32, #tpu.memory_space<vmem>>) offsets(%arg8 : memref<512xi32, #tpu.memory_space<vmem>>) semaphore(%arg19 : memref<!tpu.dma_semaphore, #tpu.memory_space<semaphore_mem>>)
    %scan3A_37 = arith.constant 0 : i32
    %scan3A_38 = arith.constant 0 : i32
    %scan3A_39 = arith.constant 10 : i32
    %scan3A_40 = arith.addi %scan3A_38, %scan3A_39 : i32
    %scan3A_41 = arith.constant 1 : i32
    scf.for %scan3A_52 = %scan3A_38 to %scan3A_40 step %scan3A_41  : i32 {
      %mul3A_53 = arith.constant 2 : i32
      %mul3A_54 = arith.muli %mul3A_53, %scan3A_52 : i32
      %add3A_55 = arith.constant 1 : i32
      %add3A_56 = arith.addi %mul3A_54, %add3A_55 : i32
      %mul3A_57 = arith.constant 512 : i32
      %mul3A_58 = arith.muli %add3A_56, %mul3A_57 : i32
      %add3A_59 = arith.addi %mul3A_32, %mul3A_58 : i32
      %multiple_of3A_60 = tpu.assume_multiple %add3A_59, 8 : i32
      "tpu.region"() ({
        %run_scoped3A = tpu.sem_alloc : memref<!tpu.dma_semaphore, #tpu.memory_space<semaphore_mem>>
        %dma_start3A_94 = tpu.memref_slice %arg2[%multiple_of3A_60] : memref<327680xi32, #tpu.memory_space<hbm>> -> memref<512xi32, #tpu.memory_space<hbm>>
        %dma_start3A_95 = tpu.memref_slice %arg2[%multiple_of3A_60] : memref<327680xi32, #tpu.memory_space<hbm>> -> memref<512xi32, #tpu.memory_space<hbm>>
        tpu.enqueue_dma source(%dma_start3A_95 : memref<512xi32, #tpu.memory_space<hbm>>) target(%arg10 : memref<512xi32, #tpu.memory_space<vmem>>) target_semaphore(%run_scoped3A : memref<!tpu.dma_semaphore, #tpu.memory_space<semaphore_mem>>)
        %dma_wait3A_96 = tpu.memref_slice %arg2[%multiple_of3A_60] : memref<327680xi32, #tpu.memory_space<hbm>> -> memref<512xi32, #tpu.memory_space<hbm>>
        %dma_wait3A_97 = tpu.memref_slice %arg2[%multiple_of3A_60] : memref<327680xi32, #tpu.memory_space<hbm>> -> memref<512xi32, #tpu.memory_space<hbm>>
        tpu.wait_dma2 semaphore(%run_scoped3A : memref<!tpu.dma_semaphore, #tpu.memory_space<semaphore_mem>>) src(%dma_wait3A_97 : memref<512xi32, #tpu.memory_space<hbm>>) dst(%arg10 : memref<512xi32, #tpu.memory_space<vmem>>)
        tpu.yield
      }) : () -> ()
      "tpu.region"() ({
        %run_scoped3A = tpu.sem_alloc : memref<!tpu.dma_semaphore, #tpu.memory_space<semaphore_mem>>
        %dma_start3A_94 = tpu.memref_slice %arg3[%multiple_of3A_60] : memref<327680xi32, #tpu.memory_space<hbm>> -> memref<512xi32, #tpu.memory_space<hbm>>
        %dma_start3A_95 = tpu.memref_slice %arg3[%multiple_of3A_60] : memref<327680xi32, #tpu.memory_space<hbm>> -> memref<512xi32, #tpu.memory_space<hbm>>
        tpu.enqueue_dma source(%dma_start3A_95 : memref<512xi32, #tpu.memory_space<hbm>>) target(%arg11 : memref<512xi32, #tpu.memory_space<vmem>>) target_semaphore(%run_scoped3A : memref<!tpu.dma_semaphore, #tpu.memory_space<semaphore_mem>>)
        %dma_wait3A_96 = tpu.memref_slice %arg3[%multiple_of3A_60] : memref<327680xi32, #tpu.memory_space<hbm>> -> memref<512xi32, #tpu.memory_space<hbm>>
        %dma_wait3A_97 = tpu.memref_slice %arg3[%multiple_of3A_60] : memref<327680xi32, #tpu.memory_space<hbm>> -> memref<512xi32, #tpu.memory_space<hbm>>
        tpu.wait_dma2 semaphore(%run_scoped3A : memref<!tpu.dma_semaphore, #tpu.memory_space<semaphore_mem>>) src(%dma_wait3A_97 : memref<512xi32, #tpu.memory_space<hbm>>) dst(%arg11 : memref<512xi32, #tpu.memory_space<vmem>>)
        tpu.yield
      }) : () -> ()
      "tpu.region"() ({
        %run_scoped3A = tpu.sem_alloc : memref<!tpu.dma_semaphore, #tpu.memory_space<semaphore_mem>>
        %dma_start3A_94 = arith.constant 0 : i32
        %dma_start3A_95 = tpu.memref_slice %arg4[%multiple_of3A_60, %dma_start3A_94] : memref<327680x16xf32, #tpu.memory_space<hbm>> -> memref<512x16xf32, #tpu.memory_space<hbm>>
        %dma_start3A_96 = arith.constant 0 : i32
        %dma_start3A_97 = tpu.memref_slice %arg4[%multiple_of3A_60, %dma_start3A_96] : memref<327680x16xf32, #tpu.memory_space<hbm>> -> memref<512x16xf32, #tpu.memory_space<hbm>>
        tpu.enqueue_dma source(%dma_start3A_97 : memref<512x16xf32, #tpu.memory_space<hbm>>) target(%arg13 : memref<512x16xf32, #tpu.memory_space<vmem>>) target_semaphore(%run_scoped3A : memref<!tpu.dma_semaphore, #tpu.memory_space<semaphore_mem>>)
        %dma_wait3A_98 = arith.constant 0 : i32
        %dma_wait3A_99 = tpu.memref_slice %arg4[%multiple_of3A_60, %dma_wait3A_98] : memref<327680x16xf32, #tpu.memory_space<hbm>> -> memref<512x16xf32, #tpu.memory_space<hbm>>
        %dma_wait3A_100 = arith.constant 0 : i32
        %dma_wait3A_101 = tpu.memref_slice %arg4[%multiple_of3A_60, %dma_wait3A_100] : memref<327680x16xf32, #tpu.memory_space<hbm>> -> memref<512x16xf32, #tpu.memory_space<hbm>>
        tpu.wait_dma2 semaphore(%run_scoped3A : memref<!tpu.dma_semaphore, #tpu.memory_space<semaphore_mem>>) src(%dma_wait3A_101 : memref<512x16xf32, #tpu.memory_space<hbm>>) dst(%arg13 : memref<512x16xf32, #tpu.memory_space<vmem>>)
        tpu.yield
      }) : () -> ()
      %dma_start3A_61 = arith.constant 0 : i32
      %dma_start3A_62 = arith.constant 0 : i32
      %dma_start3A_63 = tpu.memref_slice %arg5[%dma_start3A_61, %dma_start3A_62] : memref<10000x64xf32, #tpu.memory_space<hbm>> -> memref<10000x64xf32, #tpu.memory_space<hbm>>
      tpu.enqueue_indirect_dma source(%dma_start3A_63 : memref<10000x64xf32, #tpu.memory_space<hbm>>) target(%arg15 : memref<512x64xf32, #tpu.memory_space<vmem>>) offsets(%arg10 : memref<512xi32, #tpu.memory_space<vmem>>) semaphore(%arg20 : memref<!tpu.dma_semaphore, #tpu.memory_space<semaphore_mem>>)
      %dma_wait3A_64 = arith.constant 0 : i32
      %dma_wait3A_65 = arith.constant 0 : i32
      %dma_wait3A_66 = tpu.memref_slice %arg5[%dma_wait3A_64, %dma_wait3A_65] : memref<10000x64xf32, #tpu.memory_space<hbm>> -> memref<10000x64xf32, #tpu.memory_space<hbm>>
      tpu.wait_indirect_dma semaphore(%arg19 : memref<!tpu.dma_semaphore, #tpu.memory_space<semaphore_mem>>) src(%dma_wait3A_66 : memref<10000x64xf32, #tpu.memory_space<hbm>>) dst(%arg14 : memref<512x64xf32, #tpu.memory_space<vmem>>)
      %scan3A_67 = arith.constant 0 : i32
      %scan3A_68 = arith.constant 0 : i32
      %scan3A_69 = arith.constant 512 : i32
      %scan3A_70 = arith.addi %scan3A_68, %scan3A_69 : i32
      %scan3A_71 = arith.constant 1 : i32
      scf.for %scan3A_94 = %scan3A_68 to %scan3A_70 step %scan3A_71  : i32 {
        %get3A_95 = arith.index_cast %scan3A_94 : i32 to index
        %get3A_96 = arith.constant 0 : index
        %get3A_97 = tpu.vector_load %arg12[%get3A_95, %get3A_96] {strides = array<i32>} : memref<512x16xf32, #tpu.memory_space<vmem>>, vector<1x16xf32>,
        %get3A_98 = vector.shape_cast %get3A_97 : vector<1x16xf32> to vector<16xf32>
        %lt3A = arith.constant 0 : i32
        %lt3A_99 = vector.broadcast %lt3A : i32 to vector<16xi32>
        %lt3A_100 = arith.cmpi slt, %get3A_15, %lt3A_99 : vector<16xi32>
        %add3A_101 = arith.constant 16 : i32
        %add3A_102 = vector.broadcast %add3A_101 : i32 to vector<16xi32>
        %add3A_103 = arith.addi %get3A_15, %add3A_102 : vector<16xi32>
        %select_n3A = arith.select %lt3A_100, %add3A_103, %get3A_15 : vector<16xi1>, vector<16xi32>
        %broadcast_in_dim3A = vector.shape_cast %select_n3A : vector<16xi32> to vector<16x1xi32>
        %gather3A = vector.shape_cast %broadcast_in_dim3A : vector<16x1xi32> to vector<16xi32>
        %gather3A_104 = tpu.dynamic_gather %get3A_98[%gather3A] in [0] : vector<16xf32>, vector<16xi32> -> vector<16xf32>
        %get3A_105 = arith.index_cast %scan3A_94 : i32 to index
        %get3A_106 = arith.constant 0 : index
        %get3A_107 = tpu.vector_load %arg14[%get3A_105, %get3A_106] {strides = array<i32>} : memref<512x64xf32, #tpu.memory_space<vmem>>, vector<1x16xf32>,
        %get3A_108 = vector.shape_cast %get3A_107 : vector<1x16xf32> to vector<16xf32>
        %mul3A_109 = arith.mulf %get3A_108, %gather3A_104 : vector<16xf32>
        %swap3A = arith.index_cast %scan3A_94 : i32 to index
        %swap3A_110 = arith.constant 0 : index
        %swap3A_111 = tpu.vector_load %arg14[%swap3A, %swap3A_110] {strides = array<i32>} : memref<512x64xf32, #tpu.memory_space<vmem>>, vector<1x16xf32>,
        %swap3A_112 = vector.shape_cast %swap3A_111 : vector<1x16xf32> to vector<16xf32>
        %swap3A_113 = vector.shape_cast %mul3A_109 : vector<16xf32> to vector<1x16xf32>
        tpu.vector_store %arg14[%swap3A, %swap3A_110], %swap3A_113 {strides = array<i32>} : memref<512x64xf32, #tpu.memory_space<vmem>>, vector<1x16xf32>,
        %lt3A_114 = arith.constant 0 : i32
        %lt3A_115 = vector.broadcast %lt3A_114 : i32 to vector<16xi32>
        %lt3A_116 = arith.cmpi slt, %get3A_20, %lt3A_115 : vector<16xi32>
        %add3A_117 = arith.constant 16 : i32
        %add3A_118 = vector.broadcast %add3A_117 : i32 to vector<16xi32>
        %add3A_119 = arith.addi %get3A_20, %add3A_118 : vector<16xi32>
        %select_n3A_120 = arith.select %lt3A_116, %add3A_119, %get3A_20 : vector<16xi1>, vector<16xi32>
        %broadcast_in_dim3A_121 = vector.shape_cast %select_n3A_120 : vector<16xi32> to vector<16x1xi32>
        %gather3A_122 = vector.shape_cast %broadcast_in_dim3A_121 : vector<16x1xi32> to vector<16xi32>
        %gather3A_123 = tpu.dynamic_gather %get3A_98[%gather3A_122] in [0] : vector<16xf32>, vector<16xi32> -> vector<16xf32>
        %get3A_124 = arith.index_cast %scan3A_94 : i32 to index
        %get3A_125 = arith.constant 16 : index
        %get3A_126 = tpu.vector_load %arg14[%get3A_124, %get3A_125] {strides = array<i32>} : memref<512x64xf32, #tpu.memory_space<vmem>>, vector<1x16xf32>,
        %get3A_127 = vector.shape_cast %get3A_126 : vector<1x16xf32> to vector<16xf32>
        %mul3A_128 = arith.mulf %get3A_127, %gather3A_123 : vector<16xf32>
        %swap3A_129 = arith.index_cast %scan3A_94 : i32 to index
        %swap3A_130 = arith.constant 16 : index
        %swap3A_131 = tpu.vector_load %arg14[%swap3A_129, %swap3A_130] {strides = array<i32>} : memref<512x64xf32, #tpu.memory_space<vmem>>, vector<1x16xf32>,
        %swap3A_132 = vector.shape_cast %swap3A_131 : vector<1x16xf32> to vector<16xf32>
        %swap3A_133 = vector.shape_cast %mul3A_128 : vector<16xf32> to vector<1x16xf32>
        tpu.vector_store %arg14[%swap3A_129, %swap3A_130], %swap3A_133 {strides = array<i32>} : memref<512x64xf32, #tpu.memory_space<vmem>>, vector<1x16xf32>,
        %lt3A_134 = arith.constant 0 : i32
        %lt3A_135 = vector.broadcast %lt3A_134 : i32 to vector<16xi32>
        %lt3A_136 = arith.cmpi slt, %get3A_25, %lt3A_135 : vector<16xi32>
        %add3A_137 = arith.constant 16 : i32
        %add3A_138 = vector.broadcast %add3A_137 : i32 to vector<16xi32>
        %add3A_139 = arith.addi %get3A_25, %add3A_138 : vector<16xi32>
        %select_n3A_140 = arith.select %lt3A_136, %add3A_139, %get3A_25 : vector<16xi1>, vector<16xi32>
        %broadcast_in_dim3A_141 = vector.shape_cast %select_n3A_140 : vector<16xi32> to vector<16x1xi32>
        %gather3A_142 = vector.shape_cast %broadcast_in_dim3A_141 : vector<16x1xi32> to vector<16xi32>
        %gather3A_143 = tpu.dynamic_gather %get3A_98[%gather3A_142] in [0] : vector<16xf32>, vector<16xi32> -> vector<16xf32>
        %get3A_144 = arith.index_cast %scan3A_94 : i32 to index
        %get3A_145 = arith.constant 32 : index
        %get3A_146 = tpu.vector_load %arg14[%get3A_144, %get3A_145] {strides = array<i32>} : memref<512x64xf32, #tpu.memory_space<vmem>>, vector<1x16xf32>,
        %get3A_147 = vector.shape_cast %get3A_146 : vector<1x16xf32> to vector<16xf32>
        %mul3A_148 = arith.mulf %get3A_147, %gather3A_143 : vector<16xf32>
        %swap3A_149 = arith.index_cast %scan3A_94 : i32 to index
        %swap3A_150 = arith.constant 32 : index
        %swap3A_151 = tpu.vector_load %arg14[%swap3A_149, %swap3A_150] {strides = array<i32>} : memref<512x64xf32, #tpu.memory_space<vmem>>, vector<1x16xf32>,
        %swap3A_152 = vector.shape_cast %swap3A_151 : vector<1x16xf32> to vector<16xf32>
        %swap3A_153 = vector.shape_cast %mul3A_148 : vector<16xf32> to vector<1x16xf32>
        tpu.vector_store %arg14[%swap3A_149, %swap3A_150], %swap3A_153 {strides = array<i32>} : memref<512x64xf32, #tpu.memory_space<vmem>>, vector<1x16xf32>,
        %lt3A_154 = arith.constant 0 : i32
        %lt3A_155 = vector.broadcast %lt3A_154 : i32 to vector<16xi32>
        %lt3A_156 = arith.cmpi slt, %get3A_30, %lt3A_155 : vector<16xi32>
        %add3A_157 = arith.constant 16 : i32
        %add3A_158 = vector.broadcast %add3A_157 : i32 to vector<16xi32>
        %add3A_159 = arith.addi %get3A_30, %add3A_158 : vector<16xi32>
        %select_n3A_160 = arith.select %lt3A_156, %add3A_159, %get3A_30 : vector<16xi1>, vector<16xi32>
        %broadcast_in_dim3A_161 = vector.shape_cast %select_n3A_160 : vector<16xi32> to vector<16x1xi32>
        %gather3A_162 = vector.shape_cast %broadcast_in_dim3A_161 : vector<16x1xi32> to vector<16xi32>
        %gather3A_163 = tpu.dynamic_gather %get3A_98[%gather3A_162] in [0] : vector<16xf32>, vector<16xi32> -> vector<16xf32>
        %get3A_164 = arith.index_cast %scan3A_94 : i32 to index
        %get3A_165 = arith.constant 48 : index
        %get3A_166 = tpu.vector_load %arg14[%get3A_164, %get3A_165] {strides = array<i32>} : memref<512x64xf32, #tpu.memory_space<vmem>>, vector<1x16xf32>,
        %get3A_167 = vector.shape_cast %get3A_166 : vector<1x16xf32> to vector<16xf32>
        %mul3A_168 = arith.mulf %get3A_167, %gather3A_163 : vector<16xf32>
        %swap3A_169 = arith.index_cast %scan3A_94 : i32 to index
        %swap3A_170 = arith.constant 48 : index
        %swap3A_171 = tpu.vector_load %arg14[%swap3A_169, %swap3A_170] {strides = array<i32>} : memref<512x64xf32, #tpu.memory_space<vmem>>, vector<1x16xf32>,
        %swap3A_172 = vector.shape_cast %swap3A_171 : vector<1x16xf32> to vector<16xf32>
        %swap3A_173 = vector.shape_cast %mul3A_168 : vector<16xf32> to vector<1x16xf32>
        tpu.vector_store %arg14[%swap3A_169, %swap3A_170], %swap3A_173 {strides = array<i32>} : memref<512x64xf32, #tpu.memory_space<vmem>>, vector<1x16xf32>,
      }
      %scan3A_72 = arith.constant 512 : i32
      "tpu.region"() ({
        %run_scoped3A = tpu.sem_alloc : memref<!tpu.dma_semaphore, #tpu.memory_space<semaphore_mem>>
        %dma_start3A_94 = arith.constant 0 : i32
        %dma_start3A_95 = arith.constant 0 : i32
        %dma_start3A_96 = tpu.memref_slice %arg18[%dma_start3A_94, %dma_start3A_95] : memref<10000x64xf32, #tpu.memory_space<vmem_shared>> -> memref<10000x64xf32, #tpu.memory_space<vmem_shared>>
        tpu.enqueue_indirect_dma source(%arg14 : memref<512x64xf32, #tpu.memory_space<vmem>>) target(%dma_start3A_96 : memref<10000x64xf32, #tpu.memory_space<vmem_shared>>) offsets(%arg9 : memref<512xi32, #tpu.memory_space<vmem>>) semaphore(%run_scoped3A : memref<!tpu.dma_semaphore, #tpu.memory_space<semaphore_mem>>) {add = true}
        %dma_wait3A_97 = arith.constant 0 : i32
        %dma_wait3A_98 = arith.constant 0 : i32
        %dma_wait3A_99 = tpu.memref_slice %arg18[%dma_wait3A_97, %dma_wait3A_98] : memref<10000x64xf32, #tpu.memory_space<vmem_shared>> -> memref<10000x64xf32, #tpu.memory_space<vmem_shared>>
        tpu.wait_indirect_dma semaphore(%run_scoped3A : memref<!tpu.dma_semaphore, #tpu.memory_space<semaphore_mem>>) src(%arg14 : memref<512x64xf32, #tpu.memory_space<vmem>>) dst(%dma_wait3A_99 : memref<10000x64xf32, #tpu.memory_space<vmem_shared>>)
        tpu.yield
      }) : () -> ()
      %mul3A_73 = arith.constant 2 : i32
      %mul3A_74 = arith.muli %mul3A_73, %scan3A_52 : i32
      %add3A_75 = arith.constant 2 : i32
      %add3A_76 = arith.addi %mul3A_74, %add3A_75 : i32
      %rem3A = arith.constant 20 : i32
      %rem3A_77 = arith.remsi %add3A_76, %rem3A : i32
      %mul3A_78 = arith.constant 512 : i32
      %mul3A_79 = arith.muli %rem3A_77, %mul3A_78 : i32
      %add3A_80 = arith.addi %mul3A_32, %mul3A_79 : i32
      %multiple_of3A_81 = tpu.assume_multiple %add3A_80, 8 : i32
      "tpu.region"() ({
        %run_scoped3A = tpu.sem_alloc : memref<!tpu.dma_semaphore, #tpu.memory_space<semaphore_mem>>
        %dma_start3A_94 = tpu.memref_slice %arg2[%multiple_of3A_81] : memref<327680xi32, #tpu.memory_space<hbm>> -> memref<512xi32, #tpu.memory_space<hbm>>
        %dma_start3A_95 = tpu.memref_slice %arg2[%multiple_of3A_81] : memref<327680xi32, #tpu.memory_space<hbm>> -> memref<512xi32, #tpu.memory_space<hbm>>
        tpu.enqueue_dma source(%dma_start3A_95 : memref<512xi32, #tpu.memory_space<hbm>>) target(%arg8 : memref<512xi32, #tpu.memory_space<vmem>>) target_semaphore(%run_scoped3A : memref<!tpu.dma_semaphore, #tpu.memory_space<semaphore_mem>>)
        %dma_wait3A_96 = tpu.memref_slice %arg2[%multiple_of3A_81] : memref<327680xi32, #tpu.memory_space<hbm>> -> memref<512xi32, #tpu.memory_space<hbm>>
        %dma_wait3A_97 = tpu.memref_slice %arg2[%multiple_of3A_81] : memref<327680xi32, #tpu.memory_space<hbm>> -> memref<512xi32, #tpu.memory_space<hbm>>
        tpu.wait_dma2 semaphore(%run_scoped3A : memref<!tpu.dma_semaphore, #tpu.memory_space<semaphore_mem>>) src(%dma_wait3A_97 : memref<512xi32, #tpu.memory_space<hbm>>) dst(%arg8 : memref<512xi32, #tpu.memory_space<vmem>>)
        tpu.yield
      }) : () -> ()
      "tpu.region"() ({
        %run_scoped3A = tpu.sem_alloc : memref<!tpu.dma_semaphore, #tpu.memory_space<semaphore_mem>>
        %dma_start3A_94 = tpu.memref_slice %arg3[%multiple_of3A_81] : memref<327680xi32, #tpu.memory_space<hbm>> -> memref<512xi32, #tpu.memory_space<hbm>>
        %dma_start3A_95 = tpu.memref_slice %arg3[%multiple_of3A_81] : memref<327680xi32, #tpu.memory_space<hbm>> -> memref<512xi32, #tpu.memory_space<hbm>>
        tpu.enqueue_dma source(%dma_start3A_95 : memref<512xi32, #tpu.memory_space<hbm>>) target(%arg9 : memref<512xi32, #tpu.memory_space<vmem>>) target_semaphore(%run_scoped3A : memref<!tpu.dma_semaphore, #tpu.memory_space<semaphore_mem>>)
        %dma_wait3A_96 = tpu.memref_slice %arg3[%multiple_of3A_81] : memref<327680xi32, #tpu.memory_space<hbm>> -> memref<512xi32, #tpu.memory_space<hbm>>
        %dma_wait3A_97 = tpu.memref_slice %arg3[%multiple_of3A_81] : memref<327680xi32, #tpu.memory_space<hbm>> -> memref<512xi32, #tpu.memory_space<hbm>>
        tpu.wait_dma2 semaphore(%run_scoped3A : memref<!tpu.dma_semaphore, #tpu.memory_space<semaphore_mem>>) src(%dma_wait3A_97 : memref<512xi32, #tpu.memory_space<hbm>>) dst(%arg9 : memref<512xi32, #tpu.memory_space<vmem>>)
        tpu.yield
      }) : () -> ()
      "tpu.region"() ({
        %run_scoped3A = tpu.sem_alloc : memref<!tpu.dma_semaphore, #tpu.memory_space<semaphore_mem>>
        %dma_start3A_94 = arith.constant 0 : i32
        %dma_start3A_95 = tpu.memref_slice %arg4[%multiple_of3A_81, %dma_start3A_94] : memref<327680x16xf32, #tpu.memory_space<hbm>> -> memref<512x16xf32, #tpu.memory_space<hbm>>
        %dma_start3A_96 = arith.constant 0 : i32
        %dma_start3A_97 = tpu.memref_slice %arg4[%multiple_of3A_81, %dma_start3A_96] : memref<327680x16xf32, #tpu.memory_space<hbm>> -> memref<512x16xf32, #tpu.memory_space<hbm>>
        tpu.enqueue_dma source(%dma_start3A_97 : memref<512x16xf32, #tpu.memory_space<hbm>>) target(%arg12 : memref<512x16xf32, #tpu.memory_space<vmem>>) target_semaphore(%run_scoped3A : memref<!tpu.dma_semaphore, #tpu.memory_space<semaphore_mem>>)
        %dma_wait3A_98 = arith.constant 0 : i32
        %dma_wait3A_99 = tpu.memref_slice %arg4[%multiple_of3A_81, %dma_wait3A_98] : memref<327680x16xf32, #tpu.memory_space<hbm>> -> memref<512x16xf32, #tpu.memory_space<hbm>>
        %dma_wait3A_100 = arith.constant 0 : i32
        %dma_wait3A_101 = tpu.memref_slice %arg4[%multiple_of3A_81, %dma_wait3A_100] : memref<327680x16xf32, #tpu.memory_space<hbm>> -> memref<512x16xf32, #tpu.memory_space<hbm>>
        tpu.wait_dma2 semaphore(%run_scoped3A : memref<!tpu.dma_semaphore, #tpu.memory_space<semaphore_mem>>) src(%dma_wait3A_101 : memref<512x16xf32, #tpu.memory_space<hbm>>) dst(%arg12 : memref<512x16xf32, #tpu.memory_space<vmem>>)
        tpu.yield
      }) : () -> ()
      %dma_start3A_82 = arith.constant 0 : i32
      %dma_start3A_83 = arith.constant 0 : i32
      %dma_start3A_84 = tpu.memref_slice %arg5[%dma_start3A_82, %dma_start3A_83] : memref<10000x64xf32, #tpu.memory_space<hbm>> -> memref<10000x64xf32, #tpu.memory_space<hbm>>
      tpu.enqueue_indirect_dma source(%dma_start3A_84 : memref<10000x64xf32, #tpu.memory_space<hbm>>) target(%arg14 : memref<512x64xf32, #tpu.memory_space<vmem>>) offsets(%arg8 : memref<512xi32, #tpu.memory_space<vmem>>) semaphore(%arg19 : memref<!tpu.dma_semaphore, #tpu.memory_space<semaphore_mem>>)
      %dma_wait3A_85 = arith.constant 0 : i32
      %dma_wait3A_86 = arith.constant 0 : i32
      %dma_wait3A_87 = tpu.memref_slice %arg5[%dma_wait3A_85, %dma_wait3A_86] : memref<10000x64xf32, #tpu.memory_space<hbm>> -> memref<10000x64xf32, #tpu.memory_space<hbm>>
      tpu.wait_indirect_dma semaphore(%arg20 : memref<!tpu.dma_semaphore, #tpu.memory_space<semaphore_mem>>) src(%dma_wait3A_87 : memref<10000x64xf32, #tpu.memory_space<hbm>>) dst(%arg15 : memref<512x64xf32, #tpu.memory_space<vmem>>)
      %scan3A_88 = arith.constant 0 : i32
      %scan3A_89 = arith.constant 0 : i32
      %scan3A_90 = arith.constant 512 : i32
      %scan3A_91 = arith.addi %scan3A_89, %scan3A_90 : i32
      %scan3A_92 = arith.constant 1 : i32
      scf.for %scan3A_94 = %scan3A_89 to %scan3A_91 step %scan3A_92  : i32 {
        %get3A_95 = arith.index_cast %scan3A_94 : i32 to index
        %get3A_96 = arith.constant 0 : index
        %get3A_97 = tpu.vector_load %arg13[%get3A_95, %get3A_96] {strides = array<i32>} : memref<512x16xf32, #tpu.memory_space<vmem>>, vector<1x16xf32>,
        %get3A_98 = vector.shape_cast %get3A_97 : vector<1x16xf32> to vector<16xf32>
        %lt3A = arith.constant 0 : i32
        %lt3A_99 = vector.broadcast %lt3A : i32 to vector<16xi32>
        %lt3A_100 = arith.cmpi slt, %get3A_15, %lt3A_99 : vector<16xi32>
        %add3A_101 = arith.constant 16 : i32
        %add3A_102 = vector.broadcast %add3A_101 : i32 to vector<16xi32>
        %add3A_103 = arith.addi %get3A_15, %add3A_102 : vector<16xi32>
        %select_n3A = arith.select %lt3A_100, %add3A_103, %get3A_15 : vector<16xi1>, vector<16xi32>
        %broadcast_in_dim3A = vector.shape_cast %select_n3A : vector<16xi32> to vector<16x1xi32>
        %gather3A = vector.shape_cast %broadcast_in_dim3A : vector<16x1xi32> to vector<16xi32>
        %gather3A_104 = tpu.dynamic_gather %get3A_98[%gather3A] in [0] : vector<16xf32>, vector<16xi32> -> vector<16xf32>
        %get3A_105 = arith.index_cast %scan3A_94 : i32 to index
        %get3A_106 = arith.constant 0 : index
        %get3A_107 = tpu.vector_load %arg15[%get3A_105, %get3A_106] {strides = array<i32>} : memref<512x64xf32, #tpu.memory_space<vmem>>, vector<1x16xf32>,
        %get3A_108 = vector.shape_cast %get3A_107 : vector<1x16xf32> to vector<16xf32>
        %mul3A_109 = arith.mulf %get3A_108, %gather3A_104 : vector<16xf32>
        %swap3A = arith.index_cast %scan3A_94 : i32 to index
        %swap3A_110 = arith.constant 0 : index
        %swap3A_111 = tpu.vector_load %arg15[%swap3A, %swap3A_110] {strides = array<i32>} : memref<512x64xf32, #tpu.memory_space<vmem>>, vector<1x16xf32>,
        %swap3A_112 = vector.shape_cast %swap3A_111 : vector<1x16xf32> to vector<16xf32>
        %swap3A_113 = vector.shape_cast %mul3A_109 : vector<16xf32> to vector<1x16xf32>
        tpu.vector_store %arg15[%swap3A, %swap3A_110], %swap3A_113 {strides = array<i32>} : memref<512x64xf32, #tpu.memory_space<vmem>>, vector<1x16xf32>,
        %lt3A_114 = arith.constant 0 : i32
        %lt3A_115 = vector.broadcast %lt3A_114 : i32 to vector<16xi32>
        %lt3A_116 = arith.cmpi slt, %get3A_20, %lt3A_115 : vector<16xi32>
        %add3A_117 = arith.constant 16 : i32
        %add3A_118 = vector.broadcast %add3A_117 : i32 to vector<16xi32>
        %add3A_119 = arith.addi %get3A_20, %add3A_118 : vector<16xi32>
        %select_n3A_120 = arith.select %lt3A_116, %add3A_119, %get3A_20 : vector<16xi1>, vector<16xi32>
        %broadcast_in_dim3A_121 = vector.shape_cast %select_n3A_120 : vector<16xi32> to vector<16x1xi32>
        %gather3A_122 = vector.shape_cast %broadcast_in_dim3A_121 : vector<16x1xi32> to vector<16xi32>
        %gather3A_123 = tpu.dynamic_gather %get3A_98[%gather3A_122] in [0] : vector<16xf32>, vector<16xi32> -> vector<16xf32>
        %get3A_124 = arith.index_cast %scan3A_94 : i32 to index
        %get3A_125 = arith.constant 16 : index
        %get3A_126 = tpu.vector_load %arg15[%get3A_124, %get3A_125] {strides = array<i32>} : memref<512x64xf32, #tpu.memory_space<vmem>>, vector<1x16xf32>,
        %get3A_127 = vector.shape_cast %get3A_126 : vector<1x16xf32> to vector<16xf32>
        %mul3A_128 = arith.mulf %get3A_127, %gather3A_123 : vector<16xf32>
        %swap3A_129 = arith.index_cast %scan3A_94 : i32 to index
        %swap3A_130 = arith.constant 16 : index
        %swap3A_131 = tpu.vector_load %arg15[%swap3A_129, %swap3A_130] {strides = array<i32>} : memref<512x64xf32, #tpu.memory_space<vmem>>, vector<1x16xf32>,
        %swap3A_132 = vector.shape_cast %swap3A_131 : vector<1x16xf32> to vector<16xf32>
        %swap3A_133 = vector.shape_cast %mul3A_128 : vector<16xf32> to vector<1x16xf32>
        tpu.vector_store %arg15[%swap3A_129, %swap3A_130], %swap3A_133 {strides = array<i32>} : memref<512x64xf32, #tpu.memory_space<vmem>>, vector<1x16xf32>,
        %lt3A_134 = arith.constant 0 : i32
        %lt3A_135 = vector.broadcast %lt3A_134 : i32 to vector<16xi32>
        %lt3A_136 = arith.cmpi slt, %get3A_25, %lt3A_135 : vector<16xi32>
        %add3A_137 = arith.constant 16 : i32
        %add3A_138 = vector.broadcast %add3A_137 : i32 to vector<16xi32>
        %add3A_139 = arith.addi %get3A_25, %add3A_138 : vector<16xi32>
        %select_n3A_140 = arith.select %lt3A_136, %add3A_139, %get3A_25 : vector<16xi1>, vector<16xi32>
        %broadcast_in_dim3A_141 = vector.shape_cast %select_n3A_140 : vector<16xi32> to vector<16x1xi32>
        %gather3A_142 = vector.shape_cast %broadcast_in_dim3A_141 : vector<16x1xi32> to vector<16xi32>
        %gather3A_143 = tpu.dynamic_gather %get3A_98[%gather3A_142] in [0] : vector<16xf32>, vector<16xi32> -> vector<16xf32>
        %get3A_144 = arith.index_cast %scan3A_94 : i32 to index
        %get3A_145 = arith.constant 32 : index
        %get3A_146 = tpu.vector_load %arg15[%get3A_144, %get3A_145] {strides = array<i32>} : memref<512x64xf32, #tpu.memory_space<vmem>>, vector<1x16xf32>,
        %get3A_147 = vector.shape_cast %get3A_146 : vector<1x16xf32> to vector<16xf32>
        %mul3A_148 = arith.mulf %get3A_147, %gather3A_143 : vector<16xf32>
        %swap3A_149 = arith.index_cast %scan3A_94 : i32 to index
        %swap3A_150 = arith.constant 32 : index
        %swap3A_151 = tpu.vector_load %arg15[%swap3A_149, %swap3A_150] {strides = array<i32>} : memref<512x64xf32, #tpu.memory_space<vmem>>, vector<1x16xf32>,
        %swap3A_152 = vector.shape_cast %swap3A_151 : vector<1x16xf32> to vector<16xf32>
        %swap3A_153 = vector.shape_cast %mul3A_148 : vector<16xf32> to vector<1x16xf32>
        tpu.vector_store %arg15[%swap3A_149, %swap3A_150], %swap3A_153 {strides = array<i32>} : memref<512x64xf32, #tpu.memory_space<vmem>>, vector<1x16xf32>,
        %lt3A_154 = arith.constant 0 : i32
        %lt3A_155 = vector.broadcast %lt3A_154 : i32 to vector<16xi32>
        %lt3A_156 = arith.cmpi slt, %get3A_30, %lt3A_155 : vector<16xi32>
        %add3A_157 = arith.constant 16 : i32
        %add3A_158 = vector.broadcast %add3A_157 : i32 to vector<16xi32>
        %add3A_159 = arith.addi %get3A_30, %add3A_158 : vector<16xi32>
        %select_n3A_160 = arith.select %lt3A_156, %add3A_159, %get3A_30 : vector<16xi1>, vector<16xi32>
        %broadcast_in_dim3A_161 = vector.shape_cast %select_n3A_160 : vector<16xi32> to vector<16x1xi32>
        %gather3A_162 = vector.shape_cast %broadcast_in_dim3A_161 : vector<16x1xi32> to vector<16xi32>
        %gather3A_163 = tpu.dynamic_gather %get3A_98[%gather3A_162] in [0] : vector<16xf32>, vector<16xi32> -> vector<16xf32>
        %get3A_164 = arith.index_cast %scan3A_94 : i32 to index
        %get3A_165 = arith.constant 48 : index
        %get3A_166 = tpu.vector_load %arg15[%get3A_164, %get3A_165] {strides = array<i32>} : memref<512x64xf32, #tpu.memory_space<vmem>>, vector<1x16xf32>,
        %get3A_167 = vector.shape_cast %get3A_166 : vector<1x16xf32> to vector<16xf32>
        %mul3A_168 = arith.mulf %get3A_167, %gather3A_163 : vector<16xf32>
        %swap3A_169 = arith.index_cast %scan3A_94 : i32 to index
        %swap3A_170 = arith.constant 48 : index
        %swap3A_171 = tpu.vector_load %arg15[%swap3A_169, %swap3A_170] {strides = array<i32>} : memref<512x64xf32, #tpu.memory_space<vmem>>, vector<1x16xf32>,
        %swap3A_172 = vector.shape_cast %swap3A_171 : vector<1x16xf32> to vector<16xf32>
        %swap3A_173 = vector.shape_cast %mul3A_168 : vector<16xf32> to vector<1x16xf32>
        tpu.vector_store %arg15[%swap3A_169, %swap3A_170], %swap3A_173 {strides = array<i32>} : memref<512x64xf32, #tpu.memory_space<vmem>>, vector<1x16xf32>,
      }
      %scan3A_93 = arith.constant 512 : i32
      "tpu.region"() ({
        %run_scoped3A = tpu.sem_alloc : memref<!tpu.dma_semaphore, #tpu.memory_space<semaphore_mem>>
        %dma_start3A_94 = arith.constant 0 : i32
        %dma_start3A_95 = arith.constant 0 : i32
        %dma_start3A_96 = tpu.memref_slice %arg18[%dma_start3A_94, %dma_start3A_95] : memref<10000x64xf32, #tpu.memory_space<vmem_shared>> -> memref<10000x64xf32, #tpu.memory_space<vmem_shared>>
        tpu.enqueue_indirect_dma source(%arg15 : memref<512x64xf32, #tpu.memory_space<vmem>>) target(%dma_start3A_96 : memref<10000x64xf32, #tpu.memory_space<vmem_shared>>) offsets(%arg11 : memref<512xi32, #tpu.memory_space<vmem>>) semaphore(%run_scoped3A : memref<!tpu.dma_semaphore, #tpu.memory_space<semaphore_mem>>) {add = true}
        %dma_wait3A_97 = arith.constant 0 : i32
        %dma_wait3A_98 = arith.constant 0 : i32
        %dma_wait3A_99 = tpu.memref_slice %arg18[%dma_wait3A_97, %dma_wait3A_98] : memref<10000x64xf32, #tpu.memory_space<vmem_shared>> -> memref<10000x64xf32, #tpu.memory_space<vmem_shared>>
        tpu.wait_indirect_dma semaphore(%run_scoped3A : memref<!tpu.dma_semaphore, #tpu.memory_space<semaphore_mem>>) src(%arg15 : memref<512x64xf32, #tpu.memory_space<vmem>>) dst(%dma_wait3A_99 : memref<10000x64xf32, #tpu.memory_space<vmem_shared>>)
        tpu.yield
      }) : () -> ()
    }
    %scan3A_42 = arith.constant 10 : i32
    %dma_wait3A = arith.constant 0 : i32
    %dma_wait3A_43 = arith.constant 0 : i32
    %dma_wait3A_44 = tpu.memref_slice %arg5[%dma_wait3A, %dma_wait3A_43] : memref<10000x64xf32, #tpu.memory_space<hbm>> -> memref<10000x64xf32, #tpu.memory_space<hbm>>
    tpu.wait_indirect_dma semaphore(%arg19 : memref<!tpu.dma_semaphore, #tpu.memory_space<semaphore_mem>>) src(%dma_wait3A_44 : memref<10000x64xf32, #tpu.memory_space<hbm>>) dst(%arg14 : memref<512x64xf32, #tpu.memory_space<vmem>>)
    %barrier3A_45 = arith.constant 0 : index
    tpu.barrier barrier_id(%barrier3A_45)
    %scan3A_46 = arith.constant 0 : i32
    %scan3A_47 = arith.constant 0 : i32
    %scan3A_48 = arith.constant 25 : i32
    %scan3A_49 = arith.addi %scan3A_47, %scan3A_48 : i32
    %scan3A_50 = arith.constant 1 : i32
    scf.for %scan3A_52 = %scan3A_47 to %scan3A_49 step %scan3A_50  : i32 {
      %mul3A_53 = arith.constant 625 : i32
      %mul3A_54 = arith.muli %arg1, %mul3A_53 : i32
      %mul3A_55 = arith.constant 25 : i32
      %mul3A_56 = arith.muli %scan3A_52, %mul3A_55 : i32
      %add3A_57 = arith.addi %mul3A_54, %mul3A_56 : i32
      "tpu.region"() ({
        %run_scoped3A = tpu.sem_alloc : memref<!tpu.dma_semaphore, #tpu.memory_space<semaphore_mem>>
        %dma_start3A_63 = arith.constant 0 : i32
        %dma_start3A_64 = tpu.memref_slice %arg18[%add3A_57, %dma_start3A_63] : memref<10000x64xf32, #tpu.memory_space<vmem_shared>> -> memref<25x64xf32, #tpu.memory_space<vmem_shared>>
        %dma_start3A_65 = arith.constant 0 : i32
        %dma_start3A_66 = tpu.memref_slice %arg18[%add3A_57, %dma_start3A_65] : memref<10000x64xf32, #tpu.memory_space<vmem_shared>> -> memref<25x64xf32, #tpu.memory_space<vmem_shared>>
        tpu.enqueue_dma source(%dma_start3A_66 : memref<25x64xf32, #tpu.memory_space<vmem_shared>>) target(%arg16 : memref<25x64xf32, #tpu.memory_space<vmem>>) target_semaphore(%run_scoped3A : memref<!tpu.dma_semaphore, #tpu.memory_space<semaphore_mem>>)
        %dma_wait3A_67 = arith.constant 0 : i32
        %dma_wait3A_68 = tpu.memref_slice %arg18[%add3A_57, %dma_wait3A_67] : memref<10000x64xf32, #tpu.memory_space<vmem_shared>> -> memref<25x64xf32, #tpu.memory_space<vmem_shared>>
        %dma_wait3A_69 = arith.constant 0 : i32
        %dma_wait3A_70 = tpu.memref_slice %arg18[%add3A_57, %dma_wait3A_69] : memref<10000x64xf32, #tpu.memory_space<vmem_shared>> -> memref<25x64xf32, #tpu.memory_space<vmem_shared>>
        tpu.wait_dma2 semaphore(%run_scoped3A : memref<!tpu.dma_semaphore, #tpu.memory_space<semaphore_mem>>) src(%dma_wait3A_70 : memref<25x64xf32, #tpu.memory_space<vmem_shared>>) dst(%arg16 : memref<25x64xf32, #tpu.memory_space<vmem>>)
        tpu.yield
      }) : () -> ()
      %mul3A_58 = arith.constant 625 : i32
      %mul3A_59 = arith.muli %arg1, %mul3A_58 : i32
      %mul3A_60 = arith.constant 25 : i32
      %mul3A_61 = arith.muli %scan3A_52, %mul3A_60 : i32
      %add3A_62 = arith.addi %mul3A_59, %mul3A_61 : i32
      "tpu.region"() ({
        %run_scoped3A = tpu.sem_alloc : memref<!tpu.dma_semaphore, #tpu.memory_space<semaphore_mem>>
        %dma_start3A_63 = arith.constant 0 : i32
        %dma_start3A_64 = tpu.memref_slice %arg7[%arg0, %add3A_62, %dma_start3A_63] : memref<2x10000x64xf32, #tpu.memory_space<hbm>> -> memref<1x25x64xf32, #tpu.memory_space<hbm>>
        %dma_start3A_65 = tpu.memref_squeeze %dma_start3A_64 : memref<1x25x64xf32, #tpu.memory_space<hbm>> -> memref<25x64xf32, #tpu.memory_space<hbm>>
        %dma_start3A_66 = arith.constant 0 : i32
        %dma_start3A_67 = tpu.memref_slice %arg7[%arg0, %add3A_62, %dma_start3A_66] : memref<2x10000x64xf32, #tpu.memory_space<hbm>> -> memref<1x25x64xf32, #tpu.memory_space<hbm>>
        %dma_start3A_68 = tpu.memref_squeeze %dma_start3A_67 : memref<1x25x64xf32, #tpu.memory_space<hbm>> -> memref<25x64xf32, #tpu.memory_space<hbm>>
        tpu.enqueue_dma source(%arg16 : memref<25x64xf32, #tpu.memory_space<vmem>>) target(%dma_start3A_68 : memref<25x64xf32, #tpu.memory_space<hbm>>) target_semaphore(%run_scoped3A : memref<!tpu.dma_semaphore, #tpu.memory_space<semaphore_mem>>)
        %dma_wait3A_69 = arith.constant 0 : i32
        %dma_wait3A_70 = tpu.memref_slice %arg7[%arg0, %add3A_62, %dma_wait3A_69] : memref<2x10000x64xf32, #tpu.memory_space<hbm>> -> memref<1x25x64xf32, #tpu.memory_space<hbm>>
        %dma_wait3A_71 = tpu.memref_squeeze %dma_wait3A_70 : memref<1x25x64xf32, #tpu.memory_space<hbm>> -> memref<25x64xf32, #tpu.memory_space<hbm>>
        %dma_wait3A_72 = arith.constant 0 : i32
        %dma_wait3A_73 = tpu.memref_slice %arg7[%arg0, %add3A_62, %dma_wait3A_72] : memref<2x10000x64xf32, #tpu.memory_space<hbm>> -> memref<1x25x64xf32, #tpu.memory_space<hbm>>
        %dma_wait3A_74 = tpu.memref_squeeze %dma_wait3A_73 : memref<1x25x64xf32, #tpu.memory_space<hbm>> -> memref<25x64xf32, #tpu.memory_space<hbm>>
        tpu.wait_dma2 semaphore(%run_scoped3A : memref<!tpu.dma_semaphore, #tpu.memory_space<semaphore_mem>>) src(%arg16 : memref<25x64xf32, #tpu.memory_space<vmem>>) dst(%dma_wait3A_74 : memref<25x64xf32, #tpu.memory_space<hbm>>)
        tpu.yield
      }) : () -> ()
    }
    %scan3A_51 = arith.constant 25 : i32
    return
  }
}

#map = affine_map<(d0, d1) -> (0)>
#map1 = affine_map<(d0, d1) -> (0, 0)>
#map2 = affine_map<(d0, d1) -> (0, 0, 0)>
module attributes {stable_mosaic.version = 14 : i64} {
  func.func @k(%arg0: i32, %arg1: i32, %arg2: memref<327680xi32, #tpu.memory_space<hbm>>, %arg3: memref<327680xi32, #tpu.memory_space<hbm>>, %arg4: memref<327680x16xf32, #tpu.memory_space<hbm>>, %arg5: memref<10000x64xf32, #tpu.memory_space<hbm>>, %arg6: memref<4x16xi32, #tpu.memory_space<hbm>>, %arg7: memref<2x10000x64xf32, #tpu.memory_space<hbm>>, %arg8: memref<512xi32, #tpu.memory_space<vmem>>, %arg9: memref<512xi32, #tpu.memory_space<vmem>>, %arg10: memref<512xi32, #tpu.memory_space<vmem>>, %arg11: memref<512xi32, #tpu.memory_space<vmem>>, %arg12: memref<512x16xf32, #tpu.memory_space<vmem>>, %arg13: memref<512x16xf32, #tpu.memory_space<vmem>>, %arg14: memref<512x64xf32, #tpu.memory_space<vmem>>, %arg15: memref<512x64xf32, #tpu.memory_space<vmem>>, %arg16: memref<25x64xf32, #tpu.memory_space<vmem>>, %arg17: memref<4x16xi32, #tpu.memory_space<vmem>>, %arg18: memref<10000x64xf32, #tpu.memory_space<vmem_shared>>, %arg19: memref<!tpu.dma_semaphore, #tpu.memory_space<semaphore_mem>>, %arg20: memref<!tpu.dma_semaphore, #tpu.memory_space<semaphore_mem>>) attributes {dimension_semantics = [#tpu.dimension_semantics<core_parallel>, #tpu.dimension_semantics<subcore_parallel>], iteration_bounds = array<i64: 2, 16>, scalar_prefetch = 0 : i64, scratch_operands = 13 : i64, tpu.core_type = #tpu.core_type<sc_vector_subcore>, window_params = [{transform_indices = #map}, {transform_indices = #map}, {transform_indices = #map1}, {transform_indices = #map1}, {transform_indices = #map1}, {transform_indices = #map2}]} {
    %mul3A = arith.constant 2 : i32
    %mul3A_0 = arith.muli %arg1, %mul3A : i32
    %add3A = arith.addi %mul3A_0, %arg0 : i32
    %scan3A = arith.constant 0 : i32
    %scan3A_1 = arith.constant 0 : i32
    %scan3A_2 = arith.constant 25 : i32
    %scan3A_3 = arith.addi %scan3A_1, %scan3A_2 : i32
    %scan3A_4 = arith.constant 1 : i32
    scf.for %scan3A_52 = %scan3A_1 to %scan3A_3 step %scan3A_4  : i32 {
      %broadcast_in_dim3A = arith.constant 0.000000e+00 : f32
      %broadcast_in_dim3A_53 = vector.broadcast %broadcast_in_dim3A : f32 to vector<16xf32>
      %swap3A = arith.index_cast %scan3A_52 : i32 to index
      %swap3A_54 = arith.constant 0 : index
      %swap3A_55 = tpu.vector_load %arg16[%swap3A, %swap3A_54] {strides = array<i32>} : memref<25x64xf32, #tpu.memory_space<vmem>>, vector<1x16xf32>,
      %swap3A_56 = vector.shape_cast %swap3A_55 : vector<1x16xf32> to vector<16xf32>
      %swap3A_57 = vector.shape_cast %broadcast_in_dim3A_53 : vector<16xf32> to vector<1x16xf32>
      tpu.vector_store %arg16[%swap3A, %swap3A_54], %swap3A_57 {strides = array<i32>} : memref<25x64xf32, #tpu.memory_space<vmem>>, vector<1x16xf32>,
      %broadcast_in_dim3A_58 = arith.constant 0.000000e+00 : f32
      %broadcast_in_dim3A_59 = vector.broadcast %broadcast_in_dim3A_58 : f32 to vector<16xf32>
      %swap3A_60 = arith.index_cast %scan3A_52 : i32 to index
      %swap3A_61 = arith.constant 16 : index
      %swap3A_62 = tpu.vector_load %arg16[%swap3A_60, %swap3A_61] {strides = array<i32>} : memref<25x64xf32, #tpu.memory_space<vmem>>, vector<1x16xf32>,
      %swap3A_63 = vector.shape_cast %swap3A_62 : vector<1x16xf32> to vector<16xf32>
      %swap3A_64 = vector.shape_cast %broadcast_in_dim3A_59 : vector<16xf32> to vector<1x16xf32>
      tpu.vector_store %arg16[%swap3A_60, %swap3A_61], %swap3A_64 {strides = array<i32>} : memref<25x64xf32, #tpu.memory_space<vmem>>, vector<1x16xf32>,
      %broadcast_in_dim3A_65 = arith.constant 0.000000e+00 : f32
      %broadcast_in_dim3A_66 = vector.broadcast %broadcast_in_dim3A_65 : f32 to vector<16xf32>
      %swap3A_67 = arith.index_cast %scan3A_52 : i32 to index
      %swap3A_68 = arith.constant 32 : index
      %swap3A_69 = tpu.vector_load %arg16[%swap3A_67, %swap3A_68] {strides = array<i32>} : memref<25x64xf32, #tpu.memory_space<vmem>>, vector<1x16xf32>,
      %swap3A_70 = vector.shape_cast %swap3A_69 : vector<1x16xf32> to vector<16xf32>
      %swap3A_71 = vector.shape_cast %broadcast_in_dim3A_66 : vector<16xf32> to vector<1x16xf32>
      tpu.vector_store %arg16[%swap3A_67, %swap3A_68], %swap3A_71 {strides = array<i32>} : memref<25x64xf32, #tpu.memory_space<vmem>>, vector<1x16xf32>,
      %broadcast_in_dim3A_72 = arith.constant 0.000000e+00 : f32
      %broadcast_in_dim3A_73 = vector.broadcast %broadcast_in_dim3A_72 : f32 to vector<16xf32>
      %swap3A_74 = arith.index_cast %scan3A_52 : i32 to index
      %swap3A_75 = arith.constant 48 : index
      %swap3A_76 = tpu.vector_load %arg16[%swap3A_74, %swap3A_75] {strides = array<i32>} : memref<25x64xf32, #tpu.memory_space<vmem>>, vector<1x16xf32>,
      %swap3A_77 = vector.shape_cast %swap3A_76 : vector<1x16xf32> to vector<16xf32>
      %swap3A_78 = vector.shape_cast %broadcast_in_dim3A_73 : vector<16xf32> to vector<1x16xf32>
      tpu.vector_store %arg16[%swap3A_74, %swap3A_75], %swap3A_78 {strides = array<i32>} : memref<25x64xf32, #tpu.memory_space<vmem>>, vector<1x16xf32>,
    }
    %scan3A_5 = arith.constant 25 : i32
    %scan3A_6 = arith.constant 0 : i32
    %scan3A_7 = arith.constant 0 : i32
    %scan3A_8 = arith.constant 25 : i32
    %scan3A_9 = arith.addi %scan3A_7, %scan3A_8 : i32
    %scan3A_10 = arith.constant 1 : i32
    scf.for %scan3A_52 = %scan3A_7 to %scan3A_9 step %scan3A_10  : i32 {
      %mul3A_53 = arith.constant 625 : i32
      %mul3A_54 = arith.muli %arg1, %mul3A_53 : i32
      %mul3A_55 = arith.constant 25 : i32
      %mul3A_56 = arith.muli %scan3A_52, %mul3A_55 : i32
      %add3A_57 = arith.addi %mul3A_54, %mul3A_56 : i32
      "tpu.region"() ({
        %run_scoped3A = tpu.sem_alloc : memref<!tpu.dma_semaphore, #tpu.memory_space<semaphore_mem>>
        %dma_start3A_58 = arith.constant 0 : i32
        %dma_start3A_59 = tpu.memref_slice %arg18[%add3A_57, %dma_start3A_58] : memref<10000x64xf32, #tpu.memory_space<vmem_shared>> -> memref<25x64xf32, #tpu.memory_space<vmem_shared>>
        %dma_start3A_60 = arith.constant 0 : i32
        %dma_start3A_61 = tpu.memref_slice %arg18[%add3A_57, %dma_start3A_60] : memref<10000x64xf32, #tpu.memory_space<vmem_shared>> -> memref<25x64xf32, #tpu.memory_space<vmem_shared>>
        tpu.enqueue_dma source(%arg16 : memref<25x64xf32, #tpu.memory_space<vmem>>) target(%dma_start3A_61 : memref<25x64xf32, #tpu.memory_space<vmem_shared>>) target_semaphore(%run_scoped3A : memref<!tpu.dma_semaphore, #tpu.memory_space<semaphore_mem>>)
        %dma_wait3A_62 = arith.constant 0 : i32
        %dma_wait3A_63 = tpu.memref_slice %arg18[%add3A_57, %dma_wait3A_62] : memref<10000x64xf32, #tpu.memory_space<vmem_shared>> -> memref<25x64xf32, #tpu.memory_space<vmem_shared>>
        %dma_wait3A_64 = arith.constant 0 : i32
        %dma_wait3A_65 = tpu.memref_slice %arg18[%add3A_57, %dma_wait3A_64] : memref<10000x64xf32, #tpu.memory_space<vmem_shared>> -> memref<25x64xf32, #tpu.memory_space<vmem_shared>>
        tpu.wait_dma2 semaphore(%run_scoped3A : memref<!tpu.dma_semaphore, #tpu.memory_space<semaphore_mem>>) src(%arg16 : memref<25x64xf32, #tpu.memory_space<vmem>>) dst(%dma_wait3A_65 : memref<25x64xf32, #tpu.memory_space<vmem_shared>>)
        tpu.yield
      }) : () -> ()
    }
    %scan3A_11 = arith.constant 25 : i32
    %barrier3A = arith.constant 0 : index
    tpu.barrier barrier_id(%barrier3A)
    "tpu.region"() ({
      %run_scoped3A = tpu.sem_alloc : memref<!tpu.dma_semaphore, #tpu.memory_space<semaphore_mem>>
      tpu.enqueue_dma source(%arg6 : memref<4x16xi32, #tpu.memory_space<hbm>>) target(%arg17 : memref<4x16xi32, #tpu.memory_space<vmem>>) target_semaphore(%run_scoped3A : memref<!tpu.dma_semaphore, #tpu.memory_space<semaphore_mem>>)
      tpu.wait_dma2 semaphore(%run_scoped3A : memref<!tpu.dma_semaphore, #tpu.memory_space<semaphore_mem>>) src(%arg6 : memref<4x16xi32, #tpu.memory_space<hbm>>) dst(%arg17 : memref<4x16xi32, #tpu.memory_space<vmem>>)
      tpu.yield
    }) : () -> ()
    %get3A = arith.constant 0 : i32
    %get3A_12 = arith.index_cast %get3A : i32 to index
    %get3A_13 = arith.constant 0 : index
    %get3A_14 = tpu.vector_load %arg17[%get3A_12, %get3A_13] {strides = array<i32>} : memref<4x16xi32, #tpu.memory_space<vmem>>, vector<1x16xi32>,
    %get3A_15 = vector.shape_cast %get3A_14 : vector<1x16xi32> to vector<16xi32>
    %get3A_16 = arith.constant 1 : i32
    %get3A_17 = arith.index_cast %get3A_16 : i32 to index
    %get3A_18 = arith.constant 0 : index
    %get3A_19 = tpu.vector_load %arg17[%get3A_17, %get3A_18] {strides = array<i32>} : memref<4x16xi32, #tpu.memory_space<vmem>>, vector<1x16xi32>,
    %get3A_20 = vector.shape_cast %get3A_19 : vector<1x16xi32> to vector<16xi32>
    %get3A_21 = arith.constant 2 : i32
    %get3A_22 = arith.index_cast %get3A_21 : i32 to index
    %get3A_23 = arith.constant 0 : index
    %get3A_24 = tpu.vector_load %arg17[%get3A_22, %get3A_23] {strides = array<i32>} : memref<4x16xi32, #tpu.memory_space<vmem>>, vector<1x16xi32>,
    %get3A_25 = vector.shape_cast %get3A_24 : vector<1x16xi32> to vector<16xi32>
    %get3A_26 = arith.constant 3 : i32
    %get3A_27 = arith.index_cast %get3A_26 : i32 to index
    %get3A_28 = arith.constant 0 : index
    %get3A_29 = tpu.vector_load %arg17[%get3A_27, %get3A_28] {strides = array<i32>} : memref<4x16xi32, #tpu.memory_space<vmem>>, vector<1x16xi32>,
    %get3A_30 = vector.shape_cast %get3A_29 : vector<1x16xi32> to vector<16xi32>
    %mul3A_31 = arith.constant 10240 : i32
    %mul3A_32 = arith.muli %add3A, %mul3A_31 : i32
    %add3A_33 = arith.constant 0 : i32
    %add3A_34 = arith.addi %mul3A_32, %add3A_33 : i32
    %multiple_of3A = tpu.assume_multiple %add3A_34, 8 : i32
    "tpu.region"() ({
      %run_scoped3A = tpu.sem_alloc : memref<!tpu.dma_semaphore, #tpu.memory_space<semaphore_mem>>
      %dma_start3A_52 = tpu.memref_slice %arg2[%multiple_of3A] : memref<327680xi32, #tpu.memory_space<hbm>> -> memref<512xi32, #tpu.memory_space<hbm>>
      %dma_start3A_53 = tpu.memref_slice %arg2[%multiple_of3A] : memref<327680xi32, #tpu.memory_space<hbm>> -> memref<512xi32, #tpu.memory_space<hbm>>
      tpu.enqueue_dma source(%dma_start3A_53 : memref<512xi32, #tpu.memory_space<hbm>>) target(%arg8 : memref<512xi32, #tpu.memory_space<vmem>>) target_semaphore(%run_scoped3A : memref<!tpu.dma_semaphore, #tpu.memory_space<semaphore_mem>>)
      %dma_wait3A_54 = tpu.memref_slice %arg2[%multiple_of3A] : memref<327680xi32, #tpu.memory_space<hbm>> -> memref<512xi32, #tpu.memory_space<hbm>>
      %dma_wait3A_55 = tpu.memref_slice %arg2[%multiple_of3A] : memref<327680xi32, #tpu.memory_space<hbm>> -> memref<512xi32, #tpu.memory_space<hbm>>
      tpu.wait_dma2 semaphore(%run_scoped3A : memref<!tpu.dma_semaphore, #tpu.memory_space<semaphore_mem>>) src(%dma_wait3A_55 : memref<512xi32, #tpu.memory_space<hbm>>) dst(%arg8 : memref<512xi32, #tpu.memory_space<vmem>>)
      tpu.yield
    }) : () -> ()
    "tpu.region"() ({
      %run_scoped3A = tpu.sem_alloc : memref<!tpu.dma_semaphore, #tpu.memory_space<semaphore_mem>>
      %dma_start3A_52 = tpu.memref_slice %arg3[%multiple_of3A] : memref<327680xi32, #tpu.memory_space<hbm>> -> memref<512xi32, #tpu.memory_space<hbm>>
      %dma_start3A_53 = tpu.memref_slice %arg3[%multiple_of3A] : memref<327680xi32, #tpu.memory_space<hbm>> -> memref<512xi32, #tpu.memory_space<hbm>>
      tpu.enqueue_dma source(%dma_start3A_53 : memref<512xi32, #tpu.memory_space<hbm>>) target(%arg9 : memref<512xi32, #tpu.memory_space<vmem>>) target_semaphore(%run_scoped3A : memref<!tpu.dma_semaphore, #tpu.memory_space<semaphore_mem>>)
      %dma_wait3A_54 = tpu.memref_slice %arg3[%multiple_of3A] : memref<327680xi32, #tpu.memory_space<hbm>> -> memref<512xi32, #tpu.memory_space<hbm>>
      %dma_wait3A_55 = tpu.memref_slice %arg3[%multiple_of3A] : memref<327680xi32, #tpu.memory_space<hbm>> -> memref<512xi32, #tpu.memory_space<hbm>>
      tpu.wait_dma2 semaphore(%run_scoped3A : memref<!tpu.dma_semaphore, #tpu.memory_space<semaphore_mem>>) src(%dma_wait3A_55 : memref<512xi32, #tpu.memory_space<hbm>>) dst(%arg9 : memref<512xi32, #tpu.memory_space<vmem>>)
      tpu.yield
    }) : () -> ()
    "tpu.region"() ({
      %run_scoped3A = tpu.sem_alloc : memref<!tpu.dma_semaphore, #tpu.memory_space<semaphore_mem>>
      %dma_start3A_52 = arith.constant 0 : i32
      %dma_start3A_53 = tpu.memref_slice %arg4[%multiple_of3A, %dma_start3A_52] : memref<327680x16xf32, #tpu.memory_space<hbm>> -> memref<512x16xf32, #tpu.memory_space<hbm>>
      %dma_start3A_54 = arith.constant 0 : i32
      %dma_start3A_55 = tpu.memref_slice %arg4[%multiple_of3A, %dma_start3A_54] : memref<327680x16xf32, #tpu.memory_space<hbm>> -> memref<512x16xf32, #tpu.memory_space<hbm>>
      tpu.enqueue_dma source(%dma_start3A_55 : memref<512x16xf32, #tpu.memory_space<hbm>>) target(%arg12 : memref<512x16xf32, #tpu.memory_space<vmem>>) target_semaphore(%run_scoped3A : memref<!tpu.dma_semaphore, #tpu.memory_space<semaphore_mem>>)
      %dma_wait3A_56 = arith.constant 0 : i32
      %dma_wait3A_57 = tpu.memref_slice %arg4[%multiple_of3A, %dma_wait3A_56] : memref<327680x16xf32, #tpu.memory_space<hbm>> -> memref<512x16xf32, #tpu.memory_space<hbm>>
      %dma_wait3A_58 = arith.constant 0 : i32
      %dma_wait3A_59 = tpu.memref_slice %arg4[%multiple_of3A, %dma_wait3A_58] : memref<327680x16xf32, #tpu.memory_space<hbm>> -> memref<512x16xf32, #tpu.memory_space<hbm>>
      tpu.wait_dma2 semaphore(%run_scoped3A : memref<!tpu.dma_semaphore, #tpu.memory_space<semaphore_mem>>) src(%dma_wait3A_59 : memref<512x16xf32, #tpu.memory_space<hbm>>) dst(%arg12 : memref<512x16xf32, #tpu.memory_space<vmem>>)
      tpu.yield
    }) : () -> ()
    %dma_start3A = arith.constant 0 : i32
    %dma_start3A_35 = arith.constant 0 : i32
    %dma_start3A_36 = tpu.memref_slice %arg5[%dma_start3A, %dma_start3A_35] : memref<10000x64xf32, #tpu.memory_space<hbm>> -> memref<10000x64xf32, #tpu.memory_space<hbm>>
    tpu.enqueue_indirect_dma source(%dma_start3A_36 : memref<10000x64xf32, #tpu.memory_space<hbm>>) target(%arg14 : memref<512x64xf32, #tpu.memory_space<vmem>>) offsets(%arg8 : memref<512xi32, #tpu.memory_space<vmem>>) semaphore(%arg19 : memref<!tpu.dma_semaphore, #tpu.memory_space<semaphore_mem>>)
    %scan3A_37 = arith.constant 0 : i32
    %scan3A_38 = arith.constant 0 : i32
    %scan3A_39 = arith.constant 10 : i32
    %scan3A_40 = arith.addi %scan3A_38, %scan3A_39 : i32
    %scan3A_41 = arith.constant 1 : i32
    scf.for %scan3A_52 = %scan3A_38 to %scan3A_40 step %scan3A_41  : i32 {
      %mul3A_53 = arith.constant 2 : i32
      %mul3A_54 = arith.muli %mul3A_53, %scan3A_52 : i32
      %add3A_55 = arith.constant 1 : i32
      %add3A_56 = arith.addi %mul3A_54, %add3A_55 : i32
      %mul3A_57 = arith.constant 512 : i32
      %mul3A_58 = arith.muli %add3A_56, %mul3A_57 : i32
      %add3A_59 = arith.addi %mul3A_32, %mul3A_58 : i32
      %multiple_of3A_60 = tpu.assume_multiple %add3A_59, 8 : i32
      "tpu.region"() ({
        %run_scoped3A = tpu.sem_alloc : memref<!tpu.dma_semaphore, #tpu.memory_space<semaphore_mem>>
        %dma_start3A_94 = tpu.memref_slice %arg2[%multiple_of3A_60] : memref<327680xi32, #tpu.memory_space<hbm>> -> memref<512xi32, #tpu.memory_space<hbm>>
        %dma_start3A_95 = tpu.memref_slice %arg2[%multiple_of3A_60] : memref<327680xi32, #tpu.memory_space<hbm>> -> memref<512xi32, #tpu.memory_space<hbm>>
        tpu.enqueue_dma source(%dma_start3A_95 : memref<512xi32, #tpu.memory_space<hbm>>) target(%arg10 : memref<512xi32, #tpu.memory_space<vmem>>) target_semaphore(%run_scoped3A : memref<!tpu.dma_semaphore, #tpu.memory_space<semaphore_mem>>)
        %dma_wait3A_96 = tpu.memref_slice %arg2[%multiple_of3A_60] : memref<327680xi32, #tpu.memory_space<hbm>> -> memref<512xi32, #tpu.memory_space<hbm>>
        %dma_wait3A_97 = tpu.memref_slice %arg2[%multiple_of3A_60] : memref<327680xi32, #tpu.memory_space<hbm>> -> memref<512xi32, #tpu.memory_space<hbm>>
        tpu.wait_dma2 semaphore(%run_scoped3A : memref<!tpu.dma_semaphore, #tpu.memory_space<semaphore_mem>>) src(%dma_wait3A_97 : memref<512xi32, #tpu.memory_space<hbm>>) dst(%arg10 : memref<512xi32, #tpu.memory_space<vmem>>)
        tpu.yield
      }) : () -> ()
      "tpu.region"() ({
        %run_scoped3A = tpu.sem_alloc : memref<!tpu.dma_semaphore, #tpu.memory_space<semaphore_mem>>
        %dma_start3A_94 = tpu.memref_slice %arg3[%multiple_of3A_60] : memref<327680xi32, #tpu.memory_space<hbm>> -> memref<512xi32, #tpu.memory_space<hbm>>
        %dma_start3A_95 = tpu.memref_slice %arg3[%multiple_of3A_60] : memref<327680xi32, #tpu.memory_space<hbm>> -> memref<512xi32, #tpu.memory_space<hbm>>
        tpu.enqueue_dma source(%dma_start3A_95 : memref<512xi32, #tpu.memory_space<hbm>>) target(%arg11 : memref<512xi32, #tpu.memory_space<vmem>>) target_semaphore(%run_scoped3A : memref<!tpu.dma_semaphore, #tpu.memory_space<semaphore_mem>>)
        %dma_wait3A_96 = tpu.memref_slice %arg3[%multiple_of3A_60] : memref<327680xi32, #tpu.memory_space<hbm>> -> memref<512xi32, #tpu.memory_space<hbm>>
        %dma_wait3A_97 = tpu.memref_slice %arg3[%multiple_of3A_60] : memref<327680xi32, #tpu.memory_space<hbm>> -> memref<512xi32, #tpu.memory_space<hbm>>
        tpu.wait_dma2 semaphore(%run_scoped3A : memref<!tpu.dma_semaphore, #tpu.memory_space<semaphore_mem>>) src(%dma_wait3A_97 : memref<512xi32, #tpu.memory_space<hbm>>) dst(%arg11 : memref<512xi32, #tpu.memory_space<vmem>>)
        tpu.yield
      }) : () -> ()
      "tpu.region"() ({
        %run_scoped3A = tpu.sem_alloc : memref<!tpu.dma_semaphore, #tpu.memory_space<semaphore_mem>>
        %dma_start3A_94 = arith.constant 0 : i32
        %dma_start3A_95 = tpu.memref_slice %arg4[%multiple_of3A_60, %dma_start3A_94] : memref<327680x16xf32, #tpu.memory_space<hbm>> -> memref<512x16xf32, #tpu.memory_space<hbm>>
        %dma_start3A_96 = arith.constant 0 : i32
        %dma_start3A_97 = tpu.memref_slice %arg4[%multiple_of3A_60, %dma_start3A_96] : memref<327680x16xf32, #tpu.memory_space<hbm>> -> memref<512x16xf32, #tpu.memory_space<hbm>>
        tpu.enqueue_dma source(%dma_start3A_97 : memref<512x16xf32, #tpu.memory_space<hbm>>) target(%arg13 : memref<512x16xf32, #tpu.memory_space<vmem>>) target_semaphore(%run_scoped3A : memref<!tpu.dma_semaphore, #tpu.memory_space<semaphore_mem>>)
        %dma_wait3A_98 = arith.constant 0 : i32
        %dma_wait3A_99 = tpu.memref_slice %arg4[%multiple_of3A_60, %dma_wait3A_98] : memref<327680x16xf32, #tpu.memory_space<hbm>> -> memref<512x16xf32, #tpu.memory_space<hbm>>
        %dma_wait3A_100 = arith.constant 0 : i32
        %dma_wait3A_101 = tpu.memref_slice %arg4[%multiple_of3A_60, %dma_wait3A_100] : memref<327680x16xf32, #tpu.memory_space<hbm>> -> memref<512x16xf32, #tpu.memory_space<hbm>>
        tpu.wait_dma2 semaphore(%run_scoped3A : memref<!tpu.dma_semaphore, #tpu.memory_space<semaphore_mem>>) src(%dma_wait3A_101 : memref<512x16xf32, #tpu.memory_space<hbm>>) dst(%arg13 : memref<512x16xf32, #tpu.memory_space<vmem>>)
        tpu.yield
      }) : () -> ()
      %dma_start3A_61 = arith.constant 0 : i32
      %dma_start3A_62 = arith.constant 0 : i32
      %dma_start3A_63 = tpu.memref_slice %arg5[%dma_start3A_61, %dma_start3A_62] : memref<10000x64xf32, #tpu.memory_space<hbm>> -> memref<10000x64xf32, #tpu.memory_space<hbm>>
      tpu.enqueue_indirect_dma source(%dma_start3A_63 : memref<10000x64xf32, #tpu.memory_space<hbm>>) target(%arg15 : memref<512x64xf32, #tpu.memory_space<vmem>>) offsets(%arg10 : memref<512xi32, #tpu.memory_space<vmem>>) semaphore(%arg20 : memref<!tpu.dma_semaphore, #tpu.memory_space<semaphore_mem>>)
      %dma_wait3A_64 = arith.constant 0 : i32
      %dma_wait3A_65 = arith.constant 0 : i32
      %dma_wait3A_66 = tpu.memref_slice %arg5[%dma_wait3A_64, %dma_wait3A_65] : memref<10000x64xf32, #tpu.memory_space<hbm>> -> memref<10000x64xf32, #tpu.memory_space<hbm>>
      tpu.wait_indirect_dma semaphore(%arg19 : memref<!tpu.dma_semaphore, #tpu.memory_space<semaphore_mem>>) src(%dma_wait3A_66 : memref<10000x64xf32, #tpu.memory_space<hbm>>) dst(%arg14 : memref<512x64xf32, #tpu.memory_space<vmem>>)
      %scan3A_67 = arith.constant 0 : i32
      %scan3A_68 = arith.constant 0 : i32
      %scan3A_69 = arith.constant 512 : i32
      %scan3A_70 = arith.addi %scan3A_68, %scan3A_69 : i32
      %scan3A_71 = arith.constant 1 : i32
      scf.for %scan3A_94 = %scan3A_68 to %scan3A_70 step %scan3A_71  : i32 {
        %get3A_95 = arith.index_cast %scan3A_94 : i32 to index
        %get3A_96 = arith.constant 0 : index
        %get3A_97 = tpu.vector_load %arg12[%get3A_95, %get3A_96] {strides = array<i32>} : memref<512x16xf32, #tpu.memory_space<vmem>>, vector<1x16xf32>,
        %get3A_98 = vector.shape_cast %get3A_97 : vector<1x16xf32> to vector<16xf32>
        %lt3A = arith.constant 0 : i32
        %lt3A_99 = vector.broadcast %lt3A : i32 to vector<16xi32>
        %lt3A_100 = arith.cmpi slt, %get3A_15, %lt3A_99 : vector<16xi32>
        %add3A_101 = arith.constant 16 : i32
        %add3A_102 = vector.broadcast %add3A_101 : i32 to vector<16xi32>
        %add3A_103 = arith.addi %get3A_15, %add3A_102 : vector<16xi32>
        %select_n3A = arith.select %lt3A_100, %add3A_103, %get3A_15 : vector<16xi1>, vector<16xi32>
        %broadcast_in_dim3A = vector.shape_cast %select_n3A : vector<16xi32> to vector<16x1xi32>
        %gather3A = vector.shape_cast %broadcast_in_dim3A : vector<16x1xi32> to vector<16xi32>
        %gather3A_104 = tpu.dynamic_gather %get3A_98[%gather3A] in [0] : vector<16xf32>, vector<16xi32> -> vector<16xf32>
        %get3A_105 = arith.index_cast %scan3A_94 : i32 to index
        %get3A_106 = arith.constant 0 : index
        %get3A_107 = tpu.vector_load %arg14[%get3A_105, %get3A_106] {strides = array<i32>} : memref<512x64xf32, #tpu.memory_space<vmem>>, vector<1x16xf32>,
        %get3A_108 = vector.shape_cast %get3A_107 : vector<1x16xf32> to vector<16xf32>
        %mul3A_109 = arith.mulf %get3A_108, %gather3A_104 : vector<16xf32>
        %swap3A = arith.index_cast %scan3A_94 : i32 to index
        %swap3A_110 = arith.constant 0 : index
        %swap3A_111 = tpu.vector_load %arg14[%swap3A, %swap3A_110] {strides = array<i32>} : memref<512x64xf32, #tpu.memory_space<vmem>>, vector<1x16xf32>,
        %swap3A_112 = vector.shape_cast %swap3A_111 : vector<1x16xf32> to vector<16xf32>
        %swap3A_113 = vector.shape_cast %mul3A_109 : vector<16xf32> to vector<1x16xf32>
        tpu.vector_store %arg14[%swap3A, %swap3A_110], %swap3A_113 {strides = array<i32>} : memref<512x64xf32, #tpu.memory_space<vmem>>, vector<1x16xf32>,
        %lt3A_114 = arith.constant 0 : i32
        %lt3A_115 = vector.broadcast %lt3A_114 : i32 to vector<16xi32>
        %lt3A_116 = arith.cmpi slt, %get3A_20, %lt3A_115 : vector<16xi32>
        %add3A_117 = arith.constant 16 : i32
        %add3A_118 = vector.broadcast %add3A_117 : i32 to vector<16xi32>
        %add3A_119 = arith.addi %get3A_20, %add3A_118 : vector<16xi32>
        %select_n3A_120 = arith.select %lt3A_116, %add3A_119, %get3A_20 : vector<16xi1>, vector<16xi32>
        %broadcast_in_dim3A_121 = vector.shape_cast %select_n3A_120 : vector<16xi32> to vector<16x1xi32>
        %gather3A_122 = vector.shape_cast %broadcast_in_dim3A_121 : vector<16x1xi32> to vector<16xi32>
        %gather3A_123 = tpu.dynamic_gather %get3A_98[%gather3A_122] in [0] : vector<16xf32>, vector<16xi32> -> vector<16xf32>
        %get3A_124 = arith.index_cast %scan3A_94 : i32 to index
        %get3A_125 = arith.constant 16 : index
        %get3A_126 = tpu.vector_load %arg14[%get3A_124, %get3A_125] {strides = array<i32>} : memref<512x64xf32, #tpu.memory_space<vmem>>, vector<1x16xf32>,
        %get3A_127 = vector.shape_cast %get3A_126 : vector<1x16xf32> to vector<16xf32>
        %mul3A_128 = arith.mulf %get3A_127, %gather3A_123 : vector<16xf32>
        %swap3A_129 = arith.index_cast %scan3A_94 : i32 to index
        %swap3A_130 = arith.constant 16 : index
        %swap3A_131 = tpu.vector_load %arg14[%swap3A_129, %swap3A_130] {strides = array<i32>} : memref<512x64xf32, #tpu.memory_space<vmem>>, vector<1x16xf32>,
        %swap3A_132 = vector.shape_cast %swap3A_131 : vector<1x16xf32> to vector<16xf32>
        %swap3A_133 = vector.shape_cast %mul3A_128 : vector<16xf32> to vector<1x16xf32>
        tpu.vector_store %arg14[%swap3A_129, %swap3A_130], %swap3A_133 {strides = array<i32>} : memref<512x64xf32, #tpu.memory_space<vmem>>, vector<1x16xf32>,
        %lt3A_134 = arith.constant 0 : i32
        %lt3A_135 = vector.broadcast %lt3A_134 : i32 to vector<16xi32>
        %lt3A_136 = arith.cmpi slt, %get3A_25, %lt3A_135 : vector<16xi32>
        %add3A_137 = arith.constant 16 : i32
        %add3A_138 = vector.broadcast %add3A_137 : i32 to vector<16xi32>
        %add3A_139 = arith.addi %get3A_25, %add3A_138 : vector<16xi32>
        %select_n3A_140 = arith.select %lt3A_136, %add3A_139, %get3A_25 : vector<16xi1>, vector<16xi32>
        %broadcast_in_dim3A_141 = vector.shape_cast %select_n3A_140 : vector<16xi32> to vector<16x1xi32>
        %gather3A_142 = vector.shape_cast %broadcast_in_dim3A_141 : vector<16x1xi32> to vector<16xi32>
        %gather3A_143 = tpu.dynamic_gather %get3A_98[%gather3A_142] in [0] : vector<16xf32>, vector<16xi32> -> vector<16xf32>
        %get3A_144 = arith.index_cast %scan3A_94 : i32 to index
        %get3A_145 = arith.constant 32 : index
        %get3A_146 = tpu.vector_load %arg14[%get3A_144, %get3A_145] {strides = array<i32>} : memref<512x64xf32, #tpu.memory_space<vmem>>, vector<1x16xf32>,
        %get3A_147 = vector.shape_cast %get3A_146 : vector<1x16xf32> to vector<16xf32>
        %mul3A_148 = arith.mulf %get3A_147, %gather3A_143 : vector<16xf32>
        %swap3A_149 = arith.index_cast %scan3A_94 : i32 to index
        %swap3A_150 = arith.constant 32 : index
        %swap3A_151 = tpu.vector_load %arg14[%swap3A_149, %swap3A_150] {strides = array<i32>} : memref<512x64xf32, #tpu.memory_space<vmem>>, vector<1x16xf32>,
        %swap3A_152 = vector.shape_cast %swap3A_151 : vector<1x16xf32> to vector<16xf32>
        %swap3A_153 = vector.shape_cast %mul3A_148 : vector<16xf32> to vector<1x16xf32>
        tpu.vector_store %arg14[%swap3A_149, %swap3A_150], %swap3A_153 {strides = array<i32>} : memref<512x64xf32, #tpu.memory_space<vmem>>, vector<1x16xf32>,
        %lt3A_154 = arith.constant 0 : i32
        %lt3A_155 = vector.broadcast %lt3A_154 : i32 to vector<16xi32>
        %lt3A_156 = arith.cmpi slt, %get3A_30, %lt3A_155 : vector<16xi32>
        %add3A_157 = arith.constant 16 : i32
        %add3A_158 = vector.broadcast %add3A_157 : i32 to vector<16xi32>
        %add3A_159 = arith.addi %get3A_30, %add3A_158 : vector<16xi32>
        %select_n3A_160 = arith.select %lt3A_156, %add3A_159, %get3A_30 : vector<16xi1>, vector<16xi32>
        %broadcast_in_dim3A_161 = vector.shape_cast %select_n3A_160 : vector<16xi32> to vector<16x1xi32>
        %gather3A_162 = vector.shape_cast %broadcast_in_dim3A_161 : vector<16x1xi32> to vector<16xi32>
        %gather3A_163 = tpu.dynamic_gather %get3A_98[%gather3A_162] in [0] : vector<16xf32>, vector<16xi32> -> vector<16xf32>
        %get3A_164 = arith.index_cast %scan3A_94 : i32 to index
        %get3A_165 = arith.constant 48 : index
        %get3A_166 = tpu.vector_load %arg14[%get3A_164, %get3A_165] {strides = array<i32>} : memref<512x64xf32, #tpu.memory_space<vmem>>, vector<1x16xf32>,
        %get3A_167 = vector.shape_cast %get3A_166 : vector<1x16xf32> to vector<16xf32>
        %mul3A_168 = arith.mulf %get3A_167, %gather3A_163 : vector<16xf32>
        %swap3A_169 = arith.index_cast %scan3A_94 : i32 to index
        %swap3A_170 = arith.constant 48 : index
        %swap3A_171 = tpu.vector_load %arg14[%swap3A_169, %swap3A_170] {strides = array<i32>} : memref<512x64xf32, #tpu.memory_space<vmem>>, vector<1x16xf32>,
        %swap3A_172 = vector.shape_cast %swap3A_171 : vector<1x16xf32> to vector<16xf32>
        %swap3A_173 = vector.shape_cast %mul3A_168 : vector<16xf32> to vector<1x16xf32>
        tpu.vector_store %arg14[%swap3A_169, %swap3A_170], %swap3A_173 {strides = array<i32>} : memref<512x64xf32, #tpu.memory_space<vmem>>, vector<1x16xf32>,
      }
      %scan3A_72 = arith.constant 512 : i32
      "tpu.region"() ({
        %run_scoped3A = tpu.sem_alloc : memref<!tpu.dma_semaphore, #tpu.memory_space<semaphore_mem>>
        %dma_start3A_94 = arith.constant 0 : i32
        %dma_start3A_95 = arith.constant 0 : i32
        %dma_start3A_96 = tpu.memref_slice %arg18[%dma_start3A_94, %dma_start3A_95] : memref<10000x64xf32, #tpu.memory_space<vmem_shared>> -> memref<10000x64xf32, #tpu.memory_space<vmem_shared>>
        tpu.enqueue_indirect_dma source(%arg14 : memref<512x64xf32, #tpu.memory_space<vmem>>) target(%dma_start3A_96 : memref<10000x64xf32, #tpu.memory_space<vmem_shared>>) offsets(%arg9 : memref<512xi32, #tpu.memory_space<vmem>>) semaphore(%run_scoped3A : memref<!tpu.dma_semaphore, #tpu.memory_space<semaphore_mem>>) {add = true}
        %dma_wait3A_97 = arith.constant 0 : i32
        %dma_wait3A_98 = arith.constant 0 : i32
        %dma_wait3A_99 = tpu.memref_slice %arg18[%dma_wait3A_97, %dma_wait3A_98] : memref<10000x64xf32, #tpu.memory_space<vmem_shared>> -> memref<10000x64xf32, #tpu.memory_space<vmem_shared>>
        tpu.wait_indirect_dma semaphore(%run_scoped3A : memref<!tpu.dma_semaphore, #tpu.memory_space<semaphore_mem>>) src(%arg14 : memref<512x64xf32, #tpu.memory_space<vmem>>) dst(%dma_wait3A_99 : memref<10000x64xf32, #tpu.memory_space<vmem_shared>>)
        tpu.yield
      }) : () -> ()
      %mul3A_73 = arith.constant 2 : i32
      %mul3A_74 = arith.muli %mul3A_73, %scan3A_52 : i32
      %add3A_75 = arith.constant 2 : i32
      %add3A_76 = arith.addi %mul3A_74, %add3A_75 : i32
      %rem3A = arith.constant 20 : i32
      %rem3A_77 = arith.remsi %add3A_76, %rem3A : i32
      %mul3A_78 = arith.constant 512 : i32
      %mul3A_79 = arith.muli %rem3A_77, %mul3A_78 : i32
      %add3A_80 = arith.addi %mul3A_32, %mul3A_79 : i32
      %multiple_of3A_81 = tpu.assume_multiple %add3A_80, 8 : i32
      "tpu.region"() ({
        %run_scoped3A = tpu.sem_alloc : memref<!tpu.dma_semaphore, #tpu.memory_space<semaphore_mem>>
        %dma_start3A_94 = tpu.memref_slice %arg2[%multiple_of3A_81] : memref<327680xi32, #tpu.memory_space<hbm>> -> memref<512xi32, #tpu.memory_space<hbm>>
        %dma_start3A_95 = tpu.memref_slice %arg2[%multiple_of3A_81] : memref<327680xi32, #tpu.memory_space<hbm>> -> memref<512xi32, #tpu.memory_space<hbm>>
        tpu.enqueue_dma source(%dma_start3A_95 : memref<512xi32, #tpu.memory_space<hbm>>) target(%arg8 : memref<512xi32, #tpu.memory_space<vmem>>) target_semaphore(%run_scoped3A : memref<!tpu.dma_semaphore, #tpu.memory_space<semaphore_mem>>)
        %dma_wait3A_96 = tpu.memref_slice %arg2[%multiple_of3A_81] : memref<327680xi32, #tpu.memory_space<hbm>> -> memref<512xi32, #tpu.memory_space<hbm>>
        %dma_wait3A_97 = tpu.memref_slice %arg2[%multiple_of3A_81] : memref<327680xi32, #tpu.memory_space<hbm>> -> memref<512xi32, #tpu.memory_space<hbm>>
        tpu.wait_dma2 semaphore(%run_scoped3A : memref<!tpu.dma_semaphore, #tpu.memory_space<semaphore_mem>>) src(%dma_wait3A_97 : memref<512xi32, #tpu.memory_space<hbm>>) dst(%arg8 : memref<512xi32, #tpu.memory_space<vmem>>)
        tpu.yield
      }) : () -> ()
      "tpu.region"() ({
        %run_scoped3A = tpu.sem_alloc : memref<!tpu.dma_semaphore, #tpu.memory_space<semaphore_mem>>
        %dma_start3A_94 = tpu.memref_slice %arg3[%multiple_of3A_81] : memref<327680xi32, #tpu.memory_space<hbm>> -> memref<512xi32, #tpu.memory_space<hbm>>
        %dma_start3A_95 = tpu.memref_slice %arg3[%multiple_of3A_81] : memref<327680xi32, #tpu.memory_space<hbm>> -> memref<512xi32, #tpu.memory_space<hbm>>
        tpu.enqueue_dma source(%dma_start3A_95 : memref<512xi32, #tpu.memory_space<hbm>>) target(%arg9 : memref<512xi32, #tpu.memory_space<vmem>>) target_semaphore(%run_scoped3A : memref<!tpu.dma_semaphore, #tpu.memory_space<semaphore_mem>>)
        %dma_wait3A_96 = tpu.memref_slice %arg3[%multiple_of3A_81] : memref<327680xi32, #tpu.memory_space<hbm>> -> memref<512xi32, #tpu.memory_space<hbm>>
        %dma_wait3A_97 = tpu.memref_slice %arg3[%multiple_of3A_81] : memref<327680xi32, #tpu.memory_space<hbm>> -> memref<512xi32, #tpu.memory_space<hbm>>
        tpu.wait_dma2 semaphore(%run_scoped3A : memref<!tpu.dma_semaphore, #tpu.memory_space<semaphore_mem>>) src(%dma_wait3A_97 : memref<512xi32, #tpu.memory_space<hbm>>) dst(%arg9 : memref<512xi32, #tpu.memory_space<vmem>>)
        tpu.yield
      }) : () -> ()
      "tpu.region"() ({
        %run_scoped3A = tpu.sem_alloc : memref<!tpu.dma_semaphore, #tpu.memory_space<semaphore_mem>>
        %dma_start3A_94 = arith.constant 0 : i32
        %dma_start3A_95 = tpu.memref_slice %arg4[%multiple_of3A_81, %dma_start3A_94] : memref<327680x16xf32, #tpu.memory_space<hbm>> -> memref<512x16xf32, #tpu.memory_space<hbm>>
        %dma_start3A_96 = arith.constant 0 : i32
        %dma_start3A_97 = tpu.memref_slice %arg4[%multiple_of3A_81, %dma_start3A_96] : memref<327680x16xf32, #tpu.memory_space<hbm>> -> memref<512x16xf32, #tpu.memory_space<hbm>>
        tpu.enqueue_dma source(%dma_start3A_97 : memref<512x16xf32, #tpu.memory_space<hbm>>) target(%arg12 : memref<512x16xf32, #tpu.memory_space<vmem>>) target_semaphore(%run_scoped3A : memref<!tpu.dma_semaphore, #tpu.memory_space<semaphore_mem>>)
        %dma_wait3A_98 = arith.constant 0 : i32
        %dma_wait3A_99 = tpu.memref_slice %arg4[%multiple_of3A_81, %dma_wait3A_98] : memref<327680x16xf32, #tpu.memory_space<hbm>> -> memref<512x16xf32, #tpu.memory_space<hbm>>
        %dma_wait3A_100 = arith.constant 0 : i32
        %dma_wait3A_101 = tpu.memref_slice %arg4[%multiple_of3A_81, %dma_wait3A_100] : memref<327680x16xf32, #tpu.memory_space<hbm>> -> memref<512x16xf32, #tpu.memory_space<hbm>>
        tpu.wait_dma2 semaphore(%run_scoped3A : memref<!tpu.dma_semaphore, #tpu.memory_space<semaphore_mem>>) src(%dma_wait3A_101 : memref<512x16xf32, #tpu.memory_space<hbm>>) dst(%arg12 : memref<512x16xf32, #tpu.memory_space<vmem>>)
        tpu.yield
      }) : () -> ()
      %dma_start3A_82 = arith.constant 0 : i32
      %dma_start3A_83 = arith.constant 0 : i32
      %dma_start3A_84 = tpu.memref_slice %arg5[%dma_start3A_82, %dma_start3A_83] : memref<10000x64xf32, #tpu.memory_space<hbm>> -> memref<10000x64xf32, #tpu.memory_space<hbm>>
      tpu.enqueue_indirect_dma source(%dma_start3A_84 : memref<10000x64xf32, #tpu.memory_space<hbm>>) target(%arg14 : memref<512x64xf32, #tpu.memory_space<vmem>>) offsets(%arg8 : memref<512xi32, #tpu.memory_space<vmem>>) semaphore(%arg19 : memref<!tpu.dma_semaphore, #tpu.memory_space<semaphore_mem>>)
      %dma_wait3A_85 = arith.constant 0 : i32
      %dma_wait3A_86 = arith.constant 0 : i32
      %dma_wait3A_87 = tpu.memref_slice %arg5[%dma_wait3A_85, %dma_wait3A_86] : memref<10000x64xf32, #tpu.memory_space<hbm>> -> memref<10000x64xf32, #tpu.memory_space<hbm>>
      tpu.wait_indirect_dma semaphore(%arg20 : memref<!tpu.dma_semaphore, #tpu.memory_space<semaphore_mem>>) src(%dma_wait3A_87 : memref<10000x64xf32, #tpu.memory_space<hbm>>) dst(%arg15 : memref<512x64xf32, #tpu.memory_space<vmem>>)
      %scan3A_88 = arith.constant 0 : i32
      %scan3A_89 = arith.constant 0 : i32
      %scan3A_90 = arith.constant 512 : i32
      %scan3A_91 = arith.addi %scan3A_89, %scan3A_90 : i32
      %scan3A_92 = arith.constant 1 : i32
      scf.for %scan3A_94 = %scan3A_89 to %scan3A_91 step %scan3A_92  : i32 {
        %get3A_95 = arith.index_cast %scan3A_94 : i32 to index
        %get3A_96 = arith.constant 0 : index
        %get3A_97 = tpu.vector_load %arg13[%get3A_95, %get3A_96] {strides = array<i32>} : memref<512x16xf32, #tpu.memory_space<vmem>>, vector<1x16xf32>,
        %get3A_98 = vector.shape_cast %get3A_97 : vector<1x16xf32> to vector<16xf32>
        %lt3A = arith.constant 0 : i32
        %lt3A_99 = vector.broadcast %lt3A : i32 to vector<16xi32>
        %lt3A_100 = arith.cmpi slt, %get3A_15, %lt3A_99 : vector<16xi32>
        %add3A_101 = arith.constant 16 : i32
        %add3A_102 = vector.broadcast %add3A_101 : i32 to vector<16xi32>
        %add3A_103 = arith.addi %get3A_15, %add3A_102 : vector<16xi32>
        %select_n3A = arith.select %lt3A_100, %add3A_103, %get3A_15 : vector<16xi1>, vector<16xi32>
        %broadcast_in_dim3A = vector.shape_cast %select_n3A : vector<16xi32> to vector<16x1xi32>
        %gather3A = vector.shape_cast %broadcast_in_dim3A : vector<16x1xi32> to vector<16xi32>
        %gather3A_104 = tpu.dynamic_gather %get3A_98[%gather3A] in [0] : vector<16xf32>, vector<16xi32> -> vector<16xf32>
        %get3A_105 = arith.index_cast %scan3A_94 : i32 to index
        %get3A_106 = arith.constant 0 : index
        %get3A_107 = tpu.vector_load %arg15[%get3A_105, %get3A_106] {strides = array<i32>} : memref<512x64xf32, #tpu.memory_space<vmem>>, vector<1x16xf32>,
        %get3A_108 = vector.shape_cast %get3A_107 : vector<1x16xf32> to vector<16xf32>
        %mul3A_109 = arith.mulf %get3A_108, %gather3A_104 : vector<16xf32>
        %swap3A = arith.index_cast %scan3A_94 : i32 to index
        %swap3A_110 = arith.constant 0 : index
        %swap3A_111 = tpu.vector_load %arg15[%swap3A, %swap3A_110] {strides = array<i32>} : memref<512x64xf32, #tpu.memory_space<vmem>>, vector<1x16xf32>,
        %swap3A_112 = vector.shape_cast %swap3A_111 : vector<1x16xf32> to vector<16xf32>
        %swap3A_113 = vector.shape_cast %mul3A_109 : vector<16xf32> to vector<1x16xf32>
        tpu.vector_store %arg15[%swap3A, %swap3A_110], %swap3A_113 {strides = array<i32>} : memref<512x64xf32, #tpu.memory_space<vmem>>, vector<1x16xf32>,
        %lt3A_114 = arith.constant 0 : i32
        %lt3A_115 = vector.broadcast %lt3A_114 : i32 to vector<16xi32>
        %lt3A_116 = arith.cmpi slt, %get3A_20, %lt3A_115 : vector<16xi32>
        %add3A_117 = arith.constant 16 : i32
        %add3A_118 = vector.broadcast %add3A_117 : i32 to vector<16xi32>
        %add3A_119 = arith.addi %get3A_20, %add3A_118 : vector<16xi32>
        %select_n3A_120 = arith.select %lt3A_116, %add3A_119, %get3A_20 : vector<16xi1>, vector<16xi32>
        %broadcast_in_dim3A_121 = vector.shape_cast %select_n3A_120 : vector<16xi32> to vector<16x1xi32>
        %gather3A_122 = vector.shape_cast %broadcast_in_dim3A_121 : vector<16x1xi32> to vector<16xi32>
        %gather3A_123 = tpu.dynamic_gather %get3A_98[%gather3A_122] in [0] : vector<16xf32>, vector<16xi32> -> vector<16xf32>
        %get3A_124 = arith.index_cast %scan3A_94 : i32 to index
        %get3A_125 = arith.constant 16 : index
        %get3A_126 = tpu.vector_load %arg15[%get3A_124, %get3A_125] {strides = array<i32>} : memref<512x64xf32, #tpu.memory_space<vmem>>, vector<1x16xf32>,
        %get3A_127 = vector.shape_cast %get3A_126 : vector<1x16xf32> to vector<16xf32>
        %mul3A_128 = arith.mulf %get3A_127, %gather3A_123 : vector<16xf32>
        %swap3A_129 = arith.index_cast %scan3A_94 : i32 to index
        %swap3A_130 = arith.constant 16 : index
        %swap3A_131 = tpu.vector_load %arg15[%swap3A_129, %swap3A_130] {strides = array<i32>} : memref<512x64xf32, #tpu.memory_space<vmem>>, vector<1x16xf32>,
        %swap3A_132 = vector.shape_cast %swap3A_131 : vector<1x16xf32> to vector<16xf32>
        %swap3A_133 = vector.shape_cast %mul3A_128 : vector<16xf32> to vector<1x16xf32>
        tpu.vector_store %arg15[%swap3A_129, %swap3A_130], %swap3A_133 {strides = array<i32>} : memref<512x64xf32, #tpu.memory_space<vmem>>, vector<1x16xf32>,
        %lt3A_134 = arith.constant 0 : i32
        %lt3A_135 = vector.broadcast %lt3A_134 : i32 to vector<16xi32>
        %lt3A_136 = arith.cmpi slt, %get3A_25, %lt3A_135 : vector<16xi32>
        %add3A_137 = arith.constant 16 : i32
        %add3A_138 = vector.broadcast %add3A_137 : i32 to vector<16xi32>
        %add3A_139 = arith.addi %get3A_25, %add3A_138 : vector<16xi32>
        %select_n3A_140 = arith.select %lt3A_136, %add3A_139, %get3A_25 : vector<16xi1>, vector<16xi32>
        %broadcast_in_dim3A_141 = vector.shape_cast %select_n3A_140 : vector<16xi32> to vector<16x1xi32>
        %gather3A_142 = vector.shape_cast %broadcast_in_dim3A_141 : vector<16x1xi32> to vector<16xi32>
        %gather3A_143 = tpu.dynamic_gather %get3A_98[%gather3A_142] in [0] : vector<16xf32>, vector<16xi32> -> vector<16xf32>
        %get3A_144 = arith.index_cast %scan3A_94 : i32 to index
        %get3A_145 = arith.constant 32 : index
        %get3A_146 = tpu.vector_load %arg15[%get3A_144, %get3A_145] {strides = array<i32>} : memref<512x64xf32, #tpu.memory_space<vmem>>, vector<1x16xf32>,
        %get3A_147 = vector.shape_cast %get3A_146 : vector<1x16xf32> to vector<16xf32>
        %mul3A_148 = arith.mulf %get3A_147, %gather3A_143 : vector<16xf32>
        %swap3A_149 = arith.index_cast %scan3A_94 : i32 to index
        %swap3A_150 = arith.constant 32 : index
        %swap3A_151 = tpu.vector_load %arg15[%swap3A_149, %swap3A_150] {strides = array<i32>} : memref<512x64xf32, #tpu.memory_space<vmem>>, vector<1x16xf32>,
        %swap3A_152 = vector.shape_cast %swap3A_151 : vector<1x16xf32> to vector<16xf32>
        %swap3A_153 = vector.shape_cast %mul3A_148 : vector<16xf32> to vector<1x16xf32>
        tpu.vector_store %arg15[%swap3A_149, %swap3A_150], %swap3A_153 {strides = array<i32>} : memref<512x64xf32, #tpu.memory_space<vmem>>, vector<1x16xf32>,
        %lt3A_154 = arith.constant 0 : i32
        %lt3A_155 = vector.broadcast %lt3A_154 : i32 to vector<16xi32>
        %lt3A_156 = arith.cmpi slt, %get3A_30, %lt3A_155 : vector<16xi32>
        %add3A_157 = arith.constant 16 : i32
        %add3A_158 = vector.broadcast %add3A_157 : i32 to vector<16xi32>
        %add3A_159 = arith.addi %get3A_30, %add3A_158 : vector<16xi32>
        %select_n3A_160 = arith.select %lt3A_156, %add3A_159, %get3A_30 : vector<16xi1>, vector<16xi32>
        %broadcast_in_dim3A_161 = vector.shape_cast %select_n3A_160 : vector<16xi32> to vector<16x1xi32>
        %gather3A_162 = vector.shape_cast %broadcast_in_dim3A_161 : vector<16x1xi32> to vector<16xi32>
        %gather3A_163 = tpu.dynamic_gather %get3A_98[%gather3A_162] in [0] : vector<16xf32>, vector<16xi32> -> vector<16xf32>
        %get3A_164 = arith.index_cast %scan3A_94 : i32 to index
        %get3A_165 = arith.constant 48 : index
        %get3A_166 = tpu.vector_load %arg15[%get3A_164, %get3A_165] {strides = array<i32>} : memref<512x64xf32, #tpu.memory_space<vmem>>, vector<1x16xf32>,
        %get3A_167 = vector.shape_cast %get3A_166 : vector<1x16xf32> to vector<16xf32>
        %mul3A_168 = arith.mulf %get3A_167, %gather3A_163 : vector<16xf32>
        %swap3A_169 = arith.index_cast %scan3A_94 : i32 to index
        %swap3A_170 = arith.constant 48 : index
        %swap3A_171 = tpu.vector_load %arg15[%swap3A_169, %swap3A_170] {strides = array<i32>} : memref<512x64xf32, #tpu.memory_space<vmem>>, vector<1x16xf32>,
        %swap3A_172 = vector.shape_cast %swap3A_171 : vector<1x16xf32> to vector<16xf32>
        %swap3A_173 = vector.shape_cast %mul3A_168 : vector<16xf32> to vector<1x16xf32>
        tpu.vector_store %arg15[%swap3A_169, %swap3A_170], %swap3A_173 {strides = array<i32>} : memref<512x64xf32, #tpu.memory_space<vmem>>, vector<1x16xf32>,
      }
      %scan3A_93 = arith.constant 512 : i32
      "tpu.region"() ({
        %run_scoped3A = tpu.sem_alloc : memref<!tpu.dma_semaphore, #tpu.memory_space<semaphore_mem>>
        %dma_start3A_94 = arith.constant 0 : i32
        %dma_start3A_95 = arith.constant 0 : i32
        %dma_start3A_96 = tpu.memref_slice %arg18[%dma_start3A_94, %dma_start3A_95] : memref<10000x64xf32, #tpu.memory_space<vmem_shared>> -> memref<10000x64xf32, #tpu.memory_space<vmem_shared>>
        tpu.enqueue_indirect_dma source(%arg15 : memref<512x64xf32, #tpu.memory_space<vmem>>) target(%dma_start3A_96 : memref<10000x64xf32, #tpu.memory_space<vmem_shared>>) offsets(%arg11 : memref<512xi32, #tpu.memory_space<vmem>>) semaphore(%run_scoped3A : memref<!tpu.dma_semaphore, #tpu.memory_space<semaphore_mem>>) {add = true}
        %dma_wait3A_97 = arith.constant 0 : i32
        %dma_wait3A_98 = arith.constant 0 : i32
        %dma_wait3A_99 = tpu.memref_slice %arg18[%dma_wait3A_97, %dma_wait3A_98] : memref<10000x64xf32, #tpu.memory_space<vmem_shared>> -> memref<10000x64xf32, #tpu.memory_space<vmem_shared>>
        tpu.wait_indirect_dma semaphore(%run_scoped3A : memref<!tpu.dma_semaphore, #tpu.memory_space<semaphore_mem>>) src(%arg15 : memref<512x64xf32, #tpu.memory_space<vmem>>) dst(%dma_wait3A_99 : memref<10000x64xf32, #tpu.memory_space<vmem_shared>>)
        tpu.yield
      }) : () -> ()
    }
    %scan3A_42 = arith.constant 10 : i32
    %dma_wait3A = arith.constant 0 : i32
    %dma_wait3A_43 = arith.constant 0 : i32
    %dma_wait3A_44 = tpu.memref_slice %arg5[%dma_wait3A, %dma_wait3A_43] : memref<10000x64xf32, #tpu.memory_space<hbm>> -> memref<10000x64xf32, #tpu.memory_space<hbm>>
    tpu.wait_indirect_dma semaphore(%arg19 : memref<!tpu.dma_semaphore, #tpu.memory_space<semaphore_mem>>) src(%dma_wait3A_44 : memref<10000x64xf32, #tpu.memory_space<hbm>>) dst(%arg14 : memref<512x64xf32, #tpu.memory_space<vmem>>)
    %barrier3A_45 = arith.constant 0 : index
    tpu.barrier barrier_id(%barrier3A_45)
    %scan3A_46 = arith.constant 0 : i32
    %scan3A_47 = arith.constant 0 : i32
    %scan3A_48 = arith.constant 25 : i32
    %scan3A_49 = arith.addi %scan3A_47, %scan3A_48 : i32
    %scan3A_50 = arith.constant 1 : i32
    scf.for %scan3A_52 = %scan3A_47 to %scan3A_49 step %scan3A_50  : i32 {
      %mul3A_53 = arith.constant 625 : i32
      %mul3A_54 = arith.muli %arg1, %mul3A_53 : i32
      %mul3A_55 = arith.constant 25 : i32
      %mul3A_56 = arith.muli %scan3A_52, %mul3A_55 : i32
      %add3A_57 = arith.addi %mul3A_54, %mul3A_56 : i32
      "tpu.region"() ({
        %run_scoped3A = tpu.sem_alloc : memref<!tpu.dma_semaphore, #tpu.memory_space<semaphore_mem>>
        %dma_start3A_63 = arith.constant 0 : i32
        %dma_start3A_64 = tpu.memref_slice %arg18[%add3A_57, %dma_start3A_63] : memref<10000x64xf32, #tpu.memory_space<vmem_shared>> -> memref<25x64xf32, #tpu.memory_space<vmem_shared>>
        %dma_start3A_65 = arith.constant 0 : i32
        %dma_start3A_66 = tpu.memref_slice %arg18[%add3A_57, %dma_start3A_65] : memref<10000x64xf32, #tpu.memory_space<vmem_shared>> -> memref<25x64xf32, #tpu.memory_space<vmem_shared>>
        tpu.enqueue_dma source(%dma_start3A_66 : memref<25x64xf32, #tpu.memory_space<vmem_shared>>) target(%arg16 : memref<25x64xf32, #tpu.memory_space<vmem>>) target_semaphore(%run_scoped3A : memref<!tpu.dma_semaphore, #tpu.memory_space<semaphore_mem>>)
        %dma_wait3A_67 = arith.constant 0 : i32
        %dma_wait3A_68 = tpu.memref_slice %arg18[%add3A_57, %dma_wait3A_67] : memref<10000x64xf32, #tpu.memory_space<vmem_shared>> -> memref<25x64xf32, #tpu.memory_space<vmem_shared>>
        %dma_wait3A_69 = arith.constant 0 : i32
        %dma_wait3A_70 = tpu.memref_slice %arg18[%add3A_57, %dma_wait3A_69] : memref<10000x64xf32, #tpu.memory_space<vmem_shared>> -> memref<25x64xf32, #tpu.memory_space<vmem_shared>>
        tpu.wait_dma2 semaphore(%run_scoped3A : memref<!tpu.dma_semaphore, #tpu.memory_space<semaphore_mem>>) src(%dma_wait3A_70 : memref<25x64xf32, #tpu.memory_space<vmem_shared>>) dst(%arg16 : memref<25x64xf32, #tpu.memory_space<vmem>>)
        tpu.yield
      }) : () -> ()
      %mul3A_58 = arith.constant 625 : i32
      %mul3A_59 = arith.muli %arg1, %mul3A_58 : i32
      %mul3A_60 = arith.constant 25 : i32
      %mul3A_61 = arith.muli %scan3A_52, %mul3A_60 : i32
      %add3A_62 = arith.addi %mul3A_59, %mul3A_61 : i32
      "tpu.region"() ({
        %run_scoped3A = tpu.sem_alloc : memref<!tpu.dma_semaphore, #tpu.memory_space<semaphore_mem>>
        %dma_start3A_63 = arith.constant 0 : i32
        %dma_start3A_64 = tpu.memref_slice %arg7[%arg0, %add3A_62, %dma_start3A_63] : memref<2x10000x64xf32, #tpu.memory_space<hbm>> -> memref<1x25x64xf32, #tpu.memory_space<hbm>>
        %dma_start3A_65 = tpu.memref_squeeze %dma_start3A_64 : memref<1x25x64xf32, #tpu.memory_space<hbm>> -> memref<25x64xf32, #tpu.memory_space<hbm>>
        %dma_start3A_66 = arith.constant 0 : i32
        %dma_start3A_67 = tpu.memref_slice %arg7[%arg0, %add3A_62, %dma_start3A_66] : memref<2x10000x64xf32, #tpu.memory_space<hbm>> -> memref<1x25x64xf32, #tpu.memory_space<hbm>>
        %dma_start3A_68 = tpu.memref_squeeze %dma_start3A_67 : memref<1x25x64xf32, #tpu.memory_space<hbm>> -> memref<25x64xf32, #tpu.memory_space<hbm>>
        tpu.enqueue_dma source(%arg16 : memref<25x64xf32, #tpu.memory_space<vmem>>) target(%dma_start3A_68 : memref<25x64xf32, #tpu.memory_space<hbm>>) target_semaphore(%run_scoped3A : memref<!tpu.dma_semaphore, #tpu.memory_space<semaphore_mem>>)
        %dma_wait3A_69 = arith.constant 0 : i32
        %dma_wait3A_70 = tpu.memref_slice %arg7[%arg0, %add3A_62, %dma_wait3A_69] : memref<2x10000x64xf32, #tpu.memory_space<hbm>> -> memref<1x25x64xf32, #tpu.memory_space<hbm>>
        %dma_wait3A_71 = tpu.memref_squeeze %dma_wait3A_70 : memref<1x25x64xf32, #tpu.memory_space<hbm>> -> memref<25x64xf32, #tpu.memory_space<hbm>>
        %dma_wait3A_72 = arith.constant 0 : i32
        %dma_wait3A_73 = tpu.memref_slice %arg7[%arg0, %add3A_62, %dma_wait3A_72] : memref<2x10000x64xf32, #tpu.memory_space<hbm>> -> memref<1x25x64xf32, #tpu.memory_space<hbm>>
        %dma_wait3A_74 = tpu.memref_squeeze %dma_wait3A_73 : memref<1x25x64xf32, #tpu.memory_space<hbm>> -> memref<25x64xf32, #tpu.memory_space<hbm>>
        tpu.wait_dma2 semaphore(%run_scoped3A : memref<!tpu.dma_semaphore, #tpu.memory_space<semaphore_mem>>) src(%arg16 : memref<25x64xf32, #tpu.memory_space<vmem>>) dst(%dma_wait3A_74 : memref<25x64xf32, #tpu.memory_space<hbm>>)
        tpu.yield
      }) : () -> ()
    }
    %scan3A_51 = arith.constant 25 : i32
    return
  }
}

module attributes {stable_mosaic.version = 14 : i64} {
  func.func @body(%arg0: i32, %arg1: memref<512x128xf32, #tpu.memory_space<vmem>>, %arg2: memref<128x70xf32, #tpu.memory_space<vmem>>, %arg3: memref<1x70xf32, #tpu.memory_space<vmem>>, %arg4: memref<512x70xf32, #tpu.memory_space<vmem>>) attributes {dimension_semantics = [#tpu.dimension_semantics<arbitrary>], iteration_bounds = array<i64: 20>, scalar_prefetch = 0 : i64, scratch_operands = 0 : i64, tpu.core_type = #tpu.core_type<tc>, window_params = [{transform_indices = @transform_0, window_bounds = array<i64: 512, 128>}, {pipeline_mode = #tpu.pipeline_mode<synchronous>, transform_indices = @transform_1, window_bounds = array<i64: 128, 70>}, {pipeline_mode = #tpu.pipeline_mode<synchronous>, transform_indices = @transform_2, window_bounds = array<i64: 1, 70>}, {transform_indices = @transform_3, window_bounds = array<i64: 512, 70>}]} {
    %get3A = arith.constant 0 : index
    %get3A_0 = arith.constant 0 : index
    %get3A_1 = vector.load %arg1[%get3A, %get3A_0] : memref<512x128xf32, #tpu.memory_space<vmem>>, vector<512x128xf32>
    %get3A_2 = arith.constant 0 : index
    %get3A_3 = arith.constant 0 : index
    %get3A_4 = vector.load %arg2[%get3A_2, %get3A_3] : memref<128x70xf32, #tpu.memory_space<vmem>>, vector<128x70xf32>
    %dot_general3A = arith.constant dense<0.000000e+00> : vector<512x70xf32>
    %dot_general3A_5 = tpu.matmul %get3A_1, %get3A_4, %dot_general3A {dimension_numbers = #tpu.dot_dimension_numbers<[1], [0], [0], [1], [0, 0, 1, 1], [], []>, transpose_lhs_hint = false} : vector<512x128xf32>, vector<128x70xf32>, vector<512x70xf32> -> vector<512x70xf32>
    %get3A_6 = arith.constant 0 : index
    %get3A_7 = arith.constant 0 : index
    %get3A_8 = vector.load %arg3[%get3A_6, %get3A_7] : memref<1x70xf32, #tpu.memory_space<vmem>>, vector<1x70xf32>
    %add3A = vector.broadcast %get3A_8 : vector<1x70xf32> to vector<512x70xf32>
    %add3A_9 = arith.addf %dot_general3A_5, %add3A : vector<512x70xf32>
    %swap3A = arith.constant 0 : index
    %swap3A_10 = arith.constant 0 : index
    %swap3A_11 = vector.load %arg4[%swap3A, %swap3A_10] : memref<512x70xf32, #tpu.memory_space<vmem>>, vector<512x70xf32>
    tpu.vector_store %arg4[%swap3A, %swap3A_10], %add3A_9 {strides = array<i32>} : memref<512x70xf32, #tpu.memory_space<vmem>>, vector<512x70xf32>,
    return
  }
  func.func @transform_0(%arg0: i32) -> (i32, i32) {
    %c0_i32 = arith.constant 0 : i32
    %c0_i32_0 = arith.constant 0 : i32
    return %arg0, %c0_i32 : i32, i32
  }
  func.func @transform_1(%arg0: i32) -> (i32, i32) {
    %c0_i32 = arith.constant 0 : i32
    %c0_i32_0 = arith.constant 0 : i32
    %c0_i32_1 = arith.constant 0 : i32
    return %c0_i32, %c0_i32_0 : i32, i32
  }
  func.func @transform_2(%arg0: i32) -> (i32, i32) {
    %c0_i32 = arith.constant 0 : i32
    %c0_i32_0 = arith.constant 0 : i32
    %c0_i32_1 = arith.constant 0 : i32
    return %c0_i32, %c0_i32_0 : i32, i32
  }
  func.func @transform_3(%arg0: i32) -> (i32, i32) {
    %c0_i32 = arith.constant 0 : i32
    %c0_i32_0 = arith.constant 0 : i32
    return %arg0, %c0_i32 : i32, i32
  }
}

module attributes {stable_mosaic.version = 14 : i64} {
  func.func @body(%arg0: i32, %arg1: memref<512x72xf32, #tpu.memory_space<vmem>>, %arg2: memref<72x64xf32, #tpu.memory_space<vmem>>, %arg3: memref<1x64xf32, #tpu.memory_space<vmem>>, %arg4: memref<512x64xf32, #tpu.memory_space<vmem>>) attributes {dimension_semantics = [#tpu.dimension_semantics<arbitrary>], iteration_bounds = array<i64: 20>, scalar_prefetch = 0 : i64, scratch_operands = 0 : i64, tpu.core_type = #tpu.core_type<tc>, window_params = [{transform_indices = @transform_0, window_bounds = array<i64: 512, 72>}, {pipeline_mode = #tpu.pipeline_mode<synchronous>, transform_indices = @transform_1, window_bounds = array<i64: 72, 64>}, {pipeline_mode = #tpu.pipeline_mode<synchronous>, transform_indices = @transform_2, window_bounds = array<i64: 1, 64>}, {transform_indices = @transform_3, window_bounds = array<i64: 512, 64>}]} {
    %get3A = arith.constant 0 : index
    %get3A_0 = arith.constant 0 : index
    %get3A_1 = vector.load %arg1[%get3A, %get3A_0] : memref<512x72xf32, #tpu.memory_space<vmem>>, vector<512x72xf32>
    %get3A_2 = arith.constant 0 : index
    %get3A_3 = arith.constant 0 : index
    %get3A_4 = vector.load %arg2[%get3A_2, %get3A_3] : memref<72x64xf32, #tpu.memory_space<vmem>>, vector<72x64xf32>
    %dot_general3A = arith.constant dense<0.000000e+00> : vector<512x64xf32>
    %dot_general3A_5 = tpu.matmul %get3A_1, %get3A_4, %dot_general3A {dimension_numbers = #tpu.dot_dimension_numbers<[1], [0], [0], [1], [0, 0, 1, 1], [], []>, transpose_lhs_hint = false} : vector<512x72xf32>, vector<72x64xf32>, vector<512x64xf32> -> vector<512x64xf32>
    %get3A_6 = arith.constant 0 : index
    %get3A_7 = arith.constant 0 : index
    %get3A_8 = vector.load %arg3[%get3A_6, %get3A_7] : memref<1x64xf32, #tpu.memory_space<vmem>>, vector<1x64xf32>
    %add3A = vector.broadcast %get3A_8 : vector<1x64xf32> to vector<512x64xf32>
    %add3A_9 = arith.addf %dot_general3A_5, %add3A : vector<512x64xf32>
    %swap3A = arith.constant 0 : index
    %swap3A_10 = arith.constant 0 : index
    %swap3A_11 = vector.load %arg4[%swap3A, %swap3A_10] : memref<512x64xf32, #tpu.memory_space<vmem>>, vector<512x64xf32>
    tpu.vector_store %arg4[%swap3A, %swap3A_10], %add3A_9 {strides = array<i32>} : memref<512x64xf32, #tpu.memory_space<vmem>>, vector<512x64xf32>,
    return
  }
  func.func @transform_0(%arg0: i32) -> (i32, i32) {
    %c0_i32 = arith.constant 0 : i32
    %c0_i32_0 = arith.constant 0 : i32
    return %arg0, %c0_i32 : i32, i32
  }
  func.func @transform_1(%arg0: i32) -> (i32, i32) {
    %c0_i32 = arith.constant 0 : i32
    %c0_i32_0 = arith.constant 0 : i32
    %c0_i32_1 = arith.constant 0 : i32
    return %c0_i32, %c0_i32_0 : i32, i32
  }
  func.func @transform_2(%arg0: i32) -> (i32, i32) {
    %c0_i32 = arith.constant 0 : i32
    %c0_i32_0 = arith.constant 0 : i32
    %c0_i32_1 = arith.constant 0 : i32
    return %c0_i32, %c0_i32_0 : i32, i32
  }
  func.func @transform_3(%arg0: i32) -> (i32, i32) {
    %c0_i32 = arith.constant 0 : i32
    %c0_i32_0 = arith.constant 0 : i32
    return %arg0, %c0_i32 : i32, i32
  }
}

module attributes {stable_mosaic.version = 14 : i64} {
  func.func @body(%arg0: memref<5000x128xf32, #tpu.memory_space<vmem>>, %arg1: memref<5000x128xf32, #tpu.memory_space<vmem>>, %arg2: memref<5000x128xf32, #tpu.memory_space<vmem>>) attributes {dimension_semantics = [], scalar_prefetch = 0 : i64, scratch_operands = 0 : i64, tpu.core_type = #tpu.core_type<tc>} {
    %get3A = arith.constant 0 : index
    %get3A_0 = arith.constant 0 : index
    %get3A_1 = vector.load %arg0[%get3A, %get3A_0] : memref<5000x128xf32, #tpu.memory_space<vmem>>, vector<5000x128xf32>
    %get3A_2 = arith.constant 0 : index
    %get3A_3 = arith.constant 0 : index
    %get3A_4 = vector.load %arg1[%get3A_2, %get3A_3] : memref<5000x128xf32, #tpu.memory_space<vmem>>, vector<5000x128xf32>
    %add3A = arith.addf %get3A_1, %get3A_4 : vector<5000x128xf32>
    %iota3A = tpu.iota {dimensions = array<i32: 0>} : vector<128x128xi32>
    %iota3A_5 = tpu.iota {dimensions = array<i32: 1>} : vector<128x128xi32>
    %jit3A = arith.constant 64 : i32
    %eq3A = arith.constant 0 : i32
    %eq3A_6 = arith.cmpi eq, %jit3A, %eq3A : i32
    %jit3A_7 = arith.constant 1 : i32
    %select_n3A = arith.select %eq3A_6, %jit3A_7, %jit3A : i32
    %rem3A = vector.broadcast %select_n3A : i32 to vector<128x128xi32>
    %rem3A_8 = arith.remsi %iota3A_5, %rem3A : vector<128x128xi32>
    %ne3A = arith.constant 0 : i32
    %ne3A_9 = vector.broadcast %ne3A : i32 to vector<128x128xi32>
    %ne3A_10 = arith.cmpi ne, %rem3A_8, %ne3A_9 : vector<128x128xi32>
    %lt3A = arith.constant 0 : i32
    %lt3A_11 = vector.broadcast %lt3A : i32 to vector<128x128xi32>
    %lt3A_12 = arith.cmpi slt, %rem3A_8, %lt3A_11 : vector<128x128xi32>
    %lt3A_13 = arith.constant 0 : i32
    %lt3A_14 = arith.cmpi slt, %select_n3A, %lt3A_13 : i32
    %ne3A_15 = vector.broadcast %lt3A_14 : i1 to vector<128x128xi1>
    %ne3A_16 = vector.broadcast %ne3A_15 : vector<128x128xi1> to vector<128x128xi1>
    %ne3A_17 = arith.xori %lt3A_12, %ne3A_16 : vector<128x128xi1>
    %and3A = arith.andi %ne3A_17, %ne3A_10 : vector<128x128xi1>
    %add3A_18 = vector.broadcast %select_n3A : i32 to vector<128x128xi32>
    %add3A_19 = arith.addi %rem3A_8, %add3A_18 : vector<128x128xi32>
    %select_n3A_20 = arith.select %and3A, %add3A_19, %rem3A_8 : vector<128x128xi1>, vector<128x128xi32>
    %lt3A_21 = arith.constant 54 : i32
    %lt3A_22 = vector.broadcast %lt3A_21 : i32 to vector<128x128xi32>
    %lt3A_23 = arith.cmpi slt, %select_n3A_20, %lt3A_22 : vector<128x128xi32>
    %jit3A_24 = arith.constant 64 : i32
    %div3A = vector.broadcast %jit3A_24 : i32 to vector<128x128xi32>
    %div3A_25 = arith.divsi %iota3A_5, %div3A : vector<128x128xi32>
    %sign3A = arith.constant 0 : i32
    %sign3A_26 = vector.broadcast %sign3A : i32 to vector<128x128xi32>
    %sign3A_27 = arith.cmpi sgt, %iota3A_5, %sign3A_26 : vector<128x128xi32>
    %sign3A_28 = arith.extui %sign3A_27 : vector<128x128xi1> to vector<128x128xi32>
    %sign3A_29 = arith.constant 0 : i32
    %sign3A_30 = vector.broadcast %sign3A_29 : i32 to vector<128x128xi32>
    %sign3A_31 = arith.cmpi slt, %iota3A_5, %sign3A_30 : vector<128x128xi32>
    %sign3A_32 = arith.extui %sign3A_31 : vector<128x128xi1> to vector<128x128xi32>
    %sign3A_33 = arith.subi %sign3A_28, %sign3A_32 : vector<128x128xi32>
    %sign3A_34 = arith.constant 0 : i32
    %sign3A_35 = arith.cmpi sgt, %jit3A_24, %sign3A_34 : i32
    %sign3A_36 = arith.extui %sign3A_35 : i1 to i32
    %sign3A_37 = arith.constant 0 : i32
    %sign3A_38 = arith.cmpi slt, %jit3A_24, %sign3A_37 : i32
    %sign3A_39 = arith.extui %sign3A_38 : i1 to i32
    %sign3A_40 = arith.subi %sign3A_36, %sign3A_39 : i32
    %ne3A_41 = vector.broadcast %sign3A_40 : i32 to vector<128x128xi32>
    %ne3A_42 = arith.cmpi ne, %sign3A_33, %ne3A_41 : vector<128x128xi32>
    %rem3A_43 = vector.broadcast %jit3A_24 : i32 to vector<128x128xi32>
    %rem3A_44 = arith.remsi %iota3A_5, %rem3A_43 : vector<128x128xi32>
    %ne3A_45 = arith.constant 0 : i32
    %ne3A_46 = vector.broadcast %ne3A_45 : i32 to vector<128x128xi32>
    %ne3A_47 = arith.cmpi ne, %rem3A_44, %ne3A_46 : vector<128x128xi32>
    %and3A_48 = arith.andi %ne3A_42, %ne3A_47 : vector<128x128xi1>
    %sub3A = arith.constant 1 : i32
    %sub3A_49 = vector.broadcast %sub3A : i32 to vector<128x128xi32>
    %sub3A_50 = arith.subi %div3A_25, %sub3A_49 : vector<128x128xi32>
    %select_n3A_51 = arith.select %and3A_48, %sub3A_50, %div3A_25 : vector<128x128xi1>, vector<128x128xi32>
    %mul3A = arith.constant 64 : i32
    %mul3A_52 = vector.broadcast %mul3A : i32 to vector<128x128xi32>
    %mul3A_53 = arith.muli %select_n3A_51, %mul3A_52 : vector<128x128xi32>
    %add3A_54 = arith.constant 54 : i32
    %add3A_55 = vector.broadcast %add3A_54 : i32 to vector<128x128xi32>
    %add3A_56 = arith.addi %mul3A_53, %add3A_55 : vector<128x128xi32>
    %jit3A_57 = arith.constant 9 : i32
    %div3A_58 = vector.broadcast %jit3A_57 : i32 to vector<128x128xi32>
    %div3A_59 = arith.divsi %select_n3A_20, %div3A_58 : vector<128x128xi32>
    %sign3A_60 = arith.constant 0 : i32
    %sign3A_61 = vector.broadcast %sign3A_60 : i32 to vector<128x128xi32>
    %sign3A_62 = arith.cmpi sgt, %select_n3A_20, %sign3A_61 : vector<128x128xi32>
    %sign3A_63 = arith.extui %sign3A_62 : vector<128x128xi1> to vector<128x128xi32>
    %sign3A_64 = arith.constant 0 : i32
    %sign3A_65 = vector.broadcast %sign3A_64 : i32 to vector<128x128xi32>
    %sign3A_66 = arith.cmpi slt, %select_n3A_20, %sign3A_65 : vector<128x128xi32>
    %sign3A_67 = arith.extui %sign3A_66 : vector<128x128xi1> to vector<128x128xi32>
    %sign3A_68 = arith.subi %sign3A_63, %sign3A_67 : vector<128x128xi32>
    %sign3A_69 = arith.constant 0 : i32
    %sign3A_70 = arith.cmpi sgt, %jit3A_57, %sign3A_69 : i32
    %sign3A_71 = arith.extui %sign3A_70 : i1 to i32
    %sign3A_72 = arith.constant 0 : i32
    %sign3A_73 = arith.cmpi slt, %jit3A_57, %sign3A_72 : i32
    %sign3A_74 = arith.extui %sign3A_73 : i1 to i32
    %sign3A_75 = arith.subi %sign3A_71, %sign3A_74 : i32
    %ne3A_76 = vector.broadcast %sign3A_75 : i32 to vector<128x128xi32>
    %ne3A_77 = arith.cmpi ne, %sign3A_68, %ne3A_76 : vector<128x128xi32>
    %rem3A_78 = vector.broadcast %jit3A_57 : i32 to vector<128x128xi32>
    %rem3A_79 = arith.remsi %select_n3A_20, %rem3A_78 : vector<128x128xi32>
    %ne3A_80 = arith.constant 0 : i32
    %ne3A_81 = vector.broadcast %ne3A_80 : i32 to vector<128x128xi32>
    %ne3A_82 = arith.cmpi ne, %rem3A_79, %ne3A_81 : vector<128x128xi32>
    %and3A_83 = arith.andi %ne3A_77, %ne3A_82 : vector<128x128xi1>
    %sub3A_84 = arith.constant 1 : i32
    %sub3A_85 = vector.broadcast %sub3A_84 : i32 to vector<128x128xi32>
    %sub3A_86 = arith.subi %div3A_59, %sub3A_85 : vector<128x128xi32>
    %select_n3A_87 = arith.select %and3A_83, %sub3A_86, %div3A_59 : vector<128x128xi1>, vector<128x128xi32>
    %add3A_88 = arith.addi %add3A_56, %select_n3A_87 : vector<128x128xi32>
    %eq3A_89 = arith.cmpi eq, %add3A_88, %iota3A : vector<128x128xi32>
    %and3A_90 = arith.andi %lt3A_23, %eq3A_89 : vector<128x128xi1>
    %convert_element_type3A = arith.extui %and3A_90 : vector<128x128xi1> to vector<128x128xi32>
    %convert_element_type3A_91 = arith.sitofp %convert_element_type3A : vector<128x128xi32> to vector<128x128xf32>
    %dot_general3A = arith.constant dense<0.000000e+00> : vector<5000x128xf32>
    %dot_general3A_92 = tpu.matmul %add3A, %convert_element_type3A_91, %dot_general3A {dimension_numbers = #tpu.dot_dimension_numbers<[1], [0], [0], [1], [0, 0, 1, 1], [], []>, transpose_lhs_hint = false} : vector<5000x128xf32>, vector<128x128xf32>, vector<5000x128xf32> -> vector<5000x128xf32>
    %gt3A = arith.constant 0.000000e+00 : f32
    %gt3A_93 = vector.broadcast %gt3A : f32 to vector<5000x128xf32>
    %gt3A_94 = arith.cmpf ogt, %dot_general3A_92, %gt3A_93 : vector<5000x128xf32>
    %div3A_95 = arith.constant 1.000000e+00 : f32
    %div3A_96 = vector.broadcast %div3A_95 : f32 to vector<5000x128xf32>
    %div3A_97 = arith.divf %div3A_96, %dot_general3A_92 : vector<5000x128xf32>
    %jit3A_98 = arith.constant 0.000000e+00 : f32
    %broadcast_in_dim3A = vector.broadcast %jit3A_98 : f32 to vector<5000x128xf32>
    %select_n3A_99 = arith.select %gt3A_94, %div3A_97, %broadcast_in_dim3A : vector<5000x128xi1>, vector<5000x128xf32>
    %mul3A_100 = arith.mulf %add3A, %select_n3A_99 : vector<5000x128xf32>
    %iota3A_101 = tpu.iota {dimensions = array<i32: 1>} : vector<5000x128xi32>
    %jit3A_102 = arith.constant 64 : i32
    %eq3A_103 = arith.constant 0 : i32
    %eq3A_104 = arith.cmpi eq, %jit3A_102, %eq3A_103 : i32
    %jit3A_105 = arith.constant 1 : i32
    %select_n3A_106 = arith.select %eq3A_104, %jit3A_105, %jit3A_102 : i32
    %rem3A_107 = vector.broadcast %select_n3A_106 : i32 to vector<5000x128xi32>
    %rem3A_108 = arith.remsi %iota3A_101, %rem3A_107 : vector<5000x128xi32>
    %ne3A_109 = arith.constant 0 : i32
    %ne3A_110 = vector.broadcast %ne3A_109 : i32 to vector<5000x128xi32>
    %ne3A_111 = arith.cmpi ne, %rem3A_108, %ne3A_110 : vector<5000x128xi32>
    %lt3A_112 = arith.constant 0 : i32
    %lt3A_113 = vector.broadcast %lt3A_112 : i32 to vector<5000x128xi32>
    %lt3A_114 = arith.cmpi slt, %rem3A_108, %lt3A_113 : vector<5000x128xi32>
    %lt3A_115 = arith.constant 0 : i32
    %lt3A_116 = arith.cmpi slt, %select_n3A_106, %lt3A_115 : i32
    %ne3A_117 = vector.broadcast %lt3A_116 : i1 to vector<5000x128xi1>
    %ne3A_118 = vector.broadcast %ne3A_117 : vector<5000x128xi1> to vector<5000x128xi1>
    %ne3A_119 = arith.xori %lt3A_114, %ne3A_118 : vector<5000x128xi1>
    %and3A_120 = arith.andi %ne3A_119, %ne3A_111 : vector<5000x128xi1>
    %add3A_121 = vector.broadcast %select_n3A_106 : i32 to vector<5000x128xi32>
    %add3A_122 = arith.addi %rem3A_108, %add3A_121 : vector<5000x128xi32>
    %select_n3A_123 = arith.select %and3A_120, %add3A_122, %rem3A_108 : vector<5000x128xi1>, vector<5000x128xi32>
    %ge3A = arith.constant 54 : i32
    %ge3A_124 = vector.broadcast %ge3A : i32 to vector<5000x128xi32>
    %ge3A_125 = arith.cmpi sge, %select_n3A_123, %ge3A_124 : vector<5000x128xi32>
    %lt3A_126 = arith.constant 60 : i32
    %lt3A_127 = vector.broadcast %lt3A_126 : i32 to vector<5000x128xi32>
    %lt3A_128 = arith.cmpi slt, %select_n3A_123, %lt3A_127 : vector<5000x128xi32>
    %and3A_129 = arith.andi %ge3A_125, %lt3A_128 : vector<5000x128xi1>
    %jit3A_130 = arith.constant 1.000000e+00 : f32
    %broadcast_in_dim3A_131 = vector.broadcast %jit3A_130 : f32 to vector<5000x128xf32>
    %select_n3A_132 = arith.select %and3A_129, %broadcast_in_dim3A_131, %mul3A_100 : vector<5000x128xi1>, vector<5000x128xf32>
    %swap3A = arith.constant 0 : index
    %swap3A_133 = arith.constant 0 : index
    %swap3A_134 = vector.load %arg2[%swap3A, %swap3A_133] : memref<5000x128xf32, #tpu.memory_space<vmem>>, vector<5000x128xf32>
    tpu.vector_store %arg2[%swap3A, %swap3A_133], %select_n3A_132 {strides = array<i32>} : memref<5000x128xf32, #tpu.memory_space<vmem>>, vector<5000x128xf32>,
    return
  }
}

module attributes {stable_mosaic.version = 14 : i64} {
  func.func @body(%arg0: memref<5000x128xf32, #tpu.memory_space<vmem>>, %arg1: memref<5000x128xf32, #tpu.memory_space<vmem>>, %arg2: memref<5000x128xf32, #tpu.memory_space<vmem>>, %arg3: memref<5000x128xf32, #tpu.memory_space<vmem>>) attributes {dimension_semantics = [], scalar_prefetch = 0 : i64, scratch_operands = 0 : i64, tpu.core_type = #tpu.core_type<tc>} {
    %get3A = arith.constant 0 : index
    %get3A_0 = arith.constant 0 : index
    %get3A_1 = vector.load %arg0[%get3A, %get3A_0] : memref<5000x128xf32, #tpu.memory_space<vmem>>, vector<5000x128xf32>
    %get3A_2 = arith.constant 0 : index
    %get3A_3 = arith.constant 0 : index
    %get3A_4 = vector.load %arg1[%get3A_2, %get3A_3] : memref<5000x128xf32, #tpu.memory_space<vmem>>, vector<5000x128xf32>
    %add3A = arith.addf %get3A_1, %get3A_4 : vector<5000x128xf32>
    %iota3A = tpu.iota {dimensions = array<i32: 0>} : vector<128x128xi32>
    %iota3A_5 = tpu.iota {dimensions = array<i32: 1>} : vector<128x128xi32>
    %jit3A = arith.constant 64 : i32
    %eq3A = arith.constant 0 : i32
    %eq3A_6 = arith.cmpi eq, %jit3A, %eq3A : i32
    %jit3A_7 = arith.constant 1 : i32
    %select_n3A = arith.select %eq3A_6, %jit3A_7, %jit3A : i32
    %rem3A = vector.broadcast %select_n3A : i32 to vector<128x128xi32>
    %rem3A_8 = arith.remsi %iota3A_5, %rem3A : vector<128x128xi32>
    %ne3A = arith.constant 0 : i32
    %ne3A_9 = vector.broadcast %ne3A : i32 to vector<128x128xi32>
    %ne3A_10 = arith.cmpi ne, %rem3A_8, %ne3A_9 : vector<128x128xi32>
    %lt3A = arith.constant 0 : i32
    %lt3A_11 = vector.broadcast %lt3A : i32 to vector<128x128xi32>
    %lt3A_12 = arith.cmpi slt, %rem3A_8, %lt3A_11 : vector<128x128xi32>
    %lt3A_13 = arith.constant 0 : i32
    %lt3A_14 = arith.cmpi slt, %select_n3A, %lt3A_13 : i32
    %ne3A_15 = vector.broadcast %lt3A_14 : i1 to vector<128x128xi1>
    %ne3A_16 = vector.broadcast %ne3A_15 : vector<128x128xi1> to vector<128x128xi1>
    %ne3A_17 = arith.xori %lt3A_12, %ne3A_16 : vector<128x128xi1>
    %and3A = arith.andi %ne3A_17, %ne3A_10 : vector<128x128xi1>
    %add3A_18 = vector.broadcast %select_n3A : i32 to vector<128x128xi32>
    %add3A_19 = arith.addi %rem3A_8, %add3A_18 : vector<128x128xi32>
    %select_n3A_20 = arith.select %and3A, %add3A_19, %rem3A_8 : vector<128x128xi1>, vector<128x128xi32>
    %lt3A_21 = arith.constant 54 : i32
    %lt3A_22 = vector.broadcast %lt3A_21 : i32 to vector<128x128xi32>
    %lt3A_23 = arith.cmpi slt, %select_n3A_20, %lt3A_22 : vector<128x128xi32>
    %jit3A_24 = arith.constant 64 : i32
    %div3A = vector.broadcast %jit3A_24 : i32 to vector<128x128xi32>
    %div3A_25 = arith.divsi %iota3A_5, %div3A : vector<128x128xi32>
    %sign3A = arith.constant 0 : i32
    %sign3A_26 = vector.broadcast %sign3A : i32 to vector<128x128xi32>
    %sign3A_27 = arith.cmpi sgt, %iota3A_5, %sign3A_26 : vector<128x128xi32>
    %sign3A_28 = arith.extui %sign3A_27 : vector<128x128xi1> to vector<128x128xi32>
    %sign3A_29 = arith.constant 0 : i32
    %sign3A_30 = vector.broadcast %sign3A_29 : i32 to vector<128x128xi32>
    %sign3A_31 = arith.cmpi slt, %iota3A_5, %sign3A_30 : vector<128x128xi32>
    %sign3A_32 = arith.extui %sign3A_31 : vector<128x128xi1> to vector<128x128xi32>
    %sign3A_33 = arith.subi %sign3A_28, %sign3A_32 : vector<128x128xi32>
    %sign3A_34 = arith.constant 0 : i32
    %sign3A_35 = arith.cmpi sgt, %jit3A_24, %sign3A_34 : i32
    %sign3A_36 = arith.extui %sign3A_35 : i1 to i32
    %sign3A_37 = arith.constant 0 : i32
    %sign3A_38 = arith.cmpi slt, %jit3A_24, %sign3A_37 : i32
    %sign3A_39 = arith.extui %sign3A_38 : i1 to i32
    %sign3A_40 = arith.subi %sign3A_36, %sign3A_39 : i32
    %ne3A_41 = vector.broadcast %sign3A_40 : i32 to vector<128x128xi32>
    %ne3A_42 = arith.cmpi ne, %sign3A_33, %ne3A_41 : vector<128x128xi32>
    %rem3A_43 = vector.broadcast %jit3A_24 : i32 to vector<128x128xi32>
    %rem3A_44 = arith.remsi %iota3A_5, %rem3A_43 : vector<128x128xi32>
    %ne3A_45 = arith.constant 0 : i32
    %ne3A_46 = vector.broadcast %ne3A_45 : i32 to vector<128x128xi32>
    %ne3A_47 = arith.cmpi ne, %rem3A_44, %ne3A_46 : vector<128x128xi32>
    %and3A_48 = arith.andi %ne3A_42, %ne3A_47 : vector<128x128xi1>
    %sub3A = arith.constant 1 : i32
    %sub3A_49 = vector.broadcast %sub3A : i32 to vector<128x128xi32>
    %sub3A_50 = arith.subi %div3A_25, %sub3A_49 : vector<128x128xi32>
    %select_n3A_51 = arith.select %and3A_48, %sub3A_50, %div3A_25 : vector<128x128xi1>, vector<128x128xi32>
    %mul3A = arith.constant 64 : i32
    %mul3A_52 = vector.broadcast %mul3A : i32 to vector<128x128xi32>
    %mul3A_53 = arith.muli %select_n3A_51, %mul3A_52 : vector<128x128xi32>
    %add3A_54 = arith.constant 54 : i32
    %add3A_55 = vector.broadcast %add3A_54 : i32 to vector<128x128xi32>
    %add3A_56 = arith.addi %mul3A_53, %add3A_55 : vector<128x128xi32>
    %jit3A_57 = arith.constant 9 : i32
    %div3A_58 = vector.broadcast %jit3A_57 : i32 to vector<128x128xi32>
    %div3A_59 = arith.divsi %select_n3A_20, %div3A_58 : vector<128x128xi32>
    %sign3A_60 = arith.constant 0 : i32
    %sign3A_61 = vector.broadcast %sign3A_60 : i32 to vector<128x128xi32>
    %sign3A_62 = arith.cmpi sgt, %select_n3A_20, %sign3A_61 : vector<128x128xi32>
    %sign3A_63 = arith.extui %sign3A_62 : vector<128x128xi1> to vector<128x128xi32>
    %sign3A_64 = arith.constant 0 : i32
    %sign3A_65 = vector.broadcast %sign3A_64 : i32 to vector<128x128xi32>
    %sign3A_66 = arith.cmpi slt, %select_n3A_20, %sign3A_65 : vector<128x128xi32>
    %sign3A_67 = arith.extui %sign3A_66 : vector<128x128xi1> to vector<128x128xi32>
    %sign3A_68 = arith.subi %sign3A_63, %sign3A_67 : vector<128x128xi32>
    %sign3A_69 = arith.constant 0 : i32
    %sign3A_70 = arith.cmpi sgt, %jit3A_57, %sign3A_69 : i32
    %sign3A_71 = arith.extui %sign3A_70 : i1 to i32
    %sign3A_72 = arith.constant 0 : i32
    %sign3A_73 = arith.cmpi slt, %jit3A_57, %sign3A_72 : i32
    %sign3A_74 = arith.extui %sign3A_73 : i1 to i32
    %sign3A_75 = arith.subi %sign3A_71, %sign3A_74 : i32
    %ne3A_76 = vector.broadcast %sign3A_75 : i32 to vector<128x128xi32>
    %ne3A_77 = arith.cmpi ne, %sign3A_68, %ne3A_76 : vector<128x128xi32>
    %rem3A_78 = vector.broadcast %jit3A_57 : i32 to vector<128x128xi32>
    %rem3A_79 = arith.remsi %select_n3A_20, %rem3A_78 : vector<128x128xi32>
    %ne3A_80 = arith.constant 0 : i32
    %ne3A_81 = vector.broadcast %ne3A_80 : i32 to vector<128x128xi32>
    %ne3A_82 = arith.cmpi ne, %rem3A_79, %ne3A_81 : vector<128x128xi32>
    %and3A_83 = arith.andi %ne3A_77, %ne3A_82 : vector<128x128xi1>
    %sub3A_84 = arith.constant 1 : i32
    %sub3A_85 = vector.broadcast %sub3A_84 : i32 to vector<128x128xi32>
    %sub3A_86 = arith.subi %div3A_59, %sub3A_85 : vector<128x128xi32>
    %select_n3A_87 = arith.select %and3A_83, %sub3A_86, %div3A_59 : vector<128x128xi1>, vector<128x128xi32>
    %add3A_88 = arith.addi %add3A_56, %select_n3A_87 : vector<128x128xi32>
    %eq3A_89 = arith.cmpi eq, %add3A_88, %iota3A : vector<128x128xi32>
    %and3A_90 = arith.andi %lt3A_23, %eq3A_89 : vector<128x128xi1>
    %convert_element_type3A = arith.extui %and3A_90 : vector<128x128xi1> to vector<128x128xi32>
    %convert_element_type3A_91 = arith.sitofp %convert_element_type3A : vector<128x128xi32> to vector<128x128xf32>
    %dot_general3A = arith.constant dense<0.000000e+00> : vector<5000x128xf32>
    %dot_general3A_92 = tpu.matmul %add3A, %convert_element_type3A_91, %dot_general3A {dimension_numbers = #tpu.dot_dimension_numbers<[1], [0], [0], [1], [0, 0, 1, 1], [], []>, transpose_lhs_hint = false} : vector<5000x128xf32>, vector<128x128xf32>, vector<5000x128xf32> -> vector<5000x128xf32>
    %gt3A = arith.constant 0.000000e+00 : f32
    %gt3A_93 = vector.broadcast %gt3A : f32 to vector<5000x128xf32>
    %gt3A_94 = arith.cmpf ogt, %dot_general3A_92, %gt3A_93 : vector<5000x128xf32>
    %div3A_95 = arith.constant 1.000000e+00 : f32
    %div3A_96 = vector.broadcast %div3A_95 : f32 to vector<5000x128xf32>
    %div3A_97 = arith.divf %div3A_96, %dot_general3A_92 : vector<5000x128xf32>
    %jit3A_98 = arith.constant 0.000000e+00 : f32
    %broadcast_in_dim3A = vector.broadcast %jit3A_98 : f32 to vector<5000x128xf32>
    %select_n3A_99 = arith.select %gt3A_94, %div3A_97, %broadcast_in_dim3A : vector<5000x128xi1>, vector<5000x128xf32>
    %mul3A_100 = arith.mulf %add3A, %select_n3A_99 : vector<5000x128xf32>
    %get3A_101 = arith.constant 0 : index
    %get3A_102 = arith.constant 0 : index
    %get3A_103 = vector.load %arg2[%get3A_101, %get3A_102] : memref<5000x128xf32, #tpu.memory_space<vmem>>, vector<5000x128xf32>
    %add3A_104 = arith.addf %mul3A_100, %get3A_103 : vector<5000x128xf32>
    %gt3A_105 = arith.constant 0.000000e+00 : f32
    %gt3A_106 = vector.broadcast %gt3A_105 : f32 to vector<5000x128xf32>
    %gt3A_107 = arith.cmpf ogt, %add3A_104, %gt3A_106 : vector<5000x128xf32>
    %exp3A = math.exp %add3A_104 : vector<5000x128xf32>
    %sub3A_108 = arith.constant 1.000000e+00 : f32
    %sub3A_109 = vector.broadcast %sub3A_108 : f32 to vector<5000x128xf32>
    %sub3A_110 = arith.subf %exp3A, %sub3A_109 : vector<5000x128xf32>
    %select_n3A_111 = arith.select %gt3A_107, %add3A_104, %sub3A_110 : vector<5000x128xi1>, vector<5000x128xf32>
    %swap3A = arith.constant 0 : index
    %swap3A_112 = arith.constant 0 : index
    %swap3A_113 = vector.load %arg3[%swap3A, %swap3A_112] : memref<5000x128xf32, #tpu.memory_space<vmem>>, vector<5000x128xf32>
    tpu.vector_store %arg3[%swap3A, %swap3A_112], %select_n3A_111 {strides = array<i32>} : memref<5000x128xf32, #tpu.memory_space<vmem>>, vector<5000x128xf32>,
    return
  }
}

module attributes {stable_mosaic.version = 14 : i64} {
  func.func @body(%arg0: i32, %arg1: memref<512x64xf32, #tpu.memory_space<vmem>>, %arg2: memref<64x64xf32, #tpu.memory_space<vmem>>, %arg3: memref<1x64xf32, #tpu.memory_space<vmem>>, %arg4: memref<512x64xf32, #tpu.memory_space<vmem>>) attributes {dimension_semantics = [#tpu.dimension_semantics<arbitrary>], iteration_bounds = array<i64: 20>, scalar_prefetch = 0 : i64, scratch_operands = 0 : i64, tpu.core_type = #tpu.core_type<tc>, window_params = [{transform_indices = @transform_0, window_bounds = array<i64: 512, 64>}, {pipeline_mode = #tpu.pipeline_mode<synchronous>, transform_indices = @transform_1, window_bounds = array<i64: 64, 64>}, {pipeline_mode = #tpu.pipeline_mode<synchronous>, transform_indices = @transform_2, window_bounds = array<i64: 1, 64>}, {transform_indices = @transform_3, window_bounds = array<i64: 512, 64>}]} {
    %get3A = arith.constant 0 : index
    %get3A_0 = arith.constant 0 : index
    %get3A_1 = vector.load %arg1[%get3A, %get3A_0] : memref<512x64xf32, #tpu.memory_space<vmem>>, vector<512x64xf32>
    %get3A_2 = arith.constant 0 : index
    %get3A_3 = arith.constant 0 : index
    %get3A_4 = vector.load %arg2[%get3A_2, %get3A_3] : memref<64x64xf32, #tpu.memory_space<vmem>>, vector<64x64xf32>
    %dot_general3A = arith.constant dense<0.000000e+00> : vector<512x64xf32>
    %dot_general3A_5 = tpu.matmul %get3A_1, %get3A_4, %dot_general3A {dimension_numbers = #tpu.dot_dimension_numbers<[1], [0], [0], [1], [0, 0, 1, 1], [], []>, transpose_lhs_hint = false} : vector<512x64xf32>, vector<64x64xf32>, vector<512x64xf32> -> vector<512x64xf32>
    %get3A_6 = arith.constant 0 : index
    %get3A_7 = arith.constant 0 : index
    %get3A_8 = vector.load %arg3[%get3A_6, %get3A_7] : memref<1x64xf32, #tpu.memory_space<vmem>>, vector<1x64xf32>
    %add3A = vector.broadcast %get3A_8 : vector<1x64xf32> to vector<512x64xf32>
    %add3A_9 = arith.addf %dot_general3A_5, %add3A : vector<512x64xf32>
    %swap3A = arith.constant 0 : index
    %swap3A_10 = arith.constant 0 : index
    %swap3A_11 = vector.load %arg4[%swap3A, %swap3A_10] : memref<512x64xf32, #tpu.memory_space<vmem>>, vector<512x64xf32>
    tpu.vector_store %arg4[%swap3A, %swap3A_10], %add3A_9 {strides = array<i32>} : memref<512x64xf32, #tpu.memory_space<vmem>>, vector<512x64xf32>,
    return
  }
  func.func @transform_0(%arg0: i32) -> (i32, i32) {
    %c0_i32 = arith.constant 0 : i32
    %c0_i32_0 = arith.constant 0 : i32
    return %arg0, %c0_i32 : i32, i32
  }
  func.func @transform_1(%arg0: i32) -> (i32, i32) {
    %c0_i32 = arith.constant 0 : i32
    %c0_i32_0 = arith.constant 0 : i32
    %c0_i32_1 = arith.constant 0 : i32
    return %c0_i32, %c0_i32_0 : i32, i32
  }
  func.func @transform_2(%arg0: i32) -> (i32, i32) {
    %c0_i32 = arith.constant 0 : i32
    %c0_i32_0 = arith.constant 0 : i32
    %c0_i32_1 = arith.constant 0 : i32
    return %c0_i32, %c0_i32_0 : i32, i32
  }
  func.func @transform_3(%arg0: i32) -> (i32, i32) {
    %c0_i32 = arith.constant 0 : i32
    %c0_i32_0 = arith.constant 0 : i32
    return %arg0, %c0_i32 : i32, i32
  }
}

module attributes {stable_mosaic.version = 14 : i64} {
  func.func @body(%arg0: memref<5000x128xf32, #tpu.memory_space<vmem>>, %arg1: memref<5000x128xf32, #tpu.memory_space<vmem>>, %arg2: memref<5000x128xf32, #tpu.memory_space<vmem>>, %arg3: memref<5000x128xf32, #tpu.memory_space<vmem>>) attributes {dimension_semantics = [], scalar_prefetch = 0 : i64, scratch_operands = 0 : i64, tpu.core_type = #tpu.core_type<tc>} {
    %get3A = arith.constant 0 : index
    %get3A_0 = arith.constant 0 : index
    %get3A_1 = vector.load %arg0[%get3A, %get3A_0] : memref<5000x128xf32, #tpu.memory_space<vmem>>, vector<5000x128xf32>
    %get3A_2 = arith.constant 0 : index
    %get3A_3 = arith.constant 0 : index
    %get3A_4 = vector.load %arg1[%get3A_2, %get3A_3] : memref<5000x128xf32, #tpu.memory_space<vmem>>, vector<5000x128xf32>
    %add3A = arith.addf %get3A_1, %get3A_4 : vector<5000x128xf32>
    %iota3A = tpu.iota {dimensions = array<i32: 0>} : vector<128x128xi32>
    %iota3A_5 = tpu.iota {dimensions = array<i32: 1>} : vector<128x128xi32>
    %jit3A = arith.constant 64 : i32
    %eq3A = arith.constant 0 : i32
    %eq3A_6 = arith.cmpi eq, %jit3A, %eq3A : i32
    %jit3A_7 = arith.constant 1 : i32
    %select_n3A = arith.select %eq3A_6, %jit3A_7, %jit3A : i32
    %rem3A = vector.broadcast %select_n3A : i32 to vector<128x128xi32>
    %rem3A_8 = arith.remsi %iota3A_5, %rem3A : vector<128x128xi32>
    %ne3A = arith.constant 0 : i32
    %ne3A_9 = vector.broadcast %ne3A : i32 to vector<128x128xi32>
    %ne3A_10 = arith.cmpi ne, %rem3A_8, %ne3A_9 : vector<128x128xi32>
    %lt3A = arith.constant 0 : i32
    %lt3A_11 = vector.broadcast %lt3A : i32 to vector<128x128xi32>
    %lt3A_12 = arith.cmpi slt, %rem3A_8, %lt3A_11 : vector<128x128xi32>
    %lt3A_13 = arith.constant 0 : i32
    %lt3A_14 = arith.cmpi slt, %select_n3A, %lt3A_13 : i32
    %ne3A_15 = vector.broadcast %lt3A_14 : i1 to vector<128x128xi1>
    %ne3A_16 = vector.broadcast %ne3A_15 : vector<128x128xi1> to vector<128x128xi1>
    %ne3A_17 = arith.xori %lt3A_12, %ne3A_16 : vector<128x128xi1>
    %and3A = arith.andi %ne3A_17, %ne3A_10 : vector<128x128xi1>
    %add3A_18 = vector.broadcast %select_n3A : i32 to vector<128x128xi32>
    %add3A_19 = arith.addi %rem3A_8, %add3A_18 : vector<128x128xi32>
    %select_n3A_20 = arith.select %and3A, %add3A_19, %rem3A_8 : vector<128x128xi1>, vector<128x128xi32>
    %lt3A_21 = arith.constant 54 : i32
    %lt3A_22 = vector.broadcast %lt3A_21 : i32 to vector<128x128xi32>
    %lt3A_23 = arith.cmpi slt, %select_n3A_20, %lt3A_22 : vector<128x128xi32>
    %jit3A_24 = arith.constant 64 : i32
    %div3A = vector.broadcast %jit3A_24 : i32 to vector<128x128xi32>
    %div3A_25 = arith.divsi %iota3A_5, %div3A : vector<128x128xi32>
    %sign3A = arith.constant 0 : i32
    %sign3A_26 = vector.broadcast %sign3A : i32 to vector<128x128xi32>
    %sign3A_27 = arith.cmpi sgt, %iota3A_5, %sign3A_26 : vector<128x128xi32>
    %sign3A_28 = arith.extui %sign3A_27 : vector<128x128xi1> to vector<128x128xi32>
    %sign3A_29 = arith.constant 0 : i32
    %sign3A_30 = vector.broadcast %sign3A_29 : i32 to vector<128x128xi32>
    %sign3A_31 = arith.cmpi slt, %iota3A_5, %sign3A_30 : vector<128x128xi32>
    %sign3A_32 = arith.extui %sign3A_31 : vector<128x128xi1> to vector<128x128xi32>
    %sign3A_33 = arith.subi %sign3A_28, %sign3A_32 : vector<128x128xi32>
    %sign3A_34 = arith.constant 0 : i32
    %sign3A_35 = arith.cmpi sgt, %jit3A_24, %sign3A_34 : i32
    %sign3A_36 = arith.extui %sign3A_35 : i1 to i32
    %sign3A_37 = arith.constant 0 : i32
    %sign3A_38 = arith.cmpi slt, %jit3A_24, %sign3A_37 : i32
    %sign3A_39 = arith.extui %sign3A_38 : i1 to i32
    %sign3A_40 = arith.subi %sign3A_36, %sign3A_39 : i32
    %ne3A_41 = vector.broadcast %sign3A_40 : i32 to vector<128x128xi32>
    %ne3A_42 = arith.cmpi ne, %sign3A_33, %ne3A_41 : vector<128x128xi32>
    %rem3A_43 = vector.broadcast %jit3A_24 : i32 to vector<128x128xi32>
    %rem3A_44 = arith.remsi %iota3A_5, %rem3A_43 : vector<128x128xi32>
    %ne3A_45 = arith.constant 0 : i32
    %ne3A_46 = vector.broadcast %ne3A_45 : i32 to vector<128x128xi32>
    %ne3A_47 = arith.cmpi ne, %rem3A_44, %ne3A_46 : vector<128x128xi32>
    %and3A_48 = arith.andi %ne3A_42, %ne3A_47 : vector<128x128xi1>
    %sub3A = arith.constant 1 : i32
    %sub3A_49 = vector.broadcast %sub3A : i32 to vector<128x128xi32>
    %sub3A_50 = arith.subi %div3A_25, %sub3A_49 : vector<128x128xi32>
    %select_n3A_51 = arith.select %and3A_48, %sub3A_50, %div3A_25 : vector<128x128xi1>, vector<128x128xi32>
    %mul3A = arith.constant 64 : i32
    %mul3A_52 = vector.broadcast %mul3A : i32 to vector<128x128xi32>
    %mul3A_53 = arith.muli %select_n3A_51, %mul3A_52 : vector<128x128xi32>
    %add3A_54 = arith.constant 54 : i32
    %add3A_55 = vector.broadcast %add3A_54 : i32 to vector<128x128xi32>
    %add3A_56 = arith.addi %mul3A_53, %add3A_55 : vector<128x128xi32>
    %jit3A_57 = arith.constant 9 : i32
    %div3A_58 = vector.broadcast %jit3A_57 : i32 to vector<128x128xi32>
    %div3A_59 = arith.divsi %select_n3A_20, %div3A_58 : vector<128x128xi32>
    %sign3A_60 = arith.constant 0 : i32
    %sign3A_61 = vector.broadcast %sign3A_60 : i32 to vector<128x128xi32>
    %sign3A_62 = arith.cmpi sgt, %select_n3A_20, %sign3A_61 : vector<128x128xi32>
    %sign3A_63 = arith.extui %sign3A_62 : vector<128x128xi1> to vector<128x128xi32>
    %sign3A_64 = arith.constant 0 : i32
    %sign3A_65 = vector.broadcast %sign3A_64 : i32 to vector<128x128xi32>
    %sign3A_66 = arith.cmpi slt, %select_n3A_20, %sign3A_65 : vector<128x128xi32>
    %sign3A_67 = arith.extui %sign3A_66 : vector<128x128xi1> to vector<128x128xi32>
    %sign3A_68 = arith.subi %sign3A_63, %sign3A_67 : vector<128x128xi32>
    %sign3A_69 = arith.constant 0 : i32
    %sign3A_70 = arith.cmpi sgt, %jit3A_57, %sign3A_69 : i32
    %sign3A_71 = arith.extui %sign3A_70 : i1 to i32
    %sign3A_72 = arith.constant 0 : i32
    %sign3A_73 = arith.cmpi slt, %jit3A_57, %sign3A_72 : i32
    %sign3A_74 = arith.extui %sign3A_73 : i1 to i32
    %sign3A_75 = arith.subi %sign3A_71, %sign3A_74 : i32
    %ne3A_76 = vector.broadcast %sign3A_75 : i32 to vector<128x128xi32>
    %ne3A_77 = arith.cmpi ne, %sign3A_68, %ne3A_76 : vector<128x128xi32>
    %rem3A_78 = vector.broadcast %jit3A_57 : i32 to vector<128x128xi32>
    %rem3A_79 = arith.remsi %select_n3A_20, %rem3A_78 : vector<128x128xi32>
    %ne3A_80 = arith.constant 0 : i32
    %ne3A_81 = vector.broadcast %ne3A_80 : i32 to vector<128x128xi32>
    %ne3A_82 = arith.cmpi ne, %rem3A_79, %ne3A_81 : vector<128x128xi32>
    %and3A_83 = arith.andi %ne3A_77, %ne3A_82 : vector<128x128xi1>
    %sub3A_84 = arith.constant 1 : i32
    %sub3A_85 = vector.broadcast %sub3A_84 : i32 to vector<128x128xi32>
    %sub3A_86 = arith.subi %div3A_59, %sub3A_85 : vector<128x128xi32>
    %select_n3A_87 = arith.select %and3A_83, %sub3A_86, %div3A_59 : vector<128x128xi1>, vector<128x128xi32>
    %add3A_88 = arith.addi %add3A_56, %select_n3A_87 : vector<128x128xi32>
    %eq3A_89 = arith.cmpi eq, %add3A_88, %iota3A : vector<128x128xi32>
    %and3A_90 = arith.andi %lt3A_23, %eq3A_89 : vector<128x128xi1>
    %convert_element_type3A = arith.extui %and3A_90 : vector<128x128xi1> to vector<128x128xi32>
    %convert_element_type3A_91 = arith.sitofp %convert_element_type3A : vector<128x128xi32> to vector<128x128xf32>
    %dot_general3A = arith.constant dense<0.000000e+00> : vector<5000x128xf32>
    %dot_general3A_92 = tpu.matmul %add3A, %convert_element_type3A_91, %dot_general3A {dimension_numbers = #tpu.dot_dimension_numbers<[1], [0], [0], [1], [0, 0, 1, 1], [], []>, transpose_lhs_hint = false} : vector<5000x128xf32>, vector<128x128xf32>, vector<5000x128xf32> -> vector<5000x128xf32>
    %gt3A = arith.constant 0.000000e+00 : f32
    %gt3A_93 = vector.broadcast %gt3A : f32 to vector<5000x128xf32>
    %gt3A_94 = arith.cmpf ogt, %dot_general3A_92, %gt3A_93 : vector<5000x128xf32>
    %div3A_95 = arith.constant 1.000000e+00 : f32
    %div3A_96 = vector.broadcast %div3A_95 : f32 to vector<5000x128xf32>
    %div3A_97 = arith.divf %div3A_96, %dot_general3A_92 : vector<5000x128xf32>
    %jit3A_98 = arith.constant 0.000000e+00 : f32
    %broadcast_in_dim3A = vector.broadcast %jit3A_98 : f32 to vector<5000x128xf32>
    %select_n3A_99 = arith.select %gt3A_94, %div3A_97, %broadcast_in_dim3A : vector<5000x128xi1>, vector<5000x128xf32>
    %mul3A_100 = arith.mulf %add3A, %select_n3A_99 : vector<5000x128xf32>
    %get3A_101 = arith.constant 0 : index
    %get3A_102 = arith.constant 0 : index
    %get3A_103 = vector.load %arg2[%get3A_101, %get3A_102] : memref<5000x128xf32, #tpu.memory_space<vmem>>, vector<5000x128xf32>
    %add3A_104 = arith.addf %mul3A_100, %get3A_103 : vector<5000x128xf32>
    %swap3A = arith.constant 0 : index
    %swap3A_105 = arith.constant 0 : index
    %swap3A_106 = vector.load %arg3[%swap3A, %swap3A_105] : memref<5000x128xf32, #tpu.memory_space<vmem>>, vector<5000x128xf32>
    tpu.vector_store %arg3[%swap3A, %swap3A_105], %add3A_104 {strides = array<i32>} : memref<5000x128xf32, #tpu.memory_space<vmem>>, vector<5000x128xf32>,
    return
  }
}

module attributes {stable_mosaic.version = 14 : i64} {
  func.func @body(%arg0: i32, %arg1: memref<512x64xf32, #tpu.memory_space<vmem>>, %arg2: memref<64x4968xf32, #tpu.memory_space<vmem>>, %arg3: memref<1x4968xf32, #tpu.memory_space<vmem>>, %arg4: memref<512x4968xf32, #tpu.memory_space<vmem>>) attributes {dimension_semantics = [#tpu.dimension_semantics<arbitrary>], iteration_bounds = array<i64: 20>, scalar_prefetch = 0 : i64, scratch_operands = 0 : i64, tpu.core_type = #tpu.core_type<tc>, window_params = [{transform_indices = @transform_0, window_bounds = array<i64: 512, 64>}, {pipeline_mode = #tpu.pipeline_mode<synchronous>, transform_indices = @transform_1, window_bounds = array<i64: 64, 4968>}, {pipeline_mode = #tpu.pipeline_mode<synchronous>, transform_indices = @transform_2, window_bounds = array<i64: 1, 4968>}, {transform_indices = @transform_3, window_bounds = array<i64: 512, 4968>}]} {
    %get3A = arith.constant 0 : index
    %get3A_0 = arith.constant 0 : index
    %get3A_1 = vector.load %arg1[%get3A, %get3A_0] : memref<512x64xf32, #tpu.memory_space<vmem>>, vector<512x64xf32>
    %get3A_2 = arith.constant 0 : index
    %get3A_3 = arith.constant 0 : index
    %get3A_4 = vector.load %arg2[%get3A_2, %get3A_3] : memref<64x4968xf32, #tpu.memory_space<vmem>>, vector<64x4968xf32>
    %dot_general3A = arith.constant dense<0.000000e+00> : vector<512x4968xf32>
    %dot_general3A_5 = tpu.matmul %get3A_1, %get3A_4, %dot_general3A {dimension_numbers = #tpu.dot_dimension_numbers<[1], [0], [0], [1], [0, 0, 1, 1], [], []>, transpose_lhs_hint = false} : vector<512x64xf32>, vector<64x4968xf32>, vector<512x4968xf32> -> vector<512x4968xf32>
    %get3A_6 = arith.constant 0 : index
    %get3A_7 = arith.constant 0 : index
    %get3A_8 = vector.load %arg3[%get3A_6, %get3A_7] : memref<1x4968xf32, #tpu.memory_space<vmem>>, vector<1x4968xf32>
    %add3A = vector.broadcast %get3A_8 : vector<1x4968xf32> to vector<512x4968xf32>
    %add3A_9 = arith.addf %dot_general3A_5, %add3A : vector<512x4968xf32>
    %swap3A = arith.constant 0 : index
    %swap3A_10 = arith.constant 0 : index
    %swap3A_11 = vector.load %arg4[%swap3A, %swap3A_10] : memref<512x4968xf32, #tpu.memory_space<vmem>>, vector<512x4968xf32>
    tpu.vector_store %arg4[%swap3A, %swap3A_10], %add3A_9 {strides = array<i32>} : memref<512x4968xf32, #tpu.memory_space<vmem>>, vector<512x4968xf32>,
    return
  }
  func.func @transform_0(%arg0: i32) -> (i32, i32) {
    %c0_i32 = arith.constant 0 : i32
    %c0_i32_0 = arith.constant 0 : i32
    return %arg0, %c0_i32 : i32, i32
  }
  func.func @transform_1(%arg0: i32) -> (i32, i32) {
    %c0_i32 = arith.constant 0 : i32
    %c0_i32_0 = arith.constant 0 : i32
    %c0_i32_1 = arith.constant 0 : i32
    return %c0_i32, %c0_i32_0 : i32, i32
  }
  func.func @transform_2(%arg0: i32) -> (i32, i32) {
    %c0_i32 = arith.constant 0 : i32
    %c0_i32_0 = arith.constant 0 : i32
    %c0_i32_1 = arith.constant 0 : i32
    return %c0_i32, %c0_i32_0 : i32, i32
  }
  func.func @transform_3(%arg0: i32) -> (i32, i32) {
    %c0_i32 = arith.constant 0 : i32
    %c0_i32_0 = arith.constant 0 : i32
    return %arg0, %c0_i32 : i32, i32
  }
}

</mosaic_0001>

<sc_bundles>
// kernel: kernel.16.cloned.1.call-start
scs
__scs_entry_jumppad:
0x0: {  	(pc) =	sbr.rel $0x88, $3  }
0x1: {  	(tag) =	ssettag $0x0;
	lr =	simm.s32 $0x1  }
0x2: {  	[smem:$0x3F94] =	sst lr;
	_ =	strace $0xD0000000  }
0x3: {  	_ = 	snop  }
0x4: {  	_ = 	snop  }
0x5: {  	_ = 	snop  }
0x6: {  	_ = 	snop  }
0x7: {  	_ = 	snop  }
__scs_overlays_trampoline_lowered:
0x8: {  	[smem:$0x3FA3] =	sst s0  }
0x9: {  	[smem:$0x3FA4] =	sst s1  }
0xa: {  	[smem:$0x3FA5] =	sst s2  }
0xb: {  	[smem:$0x3FA6] =	sst s3  }
0xc: {  	[smem:$0x3FA7] =	sst s4  }
0xd: {  	[smem:$0x3FA8] =	sst s5  }
0xe: {  	[smem:$0x3FA9] =	sst s6  }
0xf: {  	[smem:$0x3FAA] =	sst s7  }
0x10: {  	[smem:$0x3FAB] =	sst s8  }
0x11: {  	[smem:$0x3FAC] =	sst s9;
	s0 =	simm.s32 @!p0 $0x0  }
0x12: {  	s1 =	sld [smem:$0x3F92];
	s0 =	simm.s32 @p0 $0x1  }
0x13: {  	[smem:$0x3FAD] =	sst s0;
	s0 =	simm.s32 @!p1 $0x0  }
0x14: {  	s2 =	sld [smem:$0x3F91];
	s0 =	simm.s32 @p1 $0x1  }
0x15: {  	[smem:$0x3FAE] =	sst s0;
	s0 =	simm.s32 @!p2 $0x0  }
0x16: {  	s3 =	sld [smem:$0x3FDB];
	s0 =	simm.s32 @p2 $0x1  }
0x17: {  	s4 =	simm.s32 $0x1BF5;
	[smem:$0x3FB0] =	sst s0  }
0x18: {  	s0 =	sld [smem:$0x3F93];
	_ =	swait.ge [sflag:s4], $0x0  }
0x19: {  	s7 =	sld [smem:$0x3F94]  }
0x1a: {  	s8 =	sadd.s32 $0xFFFFE003, lr  }
0x1b: {  	s9 =	sadd.s32 $0xFFFFFEF7, lr;
	s5 =	simm.s32 $0xFFFFFFFF;
	p2 =	slt.u32 s8, $0xFFFFF086  }
0x1c: {  	p1 =	slt.u32 s9, $0xF7A;
	s5 =	simm.s32 @!p2 $0x0  }
0x1d: {  	s5 =	simm.s32 @p1 $0x1;
	p0 =	seq.s32 s7, s2  }
0x1e: {  	s7 =	smul.u32 @!p0 $0xF7A, s2;
	p2 =	seq.s32 @!p0 s5, $0x0  }
0x1f: {  	s9 =	smul.u32 $0xF7A, s1;
	s8 =	simm.s32 @!p0 $0x1BF5;
	p2 =	por !p2, p0  }
0x20: {  	[sflag:s8] =	ssyncset.s32 @!p0 $0xFFFFF086;
	s6 =	sadd.s32 @!p0 s3, s7;
	s7 =	simm.s32 @!p0 $0x108  }
0x21: {  	s3 =	sadd.s32 s3, s9;
	s6 =	sadd.s32 @!p0 $0x88, s6;
	s7 =	simm.s32 @p2 $0x1082  }
0x22: {  	[simem:s7], [sflag:s8] =	dma.local @!p0 [hbm:s6], $0xF7A  }
0x23: {  	s9 =	sor.u32 $0xD0000000, s2;
	s6 =	simm.s32 $0x108;
	_ =	swait.ge @!p0 [sflag:s8], $0x0  }
0x24: {  	s3 =	sadd.s32 $0x88, s3;
	s6 =	simm.s32 @!p1 $0x1082;
	[sflag:s4] =	ssyncset.s32 $0xFFFFF086  }
0x25: {  	[simem:s6], [sflag:s4] =	dma.local [hbm:s3], $0xF7A  }
0x26: {  	[smem:$0x3F94] =	sst s1;
	(tag) =	ssettag s2;
	_ =	strace s9  }
0x27: {  	s1 =	sld [smem:$0x3FA4]  }
0x28: {  	s2 =	sld [smem:$0x3FA5]  }
0x29: {  	s4 =	sld [smem:$0x3FA7]  }
0x2a: {  	p0 =	seq.s32 s5, $0x0;
	s5 =	sld [smem:$0x3FA8]  }
0x2b: {  	s6 =	sld [smem:$0x3FA9]  }
0x2c: {  	s7 =	sld [smem:$0x3FAA]  }
0x2d: {  	s3 =	simm.s32 $0x108;
	s8 =	sld [smem:$0x3FAB]  }
0x2e: {  	s3 =	simm.s32 @!p0 $0x1082;
	s9 =	sld [smem:$0x3FAC]  }
0x2f: {  	lr =	sadd.s32 s0, s3;
	s0 =	sld [smem:$0x3FA3]  }
0x30: {  	s3 =	sld [smem:$0x3FA6]  }
0x31: {  	[smem:$0x3FAF] =	sst s10  }
0x32: {  	s10 =	sld [smem:$0x3FAD];
	_ =	sdelay $0x3  }
0x33: {  	p0 =	seq.s32 s10, $0x1;
	s10 =	sld [smem:$0x3FAF];
	_ =	sdelay $0x3  }
0x34: {  	[smem:$0x3FAF] =	sst s10  }
0x35: {  	s10 =	sld [smem:$0x3FAE];
	_ =	sdelay $0x3  }
0x36: {  	p1 =	seq.s32 s10, $0x1;
	s10 =	sld [smem:$0x3FAF];
	_ =	sdelay $0x3  }
0x37: {  	[smem:$0x3FAF] =	sst s10  }
0x38: {  	s10 =	sld [smem:$0x3FB0]  }
0x39: {  	_ = 	snop;
	(pc) =	sbr.ind lr, $3  }
0x3a: {  	_ = 	snop  }
0x3b: {  	_ = 	snop  }
0x3c: {  	p2 =	seq.s32 s10, $0x1;
	s10 =	sld [smem:$0x3FAF]  }
0x3d: {  	_ =	shalt  }
0x3e: {  	_ =	shalt  }
0x3f: {  	_ =	shalt  }
0x40: {  	_ =	shalt  }
0x41: {  	_ =	shalt  }
0x42: {  	_ =	shalt  }
0x43: {  	_ =	shalt  }
0x44: {  	_ =	shalt  }
0x45: {  	_ =	shalt  }
0x46: {  	_ =	shalt  }
0x47: {  	_ =	shalt  }
0x48: {  	_ =	shalt  }
0x49: {  	_ =	shalt  }
0x4a: {  	_ =	shalt  }
0x4b: {  	_ =	shalt  }
0x4c: {  	_ =	shalt  }
0x4d: {  	_ =	shalt  }
0x4e: {  	_ =	shalt  }
0x4f: {  	_ =	shalt  }
0x50: {  	_ =	shalt  }
0x51: {  	_ =	shalt  }
0x52: {  	_ =	shalt  }
0x53: {  	_ =	shalt  }
0x54: {  	_ =	shalt  }
0x55: {  	_ =	shalt  }
0x56: {  	_ =	shalt  }
0x57: {  	_ =	shalt  }
0x58: {  	_ =	shalt  }
0x59: {  	_ =	shalt  }
0x5a: {  	_ =	shalt  }
0x5b: {  	_ =	shalt  }
0x5c: {  	_ =	shalt  }
0x5d: {  	_ =	shalt  }
0x5e: {  	_ =	shalt  }
0x5f: {  	_ =	shalt  }
0x60: {  	_ =	shalt  }
0x61: {  	_ =	shalt  }
0x62: {  	_ =	shalt  }
0x63: {  	_ =	shalt  }
0x64: {  	_ =	shalt  }
0x65: {  	_ =	shalt  }
0x66: {  	_ =	shalt  }
0x67: {  	_ =	shalt  }
0x68: {  	_ =	shalt  }
0x69: {  	_ =	shalt  }
0x6a: {  	_ =	shalt  }
0x6b: {  	_ =	shalt  }
0x6c: {  	_ =	shalt  }
0x6d: {  	_ =	shalt  }
0x6e: {  	_ =	shalt  }
0x6f: {  	_ =	shalt  }
0x70: {  	_ =	shalt  }
0x71: {  	_ =	shalt  }
0x72: {  	_ =	shalt  }
0x73: {  	_ =	shalt  }
0x74: {  	_ =	shalt  }
0x75: {  	_ =	shalt  }
0x76: {  	_ =	shalt  }
0x77: {  	_ =	shalt  }
0x78: {  	_ =	shalt  }
0x79: {  	_ =	shalt  }
0x7a: {  	_ =	shalt  }
0x7b: {  	_ =	shalt  }
0x7c: {  	_ =	shalt  }
0x7d: {  	_ =	shalt  }
0x7e: {  	_ =	shalt  }
0x7f: {  	_ =	shalt  }
0x80: {  	_ =	shalt  }
0x81: {  	_ =	shalt  }
0x82: {  	_ =	shalt  }
0x83: {  	_ =	shalt  }
0x84: {  	_ =	shalt  }
0x85: {  	_ =	shalt  }
0x86: {  	_ =	shalt  }
0x87: {  	_ =	shalt  }
.Lfunc_end0:
.L_simem_size_0:
called_computation_lowered:
.L_overlay_start_0:
0x88: {  	s2 =	sld [smem:$0x3FD9]  }
0x89: {  	s3 =	sld [smem:$0x3FFE];
	_ =	sdelay $0x1  }
0x8a: {  	s1 =	srdreg.scid  }
0x8b: {  	s0 =	sand.u32 $0x1, s1  }
0x8c: {  	s17 =	sshll.u32 s0, $0xA;
	s2 =	sadd.s32 s3, s2  }
0x8d: {  	s2 =	sadd.s32 s2, s17  }
0x8e: {  	[smem:$0x3FBB] =	sst s2  }
0x8f: {  	_ = 	snop  }
0x90: {  	s2 =	sld [smem:$0x3FD0];
	(tm) =	ssettm $0x1  }
0x91: {  	s18 =	sld [smem:$0x3FFB];
	_ =	sdelay $0x3  }
0x92: {  	_ =	strace s18  }
0x93: {  	s3 =	sld [smem:$0x3FFC];
	_ =	sdelay $0x3  }
0x94: {  	_ =	strace s3  }
0x95: {  	s3 =	sld [smem:$0x3FFD];
	_ =	sdelay $0x3  }
0x96: {  	_ =	strace s3  }
0x97: {  	_ =	strace $0x8FFFFFFF  }
0x98: {  	s19 =	sld [smem:$0x3FDB];
	_ =	sdelay $0x1  }
0x99: {  	s4 =	simm.s32 $_scs_section_size  }
0x9a: {  	s5 =	simm.s32 $_size__tile_overlayer_lowered;
	s6 =	simm.s32 $_tile_overlayer_lowered  }
0x9b: {  	s22 =	simm.s32 $0x1BFF;
	s21 =	sshll.u32 s6, $0x1;
	s3 =	sadd.s32 s4, s19  }
0x9c: {  	s7 =	simm.s32 $0x0;
	s20 =	sshll.u32 s5, $0x1;
	s5 =	sadd.s32 s21, s3  }
0x9d: {  	[timem:s7], [sflag:s22] =	dma.local [hbm:s5], s20  }
0x9e: {  	_ =	swait.ge [sflag:s22], s20  }
0x9f: {  	s4 =	ssub.s32 $0x0, s20;
	[sflag:s22] =	ssyncset.done $0x0  }
0xa0: {  	[sflag:s22] =	ssyncadd.s32 s4;
	_ =	sdelay $0x1  }
0xa1: {  	s23 =	simm.s32 $0x1B8B  }
0xa2: {  	_ =	swait.ge [sflag:s23], $0x1  }
0xa3: {  	[sflag:s23] =	ssyncset.done $0x0  }
0xa4: {  	s25 =	simm.s32 $0x1B8E;
	s24 =	sld [smem:$0x3FFE];
	[sflag:s23] =	ssyncadd.s32 $0xFFFFFFFF  }
0xa5: {  	s26 =	simm.s32 $execute0_lowered;
	[smem:$0x3FD2] =	sst s25  }
0xa6: {  	s5 =	sshll.u32 s26, $0x1;
	_ =	strace $0x80000046;
	[dreg:$0x1] =	wrdreg $0xFFFFFFFF  }
0xa7: {  	s28 =	simm.s32 $_size_execute0_lowered;
	s3 =	sadd.s32 s3, s5;
	[dreg:$0x0] =	wrdreg $0x0  }
0xa8: {  	s5 =	sshll.u32 s28, $0x1;
	[dreg:$0x2] =	wrdreg s3  }
0xa9: {  	[dreg:$0x3] =	wrdreg s5  }
0xaa: {  	[dreg:$0x4] =	wrdreg $0xC0  }
0xab: {  	_ =	task [dreg:s7], $0x5FFFF  }
0xac: {  	[dreg:$0x1] =	wrdreg $0xFFFFFFFF  }
0xad: {  	[dreg:$0x0] =	wrdreg $0x60  }
0xae: {  	[dreg:$0x2] =	wrdreg s24  }
0xaf: {  	[dreg:$0x3] =	wrdreg s2  }
0xb0: {  	[dreg:$0x4] =	wrdreg $0x9  }
0xb1: {  	_ =	task.clear_ibuf [dreg:s7], $0x5FFFF;
	_ =	strace $0x90000046  }
0xb2: {  	s29 =	simm.s32 $0x9;
	_ =	strace $0x80000048  }
0xb3: {  	_ =	swait.ge [sflag:s29], $0x1  }
0xb4: {  	[sflag:s29] =	ssyncadd.s32 $0xFFFFFFFF  }
0xb5: {  	_ =	strace $0x90000048  }
0xb6: {  	_ =	sfence  }
0xb7: {  	s30 =	sld [smem:$0x0];
	_ =	sdelay $0x2  }
0xb8: {  	s31 =	sshll.u32 s1, $0xD;
	s1 =	sshrl.u32 s1, $0x2  }
0xb9: {  	s3 =	sand.u32 $0x4000, s31;
	s1 =	sadd.s32 s1, s30  }
0xba: {  	s0 =	sor.u32 s3, s0;
	s1 =	sshll.u32 s1, $0x11  }
0xbb: {  	s0 =	sor.u32 s1, s0  }
0xbc: {  	s0 =	sadd.s32 $0x8F2B, s0  }
0xbd: {  	[sflag:s0] =	ssyncadd.remote.s32 $0x1  }
0xbe: {  	_ =	sfence.sel $0xFFFF  }
0xbf: {  	[dreg:$0x0] =	wrdreg $0xFFFFFFFF;
	(pc) =	sbr.abs _section_cstart, $3  }
0xc0: {  	[dreg:$0x1] =	wrdreg $0xFFFFFFFF  }
0xc1: {  	_ =	task.clear_ibuf [dreg:s7], $0x2FFFF;
	_ =	strace $0x9FFFFFFF  }
0xc2: {  	(tm) =	ssettm $0x7FFFFFFF  }
0xc3: {  	_ =	shalt  }
tec
execute0_lowered:
.L_overlay_start_1:
0x0: {  	(tag) =	ssettag $0x1  }
0x1: {  	s0 =	rddreg [dreg:$0x0]  }
0x2: {  	s2 =	rddreg [dreg:$0x1]  }
0x3: {  	s1 =	srdreg.scid;
	s7 =	stileid.u32;
	s3 =	simm.s32 $0x0  }
0x4: {  	s14 =	simm.s32 $0x5;
	s15 =	simm.s32 $0x200;
	s17 =	simm.s32 $0x2800  }
0x5: {  	s18 =	simm.s32 $0x400;
	s19 =	simm.s32 $0x600;
	s22 =	simm.s32 $0x1  }
0x6: {  	s1 =	sand.u32 $0x1, s1;
	s4 =	sshll.u32 s7, $0x1;
	[smem:$0x7FF] =	sst s3  }
0x7: {  	s5 =	sadd.s32 $0x3A00, s0;
	s6 =	sadd.s32 $0xDA00, s0;
	s9 =	smul.u32 $0x5000, s7  }
0x8: {  	s4 =	sor.u32 s1, s4;
	s10 =	ssub.s32 $0x2, s1;
	s1 =	smul.u32 $0x2800, s1  }
0x9: {  	s7 =	sadd.s32 $0x1CA00, s0;
	s8 =	sadd.s32 $0x17A00, s0;
	s28 =	sshrl.u32 s10, $0x1  }
0xa: {  	s4 =	smul.u32 $0x2800, s4;
	s0 =	ssub.s32 s10, s28;
	s1 =	sadd.s32 s1, s9  }
0xb: {  	_ =	strace $0x80000047;
	s0 =	smax.u32 s0, $0x1;
	[dreg:$0x4] =	wrdreg s1  }
0xc: {  	s11 =	sshrl.u32 s4, $0x3;
	s31 =	sor.u32 $0x200, s1;
	[dreg:$0x6] =	wrdreg s0  }
0xd: {  	s23 =	simm.s32 $0x2;
	s29 =	sadd.s32 s5, s11;
	[dreg:$0x7] =	wrdreg s31  }
0xe: {  	s25 =	simm.s32 $0x3;
	s30 =	sadd.s32 s6, s11;
	[dreg:$0x3] =	wrdreg s29  }
0xf: {  	s26 =	simm.s32 $0x4;
	s1 =	simm.s32 $0x0;
	[dreg:$0x5] =	wrdreg s30  }
.LBB2_1:
0x10: {  	[dreg:$0x8] =	wrdreg s1  }
0x11: {  	s0 =	rddreg [dreg:$0x3]  }
0x12: {  	[tilespmem:s3], [sflag:$0x5] =	stream.linear.gather [hbm4b:s0+s3], $0x200, $0x38;
	[tilespmem:$0xC800] =	vst v63  }
0x13: {  	_ =	swait.ge [sflag:s14], $0x200  }
0x14: {  	[sflag:s14] =	ssyncset.done $0x0  }
0x15: {  	s29 =	rddreg [dreg:$0x5];
	[sflag:s14] =	ssyncadd.s32 $0xFFFFFE00  }
0x16: {  	[tilespmem:s15], [sflag:$0x5] =	stream.linear.gather [hbm4b:s29+s3], $0x200, $0x38;
	[tilespmem:$0xC800] =	vst v63  }
0x17: {  	_ =	swait.ge [sflag:s14], $0x200  }
0x18: {  	[sflag:s14] =	ssyncset.done $0x0  }
0x19: {  	s31 =	simm.s32 $0x800;
	s30 =	rddreg [dreg:$0x7];
	[sflag:s14] =	ssyncadd.s32 $0xFFFFFE00  }
0x1a: {  	[tilespmem:s31], [sflag:$0x1] =	stream.indirect.gather [hbm4b:s7+s15], $0x10, s3, s15, $0xb8;
	[tilespmem:$0xC800] =	vst v63  }
0x1b: {  	s0 =	simm.s32 $0x0;
	s21 =	rddreg [dreg:$0x4]  }
0x1c: {  	[tilespmem:s17], [sflag:$0x2] =	stream.indirect.gather [hbm4b:s8+s15], $0x10, s15, s15, $0xb8;
	[tilespmem:$0xC800] =	vst v63  }
.LBB2_2:
0x1d: {  	s1 =	sshll.u32 s0, $0xA  }
0x1e: {  	s9 =	sadd.s32 s4, s1  }
0x1f: {  	s1 =	sadd.s32 $0x200, s9  }
0x20: {  	s10 =	sshrl.u32 s1, $0x3  }
0x21: {  	s12 =	simm.s32 $0x0;
	s11 =	sadd.s32 s5, s10  }
0x22: {  	[tilespmem:s18], [sflag:$0x5] =	stream.linear.gather [hbm4b:s11+s12], $0x200, $0x38;
	[tilespmem:$0xC800] =	vst v63  }
0x23: {  	_ =	swait.ge [sflag:s14], $0x200  }
0x24: {  	[sflag:s14] =	ssyncset.done $0x0  }
0x25: {  	s10 =	sadd.s32 s6, s10;
	[sflag:s14] =	ssyncadd.s32 $0xFFFFFE00  }
0x26: {  	[tilespmem:s19], [sflag:$0x5] =	stream.linear.gather [hbm4b:s10+s12], $0x200, $0x38;
	[tilespmem:$0xC800] =	vst v63  }
0x27: {  	_ =	swait.ge [sflag:s14], $0x200  }
0x28: {  	[sflag:s14] =	ssyncset.done $0x0  }
0x29: {  	s20 =	simm.s32 $0x4800;
	[sflag:s14] =	ssyncadd.s32 $0xFFFFFE00  }
0x2a: {  	[tilespmem:s20], [sflag:$0x3] =	stream.indirect.gather [hbm4b:s7+s15], $0x10, s18, s15, $0xb8;
	[tilespmem:$0xC800] =	vst v63  }
0x2b: {  	s24 =	simm.s32 $0x6800  }
0x2c: {  	[tilespmem:s24], [sflag:$0x4] =	stream.indirect.gather [hbm4b:s8+s15], $0x10, s19, s15, $0xb8;
	[tilespmem:$0xC800] =	vst v63  }
0x2d: {  	_ =	swait.ge [sflag:s22], $0x2000  }
0x2e: {  	[sflag:s22] =	ssyncset.done $0x0  }
0x2f: {  	[sflag:s22] =	ssyncadd.s32 $0xFFFFE000  }
0x30: {  	_ =	swait.ge [sflag:s23], $0x2000  }
0x31: {  	[sflag:s23] =	ssyncset.done $0x0  }
0x32: {  	s12 =	simm.s32 $0x0;
	[sflag:s23] =	ssyncadd.s32 $0xFFFFE000  }
0x33: {  	v0 =	vld [tilespmem:s12+$0x800]  }
0x34: {  	v1 =	vld [tilespmem:s12+$0x2800];
	_ =	sdelay $0x3  }
0x35: {  	s13 =	simm.s32 $0x10  }
0x36: {  	v2 =	vld [tilespmem:s13+$0x2800];
	v0 =	vadd.f32 v1, v0  }
0x37: {  	v1 =	vld [tilespmem:s13+$0x800]  }
0x38: {  	v0 =	vsub.f32 $0.0e+00, v0;
	_ =	sdelay $0x1  }
0x39: {  	s11 =	simm.s32 $0x20;
	v0 =	vmul.f32 $1.442695020e+00, v0  }
0x3a: {  	v3 =	vld [tilespmem:s11+$0x800]  }
0x3b: {  	v1 =	vadd.f32 v2, v1;
	(erf) = vpow2.f32 v0;
	v0 =	vld [tilespmem:s11+$0x2800];
	_ =	sdelay $0x1  }
0x3c: {  	v1 =	vsub.f32 $0.0e+00, v1;
	_ =	sdelay $0x1  }
0x3d: {  	s10 =	simm.s32 $0x30;
	v1 =	vmul.f32 $1.442695020e+00, v1  }
0x3e: {  	v2 =	vld [tilespmem:s10+$0x800];
	v0 =	vadd.f32 v0, v3  }
0x3f: {  	(erf) = vpow2.f32 v1;
	v1 =	vld [tilespmem:s10+$0x2800]  }
0x40: {  	v0 =	vsub.f32 $0.0e+00, v0;
	_ =	sdelay $0x1  }
0x41: {  	s29 =	simm.s32 $0x40;
	v3 =	vpop (erf);
	v0 =	vmul.f32 $1.442695020e+00, v0  }
0x42: {  	v4 =	vld [tilespmem:s29+$0x800];
	v3 =	vadd.f32 $1.000000000e+00, v3  }
0x43: {  	v1 =	vadd.f32 v1, v2;
	(erf) = vpow2.f32 v0;
	v0 =	vld [tilespmem:s29+$0x2800]  }
0x44: {  	(erf) = vrcp.f32 v3  }
0x45: {  	v1 =	vsub.f32 $0.0e+00, v1;
	_ =	sdelay $0x1  }
0x46: {  	v2 =	vpop (erf);
	v1 =	vmul.f32 $1.442695020e+00, v1  }
0x47: {  	s20 =	simm.s32 $0x50;
	v2 =	vadd.f32 $1.000000000e+00, v2;
	v0 =	vadd.f32 v0, v4  }
0x48: {  	(erf) = vpow2.f32 v1;
	v1 =	vld [tilespmem:s20+$0x2800]  }
0x49: {  	(erf) = vrcp.f32 v2;
	v4 =	vsub.f32 $0.0e+00, v0;
	v0 =	vld [tilespmem:s20+$0x800];
	_ =	sdelay $0x1  }
0x4a: {  	p0 =	slt.u32 s21, $0x4E200;
	s24 =	simm.f32 $1.000000000e+00;
	v3 =	vpop (erf)  }
0x4b: {  	s28 =	simm.s32 $0x180;
	s31 =	smov.u32 s21;
	s24 =	simm.s32 @!p0 $0x0;
	v4 =	vmul.f32 $1.442695020e+00, v4;
	v2 =	vpop (erf)  }
.LBB2_3:
0x4c: {  	s16 =	sshra.s32 s28, $0x2;
	v3 =	vadd.f32 $1.000000000e+00, v3;
	v2 =	vmul.f32 s24, v2;
	p0 =	sne.s32 s28, $0x7FC0  }
.Ltmp0:
0x4d: {  	v5 =	vadd.f32 v1, v0;
	v0 =	vld [tilespmem:s16+$0x800];
	(erf) = vpow2.f32 v4;
	(pc) =	sbr.rel @p0 .LBB2_3-.Ltmp0, $4  }
0x4e: {  	s28 =	sadd.s32 $0x40, s28;
	s31 =	sadd.s32 $0x1, s31;
	v1 =	vld [tilespmem:s16+$0x2800];
	(erf) = vrcp.f32 v3;
	[tilespmem:s12+$0x8800] =	vst v2;
	s12 =	smov.u32 s13  }
0x4f: {  	s24 =	simm.f32 $1.000000000e+00;
	s13 =	smov.u32 s11;
	s11 =	smov.u32 s10;
	v5 =	vsub.f32 $0.0e+00, v5  }
0x50: {  	p1 =	slt.u32 s31, $0x4E200;
	s10 =	smov.u32 s29;
	s29 =	smov.u32 s20;
	v3 =	vpop (erf)  }
0x51: {  	s24 =	simm.s32 @!p1 $0x0;
	s20 =	smov.u32 s16;
	v4 =	vmul.f32 $1.442695020e+00, v5;
	v2 =	vpop (erf)  }
0x52: {  	_ = 	snop  }
0x53: {  	v0 =	vadd.f32 v1, v0;
	_ =	sdelay $0x1  }
0x54: {  	v0 =	vsub.f32 $0.0e+00, v0  }
0x55: {  	v1 =	vadd.f32 $1.000000000e+00, v3  }
0x56: {  	(erf) = vpow2.f32 v4;
	v0 =	vmul.f32 $1.442695020e+00, v0  }
0x57: {  	(erf) = vrcp.f32 v1  }
0x58: {  	(erf) = vpow2.f32 v0;
	_ =	sdelay $0x4  }
0x59: {  	v0 =	vpop (erf)  }
0x5a: {  	v1 =	vpop (erf)  }
0x5b: {  	v3 =	vpop (erf)  }
0x5c: {  	v0 =	vadd.f32 $1.000000000e+00, v0;
	v4 =	vpop (erf)  }
0x5d: {  	v3 =	vadd.f32 $1.000000000e+00, v3;
	v5 =	vpop (erf)  }
0x5e: {  	(erf) = vrcp.f32 v0;
	v0 =	vadd.f32 $1.000000000e+00, v5  }
0x5f: {  	(erf) = vrcp.f32 v3  }
0x60: {  	(erf) = vrcp.f32 v0;
	_ =	sdelay $0x1  }
0x61: {  	s16 =	sadd.s32 $0x1, s31  }
0x62: {  	s28 =	simm.f32 $1.000000000e+00;
	p0 =	slt.u32 s16, $0x4E200;
	s16 =	sadd.s32 $0x1, s16  }
0x63: {  	s28 =	simm.s32 @!p0 $0x0;
	p0 =	slt.u32 s16, $0x4E200;
	s16 =	sadd.s32 $0x1, s16  }
0x64: {  	s31 =	simm.f32 $1.000000000e+00;
	p1 =	slt.u32 s16, $0x4E200;
	v0 =	vmul.f32 s24, v2;
	s24 =	simm.f32 $1.000000000e+00  }
0x65: {  	s16 =	sadd.s32 $0x1, s16;
	s31 =	simm.s32 @!p1 $0x0;
	v1 =	vmul.f32 s28, v1;
	s24 =	simm.s32 @!p0 $0x0  }
0x66: {  	p0 =	slt.u32 s16, $0x4E200;
	s16 =	sadd.s32 $0x1, s16;
	[tilespmem:s12+$0x8800] =	vst v0;
	v0 =	vmul.f32 s24, v4;
	v2 =	vpop (erf);
	s12 =	simm.f32 $1.000000000e+00  }
0x67: {  	[tilespmem:s13+$0x8800] =	vst v1;
	v1 =	vmul.f32 s31, v2;
	s12 =	simm.s32 @!p0 $0x0;
	p0 =	slt.u32 s16, $0x4E200;
	s13 =	simm.f32 $1.000000000e+00;
	v2 =	vpop (erf)  }
0x68: {  	[tilespmem:s11+$0x8800] =	vst v0;
	s13 =	simm.s32 @!p0 $0x0;
	v0 =	vmul.f32 s12, v2;
	v2 =	vpop (erf)  }
0x69: {  	s9 =	sshll.u32 s9, $0x1;
	[tilespmem:s10+$0x8800] =	vst v1;
	v1 =	vmul.f32 s13, v2  }
0x6a: {  	s9 =	sadd.s32 s2, s9;
	s11 =	sshll.u32 s0, $0x1;
	[tilespmem:s29+$0x8800] =	vst v0  }
0x6b: {  	s16 =	simm.s32 $0x8800;
	s13 =	simm.s32 $0x0;
	[tilespmem:s20+$0x8800] =	vst v1;
	s20 =	sadd.s32 $0x2, s11  }
0x6c: {  	[hbm4b:s9+s13] =	stream.linear.scatter [tilespmem:s16], [sflag:$0x5], $0x2000, $0x38;
	[tilespmem:$0xC800] =	vst v63  }
0x6d: {  	p0 =	seq.s32 s20, $0x14;
	s9 =	sshll.u32 s20, $0x9  }
0x6e: {  	s9 =	simm.s32 @p0 $0x0  }
0x6f: {  	_ =	swait.ge [sflag:s14], $0x2000;
	s9 =	sadd.s32 s4, s9  }
0x70: {  	[sflag:s14] =	ssyncset.done $0x0;
	s9 =	sshrl.u32 s9, $0x3  }
0x71: {  	[sflag:s14] =	ssyncadd.s32 $0xFFFFE000;
	s24 =	sadd.s32 s5, s9  }
0x72: {  	[tilespmem:s13], [sflag:$0x5] =	stream.linear.gather [hbm4b:s24+s13], $0x200, $0x38;
	[tilespmem:$0xC800] =	vst v63  }
0x73: {  	_ =	swait.ge [sflag:s14], $0x200  }
0x74: {  	[sflag:s14] =	ssyncset.done $0x0  }
0x75: {  	s9 =	sadd.s32 s6, s9;
	[sflag:s14] =	ssyncadd.s32 $0xFFFFFE00  }
0x76: {  	[tilespmem:s15], [sflag:$0x5] =	stream.linear.gather [hbm4b:s9+s13], $0x200, $0x38;
	[tilespmem:$0xC800] =	vst v63  }
0x77: {  	_ =	swait.ge [sflag:s14], $0x200  }
0x78: {  	[sflag:s14] =	ssyncset.done $0x0  }
0x79: {  	s31 =	simm.s32 $0x800;
	[sflag:s14] =	ssyncadd.s32 $0xFFFFFE00  }
0x7a: {  	[tilespmem:s31], [sflag:$0x1] =	stream.indirect.gather [hbm4b:s7+s15], $0x10, s13, s15, $0xb8;
	[tilespmem:$0xC800] =	vst v63  }
0x7b: {  	_ = 	snop  }
0x7c: {  	[tilespmem:s17], [sflag:$0x2] =	stream.indirect.gather [hbm4b:s8+s15], $0x10, s15, s15, $0xb8;
	[tilespmem:$0xC800] =	vst v63  }
0x7d: {  	_ =	swait.ge [sflag:s25], $0x2000  }
0x7e: {  	[sflag:s25] =	ssyncset.done $0x0  }
0x7f: {  	[sflag:s25] =	ssyncadd.s32 $0xFFFFE000  }
0x80: {  	_ =	swait.ge [sflag:s26], $0x2000  }
0x81: {  	[sflag:s26] =	ssyncset.done $0x0  }
0x82: {  	s11 =	simm.s32 $0x0;
	[sflag:s26] =	ssyncadd.s32 $0xFFFFE000  }
0x83: {  	v0 =	vld [tilespmem:s11+$0x4800]  }
0x84: {  	v1 =	vld [tilespmem:s11+$0x6800];
	_ =	sdelay $0x3  }
0x85: {  	s12 =	simm.s32 $0x10  }
0x86: {  	v2 =	vld [tilespmem:s12+$0x6800];
	v0 =	vadd.f32 v1, v0  }
0x87: {  	v1 =	vld [tilespmem:s12+$0x4800]  }
0x88: {  	v0 =	vsub.f32 $0.0e+00, v0;
	_ =	sdelay $0x1  }
0x89: {  	s9 =	simm.s32 $0x20;
	v0 =	vmul.f32 $1.442695020e+00, v0  }
0x8a: {  	v3 =	vld [tilespmem:s9+$0x4800]  }
0x8b: {  	v1 =	vadd.f32 v2, v1;
	(erf) = vpow2.f32 v0;
	v0 =	vld [tilespmem:s9+$0x6800];
	_ =	sdelay $0x1  }
0x8c: {  	v1 =	vsub.f32 $0.0e+00, v1;
	_ =	sdelay $0x1  }
0x8d: {  	s10 =	simm.s32 $0x30;
	v1 =	vmul.f32 $1.442695020e+00, v1  }
0x8e: {  	v2 =	vld [tilespmem:s10+$0x4800];
	v0 =	vadd.f32 v0, v3  }
0x8f: {  	(erf) = vpow2.f32 v1;
	v1 =	vld [tilespmem:s10+$0x6800]  }
0x90: {  	v0 =	vsub.f32 $0.0e+00, v0;
	_ =	sdelay $0x1  }
0x91: {  	s13 =	simm.s32 $0x40;
	v3 =	vpop (erf);
	v0 =	vmul.f32 $1.442695020e+00, v0  }
0x92: {  	v4 =	vld [tilespmem:s13+$0x4800];
	v3 =	vadd.f32 $1.000000000e+00, v3  }
0x93: {  	v1 =	vadd.f32 v1, v2;
	(erf) = vpow2.f32 v0;
	v0 =	vld [tilespmem:s13+$0x6800]  }
0x94: {  	(erf) = vrcp.f32 v3  }
0x95: {  	v1 =	vsub.f32 $0.0e+00, v1;
	_ =	sdelay $0x1  }
0x96: {  	v2 =	vpop (erf);
	v1 =	vmul.f32 $1.442695020e+00, v1  }
0x97: {  	s29 =	simm.s32 $0x50;
	v2 =	vadd.f32 $1.000000000e+00, v2;
	v0 =	vadd.f32 v0, v4  }
0x98: {  	(erf) = vpow2.f32 v1;
	v1 =	vld [tilespmem:s29+$0x6800]  }
0x99: {  	(erf) = vrcp.f32 v2;
	v4 =	vsub.f32 $0.0e+00, v0;
	v0 =	vld [tilespmem:s29+$0x4800];
	_ =	sdelay $0x1  }
0x9a: {  	p0 =	slt.u32 s30, $0x4E200;
	s24 =	simm.f32 $1.000000000e+00;
	v3 =	vpop (erf)  }
0x9b: {  	s28 =	simm.s32 $0x180;
	s20 =	smov.u32 s30;
	s24 =	simm.s32 @!p0 $0x0;
	v4 =	vmul.f32 $1.442695020e+00, v4;
	v2 =	vpop (erf)  }
.LBB2_5:
0x9c: {  	s16 =	sshra.s32 s28, $0x2;
	v3 =	vadd.f32 $1.000000000e+00, v3;
	v2 =	vmul.f32 s24, v2;
	p0 =	sne.s32 s28, $0x7FC0  }
.Ltmp1:
0x9d: {  	v5 =	vadd.f32 v1, v0;
	v0 =	vld [tilespmem:s16+$0x4800];
	(erf) = vpow2.f32 v4;
	(pc) =	sbr.rel @p0 .LBB2_5-.Ltmp1, $4  }
0x9e: {  	s28 =	sadd.s32 $0x40, s28;
	s20 =	sadd.s32 $0x1, s20;
	v1 =	vld [tilespmem:s16+$0x6800];
	(erf) = vrcp.f32 v3;
	[tilespmem:s11+$0xA800] =	vst v2;
	s11 =	smov.u32 s12  }
0x9f: {  	s24 =	simm.f32 $1.000000000e+00;
	s12 =	smov.u32 s9;
	s9 =	smov.u32 s10;
	v5 =	vsub.f32 $0.0e+00, v5  }
0xa0: {  	p1 =	slt.u32 s20, $0x4E200;
	s10 =	smov.u32 s13;
	s13 =	smov.u32 s29;
	v3 =	vpop (erf)  }
0xa1: {  	s24 =	simm.s32 @!p1 $0x0;
	s29 =	smov.u32 s16;
	v4 =	vmul.f32 $1.442695020e+00, v5;
	v2 =	vpop (erf)  }
0xa2: {  	_ = 	snop  }
0xa3: {  	v0 =	vadd.f32 v1, v0;
	_ =	sdelay $0x1  }
0xa4: {  	v0 =	vsub.f32 $0.0e+00, v0  }
0xa5: {  	v50 =	vadd.f32 $1.000000000e+00, v3  }
0xa6: {  	(erf) = vpow2.f32 v4;
	v0 =	vmul.f32 $1.442695020e+00, v0  }
0xa7: {  	(erf) = vrcp.f32 v50  }
0xa8: {  	(erf) = vpow2.f32 v0;
	_ =	sdelay $0x4  }
0xa9: {  	v51 =	vpop (erf)  }
0xaa: {  	v52 =	vpop (erf)  }
0xab: {  	v53 =	vpop (erf)  }
0xac: {  	v0 =	vadd.f32 $1.000000000e+00, v51;
	v54 =	vpop (erf)  }
0xad: {  	v3 =	vadd.f32 $1.000000000e+00, v53;
	v5 =	vpop (erf)  }
0xae: {  	(erf) = vrcp.f32 v0;
	v55 =	vadd.f32 $1.000000000e+00, v5  }
0xaf: {  	(erf) = vrcp.f32 v3  }
0xb0: {  	(erf) = vrcp.f32 v55;
	_ =	sdelay $0x1  }
0xb1: {  	s16 =	sadd.s32 $0x1, s20  }
0xb2: {  	s20 =	simm.f32 $1.000000000e+00;
	v56 =	vmul.f32 s24, v2;
	s24 =	simm.f32 $1.000000000e+00;
	p0 =	slt.u32 s16, $0x4E200  }
0xb3: {  	s28 =	simm.f32 $1.000000000e+00;
	s16 =	sadd.s32 $0x1, s16;
	s20 =	simm.s32 @!p0 $0x0  }
0xb4: {  	p0 =	slt.u32 s16, $0x4E200;
	s16 =	sadd.s32 $0x1, s16;
	[tilespmem:s11+$0xA800] =	vst v56;
	s11 =	simm.f32 $1.000000000e+00  }
0xb5: {  	p1 =	slt.u32 s16, $0x4E200;
	s24 =	simm.s32 @!p0 $0x0;
	s16 =	sadd.s32 $0x1, s16;
	v1 =	vmul.f32 s20, v52  }
0xb6: {  	s28 =	simm.s32 @!p1 $0x0;
	p0 =	slt.u32 s16, $0x4E200;
	s16 =	sadd.s32 $0x1, s16;
	v57 =	vmul.f32 s24, v54;
	v58 =	vpop (erf)  }
0xb7: {  	s11 =	simm.s32 @!p0 $0x0;
	p0 =	slt.u32 s16, $0x4E200;
	[tilespmem:s12+$0xA800] =	vst v1;
	s12 =	simm.f32 $1.000000000e+00;
	v59 =	vmul.f32 s28, v58;
	v60 =	vpop (erf)  }
0xb8: {  	s12 =	simm.s32 @!p0 $0x0;
	[tilespmem:s9+$0xA800] =	vst v57;
	v61 =	vmul.f32 s11, v60;
	v62 =	vpop (erf)  }
0xb9: {  	s1 =	sshll.u32 s1, $0x1;
	s0 =	sadd.s32 $0x1, s0;
	[tilespmem:s10+$0xA800] =	vst v59;
	v63 =	vmul.f32 s12, v62  }
0xba: {  	s1 =	sand.u32 $0x1FFFFC00, s1;
	p0 =	sne.s32 s0, $0xA;
	[tilespmem:s13+$0xA800] =	vst v61  }
.Ltmp2:
0xbb: {  	s31 =	simm.s32 $0xA800;
	s1 =	sadd.s32 s2, s1;
	[tilespmem:s29+$0xA800] =	vst v63;
	(pc) =	sbr.rel @p0 .LBB2_2-.Ltmp2, $4  }
0xbc: {  	[hbm4b:s1+s3] =	stream.linear.scatter [tilespmem:s31], [sflag:$0x5], $0x2000, $0x38;
	[tilespmem:$0xC800] =	vst v63  }
0xbd: {  	_ =	swait.ge [sflag:s14], $0x2000  }
0xbe: {  	[sflag:s14] =	ssyncset.done $0x0  }
0xbf: {  	s21 =	sadd.s32 $0x400, s21;
	s30 =	sadd.s32 $0x400, s30;
	[sflag:s14] =	ssyncadd.s32 $0xFFFFE000  }
0xc0: {  	_ =	swait.ge [sflag:s22], $0x2000  }
0xc1: {  	[sflag:s22] =	ssyncset.done $0x0  }
0xc2: {  	[sflag:s22] =	ssyncadd.s32 $0xFFFFE000  }
0xc3: {  	_ =	swait.ge [sflag:s23], $0x2000  }
0xc4: {  	s1 =	rddreg [dreg:$0x8]  }
0xc5: {  	s0 =	rddreg [dreg:$0x6];
	s1 =	sadd.s32 $0x1, s1  }
0xc6: {  	p0 =	sne.s32 s1, s0  }
.Ltmp3:
0xc7: {  	_ = 	snop;
	(pc) =	sbr.rel @p0 .LBB2_1-.Ltmp3, $3  }
0xc8: {  	_ =	sdelay $0x1  }
0xc9: {  	[sflag:s23] =	ssyncset.done $0x0  }
0xca: {  	[sflag:s23] =	ssyncadd.s32 $0xFFFFE000  }
0xcb: {  	_ =	sfence.sel $0x180000  }
0xcc: {  	[bflag:$0x0] =	sbarrier.arrive $0xFFFF  }
0xcd: {  	_ =	strace $0x90000047  }
0xce: {  	s0 =	stileid.u32;
	[bflag:$0x2] =	sbarrier.arrive $0xFFFF  }
0xcf: {  	p0 =	sne.s32 s0, $0x0;
	s0 =	rddreg [dreg:$0x2]  }
0xd0: {  	s0 =	sadd.s32 @!p0 $0x100000, s0  }
0xd1: {  	[sflag:s0] =	ssyncadd.tile.s32 @!p0 $0x1;
	_ =	shalt  }
.Lfunc_end2:
_tile_overlayer_lowered:
.L_overlay_start_2:
0xd2: {  	(tag) =	ssettag $0x2  }
0xd3: {  	s0 =	rddreg [dreg:$0x0];
	s2 =	stileid.u32  }
0xd4: {  	s1 =	rddreg [dreg:$0x1];
	p0 =	sne.s32 s2, $0x0  }
0xd5: {  	s3 =	rddreg [dreg:$0x2];
	[bflag:$0x3] =	sbarrier.arrive $0xFFFF;
	s2 =	simm.s32 @!p0 $0x1C05  }
0xd6: {  	[timem:s3], [sflag:s2] =	dma.local @!p0 [hbm:s0], s1  }
0xd7: {  	s0 =	simm.s32 @!p0 $0x5  }
0xd8: {  	_ =	swait.ge @!p0 [sflag:s0], s1  }
0xd9: {  	s1 =	ssub.s32 @!p0 $0x0, s1;
	[sflag:s0] =	ssyncset.done @!p0 $0x0  }
0xda: {  	[sflag:s0] =	ssyncadd.s32 @!p0 s1  }
0xdb: {  	[bflag:$0x3] =	sbarrier.arrive $0xFFFF  }
0xdc: {  	_ =	shalt  }

// kernel: kernel.19.cloned.1.call-start
scs
__scs_entry_jumppad:
0x0: {  	(pc) =	sbr.rel $0x88, $3  }
0x1: {  	(tag) =	ssettag $0x0;
	lr =	simm.s32 $0x1  }
0x2: {  	[smem:$0x3F94] =	sst lr;
	_ =	strace $0xD0000000  }
0x3: {  	_ = 	snop  }
0x4: {  	_ = 	snop  }
0x5: {  	_ = 	snop  }
0x6: {  	_ = 	snop  }
0x7: {  	_ = 	snop  }
__scs_overlays_trampoline_lowered:
0x8: {  	[smem:$0x3FA3] =	sst s0  }
0x9: {  	[smem:$0x3FA4] =	sst s1  }
0xa: {  	[smem:$0x3FA5] =	sst s2  }
0xb: {  	[smem:$0x3FA6] =	sst s3  }
0xc: {  	[smem:$0x3FA7] =	sst s4  }
0xd: {  	[smem:$0x3FA8] =	sst s5  }
0xe: {  	[smem:$0x3FA9] =	sst s6  }
0xf: {  	[smem:$0x3FAA] =	sst s7  }
0x10: {  	[smem:$0x3FAB] =	sst s8  }
0x11: {  	[smem:$0x3FAC] =	sst s9;
	s0 =	simm.s32 @!p0 $0x0  }
0x12: {  	s1 =	sld [smem:$0x3F92];
	s0 =	simm.s32 @p0 $0x1  }
0x13: {  	[smem:$0x3FAD] =	sst s0;
	s0 =	simm.s32 @!p1 $0x0  }
0x14: {  	s2 =	sld [smem:$0x3F91];
	s0 =	simm.s32 @p1 $0x1  }
0x15: {  	[smem:$0x3FAE] =	sst s0;
	s0 =	simm.s32 @!p2 $0x0  }
0x16: {  	s3 =	sld [smem:$0x3FDB];
	s0 =	simm.s32 @p2 $0x1  }
0x17: {  	s4 =	simm.s32 $0x1BF5;
	[smem:$0x3FB0] =	sst s0  }
0x18: {  	s0 =	sld [smem:$0x3F93];
	_ =	swait.ge [sflag:s4], $0x0  }
0x19: {  	s7 =	sld [smem:$0x3F94]  }
0x1a: {  	s8 =	sadd.s32 $0xFFFFE003, lr  }
0x1b: {  	s9 =	sadd.s32 $0xFFFFFEF7, lr;
	s5 =	simm.s32 $0xFFFFFFFF;
	p2 =	slt.u32 s8, $0xFFFFF086  }
0x1c: {  	p1 =	slt.u32 s9, $0xF7A;
	s5 =	simm.s32 @!p2 $0x0  }
0x1d: {  	s5 =	simm.s32 @p1 $0x1;
	p0 =	seq.s32 s7, s2  }
0x1e: {  	s7 =	smul.u32 @!p0 $0xF7A, s2;
	p2 =	seq.s32 @!p0 s5, $0x0  }
0x1f: {  	s9 =	smul.u32 $0xF7A, s1;
	s8 =	simm.s32 @!p0 $0x1BF5;
	p2 =	por !p2, p0  }
0x20: {  	[sflag:s8] =	ssyncset.s32 @!p0 $0xFFFFF086;
	s6 =	sadd.s32 @!p0 s3, s7;
	s7 =	simm.s32 @!p0 $0x108  }
0x21: {  	s3 =	sadd.s32 s3, s9;
	s6 =	sadd.s32 @!p0 $0x88, s6;
	s7 =	simm.s32 @p2 $0x1082  }
0x22: {  	[simem:s7], [sflag:s8] =	dma.local @!p0 [hbm:s6], $0xF7A  }
0x23: {  	s9 =	sor.u32 $0xD0000000, s2;
	s6 =	simm.s32 $0x108;
	_ =	swait.ge @!p0 [sflag:s8], $0x0  }
0x24: {  	s3 =	sadd.s32 $0x88, s3;
	s6 =	simm.s32 @!p1 $0x1082;
	[sflag:s4] =	ssyncset.s32 $0xFFFFF086  }
0x25: {  	[simem:s6], [sflag:s4] =	dma.local [hbm:s3], $0xF7A  }
0x26: {  	[smem:$0x3F94] =	sst s1;
	(tag) =	ssettag s2;
	_ =	strace s9  }
0x27: {  	s1 =	sld [smem:$0x3FA4]  }
0x28: {  	s2 =	sld [smem:$0x3FA5]  }
0x29: {  	s4 =	sld [smem:$0x3FA7]  }
0x2a: {  	p0 =	seq.s32 s5, $0x0;
	s5 =	sld [smem:$0x3FA8]  }
0x2b: {  	s6 =	sld [smem:$0x3FA9]  }
0x2c: {  	s7 =	sld [smem:$0x3FAA]  }
0x2d: {  	s3 =	simm.s32 $0x108;
	s8 =	sld [smem:$0x3FAB]  }
0x2e: {  	s3 =	simm.s32 @!p0 $0x1082;
	s9 =	sld [smem:$0x3FAC]  }
0x2f: {  	lr =	sadd.s32 s0, s3;
	s0 =	sld [smem:$0x3FA3]  }
0x30: {  	s3 =	sld [smem:$0x3FA6]  }
0x31: {  	[smem:$0x3FAF] =	sst s10  }
0x32: {  	s10 =	sld [smem:$0x3FAD];
	_ =	sdelay $0x3  }
0x33: {  	p0 =	seq.s32 s10, $0x1;
	s10 =	sld [smem:$0x3FAF];
	_ =	sdelay $0x3  }
0x34: {  	[smem:$0x3FAF] =	sst s10  }
0x35: {  	s10 =	sld [smem:$0x3FAE];
	_ =	sdelay $0x3  }
0x36: {  	p1 =	seq.s32 s10, $0x1;
	s10 =	sld [smem:$0x3FAF];
	_ =	sdelay $0x3  }
0x37: {  	[smem:$0x3FAF] =	sst s10  }
0x38: {  	s10 =	sld [smem:$0x3FB0]  }
0x39: {  	_ = 	snop;
	(pc) =	sbr.ind lr, $3  }
0x3a: {  	_ = 	snop  }
0x3b: {  	_ = 	snop  }
0x3c: {  	p2 =	seq.s32 s10, $0x1;
	s10 =	sld [smem:$0x3FAF]  }
0x3d: {  	_ =	shalt  }
0x3e: {  	_ =	shalt  }
0x3f: {  	_ =	shalt  }
0x40: {  	_ =	shalt  }
0x41: {  	_ =	shalt  }
0x42: {  	_ =	shalt  }
0x43: {  	_ =	shalt  }
0x44: {  	_ =	shalt  }
0x45: {  	_ =	shalt  }
0x46: {  	_ =	shalt  }
0x47: {  	_ =	shalt  }
0x48: {  	_ =	shalt  }
0x49: {  	_ =	shalt  }
0x4a: {  	_ =	shalt  }
0x4b: {  	_ =	shalt  }
0x4c: {  	_ =	shalt  }
0x4d: {  	_ =	shalt  }
0x4e: {  	_ =	shalt  }
0x4f: {  	_ =	shalt  }
0x50: {  	_ =	shalt  }
0x51: {  	_ =	shalt  }
0x52: {  	_ =	shalt  }
0x53: {  	_ =	shalt  }
0x54: {  	_ =	shalt  }
0x55: {  	_ =	shalt  }
0x56: {  	_ =	shalt  }
0x57: {  	_ =	shalt  }
0x58: {  	_ =	shalt  }
0x59: {  	_ =	shalt  }
0x5a: {  	_ =	shalt  }
0x5b: {  	_ =	shalt  }
0x5c: {  	_ =	shalt  }
0x5d: {  	_ =	shalt  }
0x5e: {  	_ =	shalt  }
0x5f: {  	_ =	shalt  }
0x60: {  	_ =	shalt  }
0x61: {  	_ =	shalt  }
0x62: {  	_ =	shalt  }
0x63: {  	_ =	shalt  }
0x64: {  	_ =	shalt  }
0x65: {  	_ =	shalt  }
0x66: {  	_ =	shalt  }
0x67: {  	_ =	shalt  }
0x68: {  	_ =	shalt  }
0x69: {  	_ =	shalt  }
0x6a: {  	_ =	shalt  }
0x6b: {  	_ =	shalt  }
0x6c: {  	_ =	shalt  }
0x6d: {  	_ =	shalt  }
0x6e: {  	_ =	shalt  }
0x6f: {  	_ =	shalt  }
0x70: {  	_ =	shalt  }
0x71: {  	_ =	shalt  }
0x72: {  	_ =	shalt  }
0x73: {  	_ =	shalt  }
0x74: {  	_ =	shalt  }
0x75: {  	_ =	shalt  }
0x76: {  	_ =	shalt  }
0x77: {  	_ =	shalt  }
0x78: {  	_ =	shalt  }
0x79: {  	_ =	shalt  }
0x7a: {  	_ =	shalt  }
0x7b: {  	_ =	shalt  }
0x7c: {  	_ =	shalt  }
0x7d: {  	_ =	shalt  }
0x7e: {  	_ =	shalt  }
0x7f: {  	_ =	shalt  }
0x80: {  	_ =	shalt  }
0x81: {  	_ =	shalt  }
0x82: {  	_ =	shalt  }
0x83: {  	_ =	shalt  }
0x84: {  	_ =	shalt  }
0x85: {  	_ =	shalt  }
0x86: {  	_ =	shalt  }
0x87: {  	_ =	shalt  }
.Lfunc_end0:
.L_simem_size_0:
called_computation.1_lowered:
.L_overlay_start_0:
0x88: {  	s2 =	sld [smem:$0x3FD9]  }
0x89: {  	s3 =	sld [smem:$0x3FFE];
	_ =	sdelay $0x1  }
0x8a: {  	s1 =	srdreg.scid  }
0x8b: {  	s0 =	sand.u32 $0x1, s1  }
0x8c: {  	s17 =	sshll.u32 s0, $0xA;
	s2 =	sadd.s32 s3, s2  }
0x8d: {  	s2 =	sadd.s32 s2, s17  }
0x8e: {  	[smem:$0x3FBB] =	sst s2  }
0x8f: {  	_ = 	snop  }
0x90: {  	s2 =	sld [smem:$0x3FD0];
	(tm) =	ssettm $0x1  }
0x91: {  	s18 =	sld [smem:$0x3FFB];
	_ =	sdelay $0x3  }
0x92: {  	_ =	strace s18  }
0x93: {  	s3 =	sld [smem:$0x3FFC];
	_ =	sdelay $0x3  }
0x94: {  	_ =	strace s3  }
0x95: {  	s3 =	sld [smem:$0x3FFD];
	_ =	sdelay $0x3  }
0x96: {  	_ =	strace s3  }
0x97: {  	_ =	strace $0x8FFFFFFF  }
0x98: {  	s19 =	sld [smem:$0x3FDB];
	_ =	sdelay $0x1  }
0x99: {  	s4 =	simm.s32 $_scs_section_size  }
0x9a: {  	s5 =	simm.s32 $_size__tile_overlayer_lowered;
	s6 =	simm.s32 $_tile_overlayer_lowered  }
0x9b: {  	s22 =	simm.s32 $0x1BFF;
	s21 =	sshll.u32 s6, $0x1;
	s3 =	sadd.s32 s4, s19  }
0x9c: {  	s7 =	simm.s32 $0x0;
	s20 =	sshll.u32 s5, $0x1;
	s5 =	sadd.s32 s21, s3  }
0x9d: {  	[timem:s7], [sflag:s22] =	dma.local [hbm:s5], s20  }
0x9e: {  	_ =	swait.ge [sflag:s22], s20  }
0x9f: {  	s4 =	ssub.s32 $0x0, s20;
	[sflag:s22] =	ssyncset.done $0x0  }
0xa0: {  	[sflag:s22] =	ssyncadd.s32 s4;
	_ =	sdelay $0x1  }
0xa1: {  	s23 =	simm.s32 $0x1B8B  }
0xa2: {  	_ =	swait.ge [sflag:s23], $0x1  }
0xa3: {  	[sflag:s23] =	ssyncset.done $0x0  }
0xa4: {  	s25 =	simm.s32 $0x1B8E;
	s24 =	sld [smem:$0x3FFE];
	[sflag:s23] =	ssyncadd.s32 $0xFFFFFFFF  }
0xa5: {  	s26 =	simm.s32 $execute0_lowered;
	[smem:$0x3FD2] =	sst s25  }
0xa6: {  	s5 =	sshll.u32 s26, $0x1;
	_ =	strace $0x80000049;
	[dreg:$0x1] =	wrdreg $0xFFFFFFFF  }
0xa7: {  	s28 =	simm.s32 $_size_execute0_lowered;
	s3 =	sadd.s32 s3, s5;
	[dreg:$0x0] =	wrdreg $0x0  }
0xa8: {  	s5 =	sshll.u32 s28, $0x1;
	[dreg:$0x2] =	wrdreg s3  }
0xa9: {  	[dreg:$0x3] =	wrdreg s5  }
0xaa: {  	[dreg:$0x4] =	wrdreg $0xC0  }
0xab: {  	_ =	task [dreg:s7], $0x5FFFF  }
0xac: {  	[dreg:$0x1] =	wrdreg $0xFFFFFFFF  }
0xad: {  	[dreg:$0x0] =	wrdreg $0x60  }
0xae: {  	[dreg:$0x2] =	wrdreg s24  }
0xaf: {  	[dreg:$0x3] =	wrdreg s2  }
0xb0: {  	[dreg:$0x4] =	wrdreg $0x14E800  }
0xb1: {  	[dreg:$0x5] =	wrdreg $0x9  }
0xb2: {  	_ =	task.clear_ibuf [dreg:s7], $0x6FFFF;
	_ =	strace $0x90000049  }
0xb3: {  	s29 =	simm.s32 $0x9;
	_ =	strace $0x8000004B  }
0xb4: {  	_ =	swait.ge [sflag:s29], $0x1  }
0xb5: {  	[sflag:s29] =	ssyncadd.s32 $0xFFFFFFFF  }
0xb6: {  	_ =	strace $0x9000004B  }
0xb7: {  	_ =	sfence  }
0xb8: {  	s30 =	sld [smem:$0x0];
	_ =	sdelay $0x2  }
0xb9: {  	s31 =	sshll.u32 s1, $0xD;
	s1 =	sshrl.u32 s1, $0x2  }
0xba: {  	s3 =	sand.u32 $0x4000, s31;
	s1 =	sadd.s32 s1, s30  }
0xbb: {  	s0 =	sor.u32 s3, s0;
	s1 =	sshll.u32 s1, $0x11  }
0xbc: {  	s0 =	sor.u32 s1, s0  }
0xbd: {  	s0 =	sadd.s32 $0x8F2B, s0  }
0xbe: {  	[sflag:s0] =	ssyncadd.remote.s32 $0x1  }
0xbf: {  	_ =	sfence.sel $0xFFFF  }
0xc0: {  	[dreg:$0x0] =	wrdreg $0xFFFFFFFF;
	(pc) =	sbr.abs _section_cstart, $3  }
0xc1: {  	[dreg:$0x1] =	wrdreg $0xFFFFFFFF  }
0xc2: {  	_ =	task.clear_ibuf [dreg:s7], $0x2FFFF;
	_ =	strace $0x9FFFFFFF  }
0xc3: {  	(tm) =	ssettm $0x7FFFFFFF  }
tec
execute0_lowered:
.L_overlay_start_1:
0x0: {  	(tag) =	ssettag $0x1  }
0x1: {  	s0 =	rddreg [dreg:$0x0]  }
0x2: {  	s1 =	rddreg [dreg:$0x1]  }
0x3: {  	s2 =	rddreg [dreg:$0x2];
	s4 =	simm.s32 $0x0;
	s3 =	srdreg.scid  }
0x4: {  	s11 =	stileid.u32;
	s17 =	simm.s32 $0x14800;
	s18 =	simm.s32 $0x3  }
0x5: {  	s20 =	simm.s32 $0x200;
	s21 =	simm.s32 $0x800;
	s22 =	simm.s32 $0x4800  }
0x6: {  	s28 =	simm.s32 $0x1;
	s29 =	simm.s32 $0x2;
	s30 =	simm.s32 $0x0  }
0x7: {  	s31 =	simm.s32 $0x0;
	[smem:$0x7FF] =	sst s4;
	s3 =	sand.u32 $0x1, s3  }
0x8: {  	s5 =	sadd.s32 $0x3A00, s0;
	s9 =	smul.u32 $0x9C40, s11;
	s6 =	sadd.s32 $0xDA00, s0  }
0x9: {  	s7 =	sadd.s32 $0x21C00, s0;
	s10 =	sshll.u32 s11, $0x1;
	s15 =	smul.u32 $0x27100, s11  }
0xa: {  	s12 =	sadd.s32 $0x21A00, s0;
	s8 =	smul.u32 $0x9C400, s3;
	_ =	strace $0x8000004A  }
0xb: {  	[dreg:$0x4] =	wrdreg s12;
	s10 =	sor.u32 s3, s10;
	s3 =	ssub.s32 $0x2, s3  }
0xc: {  	s23 =	sshrl.u32 s3, $0x1;
	s8 =	sadd.s32 s9, s8;
	s9 =	smul.u32 $0x2800, s10  }
0xd: {  	s26 =	sshrl.u32 s15, $0x2;
	s10 =	smul.u32 $0x5000, s10;
	s3 =	ssub.s32 s3, s23  }
0xe: {  	s15 =	sadd.s32 s26, s2;
	s23 =	simm.s32 $0x400;
	s8 =	sshrl.u32 s8, $0x3  }
0xf: {  	s26 =	simm.s32 $0xC800;
	s14 =	smax.u32 s3, $0x1;
	s0 =	sadd.s32 s8, s0  }
0x10: {  	s24 =	sshrl.u32 s9, $0x3;
	s12 =	sadd.s32 s1, s10;
	s13 =	sor.u32 $0x200, s9  }
0x11: {  	s25 =	sadd.s32 s5, s24;
	s11 =	sadd.s32 s6, s24;
	s16 =	sadd.s32 $0x35600, s0  }
0x12: {  	v0 =	vimm.f32 $0.0e+00;
	s24 =	simm.s32 $0x600;
	[dreg:$0x5] =	wrdreg s25;
	s25 =	simm.s32 $0x2800  }
.LBB2_1:
0x13: {  	s0 =	simm.s32 $0x0  }
.LBB2_2:
0x14: {  	p0 =	sne.s32 s0, $0x1800  }
.Ltmp0:
0x15: {  	s3 =	sshra.s32 s0, $0x2;
	(pc) =	sbr.rel @p0 .LBB2_2-.Ltmp0, $4  }
0x16: {  	[tilespmem:s3+$0x14800] =	vst v0  }
0x17: {  	[tilespmem:s3+$0x14810] =	vst v0  }
0x18: {  	[tilespmem:s3+$0x14820] =	vst v0  }
0x19: {  	s0 =	sadd.s32 $0x100, s0;
	[tilespmem:s3+$0x14830] =	vst v0  }
0x1a: {  	s0 =	sadd.s32 $0x0, s15  }
0x1b: {  	[spmem:s0] =	stream.linear.scatter [tilespmem:s17], [sflag:$0x3], $0x640, $0x38;
	[tilespmem:$0x1EAC0] =	vst v63  }
0x1c: {  	s0 =	simm.s32 $0x1900;
	_ =	swait.ge [sflag:s18], $0x640  }
.LBB2_4:
0x1d: {  	s3 =	sshra.s32 s0, $0x2;
	[sflag:s18] =	ssyncset.done $0x0;
	p0 =	sne.s32 s0, $0x25800  }
.Ltmp1:
0x1e: {  	s3 =	sadd.s32 s3, s15;
	[sflag:s18] =	ssyncadd.s32 $0xFFFFF9C0;
	(pc) =	sbr.rel @p0 .LBB2_4-.Ltmp1, $3  }
0x1f: {  	[spmem:s3] =	stream.linear.scatter [tilespmem:s17], [sflag:$0x3], $0x640, $0x38;
	[tilespmem:$0x1EAC0] =	vst v63  }
0x20: {  	s0 =	sadd.s32 $0x1900, s0;
	_ =	sdelay $0x1  }
0x21: {  	_ =	swait.ge [sflag:s18], $0x640  }
0x22: {  	[sflag:s18] =	ssyncset.done $0x0  }
0x23: {  	[sflag:s18] =	ssyncadd.s32 $0xFFFFF9C0  }
0x24: {  	[bflag:$0x0] =	sbarrier.arrive $0xFFFF  }
0x25: {  	s3 =	simm.s32 $0x14E40;
	s0 =	rddreg [dreg:$0x4]  }
0x26: {  	[tilespmem:s3], [sflag:$0x3] =	stream.linear.gather [hbm4b:s0+s31], $0x40, $0x38;
	[tilespmem:$0x1EAC0] =	vst v63  }
0x27: {  	_ =	swait.ge [sflag:s18], $0x40  }
0x28: {  	[sflag:s18] =	ssyncset.done $0x0  }
0x29: {  	[sflag:s18] =	ssyncadd.s32 $0xFFFFFFC0  }
0x2a: {  	v1 =	vld [tilespmem:$0x14E40]  }
0x2b: {  	v2 =	vld [tilespmem:$0x14E50]  }
0x2c: {  	s19 =	rddreg [dreg:$0x5];
	v3 =	vld [tilespmem:$0x14E60]  }
0x2d: {  	v4 =	vld [tilespmem:$0x14E70];
	[tilespmem:s31], [sflag:$0x3] =	stream.linear.gather [hbm4b:s19+s31], $0x200, $0x38  }
0x2e: {  	_ =	swait.ge [sflag:s18], $0x200  }
0x2f: {  	[sflag:s18] =	ssyncset.done $0x0  }
0x30: {  	[sflag:s18] =	ssyncadd.s32 $0xFFFFFE00  }
0x31: {  	[tilespmem:s20], [sflag:$0x3] =	stream.linear.gather [hbm4b:s11+s31], $0x200, $0x38;
	[tilespmem:$0x1EAC0] =	vst v63  }
0x32: {  	_ =	swait.ge [sflag:s18], $0x200  }
0x33: {  	[sflag:s18] =	ssyncset.done $0x0  }
0x34: {  	[sflag:s18] =	ssyncadd.s32 $0xFFFFFE00  }
0x35: {  	[tilespmem:s21], [sflag:$0x3] =	stream.linear.gather [hbm4b:s12+s31], $0x2000, $0x38;
	[tilespmem:$0x1EAC0] =	vst v63  }
0x36: {  	_ =	swait.ge [sflag:s18], $0x2000  }
0x37: {  	[sflag:s18] =	ssyncset.done $0x0  }
0x38: {  	s0 =	simm.s32 $0x0;
	v1 =	vand.u32 $0xF, v1;
	[sflag:s18] =	ssyncadd.s32 $0xFFFFE000  }
0x39: {  	v2 =	vand.u32 $0xF, v2;
	v3 =	vand.u32 $0xF, v3;
	v4 =	vand.u32 $0xF, v4;
	[tilespmem:s22], [sflag:$0x1] =	stream.indirect.gather [hbm4b:s7+s20], $0x40, s31, s20, $0xb8;
	[tilespmem:$0x1EAC0] =	vst v63  }
.LBB2_6:
0x3a: {  	s3 =	sshll.u32 s0, $0xA  }
0x3b: {  	s3 =	sadd.s32 s3, s13  }
0x3c: {  	s8 =	sshrl.u32 s3, $0x3  }
0x3d: {  	s10 =	sadd.s32 s5, s8  }
0x3e: {  	[tilespmem:s23], [sflag:$0x3] =	stream.linear.gather [hbm4b:s10+s31], $0x200, $0x38;
	[tilespmem:$0x1EAC0] =	vst v63  }
0x3f: {  	_ =	swait.ge [sflag:s18], $0x200  }
0x40: {  	[sflag:s18] =	ssyncset.done $0x0  }
0x41: {  	s8 =	sadd.s32 s6, s8;
	[sflag:s18] =	ssyncadd.s32 $0xFFFFFE00  }
0x42: {  	[tilespmem:s24], [sflag:$0x3] =	stream.linear.gather [hbm4b:s8+s31], $0x200, $0x38;
	[tilespmem:$0x1EAC0] =	vst v63  }
0x43: {  	s3 =	sshll.u32 s3, $0x1;
	_ =	swait.ge [sflag:s18], $0x200  }
0x44: {  	s3 =	sand.u32 $0x1FFFFC00, s3;
	[sflag:s18] =	ssyncset.done $0x0  }
0x45: {  	s3 =	sadd.s32 s1, s3;
	[sflag:s18] =	ssyncadd.s32 $0xFFFFFE00  }
0x46: {  	[tilespmem:s25], [sflag:$0x3] =	stream.linear.gather [hbm4b:s3+s31], $0x2000, $0x38;
	[tilespmem:$0x1EAC0] =	vst v63  }
0x47: {  	_ =	swait.ge [sflag:s18], $0x2000  }
0x48: {  	[sflag:s18] =	ssyncset.done $0x0  }
0x49: {  	[sflag:s18] =	ssyncadd.s32 $0xFFFFE000  }
0x4a: {  	[tilespmem:s26], [sflag:$0x2] =	stream.indirect.gather [hbm4b:s7+s20], $0x40, s23, s20, $0xb8;
	[tilespmem:$0x1EAC0] =	vst v63  }
0x4b: {  	_ =	swait.ge [sflag:s28], $0x8000  }
0x4c: {  	[sflag:s28] =	ssyncset.done $0x0  }
0x4d: {  	s3 =	simm.s32 $0x4820;
	[sflag:s28] =	ssyncadd.s32 $0xFFFF8000  }
0x4e: {  	s19 =	simm.s32 $0x4820;
	s10 =	simm.s32 $0x0;
	s8 =	simm.s32 $0x40;
	v5 =	vld [tilespmem:s3+$0xFFFFFFF0]  }
.LBB2_7:
0x4f: {  	p0 =	sne.s32 s8, $0x7FC0;
	v6 =	vld [tilespmem:s10+$0x800]  }
0x50: {  	v7 =	vld [tilespmem:s3+$0x10]  }
0x51: {  	v8 =	vld [tilespmem:s3+$0xFFFFFFE0]  }
0x52: {  	v9 =	vld [tilespmem:s3+$0x0];
	_ =	sdelay $0x1  }
0x53: {  	v10 =	vperm.xlane v6, v1;
	v11 =	vperm.xlane v6, v2  }
0x54: {  	v12 =	vperm.xlane v6, v3;
	v6 =	vperm.xlane v6, v4  }
0x55: {  	v8 =	vmul.f32 v8, v10;
	v5 =	vmul.f32 v5, v11  }
.Ltmp2:
0x56: {  	v6 =	vmul.f32 v7, v6;
	v9 =	vmul.f32 v9, v12;
	(pc) =	sbr.rel @p0 .LBB2_7-.Ltmp2, $4  }
0x57: {  	[tilespmem:s3+$0xFFFFFFE0] =	vst v8  }
0x58: {  	[tilespmem:s3+$0xFFFFFFF0] =	vst v5  }
0x59: {  	s3 =	sadd.s32 $0x40, s3;
	[tilespmem:s19+$0x0] =	vst v9  }
0x5a: {  	s10 =	sshra.s32 s8, $0x2;
	s8 =	sadd.s32 $0x40, s8;
	v5 =	vld [tilespmem:s3+$0xFFFFFFF0];
	[tilespmem:s19+$0x10] =	vst v6;
	s19 =	smov.u32 s3  }
0x5b: {  	v6 =	vld [tilespmem:s10+$0x800];
	_ =	sdelay $0x1  }
0x5c: {  	v7 =	vld [tilespmem:s3+$0xFFFFFFE0];
	_ =	sdelay $0x1  }
0x5d: {  	v8 =	vld [tilespmem:s3+$0x0]  }
0x5e: {  	v9 =	vld [tilespmem:s3+$0x10];
	v10 =	vperm.xlane v6, v1  }
0x5f: {  	v11 =	vperm.xlane v6, v2  }
0x60: {  	v12 =	vperm.xlane v6, v3;
	v7 =	vmul.f32 v7, v10  }
0x61: {  	v6 =	vperm.xlane v6, v4;
	v5 =	vmul.f32 v5, v11  }
0x62: {  	v8 =	vmul.f32 v8, v12;
	[tilespmem:s3+$0xFFFFFFE0] =	vst v7  }
0x63: {  	v6 =	vmul.f32 v9, v6;
	[tilespmem:s3+$0xFFFFFFF0] =	vst v5  }
0x64: {  	[tilespmem:s19+$0x0] =	vst v8  }
0x65: {  	[tilespmem:s19+$0x10] =	vst v6;
	s19 =	sshll.u32 s0, $0x1  }
0x66: {  	[spmem:s2] =	stream.indirect.scatter.add.f32 [tilespmem:s22], [sflag:$0x3], $0x40, s20, s20, $0xb8;
	[tilespmem:$0x1EAC0] =	vst v63  }
0x67: {  	s3 =	sadd.s32 $0x2, s19  }
0x68: {  	p0 =	seq.s32 s3, $0x14;
	s3 =	sshll.u32 s3, $0x9  }
0x69: {  	s3 =	simm.s32 @p0 $0x0  }
0x6a: {  	_ =	swait.ge [sflag:s18], $0x8000;
	s3 =	sadd.s32 s9, s3  }
0x6b: {  	[sflag:s18] =	ssyncset.done $0x0;
	s8 =	sshrl.u32 s3, $0x3  }
0x6c: {  	s19 =	simm.s32 $0x0;
	[sflag:s18] =	ssyncadd.s32 $0xFFFF8000;
	s10 =	sadd.s32 s5, s8  }
0x6d: {  	[tilespmem:s19], [sflag:$0x3] =	stream.linear.gather [hbm4b:s10+s19], $0x200, $0x38;
	[tilespmem:$0x1EAC0] =	vst v63  }
0x6e: {  	_ =	swait.ge [sflag:s18], $0x200  }
0x6f: {  	[sflag:s18] =	ssyncset.done $0x0  }
0x70: {  	s8 =	sadd.s32 s6, s8;
	[sflag:s18] =	ssyncadd.s32 $0xFFFFFE00  }
0x71: {  	[tilespmem:s20], [sflag:$0x3] =	stream.linear.gather [hbm4b:s8+s19], $0x200, $0x38;
	[tilespmem:$0x1EAC0] =	vst v63  }
0x72: {  	s3 =	sshll.u32 s3, $0x1;
	_ =	swait.ge [sflag:s18], $0x200  }
0x73: {  	s3 =	sand.u32 $0x1FFFFC00, s3;
	[sflag:s18] =	ssyncset.done $0x0  }
0x74: {  	s3 =	sadd.s32 s1, s3;
	[sflag:s18] =	ssyncadd.s32 $0xFFFFFE00  }
0x75: {  	[tilespmem:s21], [sflag:$0x3] =	stream.linear.gather [hbm4b:s3+s19], $0x2000, $0x38;
	[tilespmem:$0x1EAC0] =	vst v63  }
0x76: {  	_ =	swait.ge [sflag:s18], $0x2000  }
0x77: {  	[sflag:s18] =	ssyncset.done $0x0  }
0x78: {  	[sflag:s18] =	ssyncadd.s32 $0xFFFFE000  }
0x79: {  	[tilespmem:s22], [sflag:$0x1] =	stream.indirect.gather [hbm4b:s7+s20], $0x40, s19, s20, $0xb8;
	[tilespmem:$0x1EAC0] =	vst v63  }
0x7a: {  	_ =	swait.ge [sflag:s29], $0x8000  }
0x7b: {  	[sflag:s29] =	ssyncset.done $0x0  }
0x7c: {  	s3 =	simm.s32 $0xC820;
	[sflag:s29] =	ssyncadd.s32 $0xFFFF8000  }
0x7d: {  	s10 =	simm.s32 $0x0;
	s8 =	simm.s32 $0x40;
	s19 =	simm.s32 $0xC820;
	v5 =	vld [tilespmem:s3+$0xFFFFFFF0]  }
.LBB2_9:
0x7e: {  	p0 =	sne.s32 s8, $0x7FC0;
	v6 =	vld [tilespmem:s10+$0x2800]  }
0x7f: {  	v7 =	vld [tilespmem:s3+$0x10]  }
0x80: {  	v8 =	vld [tilespmem:s3+$0xFFFFFFE0]  }
0x81: {  	v9 =	vld [tilespmem:s3+$0x0];
	_ =	sdelay $0x1  }
0x82: {  	v10 =	vperm.xlane v6, v1;
	v11 =	vperm.xlane v6, v2  }
0x83: {  	v12 =	vperm.xlane v6, v3;
	v6 =	vperm.xlane v6, v4  }
0x84: {  	v8 =	vmul.f32 v8, v10;
	v5 =	vmul.f32 v5, v11  }
.Ltmp3:
0x85: {  	v6 =	vmul.f32 v7, v6;
	v9 =	vmul.f32 v9, v12;
	(pc) =	sbr.rel @p0 .LBB2_9-.Ltmp3, $4  }
0x86: {  	[tilespmem:s3+$0xFFFFFFE0] =	vst v8  }
0x87: {  	[tilespmem:s3+$0xFFFFFFF0] =	vst v5  }
0x88: {  	s3 =	sadd.s32 $0x40, s3;
	[tilespmem:s19+$0x0] =	vst v9  }
0x89: {  	s10 =	sshra.s32 s8, $0x2;
	s8 =	sadd.s32 $0x40, s8;
	v5 =	vld [tilespmem:s3+$0xFFFFFFF0];
	[tilespmem:s19+$0x10] =	vst v6;
	s19 =	smov.u32 s3  }
0x8a: {  	v6 =	vld [tilespmem:s10+$0x2800];
	_ =	sdelay $0x1  }
0x8b: {  	v7 =	vld [tilespmem:s3+$0xFFFFFFE0];
	_ =	sdelay $0x1  }
0x8c: {  	v8 =	vld [tilespmem:s3+$0x0]  }
0x8d: {  	v9 =	vld [tilespmem:s3+$0x10];
	v10 =	vperm.xlane v6, v1  }
0x8e: {  	v11 =	vperm.xlane v6, v2  }
0x8f: {  	v12 =	vperm.xlane v6, v3;
	v7 =	vmul.f32 v7, v10  }
0x90: {  	v6 =	vperm.xlane v6, v4;
	v5 =	vmul.f32 v5, v11  }
0x91: {  	v8 =	vmul.f32 v8, v12;
	[tilespmem:s3+$0xFFFFFFE0] =	vst v7  }
0x92: {  	s0 =	sadd.s32 $0x1, s0;
	v6 =	vmul.f32 v9, v6;
	[tilespmem:s3+$0xFFFFFFF0] =	vst v5  }
0x93: {  	p0 =	sne.s32 s0, $0xA;
	[tilespmem:s19+$0x0] =	vst v8  }
.Ltmp4:
0x94: {  	[tilespmem:s19+$0x10] =	vst v6;
	(pc) =	sbr.rel @p0 .LBB2_6-.Ltmp4, $4  }
0x95: {  	[spmem:s2] =	stream.indirect.scatter.add.f32 [tilespmem:s26], [sflag:$0x3], $0x40, s24, s20, $0xb8;
	[tilespmem:$0x1EAC0] =	vst v63  }
0x96: {  	_ =	swait.ge [sflag:s18], $0x8000  }
0x97: {  	[sflag:s18] =	ssyncset.done $0x0  }
0x98: {  	[sflag:s18] =	ssyncadd.s32 $0xFFFF8000  }
0x99: {  	_ =	swait.ge [sflag:s28], $0x8000  }
0x9a: {  	[sflag:s28] =	ssyncset.done $0x0  }
0x9b: {  	[sflag:s28] =	ssyncadd.s32 $0xFFFF8000  }
0x9c: {  	[bflag:$0x0] =	sbarrier.arrive $0xFFFF  }
0x9d: {  	[tilespmem:s17], [sflag:$0x3] =	stream.linear.gather [spmem:s15], $0x640, $0x38;
	[tilespmem:$0x1EAC0] =	vst v63  }
0x9e: {  	_ =	swait.ge [sflag:s18], $0x640  }
0x9f: {  	[sflag:s18] =	ssyncset.done $0x0  }
0xa0: {  	s0 =	sadd.s32 $0x0, s16;
	[sflag:s18] =	ssyncadd.s32 $0xFFFFF9C0  }
0xa1: {  	[hbm4b:s0+s4] =	stream.linear.scatter [tilespmem:s17], [sflag:$0x3], $0x640, $0x38;
	[tilespmem:$0x1EAC0] =	vst v63  }
0xa2: {  	_ =	swait.ge [sflag:s18], $0x640  }
0xa3: {  	s3 =	smov.u32 s15;
	s0 =	simm.s32 $0xC8;
	[sflag:s18] =	ssyncset.done $0x0  }
.LBB2_12:
0xa4: {  	p0 =	sne.s32 s0, $0x12C0;
	[sflag:s18] =	ssyncadd.s32 $0xFFFFF9C0;
	s3 =	sadd.s32 $0x640, s3  }
0xa5: {  	[tilespmem:s17], [sflag:$0x3] =	stream.linear.gather [spmem:s3], $0x640, $0x38;
	[tilespmem:$0x1EAC0] =	vst v63  }
0xa6: {  	s8 =	smov.u32 s0;
	s0 =	sadd.s32 $0xC8, s0;
	_ =	swait.ge [sflag:s18], $0x640  }
.Ltmp5:
0xa7: {  	[sflag:s18] =	ssyncset.done $0x0;
	(pc) =	sbr.rel @p0 .LBB2_12-.Ltmp5, $4  }
0xa8: {  	s8 =	sadd.s32 s8, s16;
	[sflag:s18] =	ssyncadd.s32 $0xFFFFF9C0  }
0xa9: {  	[hbm4b:s8+s4] =	stream.linear.scatter [tilespmem:s17], [sflag:$0x3], $0x640, $0x38;
	[tilespmem:$0x1EAC0] =	vst v63  }
0xaa: {  	_ =	swait.ge [sflag:s18], $0x640  }
0xab: {  	[sflag:s18] =	ssyncset.done $0x0  }
0xac: {  	s30 =	sadd.s32 $0x1, s30  }
0xad: {  	p0 =	sne.s32 s30, s14  }
.Ltmp6:
0xae: {  	_ = 	snop;
	(pc) =	sbr.rel @p0 .LBB2_1-.Ltmp6, $2  }
0xaf: {  	_ =	sdelay $0x2  }
0xb0: {  	[sflag:s18] =	ssyncadd.s32 $0xFFFFF9C0  }
0xb1: {  	_ =	sfence.sel $0x180000  }
0xb2: {  	[bflag:$0x0] =	sbarrier.arrive $0xFFFF  }
0xb3: {  	_ =	strace $0x9000004A  }
0xb4: {  	s0 =	stileid.u32;
	[bflag:$0x2] =	sbarrier.arrive $0xFFFF  }
0xb5: {  	p0 =	sne.s32 s0, $0x0;
	s0 =	rddreg [dreg:$0x3]  }
0xb6: {  	s0 =	sadd.s32 @!p0 $0x100000, s0  }
0xb7: {  	[sflag:s0] =	ssyncadd.tile.s32 @!p0 $0x1;
	_ =	shalt  }
.Lfunc_end2:
_tile_overlayer_lowered:
.L_overlay_start_2:
0xb8: {  	(tag) =	ssettag $0x2  }
0xb9: {  	s0 =	rddreg [dreg:$0x0];
	s2 =	stileid.u32  }
0xba: {  	s1 =	rddreg [dreg:$0x1];
	p0 =	sne.s32 s2, $0x0  }
0xbb: {  	s3 =	rddreg [dreg:$0x2];
	[bflag:$0x3] =	sbarrier.arrive $0xFFFF;
	s2 =	simm.s32 @!p0 $0x1C03  }
0xbc: {  	[timem:s3], [sflag:s2] =	dma.local @!p0 [hbm:s0], s1  }
0xbd: {  	s0 =	simm.s32 @!p0 $0x3  }
0xbe: {  	_ =	swait.ge @!p0 [sflag:s0], s1  }
0xbf: {  	s1 =	ssub.s32 @!p0 $0x0, s1;
	[sflag:s0] =	ssyncset.done @!p0 $0x0  }
0xc0: {  	[sflag:s0] =	ssyncadd.s32 @!p0 s1  }
0xc1: {  	[bflag:$0x3] =	sbarrier.arrive $0xFFFF  }
0xc2: {  	_ =	shalt  }

// kernel: kernel.22.cloned.1.call-start
scs
__scs_entry_jumppad:
0x0: {  	(pc) =	sbr.rel $0x88, $3  }
0x1: {  	(tag) =	ssettag $0x0;
	lr =	simm.s32 $0x1  }
0x2: {  	[smem:$0x3F94] =	sst lr;
	_ =	strace $0xD0000000  }
0x3: {  	_ = 	snop  }
0x4: {  	_ = 	snop  }
0x5: {  	_ = 	snop  }
0x6: {  	_ = 	snop  }
0x7: {  	_ = 	snop  }
__scs_overlays_trampoline_lowered:
0x8: {  	[smem:$0x3FA3] =	sst s0  }
0x9: {  	[smem:$0x3FA4] =	sst s1  }
0xa: {  	[smem:$0x3FA5] =	sst s2  }
0xb: {  	[smem:$0x3FA6] =	sst s3  }
0xc: {  	[smem:$0x3FA7] =	sst s4  }
0xd: {  	[smem:$0x3FA8] =	sst s5  }
0xe: {  	[smem:$0x3FA9] =	sst s6  }
0xf: {  	[smem:$0x3FAA] =	sst s7  }
0x10: {  	[smem:$0x3FAB] =	sst s8  }
0x11: {  	[smem:$0x3FAC] =	sst s9;
	s0 =	simm.s32 @!p0 $0x0  }
0x12: {  	s1 =	sld [smem:$0x3F92];
	s0 =	simm.s32 @p0 $0x1  }
0x13: {  	[smem:$0x3FAD] =	sst s0;
	s0 =	simm.s32 @!p1 $0x0  }
0x14: {  	s2 =	sld [smem:$0x3F91];
	s0 =	simm.s32 @p1 $0x1  }
0x15: {  	[smem:$0x3FAE] =	sst s0;
	s0 =	simm.s32 @!p2 $0x0  }
0x16: {  	s3 =	sld [smem:$0x3FDB];
	s0 =	simm.s32 @p2 $0x1  }
0x17: {  	s4 =	simm.s32 $0x1BF5;
	[smem:$0x3FB0] =	sst s0  }
0x18: {  	s0 =	sld [smem:$0x3F93];
	_ =	swait.ge [sflag:s4], $0x0  }
0x19: {  	s7 =	sld [smem:$0x3F94]  }
0x1a: {  	s8 =	sadd.s32 $0xFFFFE003, lr  }
0x1b: {  	s9 =	sadd.s32 $0xFFFFFEF7, lr;
	s5 =	simm.s32 $0xFFFFFFFF;
	p2 =	slt.u32 s8, $0xFFFFF086  }
0x1c: {  	p1 =	slt.u32 s9, $0xF7A;
	s5 =	simm.s32 @!p2 $0x0  }
0x1d: {  	s5 =	simm.s32 @p1 $0x1;
	p0 =	seq.s32 s7, s2  }
0x1e: {  	s7 =	smul.u32 @!p0 $0xF7A, s2;
	p2 =	seq.s32 @!p0 s5, $0x0  }
0x1f: {  	s9 =	smul.u32 $0xF7A, s1;
	s8 =	simm.s32 @!p0 $0x1BF5;
	p2 =	por !p2, p0  }
0x20: {  	[sflag:s8] =	ssyncset.s32 @!p0 $0xFFFFF086;
	s6 =	sadd.s32 @!p0 s3, s7;
	s7 =	simm.s32 @!p0 $0x108  }
0x21: {  	s3 =	sadd.s32 s3, s9;
	s6 =	sadd.s32 @!p0 $0x88, s6;
	s7 =	simm.s32 @p2 $0x1082  }
0x22: {  	[simem:s7], [sflag:s8] =	dma.local @!p0 [hbm:s6], $0xF7A  }
0x23: {  	s9 =	sor.u32 $0xD0000000, s2;
	s6 =	simm.s32 $0x108;
	_ =	swait.ge @!p0 [sflag:s8], $0x0  }
0x24: {  	s3 =	sadd.s32 $0x88, s3;
	s6 =	simm.s32 @!p1 $0x1082;
	[sflag:s4] =	ssyncset.s32 $0xFFFFF086  }
0x25: {  	[simem:s6], [sflag:s4] =	dma.local [hbm:s3], $0xF7A  }
0x26: {  	[smem:$0x3F94] =	sst s1;
	(tag) =	ssettag s2;
	_ =	strace s9  }
0x27: {  	s1 =	sld [smem:$0x3FA4]  }
0x28: {  	s2 =	sld [smem:$0x3FA5]  }
0x29: {  	s4 =	sld [smem:$0x3FA7]  }
0x2a: {  	p0 =	seq.s32 s5, $0x0;
	s5 =	sld [smem:$0x3FA8]  }
0x2b: {  	s6 =	sld [smem:$0x3FA9]  }
0x2c: {  	s7 =	sld [smem:$0x3FAA]  }
0x2d: {  	s3 =	simm.s32 $0x108;
	s8 =	sld [smem:$0x3FAB]  }
0x2e: {  	s3 =	simm.s32 @!p0 $0x1082;
	s9 =	sld [smem:$0x3FAC]  }
0x2f: {  	lr =	sadd.s32 s0, s3;
	s0 =	sld [smem:$0x3FA3]  }
0x30: {  	s3 =	sld [smem:$0x3FA6]  }
0x31: {  	[smem:$0x3FAF] =	sst s10  }
0x32: {  	s10 =	sld [smem:$0x3FAD];
	_ =	sdelay $0x3  }
0x33: {  	p0 =	seq.s32 s10, $0x1;
	s10 =	sld [smem:$0x3FAF];
	_ =	sdelay $0x3  }
0x34: {  	[smem:$0x3FAF] =	sst s10  }
0x35: {  	s10 =	sld [smem:$0x3FAE];
	_ =	sdelay $0x3  }
0x36: {  	p1 =	seq.s32 s10, $0x1;
	s10 =	sld [smem:$0x3FAF];
	_ =	sdelay $0x3  }
0x37: {  	[smem:$0x3FAF] =	sst s10  }
0x38: {  	s10 =	sld [smem:$0x3FB0]  }
0x39: {  	_ = 	snop;
	(pc) =	sbr.ind lr, $3  }
0x3a: {  	_ = 	snop  }
0x3b: {  	_ = 	snop  }
0x3c: {  	p2 =	seq.s32 s10, $0x1;
	s10 =	sld [smem:$0x3FAF]  }
0x3d: {  	_ =	shalt  }
0x3e: {  	_ =	shalt  }
0x3f: {  	_ =	shalt  }
0x40: {  	_ =	shalt  }
0x41: {  	_ =	shalt  }
0x42: {  	_ =	shalt  }
0x43: {  	_ =	shalt  }
0x44: {  	_ =	shalt  }
0x45: {  	_ =	shalt  }
0x46: {  	_ =	shalt  }
0x47: {  	_ =	shalt  }
0x48: {  	_ =	shalt  }
0x49: {  	_ =	shalt  }
0x4a: {  	_ =	shalt  }
0x4b: {  	_ =	shalt  }
0x4c: {  	_ =	shalt  }
0x4d: {  	_ =	shalt  }
0x4e: {  	_ =	shalt  }
0x4f: {  	_ =	shalt  }
0x50: {  	_ =	shalt  }
0x51: {  	_ =	shalt  }
0x52: {  	_ =	shalt  }
0x53: {  	_ =	shalt  }
0x54: {  	_ =	shalt  }
0x55: {  	_ =	shalt  }
0x56: {  	_ =	shalt  }
0x57: {  	_ =	shalt  }
0x58: {  	_ =	shalt  }
0x59: {  	_ =	shalt  }
0x5a: {  	_ =	shalt  }
0x5b: {  	_ =	shalt  }
0x5c: {  	_ =	shalt  }
0x5d: {  	_ =	shalt  }
0x5e: {  	_ =	shalt  }
0x5f: {  	_ =	shalt  }
0x60: {  	_ =	shalt  }
0x61: {  	_ =	shalt  }
0x62: {  	_ =	shalt  }
0x63: {  	_ =	shalt  }
0x64: {  	_ =	shalt  }
0x65: {  	_ =	shalt  }
0x66: {  	_ =	shalt  }
0x67: {  	_ =	shalt  }
0x68: {  	_ =	shalt  }
0x69: {  	_ =	shalt  }
0x6a: {  	_ =	shalt  }
0x6b: {  	_ =	shalt  }
0x6c: {  	_ =	shalt  }
0x6d: {  	_ =	shalt  }
0x6e: {  	_ =	shalt  }
0x6f: {  	_ =	shalt  }
0x70: {  	_ =	shalt  }
0x71: {  	_ =	shalt  }
0x72: {  	_ =	shalt  }
0x73: {  	_ =	shalt  }
0x74: {  	_ =	shalt  }
0x75: {  	_ =	shalt  }
0x76: {  	_ =	shalt  }
0x77: {  	_ =	shalt  }
0x78: {  	_ =	shalt  }
0x79: {  	_ =	shalt  }
0x7a: {  	_ =	shalt  }
0x7b: {  	_ =	shalt  }
0x7c: {  	_ =	shalt  }
0x7d: {  	_ =	shalt  }
0x7e: {  	_ =	shalt  }
0x7f: {  	_ =	shalt  }
0x80: {  	_ =	shalt  }
0x81: {  	_ =	shalt  }
0x82: {  	_ =	shalt  }
0x83: {  	_ =	shalt  }
0x84: {  	_ =	shalt  }
0x85: {  	_ =	shalt  }
0x86: {  	_ =	shalt  }
0x87: {  	_ =	shalt  }
.Lfunc_end0:
.L_simem_size_0:
called_computation.2_lowered:
.L_overlay_start_0:
0x88: {  	s2 =	sld [smem:$0x3FD9]  }
0x89: {  	s3 =	sld [smem:$0x3FFE];
	_ =	sdelay $0x1  }
0x8a: {  	s1 =	srdreg.scid  }
0x8b: {  	s0 =	sand.u32 $0x1, s1  }
0x8c: {  	s17 =	sshll.u32 s0, $0xA;
	s2 =	sadd.s32 s3, s2  }
0x8d: {  	s2 =	sadd.s32 s2, s17  }
0x8e: {  	[smem:$0x3FBB] =	sst s2  }
0x8f: {  	_ = 	snop  }
0x90: {  	s2 =	sld [smem:$0x3FD0];
	(tm) =	ssettm $0x1  }
0x91: {  	s18 =	sld [smem:$0x3FFB];
	_ =	sdelay $0x3  }
0x92: {  	_ =	strace s18  }
0x93: {  	s3 =	sld [smem:$0x3FFC];
	_ =	sdelay $0x3  }
0x94: {  	_ =	strace s3  }
0x95: {  	s3 =	sld [smem:$0x3FFD];
	_ =	sdelay $0x3  }
0x96: {  	_ =	strace s3  }
0x97: {  	_ =	strace $0x8FFFFFFF  }
0x98: {  	s19 =	sld [smem:$0x3FDB];
	_ =	sdelay $0x1  }
0x99: {  	s4 =	simm.s32 $_scs_section_size  }
0x9a: {  	s5 =	simm.s32 $_size__tile_overlayer_lowered;
	s6 =	simm.s32 $_tile_overlayer_lowered  }
0x9b: {  	s22 =	simm.s32 $0x1BFF;
	s21 =	sshll.u32 s6, $0x1;
	s3 =	sadd.s32 s4, s19  }
0x9c: {  	s7 =	simm.s32 $0x0;
	s20 =	sshll.u32 s5, $0x1;
	s5 =	sadd.s32 s21, s3  }
0x9d: {  	[timem:s7], [sflag:s22] =	dma.local [hbm:s5], s20  }
0x9e: {  	_ =	swait.ge [sflag:s22], s20  }
0x9f: {  	s4 =	ssub.s32 $0x0, s20;
	[sflag:s22] =	ssyncset.done $0x0  }
0xa0: {  	[sflag:s22] =	ssyncadd.s32 s4;
	_ =	sdelay $0x1  }
0xa1: {  	s23 =	simm.s32 $0x1B8B  }
0xa2: {  	_ =	swait.ge [sflag:s23], $0x1  }
0xa3: {  	[sflag:s23] =	ssyncset.done $0x0  }
0xa4: {  	s25 =	simm.s32 $0x1B8E;
	s24 =	sld [smem:$0x3FFE];
	[sflag:s23] =	ssyncadd.s32 $0xFFFFFFFF  }
0xa5: {  	s26 =	simm.s32 $execute0_lowered;
	[smem:$0x3FD2] =	sst s25  }
0xa6: {  	s5 =	sshll.u32 s26, $0x1;
	_ =	strace $0x8000004C;
	[dreg:$0x1] =	wrdreg $0xFFFFFFFF  }
0xa7: {  	s28 =	simm.s32 $_size_execute0_lowered;
	s3 =	sadd.s32 s3, s5;
	[dreg:$0x0] =	wrdreg $0x0  }
0xa8: {  	s5 =	sshll.u32 s28, $0x1;
	[dreg:$0x2] =	wrdreg s3  }
0xa9: {  	[dreg:$0x3] =	wrdreg s5  }
0xaa: {  	[dreg:$0x4] =	wrdreg $0xC0  }
0xab: {  	_ =	task [dreg:s7], $0x5FFFF  }
0xac: {  	[dreg:$0x1] =	wrdreg $0xFFFFFFFF  }
0xad: {  	[dreg:$0x0] =	wrdreg $0x60  }
0xae: {  	[dreg:$0x2] =	wrdreg s24  }
0xaf: {  	[dreg:$0x3] =	wrdreg s2  }
0xb0: {  	[dreg:$0x4] =	wrdreg $0x14E800  }
0xb1: {  	[dreg:$0x5] =	wrdreg $0x9  }
0xb2: {  	_ =	task.clear_ibuf [dreg:s7], $0x6FFFF;
	_ =	strace $0x9000004C  }
0xb3: {  	s29 =	simm.s32 $0x9;
	_ =	strace $0x8000004E  }
0xb4: {  	_ =	swait.ge [sflag:s29], $0x1  }
0xb5: {  	[sflag:s29] =	ssyncadd.s32 $0xFFFFFFFF  }
0xb6: {  	_ =	strace $0x9000004E  }
0xb7: {  	_ =	sfence  }
0xb8: {  	s30 =	sld [smem:$0x0];
	_ =	sdelay $0x2  }
0xb9: {  	s31 =	sshll.u32 s1, $0xD;
	s1 =	sshrl.u32 s1, $0x2  }
0xba: {  	s3 =	sand.u32 $0x4000, s31;
	s1 =	sadd.s32 s1, s30  }
0xbb: {  	s0 =	sor.u32 s3, s0;
	s1 =	sshll.u32 s1, $0x11  }
0xbc: {  	s0 =	sor.u32 s1, s0  }
0xbd: {  	s0 =	sadd.s32 $0x8F2B, s0  }
0xbe: {  	[sflag:s0] =	ssyncadd.remote.s32 $0x1  }
0xbf: {  	_ =	sfence.sel $0xFFFF  }
0xc0: {  	[dreg:$0x0] =	wrdreg $0xFFFFFFFF;
	(pc) =	sbr.abs _section_cstart, $3  }
0xc1: {  	[dreg:$0x1] =	wrdreg $0xFFFFFFFF  }
0xc2: {  	_ =	task.clear_ibuf [dreg:s7], $0x2FFFF;
	_ =	strace $0x9FFFFFFF  }
0xc3: {  	(tm) =	ssettm $0x7FFFFFFF  }
tec
execute0_lowered:
.L_overlay_start_1:
0x0: {  	(tag) =	ssettag $0x1  }
0x1: {  	s0 =	rddreg [dreg:$0x0]  }
0x2: {  	s1 =	rddreg [dreg:$0x1]  }
0x3: {  	s2 =	rddreg [dreg:$0x2];
	s4 =	simm.s32 $0x0;
	s3 =	srdreg.scid  }
0x4: {  	s11 =	stileid.u32;
	s17 =	simm.s32 $0x14800;
	s18 =	simm.s32 $0x3  }
0x5: {  	s20 =	simm.s32 $0x200;
	s21 =	simm.s32 $0x800;
	s22 =	simm.s32 $0x4800  }
0x6: {  	s28 =	simm.s32 $0x1;
	s29 =	simm.s32 $0x2;
	s30 =	simm.s32 $0x0  }
0x7: {  	s31 =	simm.s32 $0x0;
	[smem:$0x7FF] =	sst s4;
	s3 =	sand.u32 $0x1, s3  }
0x8: {  	s5 =	sadd.s32 $0xDA00, s0;
	s9 =	smul.u32 $0x9C40, s11;
	s6 =	sadd.s32 $0x3A00, s0  }
0x9: {  	s7 =	sadd.s32 $0x21C00, s0;
	s10 =	sshll.u32 s11, $0x1;
	s15 =	smul.u32 $0x27100, s11  }
0xa: {  	s12 =	sadd.s32 $0x21A00, s0;
	s8 =	smul.u32 $0x9C400, s3;
	_ =	strace $0x8000004D  }
0xb: {  	[dreg:$0x4] =	wrdreg s12;
	s10 =	sor.u32 s3, s10;
	s3 =	ssub.s32 $0x2, s3  }
0xc: {  	s23 =	sshrl.u32 s3, $0x1;
	s8 =	sadd.s32 s9, s8;
	s9 =	smul.u32 $0x2800, s10  }
0xd: {  	s26 =	sshrl.u32 s15, $0x2;
	s10 =	smul.u32 $0x5000, s10;
	s3 =	ssub.s32 s3, s23  }
0xe: {  	s15 =	sadd.s32 s26, s2;
	s23 =	simm.s32 $0x400;
	s8 =	sshrl.u32 s8, $0x3  }
0xf: {  	s26 =	simm.s32 $0xC800;
	s14 =	smax.u32 s3, $0x1;
	s0 =	sadd.s32 s8, s0  }
0x10: {  	s24 =	sshrl.u32 s9, $0x3;
	s12 =	sadd.s32 s1, s10;
	s13 =	sor.u32 $0x200, s9  }
0x11: {  	s25 =	sadd.s32 s5, s24;
	s11 =	sadd.s32 s6, s24;
	s16 =	sadd.s32 $0x35600, s0  }
0x12: {  	v0 =	vimm.f32 $0.0e+00;
	s24 =	simm.s32 $0x600;
	[dreg:$0x5] =	wrdreg s25;
	s25 =	simm.s32 $0x2800  }
.LBB2_1:
0x13: {  	s0 =	simm.s32 $0x0  }
.LBB2_2:
0x14: {  	p0 =	sne.s32 s0, $0x1800  }
.Ltmp0:
0x15: {  	s3 =	sshra.s32 s0, $0x2;
	(pc) =	sbr.rel @p0 .LBB2_2-.Ltmp0, $4  }
0x16: {  	[tilespmem:s3+$0x14800] =	vst v0  }
0x17: {  	[tilespmem:s3+$0x14810] =	vst v0  }
0x18: {  	[tilespmem:s3+$0x14820] =	vst v0  }
0x19: {  	s0 =	sadd.s32 $0x100, s0;
	[tilespmem:s3+$0x14830] =	vst v0  }
0x1a: {  	s0 =	sadd.s32 $0x0, s15  }
0x1b: {  	[spmem:s0] =	stream.linear.scatter [tilespmem:s17], [sflag:$0x3], $0x640, $0x38;
	[tilespmem:$0x1EAC0] =	vst v63  }
0x1c: {  	s0 =	simm.s32 $0x1900;
	_ =	swait.ge [sflag:s18], $0x640  }
.LBB2_4:
0x1d: {  	s3 =	sshra.s32 s0, $0x2;
	[sflag:s18] =	ssyncset.done $0x0;
	p0 =	sne.s32 s0, $0x25800  }
.Ltmp1:
0x1e: {  	s3 =	sadd.s32 s3, s15;
	[sflag:s18] =	ssyncadd.s32 $0xFFFFF9C0;
	(pc) =	sbr.rel @p0 .LBB2_4-.Ltmp1, $3  }
0x1f: {  	[spmem:s3] =	stream.linear.scatter [tilespmem:s17], [sflag:$0x3], $0x640, $0x38;
	[tilespmem:$0x1EAC0] =	vst v63  }
0x20: {  	s0 =	sadd.s32 $0x1900, s0;
	_ =	sdelay $0x1  }
0x21: {  	_ =	swait.ge [sflag:s18], $0x640  }
0x22: {  	[sflag:s18] =	ssyncset.done $0x0  }
0x23: {  	[sflag:s18] =	ssyncadd.s32 $0xFFFFF9C0  }
0x24: {  	[bflag:$0x0] =	sbarrier.arrive $0xFFFF  }
0x25: {  	s3 =	simm.s32 $0x14E40;
	s0 =	rddreg [dreg:$0x4]  }
0x26: {  	[tilespmem:s3], [sflag:$0x3] =	stream.linear.gather [hbm4b:s0+s31], $0x40, $0x38;
	[tilespmem:$0x1EAC0] =	vst v63  }
0x27: {  	_ =	swait.ge [sflag:s18], $0x40  }
0x28: {  	[sflag:s18] =	ssyncset.done $0x0  }
0x29: {  	[sflag:s18] =	ssyncadd.s32 $0xFFFFFFC0  }
0x2a: {  	v1 =	vld [tilespmem:$0x14E40]  }
0x2b: {  	v2 =	vld [tilespmem:$0x14E50]  }
0x2c: {  	s19 =	rddreg [dreg:$0x5];
	v3 =	vld [tilespmem:$0x14E60]  }
0x2d: {  	v4 =	vld [tilespmem:$0x14E70];
	[tilespmem:s31], [sflag:$0x3] =	stream.linear.gather [hbm4b:s19+s31], $0x200, $0x38  }
0x2e: {  	_ =	swait.ge [sflag:s18], $0x200  }
0x2f: {  	[sflag:s18] =	ssyncset.done $0x0  }
0x30: {  	[sflag:s18] =	ssyncadd.s32 $0xFFFFFE00  }
0x31: {  	[tilespmem:s20], [sflag:$0x3] =	stream.linear.gather [hbm4b:s11+s31], $0x200, $0x38;
	[tilespmem:$0x1EAC0] =	vst v63  }
0x32: {  	_ =	swait.ge [sflag:s18], $0x200  }
0x33: {  	[sflag:s18] =	ssyncset.done $0x0  }
0x34: {  	[sflag:s18] =	ssyncadd.s32 $0xFFFFFE00  }
0x35: {  	[tilespmem:s21], [sflag:$0x3] =	stream.linear.gather [hbm4b:s12+s31], $0x2000, $0x38;
	[tilespmem:$0x1EAC0] =	vst v63  }
0x36: {  	_ =	swait.ge [sflag:s18], $0x2000  }
0x37: {  	[sflag:s18] =	ssyncset.done $0x0  }
0x38: {  	s0 =	simm.s32 $0x0;
	v1 =	vand.u32 $0xF, v1;
	[sflag:s18] =	ssyncadd.s32 $0xFFFFE000  }
0x39: {  	v2 =	vand.u32 $0xF, v2;
	v3 =	vand.u32 $0xF, v3;
	v4 =	vand.u32 $0xF, v4;
	[tilespmem:s22], [sflag:$0x1] =	stream.indirect.gather [hbm4b:s7+s20], $0x40, s31, s20, $0xb8;
	[tilespmem:$0x1EAC0] =	vst v63  }
.LBB2_6:
0x3a: {  	s3 =	sshll.u32 s0, $0xA  }
0x3b: {  	s3 =	sadd.s32 s3, s13  }
0x3c: {  	s8 =	sshrl.u32 s3, $0x3  }
0x3d: {  	s10 =	sadd.s32 s5, s8  }
0x3e: {  	[tilespmem:s23], [sflag:$0x3] =	stream.linear.gather [hbm4b:s10+s31], $0x200, $0x38;
	[tilespmem:$0x1EAC0] =	vst v63  }
0x3f: {  	_ =	swait.ge [sflag:s18], $0x200  }
0x40: {  	[sflag:s18] =	ssyncset.done $0x0  }
0x41: {  	s8 =	sadd.s32 s6, s8;
	[sflag:s18] =	ssyncadd.s32 $0xFFFFFE00  }
0x42: {  	[tilespmem:s24], [sflag:$0x3] =	stream.linear.gather [hbm4b:s8+s31], $0x200, $0x38;
	[tilespmem:$0x1EAC0] =	vst v63  }
0x43: {  	s3 =	sshll.u32 s3, $0x1;
	_ =	swait.ge [sflag:s18], $0x200  }
0x44: {  	s3 =	sand.u32 $0x1FFFFC00, s3;
	[sflag:s18] =	ssyncset.done $0x0  }
0x45: {  	s3 =	sadd.s32 s1, s3;
	[sflag:s18] =	ssyncadd.s32 $0xFFFFFE00  }
0x46: {  	[tilespmem:s25], [sflag:$0x3] =	stream.linear.gather [hbm4b:s3+s31], $0x2000, $0x38;
	[tilespmem:$0x1EAC0] =	vst v63  }
0x47: {  	_ =	swait.ge [sflag:s18], $0x2000  }
0x48: {  	[sflag:s18] =	ssyncset.done $0x0  }
0x49: {  	[sflag:s18] =	ssyncadd.s32 $0xFFFFE000  }
0x4a: {  	[tilespmem:s26], [sflag:$0x2] =	stream.indirect.gather [hbm4b:s7+s20], $0x40, s23, s20, $0xb8;
	[tilespmem:$0x1EAC0] =	vst v63  }
0x4b: {  	_ =	swait.ge [sflag:s28], $0x8000  }
0x4c: {  	[sflag:s28] =	ssyncset.done $0x0  }
0x4d: {  	s3 =	simm.s32 $0x4820;
	[sflag:s28] =	ssyncadd.s32 $0xFFFF8000  }
0x4e: {  	s19 =	simm.s32 $0x4820;
	s10 =	simm.s32 $0x0;
	s8 =	simm.s32 $0x40;
	v5 =	vld [tilespmem:s3+$0xFFFFFFF0]  }
.LBB2_7:
0x4f: {  	p0 =	sne.s32 s8, $0x7FC0;
	v6 =	vld [tilespmem:s10+$0x800]  }
0x50: {  	v7 =	vld [tilespmem:s3+$0x10]  }
0x51: {  	v8 =	vld [tilespmem:s3+$0xFFFFFFE0]  }
0x52: {  	v9 =	vld [tilespmem:s3+$0x0];
	_ =	sdelay $0x1  }
0x53: {  	v10 =	vperm.xlane v6, v1;
	v11 =	vperm.xlane v6, v2  }
0x54: {  	v12 =	vperm.xlane v6, v3;
	v6 =	vperm.xlane v6, v4  }
0x55: {  	v8 =	vmul.f32 v8, v10;
	v5 =	vmul.f32 v5, v11  }
.Ltmp2:
0x56: {  	v6 =	vmul.f32 v7, v6;
	v9 =	vmul.f32 v9, v12;
	(pc) =	sbr.rel @p0 .LBB2_7-.Ltmp2, $4  }
0x57: {  	[tilespmem:s3+$0xFFFFFFE0] =	vst v8  }
0x58: {  	[tilespmem:s3+$0xFFFFFFF0] =	vst v5  }
0x59: {  	s3 =	sadd.s32 $0x40, s3;
	[tilespmem:s19+$0x0] =	vst v9  }
0x5a: {  	s10 =	sshra.s32 s8, $0x2;
	s8 =	sadd.s32 $0x40, s8;
	v5 =	vld [tilespmem:s3+$0xFFFFFFF0];
	[tilespmem:s19+$0x10] =	vst v6;
	s19 =	smov.u32 s3  }
0x5b: {  	v6 =	vld [tilespmem:s10+$0x800];
	_ =	sdelay $0x1  }
0x5c: {  	v7 =	vld [tilespmem:s3+$0xFFFFFFE0];
	_ =	sdelay $0x1  }
0x5d: {  	v8 =	vld [tilespmem:s3+$0x0]  }
0x5e: {  	v9 =	vld [tilespmem:s3+$0x10];
	v10 =	vperm.xlane v6, v1  }
0x5f: {  	v11 =	vperm.xlane v6, v2  }
0x60: {  	v12 =	vperm.xlane v6, v3;
	v7 =	vmul.f32 v7, v10  }
0x61: {  	v6 =	vperm.xlane v6, v4;
	v5 =	vmul.f32 v5, v11  }
0x62: {  	v8 =	vmul.f32 v8, v12;
	[tilespmem:s3+$0xFFFFFFE0] =	vst v7  }
0x63: {  	v6 =	vmul.f32 v9, v6;
	[tilespmem:s3+$0xFFFFFFF0] =	vst v5  }
0x64: {  	[tilespmem:s19+$0x0] =	vst v8  }
0x65: {  	[tilespmem:s19+$0x10] =	vst v6;
	s19 =	sshll.u32 s0, $0x1  }
0x66: {  	[spmem:s2] =	stream.indirect.scatter.add.f32 [tilespmem:s22], [sflag:$0x3], $0x40, s20, s20, $0xb8;
	[tilespmem:$0x1EAC0] =	vst v63  }
0x67: {  	s3 =	sadd.s32 $0x2, s19  }
0x68: {  	p0 =	seq.s32 s3, $0x14;
	s3 =	sshll.u32 s3, $0x9  }
0x69: {  	s3 =	simm.s32 @p0 $0x0  }
0x6a: {  	_ =	swait.ge [sflag:s18], $0x8000;
	s3 =	sadd.s32 s9, s3  }
0x6b: {  	[sflag:s18] =	ssyncset.done $0x0;
	s8 =	sshrl.u32 s3, $0x3  }
0x6c: {  	s19 =	simm.s32 $0x0;
	[sflag:s18] =	ssyncadd.s32 $0xFFFF8000;
	s10 =	sadd.s32 s5, s8  }
0x6d: {  	[tilespmem:s19], [sflag:$0x3] =	stream.linear.gather [hbm4b:s10+s19], $0x200, $0x38;
	[tilespmem:$0x1EAC0] =	vst v63  }
0x6e: {  	_ =	swait.ge [sflag:s18], $0x200  }
0x6f: {  	[sflag:s18] =	ssyncset.done $0x0  }
0x70: {  	s8 =	sadd.s32 s6, s8;
	[sflag:s18] =	ssyncadd.s32 $0xFFFFFE00  }
0x71: {  	[tilespmem:s20], [sflag:$0x3] =	stream.linear.gather [hbm4b:s8+s19], $0x200, $0x38;
	[tilespmem:$0x1EAC0] =	vst v63  }
0x72: {  	s3 =	sshll.u32 s3, $0x1;
	_ =	swait.ge [sflag:s18], $0x200  }
0x73: {  	s3 =	sand.u32 $0x1FFFFC00, s3;
	[sflag:s18] =	ssyncset.done $0x0  }
0x74: {  	s3 =	sadd.s32 s1, s3;
	[sflag:s18] =	ssyncadd.s32 $0xFFFFFE00  }
0x75: {  	[tilespmem:s21], [sflag:$0x3] =	stream.linear.gather [hbm4b:s3+s19], $0x2000, $0x38;
	[tilespmem:$0x1EAC0] =	vst v63  }
0x76: {  	_ =	swait.ge [sflag:s18], $0x2000  }
0x77: {  	[sflag:s18] =	ssyncset.done $0x0  }
0x78: {  	[sflag:s18] =	ssyncadd.s32 $0xFFFFE000  }
0x79: {  	[tilespmem:s22], [sflag:$0x1] =	stream.indirect.gather [hbm4b:s7+s20], $0x40, s19, s20, $0xb8;
	[tilespmem:$0x1EAC0] =	vst v63  }
0x7a: {  	_ =	swait.ge [sflag:s29], $0x8000  }
0x7b: {  	[sflag:s29] =	ssyncset.done $0x0  }
0x7c: {  	s3 =	simm.s32 $0xC820;
	[sflag:s29] =	ssyncadd.s32 $0xFFFF8000  }
0x7d: {  	s10 =	simm.s32 $0x0;
	s8 =	simm.s32 $0x40;
	s19 =	simm.s32 $0xC820;
	v5 =	vld [tilespmem:s3+$0xFFFFFFF0]  }
.LBB2_9:
0x7e: {  	p0 =	sne.s32 s8, $0x7FC0;
	v6 =	vld [tilespmem:s10+$0x2800]  }
0x7f: {  	v7 =	vld [tilespmem:s3+$0x10]  }
0x80: {  	v8 =	vld [tilespmem:s3+$0xFFFFFFE0]  }
0x81: {  	v9 =	vld [tilespmem:s3+$0x0];
	_ =	sdelay $0x1  }
0x82: {  	v10 =	vperm.xlane v6, v1;
	v11 =	vperm.xlane v6, v2  }
0x83: {  	v12 =	vperm.xlane v6, v3;
	v6 =	vperm.xlane v6, v4  }
0x84: {  	v8 =	vmul.f32 v8, v10;
	v5 =	vmul.f32 v5, v11  }
.Ltmp3:
0x85: {  	v6 =	vmul.f32 v7, v6;
	v9 =	vmul.f32 v9, v12;
	(pc) =	sbr.rel @p0 .LBB2_9-.Ltmp3, $4  }
0x86: {  	[tilespmem:s3+$0xFFFFFFE0] =	vst v8  }
0x87: {  	[tilespmem:s3+$0xFFFFFFF0] =	vst v5  }
0x88: {  	s3 =	sadd.s32 $0x40, s3;
	[tilespmem:s19+$0x0] =	vst v9  }
0x89: {  	s10 =	sshra.s32 s8, $0x2;
	s8 =	sadd.s32 $0x40, s8;
	v5 =	vld [tilespmem:s3+$0xFFFFFFF0];
	[tilespmem:s19+$0x10] =	vst v6;
	s19 =	smov.u32 s3  }
0x8a: {  	v6 =	vld [tilespmem:s10+$0x2800];
	_ =	sdelay $0x1  }
0x8b: {  	v7 =	vld [tilespmem:s3+$0xFFFFFFE0];
	_ =	sdelay $0x1  }
0x8c: {  	v8 =	vld [tilespmem:s3+$0x0]  }
0x8d: {  	v9 =	vld [tilespmem:s3+$0x10];
	v10 =	vperm.xlane v6, v1  }
0x8e: {  	v11 =	vperm.xlane v6, v2  }
0x8f: {  	v12 =	vperm.xlane v6, v3;
	v7 =	vmul.f32 v7, v10  }
0x90: {  	v6 =	vperm.xlane v6, v4;
	v5 =	vmul.f32 v5, v11  }
0x91: {  	v8 =	vmul.f32 v8, v12;
	[tilespmem:s3+$0xFFFFFFE0] =	vst v7  }
0x92: {  	s0 =	sadd.s32 $0x1, s0;
	v6 =	vmul.f32 v9, v6;
	[tilespmem:s3+$0xFFFFFFF0] =	vst v5  }
0x93: {  	p0 =	sne.s32 s0, $0xA;
	[tilespmem:s19+$0x0] =	vst v8  }
.Ltmp4:
0x94: {  	[tilespmem:s19+$0x10] =	vst v6;
	(pc) =	sbr.rel @p0 .LBB2_6-.Ltmp4, $4  }
0x95: {  	[spmem:s2] =	stream.indirect.scatter.add.f32 [tilespmem:s26], [sflag:$0x3], $0x40, s24, s20, $0xb8;
	[tilespmem:$0x1EAC0] =	vst v63  }
0x96: {  	_ =	swait.ge [sflag:s18], $0x8000  }
0x97: {  	[sflag:s18] =	ssyncset.done $0x0  }
0x98: {  	[sflag:s18] =	ssyncadd.s32 $0xFFFF8000  }
0x99: {  	_ =	swait.ge [sflag:s28], $0x8000  }
0x9a: {  	[sflag:s28] =	ssyncset.done $0x0  }
0x9b: {  	[sflag:s28] =	ssyncadd.s32 $0xFFFF8000  }
0x9c: {  	[bflag:$0x0] =	sbarrier.arrive $0xFFFF  }
0x9d: {  	[tilespmem:s17], [sflag:$0x3] =	stream.linear.gather [spmem:s15], $0x640, $0x38;
	[tilespmem:$0x1EAC0] =	vst v63  }
0x9e: {  	_ =	swait.ge [sflag:s18], $0x640  }
0x9f: {  	[sflag:s18] =	ssyncset.done $0x0  }
0xa0: {  	s0 =	sadd.s32 $0x0, s16;
	[sflag:s18] =	ssyncadd.s32 $0xFFFFF9C0  }
0xa1: {  	[hbm4b:s0+s4] =	stream.linear.scatter [tilespmem:s17], [sflag:$0x3], $0x640, $0x38;
	[tilespmem:$0x1EAC0] =	vst v63  }
0xa2: {  	_ =	swait.ge [sflag:s18], $0x640  }
0xa3: {  	s3 =	smov.u32 s15;
	s0 =	simm.s32 $0xC8;
	[sflag:s18] =	ssyncset.done $0x0  }
.LBB2_12:
0xa4: {  	p0 =	sne.s32 s0, $0x12C0;
	[sflag:s18] =	ssyncadd.s32 $0xFFFFF9C0;
	s3 =	sadd.s32 $0x640, s3  }
0xa5: {  	[tilespmem:s17], [sflag:$0x3] =	stream.linear.gather [spmem:s3], $0x640, $0x38;
	[tilespmem:$0x1EAC0] =	vst v63  }
0xa6: {  	s8 =	smov.u32 s0;
	s0 =	sadd.s32 $0xC8, s0;
	_ =	swait.ge [sflag:s18], $0x640  }
.Ltmp5:
0xa7: {  	[sflag:s18] =	ssyncset.done $0x0;
	(pc) =	sbr.rel @p0 .LBB2_12-.Ltmp5, $4  }
0xa8: {  	s8 =	sadd.s32 s8, s16;
	[sflag:s18] =	ssyncadd.s32 $0xFFFFF9C0  }
0xa9: {  	[hbm4b:s8+s4] =	stream.linear.scatter [tilespmem:s17], [sflag:$0x3], $0x640, $0x38;
	[tilespmem:$0x1EAC0] =	vst v63  }
0xaa: {  	_ =	swait.ge [sflag:s18], $0x640  }
0xab: {  	[sflag:s18] =	ssyncset.done $0x0  }
0xac: {  	s30 =	sadd.s32 $0x1, s30  }
0xad: {  	p0 =	sne.s32 s30, s14  }
.Ltmp6:
0xae: {  	_ = 	snop;
	(pc) =	sbr.rel @p0 .LBB2_1-.Ltmp6, $2  }
0xaf: {  	_ =	sdelay $0x2  }
0xb0: {  	[sflag:s18] =	ssyncadd.s32 $0xFFFFF9C0  }
0xb1: {  	_ =	sfence.sel $0x180000  }
0xb2: {  	[bflag:$0x0] =	sbarrier.arrive $0xFFFF  }
0xb3: {  	_ =	strace $0x9000004D  }
0xb4: {  	s0 =	stileid.u32;
	[bflag:$0x2] =	sbarrier.arrive $0xFFFF  }
0xb5: {  	p0 =	sne.s32 s0, $0x0;
	s0 =	rddreg [dreg:$0x3]  }
0xb6: {  	s0 =	sadd.s32 @!p0 $0x100000, s0  }
0xb7: {  	[sflag:s0] =	ssyncadd.tile.s32 @!p0 $0x1;
	_ =	shalt  }
.Lfunc_end2:
_tile_overlayer_lowered:
.L_overlay_start_2:
0xb8: {  	(tag) =	ssettag $0x2  }
0xb9: {  	s0 =	rddreg [dreg:$0x0];
	s2 =	stileid.u32  }
0xba: {  	s1 =	rddreg [dreg:$0x1];
	p0 =	sne.s32 s2, $0x0  }
0xbb: {  	s3 =	rddreg [dreg:$0x2];
	[bflag:$0x3] =	sbarrier.arrive $0xFFFF;
	s2 =	simm.s32 @!p0 $0x1C03  }
0xbc: {  	[timem:s3], [sflag:s2] =	dma.local @!p0 [hbm:s0], s1  }
0xbd: {  	s0 =	simm.s32 @!p0 $0x3  }
0xbe: {  	_ =	swait.ge @!p0 [sflag:s0], s1  }
0xbf: {  	s1 =	ssub.s32 @!p0 $0x0, s1;
	[sflag:s0] =	ssyncset.done @!p0 $0x0  }
0xc0: {  	[sflag:s0] =	ssyncadd.s32 @!p0 s1  }
0xc1: {  	[bflag:$0x3] =	sbarrier.arrive $0xFFFF  }
0xc2: {  	_ =	shalt  }

// kernel: kernel.25.cloned.1.call-start
scs
__scs_entry_jumppad:
0x0: {  	(pc) =	sbr.rel $0x88, $3  }
0x1: {  	(tag) =	ssettag $0x0;
	lr =	simm.s32 $0x1  }
0x2: {  	[smem:$0x3F94] =	sst lr;
	_ =	strace $0xD0000000  }
0x3: {  	_ = 	snop  }
0x4: {  	_ = 	snop  }
0x5: {  	_ = 	snop  }
0x6: {  	_ = 	snop  }
0x7: {  	_ = 	snop  }
__scs_overlays_trampoline_lowered:
0x8: {  	[smem:$0x3FA3] =	sst s0  }
0x9: {  	[smem:$0x3FA4] =	sst s1  }
0xa: {  	[smem:$0x3FA5] =	sst s2  }
0xb: {  	[smem:$0x3FA6] =	sst s3  }
0xc: {  	[smem:$0x3FA7] =	sst s4  }
0xd: {  	[smem:$0x3FA8] =	sst s5  }
0xe: {  	[smem:$0x3FA9] =	sst s6  }
0xf: {  	[smem:$0x3FAA] =	sst s7  }
0x10: {  	[smem:$0x3FAB] =	sst s8  }
0x11: {  	[smem:$0x3FAC] =	sst s9;
	s0 =	simm.s32 @!p0 $0x0  }
0x12: {  	s1 =	sld [smem:$0x3F92];
	s0 =	simm.s32 @p0 $0x1  }
0x13: {  	[smem:$0x3FAD] =	sst s0;
	s0 =	simm.s32 @!p1 $0x0  }
0x14: {  	s2 =	sld [smem:$0x3F91];
	s0 =	simm.s32 @p1 $0x1  }
0x15: {  	[smem:$0x3FAE] =	sst s0;
	s0 =	simm.s32 @!p2 $0x0  }
0x16: {  	s3 =	sld [smem:$0x3FDB];
	s0 =	simm.s32 @p2 $0x1  }
0x17: {  	s4 =	simm.s32 $0x1BF5;
	[smem:$0x3FB0] =	sst s0  }
0x18: {  	s0 =	sld [smem:$0x3F93];
	_ =	swait.ge [sflag:s4], $0x0  }
0x19: {  	s7 =	sld [smem:$0x3F94]  }
0x1a: {  	s8 =	sadd.s32 $0xFFFFE003, lr  }
0x1b: {  	s9 =	sadd.s32 $0xFFFFFEF7, lr;
	s5 =	simm.s32 $0xFFFFFFFF;
	p2 =	slt.u32 s8, $0xFFFFF086  }
0x1c: {  	p1 =	slt.u32 s9, $0xF7A;
	s5 =	simm.s32 @!p2 $0x0  }
0x1d: {  	s5 =	simm.s32 @p1 $0x1;
	p0 =	seq.s32 s7, s2  }
0x1e: {  	s7 =	smul.u32 @!p0 $0xF7A, s2;
	p2 =	seq.s32 @!p0 s5, $0x0  }
0x1f: {  	s9 =	smul.u32 $0xF7A, s1;
	s8 =	simm.s32 @!p0 $0x1BF5;
	p2 =	por !p2, p0  }
0x20: {  	[sflag:s8] =	ssyncset.s32 @!p0 $0xFFFFF086;
	s6 =	sadd.s32 @!p0 s3, s7;
	s7 =	simm.s32 @!p0 $0x108  }
0x21: {  	s3 =	sadd.s32 s3, s9;
	s6 =	sadd.s32 @!p0 $0x88, s6;
	s7 =	simm.s32 @p2 $0x1082  }
0x22: {  	[simem:s7], [sflag:s8] =	dma.local @!p0 [hbm:s6], $0xF7A  }
0x23: {  	s9 =	sor.u32 $0xD0000000, s2;
	s6 =	simm.s32 $0x108;
	_ =	swait.ge @!p0 [sflag:s8], $0x0  }
0x24: {  	s3 =	sadd.s32 $0x88, s3;
	s6 =	simm.s32 @!p1 $0x1082;
	[sflag:s4] =	ssyncset.s32 $0xFFFFF086  }
0x25: {  	[simem:s6], [sflag:s4] =	dma.local [hbm:s3], $0xF7A  }
0x26: {  	[smem:$0x3F94] =	sst s1;
	(tag) =	ssettag s2;
	_ =	strace s9  }
0x27: {  	s1 =	sld [smem:$0x3FA4]  }
0x28: {  	s2 =	sld [smem:$0x3FA5]  }
0x29: {  	s4 =	sld [smem:$0x3FA7]  }
0x2a: {  	p0 =	seq.s32 s5, $0x0;
	s5 =	sld [smem:$0x3FA8]  }
0x2b: {  	s6 =	sld [smem:$0x3FA9]  }
0x2c: {  	s7 =	sld [smem:$0x3FAA]  }
0x2d: {  	s3 =	simm.s32 $0x108;
	s8 =	sld [smem:$0x3FAB]  }
0x2e: {  	s3 =	simm.s32 @!p0 $0x1082;
	s9 =	sld [smem:$0x3FAC]  }
0x2f: {  	lr =	sadd.s32 s0, s3;
	s0 =	sld [smem:$0x3FA3]  }
0x30: {  	s3 =	sld [smem:$0x3FA6]  }
0x31: {  	[smem:$0x3FAF] =	sst s10  }
0x32: {  	s10 =	sld [smem:$0x3FAD];
	_ =	sdelay $0x3  }
0x33: {  	p0 =	seq.s32 s10, $0x1;
	s10 =	sld [smem:$0x3FAF];
	_ =	sdelay $0x3  }
0x34: {  	[smem:$0x3FAF] =	sst s10  }
0x35: {  	s10 =	sld [smem:$0x3FAE];
	_ =	sdelay $0x3  }
0x36: {  	p1 =	seq.s32 s10, $0x1;
	s10 =	sld [smem:$0x3FAF];
	_ =	sdelay $0x3  }
0x37: {  	[smem:$0x3FAF] =	sst s10  }
0x38: {  	s10 =	sld [smem:$0x3FB0]  }
0x39: {  	_ = 	snop;
	(pc) =	sbr.ind lr, $3  }
0x3a: {  	_ = 	snop  }
0x3b: {  	_ = 	snop  }
0x3c: {  	p2 =	seq.s32 s10, $0x1;
	s10 =	sld [smem:$0x3FAF]  }
0x3d: {  	_ =	shalt  }
0x3e: {  	_ =	shalt  }
0x3f: {  	_ =	shalt  }
0x40: {  	_ =	shalt  }
0x41: {  	_ =	shalt  }
0x42: {  	_ =	shalt  }
0x43: {  	_ =	shalt  }
0x44: {  	_ =	shalt  }
0x45: {  	_ =	shalt  }
0x46: {  	_ =	shalt  }
0x47: {  	_ =	shalt  }
0x48: {  	_ =	shalt  }
0x49: {  	_ =	shalt  }
0x4a: {  	_ =	shalt  }
0x4b: {  	_ =	shalt  }
0x4c: {  	_ =	shalt  }
0x4d: {  	_ =	shalt  }
0x4e: {  	_ =	shalt  }
0x4f: {  	_ =	shalt  }
0x50: {  	_ =	shalt  }
0x51: {  	_ =	shalt  }
0x52: {  	_ =	shalt  }
0x53: {  	_ =	shalt  }
0x54: {  	_ =	shalt  }
0x55: {  	_ =	shalt  }
0x56: {  	_ =	shalt  }
0x57: {  	_ =	shalt  }
0x58: {  	_ =	shalt  }
0x59: {  	_ =	shalt  }
0x5a: {  	_ =	shalt  }
0x5b: {  	_ =	shalt  }
0x5c: {  	_ =	shalt  }
0x5d: {  	_ =	shalt  }
0x5e: {  	_ =	shalt  }
0x5f: {  	_ =	shalt  }
0x60: {  	_ =	shalt  }
0x61: {  	_ =	shalt  }
0x62: {  	_ =	shalt  }
0x63: {  	_ =	shalt  }
0x64: {  	_ =	shalt  }
0x65: {  	_ =	shalt  }
0x66: {  	_ =	shalt  }
0x67: {  	_ =	shalt  }
0x68: {  	_ =	shalt  }
0x69: {  	_ =	shalt  }
0x6a: {  	_ =	shalt  }
0x6b: {  	_ =	shalt  }
0x6c: {  	_ =	shalt  }
0x6d: {  	_ =	shalt  }
0x6e: {  	_ =	shalt  }
0x6f: {  	_ =	shalt  }
0x70: {  	_ =	shalt  }
0x71: {  	_ =	shalt  }
0x72: {  	_ =	shalt  }
0x73: {  	_ =	shalt  }
0x74: {  	_ =	shalt  }
0x75: {  	_ =	shalt  }
0x76: {  	_ =	shalt  }
0x77: {  	_ =	shalt  }
0x78: {  	_ =	shalt  }
0x79: {  	_ =	shalt  }
0x7a: {  	_ =	shalt  }
0x7b: {  	_ =	shalt  }
0x7c: {  	_ =	shalt  }
0x7d: {  	_ =	shalt  }
0x7e: {  	_ =	shalt  }
0x7f: {  	_ =	shalt  }
0x80: {  	_ =	shalt  }
0x81: {  	_ =	shalt  }
0x82: {  	_ =	shalt  }
0x83: {  	_ =	shalt  }
0x84: {  	_ =	shalt  }
0x85: {  	_ =	shalt  }
0x86: {  	_ =	shalt  }
0x87: {  	_ =	shalt  }
.Lfunc_end0:
.L_simem_size_0:
called_computation.3_lowered:
.L_overlay_start_0:
0x88: {  	s2 =	sld [smem:$0x3FD9]  }
0x89: {  	s3 =	sld [smem:$0x3FFE];
	_ =	sdelay $0x1  }
0x8a: {  	s1 =	srdreg.scid  }
0x8b: {  	s0 =	sand.u32 $0x1, s1  }
0x8c: {  	s17 =	sshll.u32 s0, $0xA;
	s2 =	sadd.s32 s3, s2  }
0x8d: {  	s2 =	sadd.s32 s2, s17  }
0x8e: {  	[smem:$0x3FBB] =	sst s2  }
0x8f: {  	_ = 	snop  }
0x90: {  	s2 =	sld [smem:$0x3FD0];
	(tm) =	ssettm $0x1  }
0x91: {  	s18 =	sld [smem:$0x3FFB];
	_ =	sdelay $0x3  }
0x92: {  	_ =	strace s18  }
0x93: {  	s3 =	sld [smem:$0x3FFC];
	_ =	sdelay $0x3  }
0x94: {  	_ =	strace s3  }
0x95: {  	s3 =	sld [smem:$0x3FFD];
	_ =	sdelay $0x3  }
0x96: {  	_ =	strace s3  }
0x97: {  	_ =	strace $0x8FFFFFFF  }
0x98: {  	s19 =	sld [smem:$0x3FDB];
	_ =	sdelay $0x1  }
0x99: {  	s4 =	simm.s32 $_scs_section_size  }
0x9a: {  	s5 =	simm.s32 $_size__tile_overlayer_lowered;
	s6 =	simm.s32 $_tile_overlayer_lowered  }
0x9b: {  	s22 =	simm.s32 $0x1BFF;
	s21 =	sshll.u32 s6, $0x1;
	s3 =	sadd.s32 s4, s19  }
0x9c: {  	s7 =	simm.s32 $0x0;
	s20 =	sshll.u32 s5, $0x1;
	s5 =	sadd.s32 s21, s3  }
0x9d: {  	[timem:s7], [sflag:s22] =	dma.local [hbm:s5], s20  }
0x9e: {  	_ =	swait.ge [sflag:s22], s20  }
0x9f: {  	s4 =	ssub.s32 $0x0, s20;
	[sflag:s22] =	ssyncset.done $0x0  }
0xa0: {  	[sflag:s22] =	ssyncadd.s32 s4;
	_ =	sdelay $0x1  }
0xa1: {  	s23 =	simm.s32 $0x1B8B  }
0xa2: {  	_ =	swait.ge [sflag:s23], $0x1  }
0xa3: {  	[sflag:s23] =	ssyncset.done $0x0  }
0xa4: {  	s25 =	simm.s32 $0x1B8E;
	s24 =	sld [smem:$0x3FFE];
	[sflag:s23] =	ssyncadd.s32 $0xFFFFFFFF  }
0xa5: {  	s26 =	simm.s32 $execute0_lowered;
	[smem:$0x3FD2] =	sst s25  }
0xa6: {  	s5 =	sshll.u32 s26, $0x1;
	_ =	strace $0x8000004F;
	[dreg:$0x1] =	wrdreg $0xFFFFFFFF  }
0xa7: {  	s28 =	simm.s32 $_size_execute0_lowered;
	s3 =	sadd.s32 s3, s5;
	[dreg:$0x0] =	wrdreg $0x0  }
0xa8: {  	s5 =	sshll.u32 s28, $0x1;
	[dreg:$0x2] =	wrdreg s3  }
0xa9: {  	[dreg:$0x3] =	wrdreg s5  }
0xaa: {  	[dreg:$0x4] =	wrdreg $0xC0  }
0xab: {  	_ =	task [dreg:s7], $0x5FFFF  }
0xac: {  	[dreg:$0x1] =	wrdreg $0xFFFFFFFF  }
0xad: {  	[dreg:$0x0] =	wrdreg $0x60  }
0xae: {  	[dreg:$0x2] =	wrdreg s24  }
0xaf: {  	[dreg:$0x3] =	wrdreg s2  }
0xb0: {  	[dreg:$0x4] =	wrdreg $0x14E800  }
0xb1: {  	[dreg:$0x5] =	wrdreg $0x9  }
0xb2: {  	_ =	task.clear_ibuf [dreg:s7], $0x6FFFF;
	_ =	strace $0x9000004F  }
0xb3: {  	s29 =	simm.s32 $0x9;
	_ =	strace $0x80000051  }
0xb4: {  	_ =	swait.ge [sflag:s29], $0x1  }
0xb5: {  	[sflag:s29] =	ssyncadd.s32 $0xFFFFFFFF  }
0xb6: {  	_ =	strace $0x90000051  }
0xb7: {  	_ =	sfence  }
0xb8: {  	s30 =	sld [smem:$0x0];
	_ =	sdelay $0x2  }
0xb9: {  	s31 =	sshll.u32 s1, $0xD;
	s1 =	sshrl.u32 s1, $0x2  }
0xba: {  	s3 =	sand.u32 $0x4000, s31;
	s1 =	sadd.s32 s1, s30  }
0xbb: {  	s0 =	sor.u32 s3, s0;
	s1 =	sshll.u32 s1, $0x11  }
0xbc: {  	s0 =	sor.u32 s1, s0  }
0xbd: {  	s0 =	sadd.s32 $0x8F2B, s0  }
0xbe: {  	[sflag:s0] =	ssyncadd.remote.s32 $0x1  }
0xbf: {  	_ =	sfence.sel $0xFFFF  }
0xc0: {  	[dreg:$0x0] =	wrdreg $0xFFFFFFFF;
	(pc) =	sbr.abs _section_cstart, $3  }
0xc1: {  	[dreg:$0x1] =	wrdreg $0xFFFFFFFF  }
0xc2: {  	_ =	task.clear_ibuf [dreg:s7], $0x2FFFF;
	_ =	strace $0x9FFFFFFF  }
0xc3: {  	(tm) =	ssettm $0x7FFFFFFF  }
tec
execute0_lowered:
.L_overlay_start_1:
0x0: {  	(tag) =	ssettag $0x1  }
0x1: {  	s0 =	rddreg [dreg:$0x0]  }
0x2: {  	s1 =	rddreg [dreg:$0x1]  }
0x3: {  	s2 =	rddreg [dreg:$0x2];
	s4 =	simm.s32 $0x0;
	s3 =	srdreg.scid  }
0x4: {  	s11 =	stileid.u32;
	s17 =	simm.s32 $0x14800;
	s18 =	simm.s32 $0x3  }
0x5: {  	s20 =	simm.s32 $0x200;
	s21 =	simm.s32 $0x800;
	s22 =	simm.s32 $0x4800  }
0x6: {  	s28 =	simm.s32 $0x1;
	s29 =	simm.s32 $0x2;
	s30 =	simm.s32 $0x0  }
0x7: {  	s31 =	simm.s32 $0x0;
	[smem:$0x7FF] =	sst s4;
	s3 =	sand.u32 $0x1, s3  }
0x8: {  	s5 =	sadd.s32 $0x3A00, s0;
	s9 =	smul.u32 $0x9C40, s11;
	s6 =	sadd.s32 $0xDA00, s0  }
0x9: {  	s7 =	sadd.s32 $0x21C00, s0;
	s10 =	sshll.u32 s11, $0x1;
	s15 =	smul.u32 $0x27100, s11  }
0xa: {  	s12 =	sadd.s32 $0x21A00, s0;
	s8 =	smul.u32 $0x9C400, s3;
	_ =	strace $0x80000050  }
0xb: {  	[dreg:$0x4] =	wrdreg s12;
	s10 =	sor.u32 s3, s10;
	s3 =	ssub.s32 $0x2, s3  }
0xc: {  	s23 =	sshrl.u32 s3, $0x1;
	s8 =	sadd.s32 s9, s8;
	s9 =	smul.u32 $0x2800, s10  }
0xd: {  	s26 =	sshrl.u32 s15, $0x2;
	s10 =	smul.u32 $0x5000, s10;
	s3 =	ssub.s32 s3, s23  }
0xe: {  	s15 =	sadd.s32 s26, s2;
	s23 =	simm.s32 $0x400;
	s8 =	sshrl.u32 s8, $0x3  }
0xf: {  	s26 =	simm.s32 $0xC800;
	s14 =	smax.u32 s3, $0x1;
	s0 =	sadd.s32 s8, s0  }
0x10: {  	s24 =	sshrl.u32 s9, $0x3;
	s12 =	sadd.s32 s1, s10;
	s13 =	sor.u32 $0x200, s9  }
0x11: {  	s25 =	sadd.s32 s5, s24;
	s11 =	sadd.s32 s6, s24;
	s16 =	sadd.s32 $0x35600, s0  }
0x12: {  	v0 =	vimm.f32 $0.0e+00;
	s24 =	simm.s32 $0x600;
	[dreg:$0x5] =	wrdreg s25;
	s25 =	simm.s32 $0x2800  }
.LBB2_1:
0x13: {  	s0 =	simm.s32 $0x0  }
.LBB2_2:
0x14: {  	p0 =	sne.s32 s0, $0x1800  }
.Ltmp0:
0x15: {  	s3 =	sshra.s32 s0, $0x2;
	(pc) =	sbr.rel @p0 .LBB2_2-.Ltmp0, $4  }
0x16: {  	[tilespmem:s3+$0x14800] =	vst v0  }
0x17: {  	[tilespmem:s3+$0x14810] =	vst v0  }
0x18: {  	[tilespmem:s3+$0x14820] =	vst v0  }
0x19: {  	s0 =	sadd.s32 $0x100, s0;
	[tilespmem:s3+$0x14830] =	vst v0  }
0x1a: {  	s0 =	sadd.s32 $0x0, s15  }
0x1b: {  	[spmem:s0] =	stream.linear.scatter [tilespmem:s17], [sflag:$0x3], $0x640, $0x38;
	[tilespmem:$0x1EAC0] =	vst v63  }
0x1c: {  	s0 =	simm.s32 $0x1900;
	_ =	swait.ge [sflag:s18], $0x640  }
.LBB2_4:
0x1d: {  	s3 =	sshra.s32 s0, $0x2;
	[sflag:s18] =	ssyncset.done $0x0;
	p0 =	sne.s32 s0, $0x25800  }
.Ltmp1:
0x1e: {  	s3 =	sadd.s32 s3, s15;
	[sflag:s18] =	ssyncadd.s32 $0xFFFFF9C0;
	(pc) =	sbr.rel @p0 .LBB2_4-.Ltmp1, $3  }
0x1f: {  	[spmem:s3] =	stream.linear.scatter [tilespmem:s17], [sflag:$0x3], $0x640, $0x38;
	[tilespmem:$0x1EAC0] =	vst v63  }
0x20: {  	s0 =	sadd.s32 $0x1900, s0;
	_ =	sdelay $0x1  }
0x21: {  	_ =	swait.ge [sflag:s18], $0x640  }
0x22: {  	[sflag:s18] =	ssyncset.done $0x0  }
0x23: {  	[sflag:s18] =	ssyncadd.s32 $0xFFFFF9C0  }
0x24: {  	[bflag:$0x0] =	sbarrier.arrive $0xFFFF  }
0x25: {  	s3 =	simm.s32 $0x14E40;
	s0 =	rddreg [dreg:$0x4]  }
0x26: {  	[tilespmem:s3], [sflag:$0x3] =	stream.linear.gather [hbm4b:s0+s31], $0x40, $0x38;
	[tilespmem:$0x1EAC0] =	vst v63  }
0x27: {  	_ =	swait.ge [sflag:s18], $0x40  }
0x28: {  	[sflag:s18] =	ssyncset.done $0x0  }
0x29: {  	[sflag:s18] =	ssyncadd.s32 $0xFFFFFFC0  }
0x2a: {  	v1 =	vld [tilespmem:$0x14E40]  }
0x2b: {  	v2 =	vld [tilespmem:$0x14E50]  }
0x2c: {  	s19 =	rddreg [dreg:$0x5];
	v3 =	vld [tilespmem:$0x14E60]  }
0x2d: {  	v4 =	vld [tilespmem:$0x14E70];
	[tilespmem:s31], [sflag:$0x3] =	stream.linear.gather [hbm4b:s19+s31], $0x200, $0x38  }
0x2e: {  	_ =	swait.ge [sflag:s18], $0x200  }
0x2f: {  	[sflag:s18] =	ssyncset.done $0x0  }
0x30: {  	[sflag:s18] =	ssyncadd.s32 $0xFFFFFE00  }
0x31: {  	[tilespmem:s20], [sflag:$0x3] =	stream.linear.gather [hbm4b:s11+s31], $0x200, $0x38;
	[tilespmem:$0x1EAC0] =	vst v63  }
0x32: {  	_ =	swait.ge [sflag:s18], $0x200  }
0x33: {  	[sflag:s18] =	ssyncset.done $0x0  }
0x34: {  	[sflag:s18] =	ssyncadd.s32 $0xFFFFFE00  }
0x35: {  	[tilespmem:s21], [sflag:$0x3] =	stream.linear.gather [hbm4b:s12+s31], $0x2000, $0x38;
	[tilespmem:$0x1EAC0] =	vst v63  }
0x36: {  	_ =	swait.ge [sflag:s18], $0x2000  }
0x37: {  	[sflag:s18] =	ssyncset.done $0x0  }
0x38: {  	s0 =	simm.s32 $0x0;
	v1 =	vand.u32 $0xF, v1;
	[sflag:s18] =	ssyncadd.s32 $0xFFFFE000  }
0x39: {  	v2 =	vand.u32 $0xF, v2;
	v3 =	vand.u32 $0xF, v3;
	v4 =	vand.u32 $0xF, v4;
	[tilespmem:s22], [sflag:$0x1] =	stream.indirect.gather [hbm4b:s7+s20], $0x40, s31, s20, $0xb8;
	[tilespmem:$0x1EAC0] =	vst v63  }
.LBB2_6:
0x3a: {  	s3 =	sshll.u32 s0, $0xA  }
0x3b: {  	s3 =	sadd.s32 s3, s13  }
0x3c: {  	s8 =	sshrl.u32 s3, $0x3  }
0x3d: {  	s10 =	sadd.s32 s5, s8  }
0x3e: {  	[tilespmem:s23], [sflag:$0x3] =	stream.linear.gather [hbm4b:s10+s31], $0x200, $0x38;
	[tilespmem:$0x1EAC0] =	vst v63  }
0x3f: {  	_ =	swait.ge [sflag:s18], $0x200  }
0x40: {  	[sflag:s18] =	ssyncset.done $0x0  }
0x41: {  	s8 =	sadd.s32 s6, s8;
	[sflag:s18] =	ssyncadd.s32 $0xFFFFFE00  }
0x42: {  	[tilespmem:s24], [sflag:$0x3] =	stream.linear.gather [hbm4b:s8+s31], $0x200, $0x38;
	[tilespmem:$0x1EAC0] =	vst v63  }
0x43: {  	s3 =	sshll.u32 s3, $0x1;
	_ =	swait.ge [sflag:s18], $0x200  }
0x44: {  	s3 =	sand.u32 $0x1FFFFC00, s3;
	[sflag:s18] =	ssyncset.done $0x0  }
0x45: {  	s3 =	sadd.s32 s1, s3;
	[sflag:s18] =	ssyncadd.s32 $0xFFFFFE00  }
0x46: {  	[tilespmem:s25], [sflag:$0x3] =	stream.linear.gather [hbm4b:s3+s31], $0x2000, $0x38;
	[tilespmem:$0x1EAC0] =	vst v63  }
0x47: {  	_ =	swait.ge [sflag:s18], $0x2000  }
0x48: {  	[sflag:s18] =	ssyncset.done $0x0  }
0x49: {  	[sflag:s18] =	ssyncadd.s32 $0xFFFFE000  }
0x4a: {  	[tilespmem:s26], [sflag:$0x2] =	stream.indirect.gather [hbm4b:s7+s20], $0x40, s23, s20, $0xb8;
	[tilespmem:$0x1EAC0] =	vst v63  }
0x4b: {  	_ =	swait.ge [sflag:s28], $0x8000  }
0x4c: {  	[sflag:s28] =	ssyncset.done $0x0  }
0x4d: {  	s3 =	simm.s32 $0x4820;
	[sflag:s28] =	ssyncadd.s32 $0xFFFF8000  }
0x4e: {  	s19 =	simm.s32 $0x4820;
	s10 =	simm.s32 $0x0;
	s8 =	simm.s32 $0x40;
	v5 =	vld [tilespmem:s3+$0xFFFFFFF0]  }
.LBB2_7:
0x4f: {  	p0 =	sne.s32 s8, $0x7FC0;
	v6 =	vld [tilespmem:s10+$0x800]  }
0x50: {  	v7 =	vld [tilespmem:s3+$0x10]  }
0x51: {  	v8 =	vld [tilespmem:s3+$0xFFFFFFE0]  }
0x52: {  	v9 =	vld [tilespmem:s3+$0x0];
	_ =	sdelay $0x1  }
0x53: {  	v10 =	vperm.xlane v6, v1;
	v11 =	vperm.xlane v6, v2  }
0x54: {  	v12 =	vperm.xlane v6, v3;
	v6 =	vperm.xlane v6, v4  }
0x55: {  	v8 =	vmul.f32 v8, v10;
	v5 =	vmul.f32 v5, v11  }
.Ltmp2:
0x56: {  	v6 =	vmul.f32 v7, v6;
	v9 =	vmul.f32 v9, v12;
	(pc) =	sbr.rel @p0 .LBB2_7-.Ltmp2, $4  }
0x57: {  	[tilespmem:s3+$0xFFFFFFE0] =	vst v8  }
0x58: {  	[tilespmem:s3+$0xFFFFFFF0] =	vst v5  }
0x59: {  	s3 =	sadd.s32 $0x40, s3;
	[tilespmem:s19+$0x0] =	vst v9  }
0x5a: {  	s10 =	sshra.s32 s8, $0x2;
	s8 =	sadd.s32 $0x40, s8;
	v5 =	vld [tilespmem:s3+$0xFFFFFFF0];
	[tilespmem:s19+$0x10] =	vst v6;
	s19 =	smov.u32 s3  }
0x5b: {  	v6 =	vld [tilespmem:s10+$0x800];
	_ =	sdelay $0x1  }
0x5c: {  	v7 =	vld [tilespmem:s3+$0xFFFFFFE0];
	_ =	sdelay $0x1  }
0x5d: {  	v8 =	vld [tilespmem:s3+$0x0]  }
0x5e: {  	v9 =	vld [tilespmem:s3+$0x10];
	v10 =	vperm.xlane v6, v1  }
0x5f: {  	v11 =	vperm.xlane v6, v2  }
0x60: {  	v12 =	vperm.xlane v6, v3;
	v7 =	vmul.f32 v7, v10  }
0x61: {  	v6 =	vperm.xlane v6, v4;
	v5 =	vmul.f32 v5, v11  }
0x62: {  	v8 =	vmul.f32 v8, v12;
	[tilespmem:s3+$0xFFFFFFE0] =	vst v7  }
0x63: {  	v6 =	vmul.f32 v9, v6;
	[tilespmem:s3+$0xFFFFFFF0] =	vst v5  }
0x64: {  	[tilespmem:s19+$0x0] =	vst v8  }
0x65: {  	[tilespmem:s19+$0x10] =	vst v6;
	s19 =	sshll.u32 s0, $0x1  }
0x66: {  	[spmem:s2] =	stream.indirect.scatter.add.f32 [tilespmem:s22], [sflag:$0x3], $0x40, s20, s20, $0xb8;
	[tilespmem:$0x1EAC0] =	vst v63  }
0x67: {  	s3 =	sadd.s32 $0x2, s19  }
0x68: {  	p0 =	seq.s32 s3, $0x14;
	s3 =	sshll.u32 s3, $0x9  }
0x69: {  	s3 =	simm.s32 @p0 $0x0  }
0x6a: {  	_ =	swait.ge [sflag:s18], $0x8000;
	s3 =	sadd.s32 s9, s3  }
0x6b: {  	[sflag:s18] =	ssyncset.done $0x0;
	s8 =	sshrl.u32 s3, $0x3  }
0x6c: {  	s19 =	simm.s32 $0x0;
	[sflag:s18] =	ssyncadd.s32 $0xFFFF8000;
	s10 =	sadd.s32 s5, s8  }
0x6d: {  	[tilespmem:s19], [sflag:$0x3] =	stream.linear.gather [hbm4b:s10+s19], $0x200, $0x38;
	[tilespmem:$0x1EAC0] =	vst v63  }
0x6e: {  	_ =	swait.ge [sflag:s18], $0x200  }
0x6f: {  	[sflag:s18] =	ssyncset.done $0x0  }
0x70: {  	s8 =	sadd.s32 s6, s8;
	[sflag:s18] =	ssyncadd.s32 $0xFFFFFE00  }
0x71: {  	[tilespmem:s20], [sflag:$0x3] =	stream.linear.gather [hbm4b:s8+s19], $0x200, $0x38;
	[tilespmem:$0x1EAC0] =	vst v63  }
0x72: {  	s3 =	sshll.u32 s3, $0x1;
	_ =	swait.ge [sflag:s18], $0x200  }
0x73: {  	s3 =	sand.u32 $0x1FFFFC00, s3;
	[sflag:s18] =	ssyncset.done $0x0  }
0x74: {  	s3 =	sadd.s32 s1, s3;
	[sflag:s18] =	ssyncadd.s32 $0xFFFFFE00  }
0x75: {  	[tilespmem:s21], [sflag:$0x3] =	stream.linear.gather [hbm4b:s3+s19], $0x2000, $0x38;
	[tilespmem:$0x1EAC0] =	vst v63  }
0x76: {  	_ =	swait.ge [sflag:s18], $0x2000  }
0x77: {  	[sflag:s18] =	ssyncset.done $0x0  }
0x78: {  	[sflag:s18] =	ssyncadd.s32 $0xFFFFE000  }
0x79: {  	[tilespmem:s22], [sflag:$0x1] =	stream.indirect.gather [hbm4b:s7+s20], $0x40, s19, s20, $0xb8;
	[tilespmem:$0x1EAC0] =	vst v63  }
0x7a: {  	_ =	swait.ge [sflag:s29], $0x8000  }
0x7b: {  	[sflag:s29] =	ssyncset.done $0x0  }
0x7c: {  	s3 =	simm.s32 $0xC820;
	[sflag:s29] =	ssyncadd.s32 $0xFFFF8000  }
0x7d: {  	s10 =	simm.s32 $0x0;
	s8 =	simm.s32 $0x40;
	s19 =	simm.s32 $0xC820;
	v5 =	vld [tilespmem:s3+$0xFFFFFFF0]  }
.LBB2_9:
0x7e: {  	p0 =	sne.s32 s8, $0x7FC0;
	v6 =	vld [tilespmem:s10+$0x2800]  }
0x7f: {  	v7 =	vld [tilespmem:s3+$0x10]  }
0x80: {  	v8 =	vld [tilespmem:s3+$0xFFFFFFE0]  }
0x81: {  	v9 =	vld [tilespmem:s3+$0x0];
	_ =	sdelay $0x1  }
0x82: {  	v10 =	vperm.xlane v6, v1;
	v11 =	vperm.xlane v6, v2  }
0x83: {  	v12 =	vperm.xlane v6, v3;
	v6 =	vperm.xlane v6, v4  }
0x84: {  	v8 =	vmul.f32 v8, v10;
	v5 =	vmul.f32 v5, v11  }
.Ltmp3:
0x85: {  	v6 =	vmul.f32 v7, v6;
	v9 =	vmul.f32 v9, v12;
	(pc) =	sbr.rel @p0 .LBB2_9-.Ltmp3, $4  }
0x86: {  	[tilespmem:s3+$0xFFFFFFE0] =	vst v8  }
0x87: {  	[tilespmem:s3+$0xFFFFFFF0] =	vst v5  }
0x88: {  	s3 =	sadd.s32 $0x40, s3;
	[tilespmem:s19+$0x0] =	vst v9  }
0x89: {  	s10 =	sshra.s32 s8, $0x2;
	s8 =	sadd.s32 $0x40, s8;
	v5 =	vld [tilespmem:s3+$0xFFFFFFF0];
	[tilespmem:s19+$0x10] =	vst v6;
	s19 =	smov.u32 s3  }
0x8a: {  	v6 =	vld [tilespmem:s10+$0x2800];
	_ =	sdelay $0x1  }
0x8b: {  	v7 =	vld [tilespmem:s3+$0xFFFFFFE0];
	_ =	sdelay $0x1  }
0x8c: {  	v8 =	vld [tilespmem:s3+$0x0]  }
0x8d: {  	v9 =	vld [tilespmem:s3+$0x10];
	v10 =	vperm.xlane v6, v1  }
0x8e: {  	v11 =	vperm.xlane v6, v2  }
0x8f: {  	v12 =	vperm.xlane v6, v3;
	v7 =	vmul.f32 v7, v10  }
0x90: {  	v6 =	vperm.xlane v6, v4;
	v5 =	vmul.f32 v5, v11  }
0x91: {  	v8 =	vmul.f32 v8, v12;
	[tilespmem:s3+$0xFFFFFFE0] =	vst v7  }
0x92: {  	s0 =	sadd.s32 $0x1, s0;
	v6 =	vmul.f32 v9, v6;
	[tilespmem:s3+$0xFFFFFFF0] =	vst v5  }
0x93: {  	p0 =	sne.s32 s0, $0xA;
	[tilespmem:s19+$0x0] =	vst v8  }
.Ltmp4:
0x94: {  	[tilespmem:s19+$0x10] =	vst v6;
	(pc) =	sbr.rel @p0 .LBB2_6-.Ltmp4, $4  }
0x95: {  	[spmem:s2] =	stream.indirect.scatter.add.f32 [tilespmem:s26], [sflag:$0x3], $0x40, s24, s20, $0xb8;
	[tilespmem:$0x1EAC0] =	vst v63  }
0x96: {  	_ =	swait.ge [sflag:s18], $0x8000  }
0x97: {  	[sflag:s18] =	ssyncset.done $0x0  }
0x98: {  	[sflag:s18] =	ssyncadd.s32 $0xFFFF8000  }
0x99: {  	_ =	swait.ge [sflag:s28], $0x8000  }
0x9a: {  	[sflag:s28] =	ssyncset.done $0x0  }
0x9b: {  	[sflag:s28] =	ssyncadd.s32 $0xFFFF8000  }
0x9c: {  	[bflag:$0x0] =	sbarrier.arrive $0xFFFF  }
0x9d: {  	[tilespmem:s17], [sflag:$0x3] =	stream.linear.gather [spmem:s15], $0x640, $0x38;
	[tilespmem:$0x1EAC0] =	vst v63  }
0x9e: {  	_ =	swait.ge [sflag:s18], $0x640  }
0x9f: {  	[sflag:s18] =	ssyncset.done $0x0  }
0xa0: {  	s0 =	sadd.s32 $0x0, s16;
	[sflag:s18] =	ssyncadd.s32 $0xFFFFF9C0  }
0xa1: {  	[hbm4b:s0+s4] =	stream.linear.scatter [tilespmem:s17], [sflag:$0x3], $0x640, $0x38;
	[tilespmem:$0x1EAC0] =	vst v63  }
0xa2: {  	_ =	swait.ge [sflag:s18], $0x640  }
0xa3: {  	s3 =	smov.u32 s15;
	s0 =	simm.s32 $0xC8;
	[sflag:s18] =	ssyncset.done $0x0  }
.LBB2_12:
0xa4: {  	p0 =	sne.s32 s0, $0x12C0;
	[sflag:s18] =	ssyncadd.s32 $0xFFFFF9C0;
	s3 =	sadd.s32 $0x640, s3  }
0xa5: {  	[tilespmem:s17], [sflag:$0x3] =	stream.linear.gather [spmem:s3], $0x640, $0x38;
	[tilespmem:$0x1EAC0] =	vst v63  }
0xa6: {  	s8 =	smov.u32 s0;
	s0 =	sadd.s32 $0xC8, s0;
	_ =	swait.ge [sflag:s18], $0x640  }
.Ltmp5:
0xa7: {  	[sflag:s18] =	ssyncset.done $0x0;
	(pc) =	sbr.rel @p0 .LBB2_12-.Ltmp5, $4  }
0xa8: {  	s8 =	sadd.s32 s8, s16;
	[sflag:s18] =	ssyncadd.s32 $0xFFFFF9C0  }
0xa9: {  	[hbm4b:s8+s4] =	stream.linear.scatter [tilespmem:s17], [sflag:$0x3], $0x640, $0x38;
	[tilespmem:$0x1EAC0] =	vst v63  }
0xaa: {  	_ =	swait.ge [sflag:s18], $0x640  }
0xab: {  	[sflag:s18] =	ssyncset.done $0x0  }
0xac: {  	s30 =	sadd.s32 $0x1, s30  }
0xad: {  	p0 =	sne.s32 s30, s14  }
.Ltmp6:
0xae: {  	_ = 	snop;
	(pc) =	sbr.rel @p0 .LBB2_1-.Ltmp6, $2  }
0xaf: {  	_ =	sdelay $0x2  }
0xb0: {  	[sflag:s18] =	ssyncadd.s32 $0xFFFFF9C0  }
0xb1: {  	_ =	sfence.sel $0x180000  }
0xb2: {  	[bflag:$0x0] =	sbarrier.arrive $0xFFFF  }
0xb3: {  	_ =	strace $0x90000050  }
0xb4: {  	s0 =	stileid.u32;
	[bflag:$0x2] =	sbarrier.arrive $0xFFFF  }
0xb5: {  	p0 =	sne.s32 s0, $0x0;
	s0 =	rddreg [dreg:$0x3]  }
0xb6: {  	s0 =	sadd.s32 @!p0 $0x100000, s0  }
0xb7: {  	[sflag:s0] =	ssyncadd.tile.s32 @!p0 $0x1;
	_ =	shalt  }
.Lfunc_end2:
_tile_overlayer_lowered:
.L_overlay_start_2:
0xb8: {  	(tag) =	ssettag $0x2  }
0xb9: {  	s0 =	rddreg [dreg:$0x0];
	s2 =	stileid.u32  }
0xba: {  	s1 =	rddreg [dreg:$0x1];
	p0 =	sne.s32 s2, $0x0  }
0xbb: {  	s3 =	rddreg [dreg:$0x2];
	[bflag:$0x3] =	sbarrier.arrive $0xFFFF;
	s2 =	simm.s32 @!p0 $0x1C03  }
0xbc: {  	[timem:s3], [sflag:s2] =	dma.local @!p0 [hbm:s0], s1  }
0xbd: {  	s0 =	simm.s32 @!p0 $0x3  }
0xbe: {  	_ =	swait.ge @!p0 [sflag:s0], s1  }
0xbf: {  	s1 =	ssub.s32 @!p0 $0x0, s1;
	[sflag:s0] =	ssyncset.done @!p0 $0x0  }
0xc0: {  	[sflag:s0] =	ssyncadd.s32 @!p0 s1  }
0xc1: {  	[bflag:$0x3] =	sbarrier.arrive $0xFFFF  }
0xc2: {  	_ =	shalt  }

// kernel: kernel.28.cloned.1.call-start
scs
__scs_entry_jumppad:
0x0: {  	(pc) =	sbr.rel $0x88, $3  }
0x1: {  	(tag) =	ssettag $0x0;
	lr =	simm.s32 $0x1  }
0x2: {  	[smem:$0x3F94] =	sst lr;
	_ =	strace $0xD0000000  }
0x3: {  	_ = 	snop  }
0x4: {  	_ = 	snop  }
0x5: {  	_ = 	snop  }
0x6: {  	_ = 	snop  }
0x7: {  	_ = 	snop  }
__scs_overlays_trampoline_lowered:
0x8: {  	[smem:$0x3FA3] =	sst s0  }
0x9: {  	[smem:$0x3FA4] =	sst s1  }
0xa: {  	[smem:$0x3FA5] =	sst s2  }
0xb: {  	[smem:$0x3FA6] =	sst s3  }
0xc: {  	[smem:$0x3FA7] =	sst s4  }
0xd: {  	[smem:$0x3FA8] =	sst s5  }
0xe: {  	[smem:$0x3FA9] =	sst s6  }
0xf: {  	[smem:$0x3FAA] =	sst s7  }
0x10: {  	[smem:$0x3FAB] =	sst s8  }
0x11: {  	[smem:$0x3FAC] =	sst s9;
	s0 =	simm.s32 @!p0 $0x0  }
0x12: {  	s1 =	sld [smem:$0x3F92];
	s0 =	simm.s32 @p0 $0x1  }
0x13: {  	[smem:$0x3FAD] =	sst s0;
	s0 =	simm.s32 @!p1 $0x0  }
0x14: {  	s2 =	sld [smem:$0x3F91];
	s0 =	simm.s32 @p1 $0x1  }
0x15: {  	[smem:$0x3FAE] =	sst s0;
	s0 =	simm.s32 @!p2 $0x0  }
0x16: {  	s3 =	sld [smem:$0x3FDB];
	s0 =	simm.s32 @p2 $0x1  }
0x17: {  	s4 =	simm.s32 $0x1BF5;
	[smem:$0x3FB0] =	sst s0  }
0x18: {  	s0 =	sld [smem:$0x3F93];
	_ =	swait.ge [sflag:s4], $0x0  }
0x19: {  	s7 =	sld [smem:$0x3F94]  }
0x1a: {  	s8 =	sadd.s32 $0xFFFFE003, lr  }
0x1b: {  	s9 =	sadd.s32 $0xFFFFFEF7, lr;
	s5 =	simm.s32 $0xFFFFFFFF;
	p2 =	slt.u32 s8, $0xFFFFF086  }
0x1c: {  	p1 =	slt.u32 s9, $0xF7A;
	s5 =	simm.s32 @!p2 $0x0  }
0x1d: {  	s5 =	simm.s32 @p1 $0x1;
	p0 =	seq.s32 s7, s2  }
0x1e: {  	s7 =	smul.u32 @!p0 $0xF7A, s2;
	p2 =	seq.s32 @!p0 s5, $0x0  }
0x1f: {  	s9 =	smul.u32 $0xF7A, s1;
	s8 =	simm.s32 @!p0 $0x1BF5;
	p2 =	por !p2, p0  }
0x20: {  	[sflag:s8] =	ssyncset.s32 @!p0 $0xFFFFF086;
	s6 =	sadd.s32 @!p0 s3, s7;
	s7 =	simm.s32 @!p0 $0x108  }
0x21: {  	s3 =	sadd.s32 s3, s9;
	s6 =	sadd.s32 @!p0 $0x88, s6;
	s7 =	simm.s32 @p2 $0x1082  }
0x22: {  	[simem:s7], [sflag:s8] =	dma.local @!p0 [hbm:s6], $0xF7A  }
0x23: {  	s9 =	sor.u32 $0xD0000000, s2;
	s6 =	simm.s32 $0x108;
	_ =	swait.ge @!p0 [sflag:s8], $0x0  }
0x24: {  	s3 =	sadd.s32 $0x88, s3;
	s6 =	simm.s32 @!p1 $0x1082;
	[sflag:s4] =	ssyncset.s32 $0xFFFFF086  }
0x25: {  	[simem:s6], [sflag:s4] =	dma.local [hbm:s3], $0xF7A  }
0x26: {  	[smem:$0x3F94] =	sst s1;
	(tag) =	ssettag s2;
	_ =	strace s9  }
0x27: {  	s1 =	sld [smem:$0x3FA4]  }
0x28: {  	s2 =	sld [smem:$0x3FA5]  }
0x29: {  	s4 =	sld [smem:$0x3FA7]  }
0x2a: {  	p0 =	seq.s32 s5, $0x0;
	s5 =	sld [smem:$0x3FA8]  }
0x2b: {  	s6 =	sld [smem:$0x3FA9]  }
0x2c: {  	s7 =	sld [smem:$0x3FAA]  }
0x2d: {  	s3 =	simm.s32 $0x108;
	s8 =	sld [smem:$0x3FAB]  }
0x2e: {  	s3 =	simm.s32 @!p0 $0x1082;
	s9 =	sld [smem:$0x3FAC]  }
0x2f: {  	lr =	sadd.s32 s0, s3;
	s0 =	sld [smem:$0x3FA3]  }
0x30: {  	s3 =	sld [smem:$0x3FA6]  }
0x31: {  	[smem:$0x3FAF] =	sst s10  }
0x32: {  	s10 =	sld [smem:$0x3FAD];
	_ =	sdelay $0x3  }
0x33: {  	p0 =	seq.s32 s10, $0x1;
	s10 =	sld [smem:$0x3FAF];
	_ =	sdelay $0x3  }
0x34: {  	[smem:$0x3FAF] =	sst s10  }
0x35: {  	s10 =	sld [smem:$0x3FAE];
	_ =	sdelay $0x3  }
0x36: {  	p1 =	seq.s32 s10, $0x1;
	s10 =	sld [smem:$0x3FAF];
	_ =	sdelay $0x3  }
0x37: {  	[smem:$0x3FAF] =	sst s10  }
0x38: {  	s10 =	sld [smem:$0x3FB0]  }
0x39: {  	_ = 	snop;
	(pc) =	sbr.ind lr, $3  }
0x3a: {  	_ = 	snop  }
0x3b: {  	_ = 	snop  }
0x3c: {  	p2 =	seq.s32 s10, $0x1;
	s10 =	sld [smem:$0x3FAF]  }
0x3d: {  	_ =	shalt  }
0x3e: {  	_ =	shalt  }
0x3f: {  	_ =	shalt  }
0x40: {  	_ =	shalt  }
0x41: {  	_ =	shalt  }
0x42: {  	_ =	shalt  }
0x43: {  	_ =	shalt  }
0x44: {  	_ =	shalt  }
0x45: {  	_ =	shalt  }
0x46: {  	_ =	shalt  }
0x47: {  	_ =	shalt  }
0x48: {  	_ =	shalt  }
0x49: {  	_ =	shalt  }
0x4a: {  	_ =	shalt  }
0x4b: {  	_ =	shalt  }
0x4c: {  	_ =	shalt  }
0x4d: {  	_ =	shalt  }
0x4e: {  	_ =	shalt  }
0x4f: {  	_ =	shalt  }
0x50: {  	_ =	shalt  }
0x51: {  	_ =	shalt  }
0x52: {  	_ =	shalt  }
0x53: {  	_ =	shalt  }
0x54: {  	_ =	shalt  }
0x55: {  	_ =	shalt  }
0x56: {  	_ =	shalt  }
0x57: {  	_ =	shalt  }
0x58: {  	_ =	shalt  }
0x59: {  	_ =	shalt  }
0x5a: {  	_ =	shalt  }
0x5b: {  	_ =	shalt  }
0x5c: {  	_ =	shalt  }
0x5d: {  	_ =	shalt  }
0x5e: {  	_ =	shalt  }
0x5f: {  	_ =	shalt  }
0x60: {  	_ =	shalt  }
0x61: {  	_ =	shalt  }
0x62: {  	_ =	shalt  }
0x63: {  	_ =	shalt  }
0x64: {  	_ =	shalt  }
0x65: {  	_ =	shalt  }
0x66: {  	_ =	shalt  }
0x67: {  	_ =	shalt  }
0x68: {  	_ =	shalt  }
0x69: {  	_ =	shalt  }
0x6a: {  	_ =	shalt  }
0x6b: {  	_ =	shalt  }
0x6c: {  	_ =	shalt  }
0x6d: {  	_ =	shalt  }
0x6e: {  	_ =	shalt  }
0x6f: {  	_ =	shalt  }
0x70: {  	_ =	shalt  }
0x71: {  	_ =	shalt  }
0x72: {  	_ =	shalt  }
0x73: {  	_ =	shalt  }
0x74: {  	_ =	shalt  }
0x75: {  	_ =	shalt  }
0x76: {  	_ =	shalt  }
0x77: {  	_ =	shalt  }
0x78: {  	_ =	shalt  }
0x79: {  	_ =	shalt  }
0x7a: {  	_ =	shalt  }
0x7b: {  	_ =	shalt  }
0x7c: {  	_ =	shalt  }
0x7d: {  	_ =	shalt  }
0x7e: {  	_ =	shalt  }
0x7f: {  	_ =	shalt  }
0x80: {  	_ =	shalt  }
0x81: {  	_ =	shalt  }
0x82: {  	_ =	shalt  }
0x83: {  	_ =	shalt  }
0x84: {  	_ =	shalt  }
0x85: {  	_ =	shalt  }
0x86: {  	_ =	shalt  }
0x87: {  	_ =	shalt  }
.Lfunc_end0:
.L_simem_size_0:
called_computation.4_lowered:
.L_overlay_start_0:
0x88: {  	s2 =	sld [smem:$0x3FD9]  }
0x89: {  	s3 =	sld [smem:$0x3FFE];
	_ =	sdelay $0x1  }
0x8a: {  	s1 =	srdreg.scid  }
0x8b: {  	s0 =	sand.u32 $0x1, s1  }
0x8c: {  	s17 =	sshll.u32 s0, $0xA;
	s2 =	sadd.s32 s3, s2  }
0x8d: {  	s2 =	sadd.s32 s2, s17  }
0x8e: {  	[smem:$0x3FBB] =	sst s2  }
0x8f: {  	_ = 	snop  }
0x90: {  	s2 =	sld [smem:$0x3FD0];
	(tm) =	ssettm $0x1  }
0x91: {  	s18 =	sld [smem:$0x3FFB];
	_ =	sdelay $0x3  }
0x92: {  	_ =	strace s18  }
0x93: {  	s3 =	sld [smem:$0x3FFC];
	_ =	sdelay $0x3  }
0x94: {  	_ =	strace s3  }
0x95: {  	s3 =	sld [smem:$0x3FFD];
	_ =	sdelay $0x3  }
0x96: {  	_ =	strace s3  }
0x97: {  	_ =	strace $0x8FFFFFFF  }
0x98: {  	s19 =	sld [smem:$0x3FDB];
	_ =	sdelay $0x1  }
0x99: {  	s4 =	simm.s32 $_scs_section_size  }
0x9a: {  	s5 =	simm.s32 $_size__tile_overlayer_lowered;
	s6 =	simm.s32 $_tile_overlayer_lowered  }
0x9b: {  	s22 =	simm.s32 $0x1BFF;
	s21 =	sshll.u32 s6, $0x1;
	s3 =	sadd.s32 s4, s19  }
0x9c: {  	s7 =	simm.s32 $0x0;
	s20 =	sshll.u32 s5, $0x1;
	s5 =	sadd.s32 s21, s3  }
0x9d: {  	[timem:s7], [sflag:s22] =	dma.local [hbm:s5], s20  }
0x9e: {  	_ =	swait.ge [sflag:s22], s20  }
0x9f: {  	s4 =	ssub.s32 $0x0, s20;
	[sflag:s22] =	ssyncset.done $0x0  }
0xa0: {  	[sflag:s22] =	ssyncadd.s32 s4;
	_ =	sdelay $0x1  }
0xa1: {  	s23 =	simm.s32 $0x1B8B  }
0xa2: {  	_ =	swait.ge [sflag:s23], $0x1  }
0xa3: {  	[sflag:s23] =	ssyncset.done $0x0  }
0xa4: {  	s25 =	simm.s32 $0x1B8E;
	s24 =	sld [smem:$0x3FFE];
	[sflag:s23] =	ssyncadd.s32 $0xFFFFFFFF  }
0xa5: {  	s26 =	simm.s32 $execute0_lowered;
	[smem:$0x3FD2] =	sst s25  }
0xa6: {  	s5 =	sshll.u32 s26, $0x1;
	_ =	strace $0x80000052;
	[dreg:$0x1] =	wrdreg $0xFFFFFFFF  }
0xa7: {  	s28 =	simm.s32 $_size_execute0_lowered;
	s3 =	sadd.s32 s3, s5;
	[dreg:$0x0] =	wrdreg $0x0  }
0xa8: {  	s5 =	sshll.u32 s28, $0x1;
	[dreg:$0x2] =	wrdreg s3  }
0xa9: {  	[dreg:$0x3] =	wrdreg s5  }
0xaa: {  	[dreg:$0x4] =	wrdreg $0xC0  }
0xab: {  	_ =	task [dreg:s7], $0x5FFFF  }
0xac: {  	[dreg:$0x1] =	wrdreg $0xFFFFFFFF  }
0xad: {  	[dreg:$0x0] =	wrdreg $0x60  }
0xae: {  	[dreg:$0x2] =	wrdreg s24  }
0xaf: {  	[dreg:$0x3] =	wrdreg s2  }
0xb0: {  	[dreg:$0x4] =	wrdreg $0x14E800  }
0xb1: {  	[dreg:$0x5] =	wrdreg $0x9  }
0xb2: {  	_ =	task.clear_ibuf [dreg:s7], $0x6FFFF;
	_ =	strace $0x90000052  }
0xb3: {  	s29 =	simm.s32 $0x9;
	_ =	strace $0x80000054  }
0xb4: {  	_ =	swait.ge [sflag:s29], $0x1  }
0xb5: {  	[sflag:s29] =	ssyncadd.s32 $0xFFFFFFFF  }
0xb6: {  	_ =	strace $0x90000054  }
0xb7: {  	_ =	sfence  }
0xb8: {  	s30 =	sld [smem:$0x0];
	_ =	sdelay $0x2  }
0xb9: {  	s31 =	sshll.u32 s1, $0xD;
	s1 =	sshrl.u32 s1, $0x2  }
0xba: {  	s3 =	sand.u32 $0x4000, s31;
	s1 =	sadd.s32 s1, s30  }
0xbb: {  	s0 =	sor.u32 s3, s0;
	s1 =	sshll.u32 s1, $0x11  }
0xbc: {  	s0 =	sor.u32 s1, s0  }
0xbd: {  	s0 =	sadd.s32 $0x8F2B, s0  }
0xbe: {  	[sflag:s0] =	ssyncadd.remote.s32 $0x1  }
0xbf: {  	_ =	sfence.sel $0xFFFF  }
0xc0: {  	[dreg:$0x0] =	wrdreg $0xFFFFFFFF;
	(pc) =	sbr.abs _section_cstart, $3  }
0xc1: {  	[dreg:$0x1] =	wrdreg $0xFFFFFFFF  }
0xc2: {  	_ =	task.clear_ibuf [dreg:s7], $0x2FFFF;
	_ =	strace $0x9FFFFFFF  }
0xc3: {  	(tm) =	ssettm $0x7FFFFFFF  }
tec
execute0_lowered:
.L_overlay_start_1:
0x0: {  	(tag) =	ssettag $0x1  }
0x1: {  	s0 =	rddreg [dreg:$0x0]  }
0x2: {  	s1 =	rddreg [dreg:$0x1]  }
0x3: {  	s2 =	rddreg [dreg:$0x2];
	s4 =	simm.s32 $0x0;
	s3 =	srdreg.scid  }
0x4: {  	s11 =	stileid.u32;
	s17 =	simm.s32 $0x14800;
	s18 =	simm.s32 $0x3  }
0x5: {  	s20 =	simm.s32 $0x200;
	s21 =	simm.s32 $0x800;
	s22 =	simm.s32 $0x4800  }
0x6: {  	s28 =	simm.s32 $0x1;
	s29 =	simm.s32 $0x2;
	s30 =	simm.s32 $0x0  }
0x7: {  	s31 =	simm.s32 $0x0;
	[smem:$0x7FF] =	sst s4;
	s3 =	sand.u32 $0x1, s3  }
0x8: {  	s5 =	sadd.s32 $0xDA00, s0;
	s9 =	smul.u32 $0x9C40, s11;
	s6 =	sadd.s32 $0x3A00, s0  }
0x9: {  	s7 =	sadd.s32 $0x21C00, s0;
	s10 =	sshll.u32 s11, $0x1;
	s15 =	smul.u32 $0x27100, s11  }
0xa: {  	s12 =	sadd.s32 $0x21A00, s0;
	s8 =	smul.u32 $0x9C400, s3;
	_ =	strace $0x80000053  }
0xb: {  	[dreg:$0x4] =	wrdreg s12;
	s10 =	sor.u32 s3, s10;
	s3 =	ssub.s32 $0x2, s3  }
0xc: {  	s23 =	sshrl.u32 s3, $0x1;
	s8 =	sadd.s32 s9, s8;
	s9 =	smul.u32 $0x2800, s10  }
0xd: {  	s26 =	sshrl.u32 s15, $0x2;
	s10 =	smul.u32 $0x5000, s10;
	s3 =	ssub.s32 s3, s23  }
0xe: {  	s15 =	sadd.s32 s26, s2;
	s23 =	simm.s32 $0x400;
	s8 =	sshrl.u32 s8, $0x3  }
0xf: {  	s26 =	simm.s32 $0xC800;
	s14 =	smax.u32 s3, $0x1;
	s0 =	sadd.s32 s8, s0  }
0x10: {  	s24 =	sshrl.u32 s9, $0x3;
	s12 =	sadd.s32 s1, s10;
	s13 =	sor.u32 $0x200, s9  }
0x11: {  	s25 =	sadd.s32 s5, s24;
	s11 =	sadd.s32 s6, s24;
	s16 =	sadd.s32 $0x35600, s0  }
0x12: {  	v0 =	vimm.f32 $0.0e+00;
	s24 =	simm.s32 $0x600;
	[dreg:$0x5] =	wrdreg s25;
	s25 =	simm.s32 $0x2800  }
.LBB2_1:
0x13: {  	s0 =	simm.s32 $0x0  }
.LBB2_2:
0x14: {  	p0 =	sne.s32 s0, $0x1800  }
.Ltmp0:
0x15: {  	s3 =	sshra.s32 s0, $0x2;
	(pc) =	sbr.rel @p0 .LBB2_2-.Ltmp0, $4  }
0x16: {  	[tilespmem:s3+$0x14800] =	vst v0  }
0x17: {  	[tilespmem:s3+$0x14810] =	vst v0  }
0x18: {  	[tilespmem:s3+$0x14820] =	vst v0  }
0x19: {  	s0 =	sadd.s32 $0x100, s0;
	[tilespmem:s3+$0x14830] =	vst v0  }
0x1a: {  	s0 =	sadd.s32 $0x0, s15  }
0x1b: {  	[spmem:s0] =	stream.linear.scatter [tilespmem:s17], [sflag:$0x3], $0x640, $0x38;
	[tilespmem:$0x1EAC0] =	vst v63  }
0x1c: {  	s0 =	simm.s32 $0x1900;
	_ =	swait.ge [sflag:s18], $0x640  }
.LBB2_4:
0x1d: {  	s3 =	sshra.s32 s0, $0x2;
	[sflag:s18] =	ssyncset.done $0x0;
	p0 =	sne.s32 s0, $0x25800  }
.Ltmp1:
0x1e: {  	s3 =	sadd.s32 s3, s15;
	[sflag:s18] =	ssyncadd.s32 $0xFFFFF9C0;
	(pc) =	sbr.rel @p0 .LBB2_4-.Ltmp1, $3  }
0x1f: {  	[spmem:s3] =	stream.linear.scatter [tilespmem:s17], [sflag:$0x3], $0x640, $0x38;
	[tilespmem:$0x1EAC0] =	vst v63  }
0x20: {  	s0 =	sadd.s32 $0x1900, s0;
	_ =	sdelay $0x1  }
0x21: {  	_ =	swait.ge [sflag:s18], $0x640  }
0x22: {  	[sflag:s18] =	ssyncset.done $0x0  }
0x23: {  	[sflag:s18] =	ssyncadd.s32 $0xFFFFF9C0  }
0x24: {  	[bflag:$0x0] =	sbarrier.arrive $0xFFFF  }
0x25: {  	s3 =	simm.s32 $0x14E40;
	s0 =	rddreg [dreg:$0x4]  }
0x26: {  	[tilespmem:s3], [sflag:$0x3] =	stream.linear.gather [hbm4b:s0+s31], $0x40, $0x38;
	[tilespmem:$0x1EAC0] =	vst v63  }
0x27: {  	_ =	swait.ge [sflag:s18], $0x40  }
0x28: {  	[sflag:s18] =	ssyncset.done $0x0  }
0x29: {  	[sflag:s18] =	ssyncadd.s32 $0xFFFFFFC0  }
0x2a: {  	v1 =	vld [tilespmem:$0x14E40]  }
0x2b: {  	v2 =	vld [tilespmem:$0x14E50]  }
0x2c: {  	s19 =	rddreg [dreg:$0x5];
	v3 =	vld [tilespmem:$0x14E60]  }
0x2d: {  	v4 =	vld [tilespmem:$0x14E70];
	[tilespmem:s31], [sflag:$0x3] =	stream.linear.gather [hbm4b:s19+s31], $0x200, $0x38  }
0x2e: {  	_ =	swait.ge [sflag:s18], $0x200  }
0x2f: {  	[sflag:s18] =	ssyncset.done $0x0  }
0x30: {  	[sflag:s18] =	ssyncadd.s32 $0xFFFFFE00  }
0x31: {  	[tilespmem:s20], [sflag:$0x3] =	stream.linear.gather [hbm4b:s11+s31], $0x200, $0x38;
	[tilespmem:$0x1EAC0] =	vst v63  }
0x32: {  	_ =	swait.ge [sflag:s18], $0x200  }
0x33: {  	[sflag:s18] =	ssyncset.done $0x0  }
0x34: {  	[sflag:s18] =	ssyncadd.s32 $0xFFFFFE00  }
0x35: {  	[tilespmem:s21], [sflag:$0x3] =	stream.linear.gather [hbm4b:s12+s31], $0x2000, $0x38;
	[tilespmem:$0x1EAC0] =	vst v63  }
0x36: {  	_ =	swait.ge [sflag:s18], $0x2000  }
0x37: {  	[sflag:s18] =	ssyncset.done $0x0  }
0x38: {  	s0 =	simm.s32 $0x0;
	v1 =	vand.u32 $0xF, v1;
	[sflag:s18] =	ssyncadd.s32 $0xFFFFE000  }
0x39: {  	v2 =	vand.u32 $0xF, v2;
	v3 =	vand.u32 $0xF, v3;
	v4 =	vand.u32 $0xF, v4;
	[tilespmem:s22], [sflag:$0x1] =	stream.indirect.gather [hbm4b:s7+s20], $0x40, s31, s20, $0xb8;
	[tilespmem:$0x1EAC0] =	vst v63  }
.LBB2_6:
0x3a: {  	s3 =	sshll.u32 s0, $0xA  }
0x3b: {  	s3 =	sadd.s32 s3, s13  }
0x3c: {  	s8 =	sshrl.u32 s3, $0x3  }
0x3d: {  	s10 =	sadd.s32 s5, s8  }
0x3e: {  	[tilespmem:s23], [sflag:$0x3] =	stream.linear.gather [hbm4b:s10+s31], $0x200, $0x38;
	[tilespmem:$0x1EAC0] =	vst v63  }
0x3f: {  	_ =	swait.ge [sflag:s18], $0x200  }
0x40: {  	[sflag:s18] =	ssyncset.done $0x0  }
0x41: {  	s8 =	sadd.s32 s6, s8;
	[sflag:s18] =	ssyncadd.s32 $0xFFFFFE00  }
0x42: {  	[tilespmem:s24], [sflag:$0x3] =	stream.linear.gather [hbm4b:s8+s31], $0x200, $0x38;
	[tilespmem:$0x1EAC0] =	vst v63  }
0x43: {  	s3 =	sshll.u32 s3, $0x1;
	_ =	swait.ge [sflag:s18], $0x200  }
0x44: {  	s3 =	sand.u32 $0x1FFFFC00, s3;
	[sflag:s18] =	ssyncset.done $0x0  }
0x45: {  	s3 =	sadd.s32 s1, s3;
	[sflag:s18] =	ssyncadd.s32 $0xFFFFFE00  }
0x46: {  	[tilespmem:s25], [sflag:$0x3] =	stream.linear.gather [hbm4b:s3+s31], $0x2000, $0x38;
	[tilespmem:$0x1EAC0] =	vst v63  }
0x47: {  	_ =	swait.ge [sflag:s18], $0x2000  }
0x48: {  	[sflag:s18] =	ssyncset.done $0x0  }
0x49: {  	[sflag:s18] =	ssyncadd.s32 $0xFFFFE000  }
0x4a: {  	[tilespmem:s26], [sflag:$0x2] =	stream.indirect.gather [hbm4b:s7+s20], $0x40, s23, s20, $0xb8;
	[tilespmem:$0x1EAC0] =	vst v63  }
0x4b: {  	_ =	swait.ge [sflag:s28], $0x8000  }
0x4c: {  	[sflag:s28] =	ssyncset.done $0x0  }
0x4d: {  	s3 =	simm.s32 $0x4820;
	[sflag:s28] =	ssyncadd.s32 $0xFFFF8000  }
0x4e: {  	s19 =	simm.s32 $0x4820;
	s10 =	simm.s32 $0x0;
	s8 =	simm.s32 $0x40;
	v5 =	vld [tilespmem:s3+$0xFFFFFFF0]  }
.LBB2_7:
0x4f: {  	p0 =	sne.s32 s8, $0x7FC0;
	v6 =	vld [tilespmem:s10+$0x800]  }
0x50: {  	v7 =	vld [tilespmem:s3+$0x10]  }
0x51: {  	v8 =	vld [tilespmem:s3+$0xFFFFFFE0]  }
0x52: {  	v9 =	vld [tilespmem:s3+$0x0];
	_ =	sdelay $0x1  }
0x53: {  	v10 =	vperm.xlane v6, v1;
	v11 =	vperm.xlane v6, v2  }
0x54: {  	v12 =	vperm.xlane v6, v3;
	v6 =	vperm.xlane v6, v4  }
0x55: {  	v8 =	vmul.f32 v8, v10;
	v5 =	vmul.f32 v5, v11  }
.Ltmp2:
0x56: {  	v6 =	vmul.f32 v7, v6;
	v9 =	vmul.f32 v9, v12;
	(pc) =	sbr.rel @p0 .LBB2_7-.Ltmp2, $4  }
0x57: {  	[tilespmem:s3+$0xFFFFFFE0] =	vst v8  }
0x58: {  	[tilespmem:s3+$0xFFFFFFF0] =	vst v5  }
0x59: {  	s3 =	sadd.s32 $0x40, s3;
	[tilespmem:s19+$0x0] =	vst v9  }
0x5a: {  	s10 =	sshra.s32 s8, $0x2;
	s8 =	sadd.s32 $0x40, s8;
	v5 =	vld [tilespmem:s3+$0xFFFFFFF0];
	[tilespmem:s19+$0x10] =	vst v6;
	s19 =	smov.u32 s3  }
0x5b: {  	v6 =	vld [tilespmem:s10+$0x800];
	_ =	sdelay $0x1  }
0x5c: {  	v7 =	vld [tilespmem:s3+$0xFFFFFFE0];
	_ =	sdelay $0x1  }
0x5d: {  	v8 =	vld [tilespmem:s3+$0x0]  }
0x5e: {  	v9 =	vld [tilespmem:s3+$0x10];
	v10 =	vperm.xlane v6, v1  }
0x5f: {  	v11 =	vperm.xlane v6, v2  }
0x60: {  	v12 =	vperm.xlane v6, v3;
	v7 =	vmul.f32 v7, v10  }
0x61: {  	v6 =	vperm.xlane v6, v4;
	v5 =	vmul.f32 v5, v11  }
0x62: {  	v8 =	vmul.f32 v8, v12;
	[tilespmem:s3+$0xFFFFFFE0] =	vst v7  }
0x63: {  	v6 =	vmul.f32 v9, v6;
	[tilespmem:s3+$0xFFFFFFF0] =	vst v5  }
0x64: {  	[tilespmem:s19+$0x0] =	vst v8  }
0x65: {  	[tilespmem:s19+$0x10] =	vst v6;
	s19 =	sshll.u32 s0, $0x1  }
0x66: {  	[spmem:s2] =	stream.indirect.scatter.add.f32 [tilespmem:s22], [sflag:$0x3], $0x40, s20, s20, $0xb8;
	[tilespmem:$0x1EAC0] =	vst v63  }
0x67: {  	s3 =	sadd.s32 $0x2, s19  }
0x68: {  	p0 =	seq.s32 s3, $0x14;
	s3 =	sshll.u32 s3, $0x9  }
0x69: {  	s3 =	simm.s32 @p0 $0x0  }
0x6a: {  	_ =	swait.ge [sflag:s18], $0x8000;
	s3 =	sadd.s32 s9, s3  }
0x6b: {  	[sflag:s18] =	ssyncset.done $0x0;
	s8 =	sshrl.u32 s3, $0x3  }
0x6c: {  	s19 =	simm.s32 $0x0;
	[sflag:s18] =	ssyncadd.s32 $0xFFFF8000;
	s10 =	sadd.s32 s5, s8  }
0x6d: {  	[tilespmem:s19], [sflag:$0x3] =	stream.linear.gather [hbm4b:s10+s19], $0x200, $0x38;
	[tilespmem:$0x1EAC0] =	vst v63  }
0x6e: {  	_ =	swait.ge [sflag:s18], $0x200  }
0x6f: {  	[sflag:s18] =	ssyncset.done $0x0  }
0x70: {  	s8 =	sadd.s32 s6, s8;
	[sflag:s18] =	ssyncadd.s32 $0xFFFFFE00  }
0x71: {  	[tilespmem:s20], [sflag:$0x3] =	stream.linear.gather [hbm4b:s8+s19], $0x200, $0x38;
	[tilespmem:$0x1EAC0] =	vst v63  }
0x72: {  	s3 =	sshll.u32 s3, $0x1;
	_ =	swait.ge [sflag:s18], $0x200  }
0x73: {  	s3 =	sand.u32 $0x1FFFFC00, s3;
	[sflag:s18] =	ssyncset.done $0x0  }
0x74: {  	s3 =	sadd.s32 s1, s3;
	[sflag:s18] =	ssyncadd.s32 $0xFFFFFE00  }
0x75: {  	[tilespmem:s21], [sflag:$0x3] =	stream.linear.gather [hbm4b:s3+s19], $0x2000, $0x38;
	[tilespmem:$0x1EAC0] =	vst v63  }
0x76: {  	_ =	swait.ge [sflag:s18], $0x2000  }
0x77: {  	[sflag:s18] =	ssyncset.done $0x0  }
0x78: {  	[sflag:s18] =	ssyncadd.s32 $0xFFFFE000  }
0x79: {  	[tilespmem:s22], [sflag:$0x1] =	stream.indirect.gather [hbm4b:s7+s20], $0x40, s19, s20, $0xb8;
	[tilespmem:$0x1EAC0] =	vst v63  }
0x7a: {  	_ =	swait.ge [sflag:s29], $0x8000  }
0x7b: {  	[sflag:s29] =	ssyncset.done $0x0  }
0x7c: {  	s3 =	simm.s32 $0xC820;
	[sflag:s29] =	ssyncadd.s32 $0xFFFF8000  }
0x7d: {  	s10 =	simm.s32 $0x0;
	s8 =	simm.s32 $0x40;
	s19 =	simm.s32 $0xC820;
	v5 =	vld [tilespmem:s3+$0xFFFFFFF0]  }
.LBB2_9:
0x7e: {  	p0 =	sne.s32 s8, $0x7FC0;
	v6 =	vld [tilespmem:s10+$0x2800]  }
0x7f: {  	v7 =	vld [tilespmem:s3+$0x10]  }
0x80: {  	v8 =	vld [tilespmem:s3+$0xFFFFFFE0]  }
0x81: {  	v9 =	vld [tilespmem:s3+$0x0];
	_ =	sdelay $0x1  }
0x82: {  	v10 =	vperm.xlane v6, v1;
	v11 =	vperm.xlane v6, v2  }
0x83: {  	v12 =	vperm.xlane v6, v3;
	v6 =	vperm.xlane v6, v4  }
0x84: {  	v8 =	vmul.f32 v8, v10;
	v5 =	vmul.f32 v5, v11  }
.Ltmp3:
0x85: {  	v6 =	vmul.f32 v7, v6;
	v9 =	vmul.f32 v9, v12;
	(pc) =	sbr.rel @p0 .LBB2_9-.Ltmp3, $4  }
0x86: {  	[tilespmem:s3+$0xFFFFFFE0] =	vst v8  }
0x87: {  	[tilespmem:s3+$0xFFFFFFF0] =	vst v5  }
0x88: {  	s3 =	sadd.s32 $0x40, s3;
	[tilespmem:s19+$0x0] =	vst v9  }
0x89: {  	s10 =	sshra.s32 s8, $0x2;
	s8 =	sadd.s32 $0x40, s8;
	v5 =	vld [tilespmem:s3+$0xFFFFFFF0];
	[tilespmem:s19+$0x10] =	vst v6;
	s19 =	smov.u32 s3  }
0x8a: {  	v6 =	vld [tilespmem:s10+$0x2800];
	_ =	sdelay $0x1  }
0x8b: {  	v7 =	vld [tilespmem:s3+$0xFFFFFFE0];
	_ =	sdelay $0x1  }
0x8c: {  	v8 =	vld [tilespmem:s3+$0x0]  }
0x8d: {  	v9 =	vld [tilespmem:s3+$0x10];
	v10 =	vperm.xlane v6, v1  }
0x8e: {  	v11 =	vperm.xlane v6, v2  }
0x8f: {  	v12 =	vperm.xlane v6, v3;
	v7 =	vmul.f32 v7, v10  }
0x90: {  	v6 =	vperm.xlane v6, v4;
	v5 =	vmul.f32 v5, v11  }
0x91: {  	v8 =	vmul.f32 v8, v12;
	[tilespmem:s3+$0xFFFFFFE0] =	vst v7  }
0x92: {  	s0 =	sadd.s32 $0x1, s0;
	v6 =	vmul.f32 v9, v6;
	[tilespmem:s3+$0xFFFFFFF0] =	vst v5  }
0x93: {  	p0 =	sne.s32 s0, $0xA;
	[tilespmem:s19+$0x0] =	vst v8  }
.Ltmp4:
0x94: {  	[tilespmem:s19+$0x10] =	vst v6;
	(pc) =	sbr.rel @p0 .LBB2_6-.Ltmp4, $4  }
0x95: {  	[spmem:s2] =	stream.indirect.scatter.add.f32 [tilespmem:s26], [sflag:$0x3], $0x40, s24, s20, $0xb8;
	[tilespmem:$0x1EAC0] =	vst v63  }
0x96: {  	_ =	swait.ge [sflag:s18], $0x8000  }
0x97: {  	[sflag:s18] =	ssyncset.done $0x0  }
0x98: {  	[sflag:s18] =	ssyncadd.s32 $0xFFFF8000  }
0x99: {  	_ =	swait.ge [sflag:s28], $0x8000  }
0x9a: {  	[sflag:s28] =	ssyncset.done $0x0  }
0x9b: {  	[sflag:s28] =	ssyncadd.s32 $0xFFFF8000  }
0x9c: {  	[bflag:$0x0] =	sbarrier.arrive $0xFFFF  }
0x9d: {  	[tilespmem:s17], [sflag:$0x3] =	stream.linear.gather [spmem:s15], $0x640, $0x38;
	[tilespmem:$0x1EAC0] =	vst v63  }
0x9e: {  	_ =	swait.ge [sflag:s18], $0x640  }
0x9f: {  	[sflag:s18] =	ssyncset.done $0x0  }
0xa0: {  	s0 =	sadd.s32 $0x0, s16;
	[sflag:s18] =	ssyncadd.s32 $0xFFFFF9C0  }
0xa1: {  	[hbm4b:s0+s4] =	stream.linear.scatter [tilespmem:s17], [sflag:$0x3], $0x640, $0x38;
	[tilespmem:$0x1EAC0] =	vst v63  }
0xa2: {  	_ =	swait.ge [sflag:s18], $0x640  }
0xa3: {  	s3 =	smov.u32 s15;
	s0 =	simm.s32 $0xC8;
	[sflag:s18] =	ssyncset.done $0x0  }
.LBB2_12:
0xa4: {  	p0 =	sne.s32 s0, $0x12C0;
	[sflag:s18] =	ssyncadd.s32 $0xFFFFF9C0;
	s3 =	sadd.s32 $0x640, s3  }
0xa5: {  	[tilespmem:s17], [sflag:$0x3] =	stream.linear.gather [spmem:s3], $0x640, $0x38;
	[tilespmem:$0x1EAC0] =	vst v63  }
0xa6: {  	s8 =	smov.u32 s0;
	s0 =	sadd.s32 $0xC8, s0;
	_ =	swait.ge [sflag:s18], $0x640  }
.Ltmp5:
0xa7: {  	[sflag:s18] =	ssyncset.done $0x0;
	(pc) =	sbr.rel @p0 .LBB2_12-.Ltmp5, $4  }
0xa8: {  	s8 =	sadd.s32 s8, s16;
	[sflag:s18] =	ssyncadd.s32 $0xFFFFF9C0  }
0xa9: {  	[hbm4b:s8+s4] =	stream.linear.scatter [tilespmem:s17], [sflag:$0x3], $0x640, $0x38;
	[tilespmem:$0x1EAC0] =	vst v63  }
0xaa: {  	_ =	swait.ge [sflag:s18], $0x640  }
0xab: {  	[sflag:s18] =	ssyncset.done $0x0  }
0xac: {  	s30 =	sadd.s32 $0x1, s30  }
0xad: {  	p0 =	sne.s32 s30, s14  }
.Ltmp6:
0xae: {  	_ = 	snop;
	(pc) =	sbr.rel @p0 .LBB2_1-.Ltmp6, $2  }
0xaf: {  	_ =	sdelay $0x2  }
0xb0: {  	[sflag:s18] =	ssyncadd.s32 $0xFFFFF9C0  }
0xb1: {  	_ =	sfence.sel $0x180000  }
0xb2: {  	[bflag:$0x0] =	sbarrier.arrive $0xFFFF  }
0xb3: {  	_ =	strace $0x90000053  }
0xb4: {  	s0 =	stileid.u32;
	[bflag:$0x2] =	sbarrier.arrive $0xFFFF  }
0xb5: {  	p0 =	sne.s32 s0, $0x0;
	s0 =	rddreg [dreg:$0x3]  }
0xb6: {  	s0 =	sadd.s32 @!p0 $0x100000, s0  }
0xb7: {  	[sflag:s0] =	ssyncadd.tile.s32 @!p0 $0x1;
	_ =	shalt  }
.Lfunc_end2:
_tile_overlayer_lowered:
.L_overlay_start_2:
0xb8: {  	(tag) =	ssettag $0x2  }
0xb9: {  	s0 =	rddreg [dreg:$0x0];
	s2 =	stileid.u32  }
0xba: {  	s1 =	rddreg [dreg:$0x1];
	p0 =	sne.s32 s2, $0x0  }
0xbb: {  	s3 =	rddreg [dreg:$0x2];
	[bflag:$0x3] =	sbarrier.arrive $0xFFFF;
	s2 =	simm.s32 @!p0 $0x1C03  }
0xbc: {  	[timem:s3], [sflag:s2] =	dma.local @!p0 [hbm:s0], s1  }
0xbd: {  	s0 =	simm.s32 @!p0 $0x3  }
0xbe: {  	_ =	swait.ge @!p0 [sflag:s0], s1  }
0xbf: {  	s1 =	ssub.s32 @!p0 $0x0, s1;
	[sflag:s0] =	ssyncset.done @!p0 $0x0  }
0xc0: {  	[sflag:s0] =	ssyncadd.s32 @!p0 s1  }
0xc1: {  	[bflag:$0x3] =	sbarrier.arrive $0xFFFF  }
0xc2: {  	_ =	shalt  }

</sc_bundles>
